<compile_context>
chip_gen: v7x
topology: tpu7x:2x2x1
jax: 0.10.2.dev20260603
libtpu: 0.0.44.dev20260713+nightly
codegen_flags: <defaults>
</compile_context>

<pallas_src>
import functools

import jax
import jax.numpy as jnp
from jax import lax
from jax.experimental import pallas as pl
from jax.experimental.pallas import tpu as pltpu
from jax.experimental.pallas import tpu_sc as plsc

_N = 10000
_E = 320000
_D = 128
_H = 256
_L = 4
_EPS = 1e-7

_NSC = 2
_NT = 16
_EPT = _E // _NT
_CH = 80
_NCH = _EPT // _CH
_NSB = 5
_BN = _NCH // _NSB
_RPT = 632
_NP = _RPT * _NT



_NBUF = 3


def _sc_body(t_hbm, srcx_hbm, dst_hbm, o_hbm,
             src_v, dst_v, rows_v, accum_sh, *sems):
    c = lax.axis_index("c")
    s = lax.axis_index("s")
    rbufs = [rows_v.at[pl.ds(j * _CH, _CH)] for j in range(_NBUF)]
    gsems = sems[:_NBUF]
    ssems = sems[_NBUF:]

    zero = jnp.zeros((16,), jnp.float32)

    def _zrow(i, carry):
        for j in range(_D // 16):
            rows_v[i, pl.ds(j * 16, 16)] = zero
        return carry

    lax.fori_loop(0, _NBUF * _CH, _zrow, 0)
    nz = _RPT // (_NBUF * _CH)
    for r in range(nz):
        pltpu.sync_copy(
            rows_v,
            accum_sh.at[pl.ds(pl.multiple_of(s * _RPT + r * _NBUF * _CH, 8),
                              _NBUF * _CH)])
    rem = _RPT - nz * _NBUF * _CH
    if rem:
        pltpu.sync_copy(
            rows_v.at[pl.ds(0, rem)],
            accum_sh.at[pl.ds(pl.multiple_of(s * _RPT + nz * _NBUF * _CH, 8),
                              rem)])
    plsc.subcore_barrier()

    ngrp = _BN // _NBUF
    ntail = _BN - ngrp * _NBUF

    def _superblock(b, carry):
        pltpu.sync_copy(srcx_hbm.at[c, s, b], src_v)
        pltpu.sync_copy(dst_hbm.at[s, b], dst_v)
        for j in range(_NBUF):
            pltpu.async_copy(t_hbm.at[src_v.at[j]], rbufs[j], gsems[j])

        def _grp(g, carry2):
            k0 = _NBUF * g
            for j in range(_NBUF):
                pltpu.make_async_copy(
                    t_hbm.at[src_v.at[k0 + j]], rbufs[j], gsems[j]).wait()
                pltpu.async_copy(
                    rbufs[j], accum_sh.at[dst_v.at[k0 + j]], ssems[j],
                    add=True)
            for j in range(_NBUF):
                pltpu.make_async_copy(
                    rbufs[j], accum_sh.at[dst_v.at[k0 + j]], ssems[j]).wait()

                @pl.when(k0 + _NBUF + j < _BN)
                def _():
                    pltpu.async_copy(
                        t_hbm.at[src_v.at[k0 + _NBUF + j]], rbufs[j],
                        gsems[j])

            return carry2

        lax.fori_loop(0, ngrp, _grp, 0)
        for j in range(ntail):
            k = ngrp * _NBUF + j
            pltpu.make_async_copy(
                t_hbm.at[src_v.at[k]], rbufs[j], gsems[j]).wait()
            pltpu.sync_copy(rbufs[j], accum_sh.at[dst_v.at[k]], add=True)
        return carry

    lax.fori_loop(0, _NSB, _superblock, 0)
    plsc.subcore_barrier()

    pltpu.sync_copy(
        accum_sh.at[pl.ds(pl.multiple_of(s * _RPT, 8), _RPT)],
        o_hbm.at[pl.ds(pl.multiple_of(c * _NP + s * _RPT, 8), _RPT)])


@functools.lru_cache(maxsize=None)
def _sc_scatter():
    return pl.kernel(
        _sc_body,
        out_type=jax.ShapeDtypeStruct((2 * _NP, _D), jnp.float32),
        mesh=plsc.VectorSubcoreMesh(core_axis_name="c", subcore_axis_name="s"),
        scratch_types=[
            pltpu.VMEM((_BN, _CH), jnp.int32),
            pltpu.VMEM((_BN, _CH), jnp.int32),
            pltpu.VMEM((_NBUF * _CH, _D), jnp.float32),
            pltpu.VMEM_SHARED((_NP, _D), jnp.float32),
        ] + [pltpu.SemaphoreType.DMA] * (2 * _NBUF),
    )



def _tables(h, t_ref):
    v = jnp.maximum(h, 0.0) + _EPS
    cmax = jnp.max(v, axis=0, keepdims=True)
    q = jnp.exp(v - cmax)
    t_ref[0:_N, :] = q * v
    t_ref[_N:2 * _N, :] = q


def _tc_pre_body(x_ref, t_ref):
    _tables(x_ref[...], t_ref)


def _tc_layer_body(h_ref, o_ref, w1_ref, b1_ref, g_ref, be_ref, w2_ref,
                   b2_ref, *out_refs, last):
    num = o_ref[0:_N, :]
    den = o_ref[_NP:_NP + _N, :]
    agg = num / (den + 1e-30)
    hin = agg + h_ref[...]
    hm = jnp.dot(hin, w1_ref[...], preferred_element_type=jnp.float32)
    hm = hm + b1_ref[...]
    mu = jnp.mean(hm, axis=0, keepdims=True)
    var = jnp.mean((hm - mu) ** 2, axis=0, keepdims=True)
    hb = (hm - mu) / jnp.sqrt(var + 1e-5) * g_ref[...] + be_ref[...]
    hb = jnp.maximum(hb, 0.0)
    h2 = jnp.dot(hb, w2_ref[...], preferred_element_type=jnp.float32)
    h2 = h2 + b2_ref[...]
    if last:
        out_refs[0][...] = h2
    else:
        hh = h2 * jnp.tanh(jax.nn.softplus(h2))
        out_refs[0][...] = hh
        _tables(hh, out_refs[1])


_tc_pre = pl.pallas_call(
    _tc_pre_body,
    out_shape=jax.ShapeDtypeStruct((2 * _N, _D), jnp.float32),
)

_tc_mid = pl.pallas_call(
    functools.partial(_tc_layer_body, last=False),
    out_shape=[
        jax.ShapeDtypeStruct((_N, _D), jnp.float32),
        jax.ShapeDtypeStruct((2 * _N, _D), jnp.float32),
    ],
)

_OSHAPE = jax.ShapeDtypeStruct((2 * _NP, _D), jnp.float32)

_tc_fin = pl.pallas_call(
    functools.partial(_tc_layer_body, last=True),
    out_shape=jax.ShapeDtypeStruct((_N, _D), jnp.float32),
)


def kernel(x, edge_index, W1, b1, gamma, beta, W2, b2):
    src = edge_index[0]
    dst = edge_index[1]
    srcx = jnp.stack([src, src + _N]).reshape(_NSC, _NT, _NSB, _BN, _CH)
    dst_r = dst.reshape(_NT, _NSB, _BN, _CH)

    t = _tc_pre(x)
    h = x
    for i in range(_L):
        o = _sc_scatter()(t, srcx, dst_r)
        w1 = W1[i]
        b1i = b1[i].reshape(1, _H)
        g = gamma[i].reshape(1, _H)
        be = beta[i].reshape(1, _H)
        w2 = W2[i]
        b2i = b2[i].reshape(1, _D)
        if i < _L - 1:
            h, t = _tc_mid(h, o, w1, b1i, g, be, w2, b2i)
        else:
            h = _tc_fin(h, o, w1, b1i, g, be, w2, b2i)
    return h

# --- scband reference (transcript-rebuilt; emitter-appended) ---
"""Pipeline reference for scband-mlpencoder-58514634441436 (READ-ONLY COPY).

The authoritative reference and input builder live on the scoring server;
editing this copy changes nothing except your own understanding.
"""

import jax, jax.numpy as jnp
import numpy as np

N = 10000
E = 320000
D = 128
H = 256  # out_channels * expansion (GENConv MLP hidden, expansion=2)
L = 4
EPS = 1e-7


def setup_inputs(seed: int = 0) -> dict:
    key = jax.random.key(seed)
    ks = jax.random.split(key, 6)
    x = jax.random.normal(ks[0], (N, D), dtype=jnp.float32)
    edge_index = jax.random.randint(ks[1], (2, E), 0, N, dtype=jnp.int32)
    # Stacked parameters for the 4 GENConv layers (in=out=128, so no lin_src/lin_dst).
    # Each layer MLP: Linear(D,H) -> BatchNorm(H) -> ReLU -> Linear(H,D)
    W1 = jax.random.normal(ks[2], (L, D, H), dtype=jnp.float32) * (1.0 / np.sqrt(D))
    b1 = jnp.zeros((L, H), dtype=jnp.float32)
    gamma = jnp.ones((L, H), dtype=jnp.float32)
    beta = jnp.zeros((L, H), dtype=jnp.float32)
    W2 = jax.random.normal(ks[3], (L, H, D), dtype=jnp.float32) * (1.0 / np.sqrt(H))
    b2 = jnp.zeros((L, D), dtype=jnp.float32)
    return {"x": x, "edge_index": edge_index, "W1": W1, "b1": b1,
            "gamma": gamma, "beta": beta, "W2": W2, "b2": b2}


def _segment_softmax(m, seg, n):
    mmax = jax.ops.segment_max(m, seg, num_segments=n)
    mmax = jnp.where(jnp.isfinite(mmax), mmax, 0.0)
    ex = jnp.exp(m - mmax[seg])
    den = jax.ops.segment_sum(ex, seg, num_segments=n)
    return ex / (den[seg] + 1e-16)


def _gen_conv(x, src, dst, W1, b1, gamma, beta, W2, b2, n):
    # message: relu(x_j) + eps  (edge_attr is None)
    msg = jnp.maximum(x[src], 0.0) + EPS
    # softmax aggregation (t=1.0), per destination node, per feature
    alpha = _segment_softmax(msg, dst, n)
    agg = jax.ops.segment_sum(alpha * msg, dst, num_segments=n)
    # update: mlp(aggr + x_dst)
    h = agg + x
    h = h @ W1 + b1
    # BatchNorm (training-mode batch statistics)
    mu = h.mean(axis=0)
    var = h.var(axis=0)
    h = (h - mu) / jnp.sqrt(var + 1e-5) * gamma + beta
    h = jnp.maximum(h, 0.0)
    return h @ W2 + b2


def _mish(x):
    return x * jnp.tanh(jax.nn.softplus(x))


def reference(x, edge_index, W1, b1, gamma, beta, W2, b2):
    src = edge_index[0]
    dst = edge_index[1]
    n = x.shape[0]
    h = x
    for i in range(L):
        h = _gen_conv(h, src, dst, W1[i], b1[i], gamma[i], beta[i], W2[i], b2[i], n)
        if i < L - 1:
            h = _mish(h)
    return h

if __name__ == "__main__":
    import jax
    _d = setup_inputs()
    print(jax.jit(kernel)(*tuple(_d.values())))

</pallas_src>

<mosaic_0001>
#map = affine_map<(d0, d1) -> (0, 0)>
#map1 = affine_map<(d0, d1) -> (0, 0, 0, 0, 0)>
#map2 = affine_map<(d0, d1) -> (0, 0, 0, 0)>
module attributes {stable_mosaic.version = 14 : i64} {
  func.func @_sc_body(%arg0: i32, %arg1: i32, %arg2: memref<20000x128xf32, #tpu.memory_space<hbm>>, %arg3: memref<2x16x5x50x80xi32, #tpu.memory_space<hbm>>, %arg4: memref<16x5x50x80xi32, #tpu.memory_space<hbm>>, %arg5: memref<20224x128xf32, #tpu.memory_space<hbm>>, %arg6: memref<50x80xi32, #tpu.memory_space<vmem>>, %arg7: memref<50x80xi32, #tpu.memory_space<vmem>>, %arg8: memref<240x128xf32, #tpu.memory_space<vmem>>, %arg9: memref<10112x128xf32, #tpu.memory_space<vmem_shared>>, %arg10: memref<!tpu.dma_semaphore, #tpu.memory_space<semaphore_mem>>, %arg11: memref<!tpu.dma_semaphore, #tpu.memory_space<semaphore_mem>>, %arg12: memref<!tpu.dma_semaphore, #tpu.memory_space<semaphore_mem>>, %arg13: memref<!tpu.dma_semaphore, #tpu.memory_space<semaphore_mem>>, %arg14: memref<!tpu.dma_semaphore, #tpu.memory_space<semaphore_mem>>, %arg15: memref<!tpu.dma_semaphore, #tpu.memory_space<semaphore_mem>>) attributes {dimension_semantics = [#tpu.dimension_semantics<core_parallel>, #tpu.dimension_semantics<subcore_parallel>], iteration_bounds = array<i64: 2, 16>, scalar_prefetch = 0 : i64, scratch_operands = 10 : i64, tpu.core_type = #tpu.core_type<sc_vector_subcore>, window_params = [{transform_indices = #map}, {transform_indices = #map1}, {transform_indices = #map2}, {transform_indices = #map}]} {
    %broadcast_in_dim3A = arith.constant 0.000000e+00 : f32
    %broadcast_in_dim3A_0 = vector.broadcast %broadcast_in_dim3A : f32 to vector<16xf32>
    %scan3A = arith.constant 0 : i32
    %scan3A_1 = arith.constant 0 : i32
    %scan3A_2 = arith.constant 240 : i32
    %scan3A_3 = arith.addi %scan3A_1, %scan3A_2 : i32
    %scan3A_4 = arith.constant 1 : i32
    scf.for %scan3A_34 = %scan3A_1 to %scan3A_3 step %scan3A_4  : i32 {
      %swap3A = arith.index_cast %scan3A_34 : i32 to index
      %swap3A_35 = arith.constant 0 : index
      %swap3A_36 = tpu.vector_load %arg8[%swap3A, %swap3A_35] {strides = array<i32>} : memref<240x128xf32, #tpu.memory_space<vmem>>, vector<1x16xf32>,
      %swap3A_37 = vector.shape_cast %swap3A_36 : vector<1x16xf32> to vector<16xf32>
      %swap3A_38 = vector.shape_cast %broadcast_in_dim3A_0 : vector<16xf32> to vector<1x16xf32>
      tpu.vector_store %arg8[%swap3A, %swap3A_35], %swap3A_38 {strides = array<i32>} : memref<240x128xf32, #tpu.memory_space<vmem>>, vector<1x16xf32>,
      %swap3A_39 = arith.index_cast %scan3A_34 : i32 to index
      %swap3A_40 = arith.constant 16 : index
      %swap3A_41 = tpu.vector_load %arg8[%swap3A_39, %swap3A_40] {strides = array<i32>} : memref<240x128xf32, #tpu.memory_space<vmem>>, vector<1x16xf32>,
      %swap3A_42 = vector.shape_cast %swap3A_41 : vector<1x16xf32> to vector<16xf32>
      %swap3A_43 = vector.shape_cast %broadcast_in_dim3A_0 : vector<16xf32> to vector<1x16xf32>
      tpu.vector_store %arg8[%swap3A_39, %swap3A_40], %swap3A_43 {strides = array<i32>} : memref<240x128xf32, #tpu.memory_space<vmem>>, vector<1x16xf32>,
      %swap3A_44 = arith.index_cast %scan3A_34 : i32 to index
      %swap3A_45 = arith.constant 32 : index
      %swap3A_46 = tpu.vector_load %arg8[%swap3A_44, %swap3A_45] {strides = array<i32>} : memref<240x128xf32, #tpu.memory_space<vmem>>, vector<1x16xf32>,
      %swap3A_47 = vector.shape_cast %swap3A_46 : vector<1x16xf32> to vector<16xf32>
      %swap3A_48 = vector.shape_cast %broadcast_in_dim3A_0 : vector<16xf32> to vector<1x16xf32>
      tpu.vector_store %arg8[%swap3A_44, %swap3A_45], %swap3A_48 {strides = array<i32>} : memref<240x128xf32, #tpu.memory_space<vmem>>, vector<1x16xf32>,
      %swap3A_49 = arith.index_cast %scan3A_34 : i32 to index
      %swap3A_50 = arith.constant 48 : index
      %swap3A_51 = tpu.vector_load %arg8[%swap3A_49, %swap3A_50] {strides = array<i32>} : memref<240x128xf32, #tpu.memory_space<vmem>>, vector<1x16xf32>,
      %swap3A_52 = vector.shape_cast %swap3A_51 : vector<1x16xf32> to vector<16xf32>
      %swap3A_53 = vector.shape_cast %broadcast_in_dim3A_0 : vector<16xf32> to vector<1x16xf32>
      tpu.vector_store %arg8[%swap3A_49, %swap3A_50], %swap3A_53 {strides = array<i32>} : memref<240x128xf32, #tpu.memory_space<vmem>>, vector<1x16xf32>,
      %swap3A_54 = arith.index_cast %scan3A_34 : i32 to index
      %swap3A_55 = arith.constant 64 : index
      %swap3A_56 = tpu.vector_load %arg8[%swap3A_54, %swap3A_55] {strides = array<i32>} : memref<240x128xf32, #tpu.memory_space<vmem>>, vector<1x16xf32>,
      %swap3A_57 = vector.shape_cast %swap3A_56 : vector<1x16xf32> to vector<16xf32>
      %swap3A_58 = vector.shape_cast %broadcast_in_dim3A_0 : vector<16xf32> to vector<1x16xf32>
      tpu.vector_store %arg8[%swap3A_54, %swap3A_55], %swap3A_58 {strides = array<i32>} : memref<240x128xf32, #tpu.memory_space<vmem>>, vector<1x16xf32>,
      %swap3A_59 = arith.index_cast %scan3A_34 : i32 to index
      %swap3A_60 = arith.constant 80 : index
      %swap3A_61 = tpu.vector_load %arg8[%swap3A_59, %swap3A_60] {strides = array<i32>} : memref<240x128xf32, #tpu.memory_space<vmem>>, vector<1x16xf32>,
      %swap3A_62 = vector.shape_cast %swap3A_61 : vector<1x16xf32> to vector<16xf32>
      %swap3A_63 = vector.shape_cast %broadcast_in_dim3A_0 : vector<16xf32> to vector<1x16xf32>
      tpu.vector_store %arg8[%swap3A_59, %swap3A_60], %swap3A_63 {strides = array<i32>} : memref<240x128xf32, #tpu.memory_space<vmem>>, vector<1x16xf32>,
      %swap3A_64 = arith.index_cast %scan3A_34 : i32 to index
      %swap3A_65 = arith.constant 96 : index
      %swap3A_66 = tpu.vector_load %arg8[%swap3A_64, %swap3A_65] {strides = array<i32>} : memref<240x128xf32, #tpu.memory_space<vmem>>, vector<1x16xf32>,
      %swap3A_67 = vector.shape_cast %swap3A_66 : vector<1x16xf32> to vector<16xf32>
      %swap3A_68 = vector.shape_cast %broadcast_in_dim3A_0 : vector<16xf32> to vector<1x16xf32>
      tpu.vector_store %arg8[%swap3A_64, %swap3A_65], %swap3A_68 {strides = array<i32>} : memref<240x128xf32, #tpu.memory_space<vmem>>, vector<1x16xf32>,
      %swap3A_69 = arith.index_cast %scan3A_34 : i32 to index
      %swap3A_70 = arith.constant 112 : index
      %swap3A_71 = tpu.vector_load %arg8[%swap3A_69, %swap3A_70] {strides = array<i32>} : memref<240x128xf32, #tpu.memory_space<vmem>>, vector<1x16xf32>,
      %swap3A_72 = vector.shape_cast %swap3A_71 : vector<1x16xf32> to vector<16xf32>
      %swap3A_73 = vector.shape_cast %broadcast_in_dim3A_0 : vector<16xf32> to vector<1x16xf32>
      tpu.vector_store %arg8[%swap3A_69, %swap3A_70], %swap3A_73 {strides = array<i32>} : memref<240x128xf32, #tpu.memory_space<vmem>>, vector<1x16xf32>,
    }
    %scan3A_5 = arith.constant 240 : i32
    %mul3A = arith.constant 632 : i32
    %mul3A_6 = arith.muli %arg1, %mul3A : i32
    %add3A = arith.constant 0 : i32
    %add3A_7 = arith.addi %mul3A_6, %add3A : i32
    %multiple_of3A = tpu.assume_multiple %add3A_7, 8 : i32
    "tpu.region"() ({
      %run_scoped3A = tpu.sem_alloc : memref<!tpu.dma_semaphore, #tpu.memory_space<semaphore_mem>>
      %dma_start3A = arith.constant 0 : i32
      %dma_start3A_34 = tpu.memref_slice %arg9[%multiple_of3A, %dma_start3A] : memref<10112x128xf32, #tpu.memory_space<vmem_shared>> -> memref<240x128xf32, #tpu.memory_space<vmem_shared>>
      %dma_start3A_35 = arith.constant 0 : i32
      %dma_start3A_36 = tpu.memref_slice %arg9[%multiple_of3A, %dma_start3A_35] : memref<10112x128xf32, #tpu.memory_space<vmem_shared>> -> memref<240x128xf32, #tpu.memory_space<vmem_shared>>
      tpu.enqueue_dma source(%arg8 : memref<240x128xf32, #tpu.memory_space<vmem>>) target(%dma_start3A_36 : memref<240x128xf32, #tpu.memory_space<vmem_shared>>) target_semaphore(%run_scoped3A : memref<!tpu.dma_semaphore, #tpu.memory_space<semaphore_mem>>)
      %dma_wait3A = arith.constant 0 : i32
      %dma_wait3A_37 = tpu.memref_slice %arg9[%multiple_of3A, %dma_wait3A] : memref<10112x128xf32, #tpu.memory_space<vmem_shared>> -> memref<240x128xf32, #tpu.memory_space<vmem_shared>>
      %dma_wait3A_38 = arith.constant 0 : i32
      %dma_wait3A_39 = tpu.memref_slice %arg9[%multiple_of3A, %dma_wait3A_38] : memref<10112x128xf32, #tpu.memory_space<vmem_shared>> -> memref<240x128xf32, #tpu.memory_space<vmem_shared>>
      tpu.wait_dma2 semaphore(%run_scoped3A : memref<!tpu.dma_semaphore, #tpu.memory_space<semaphore_mem>>) src(%arg8 : memref<240x128xf32, #tpu.memory_space<vmem>>) dst(%dma_wait3A_39 : memref<240x128xf32, #tpu.memory_space<vmem_shared>>)
      tpu.yield
    }) : () -> ()
    %mul3A_8 = arith.constant 632 : i32
    %mul3A_9 = arith.muli %arg1, %mul3A_8 : i32
    %add3A_10 = arith.constant 240 : i32
    %add3A_11 = arith.addi %mul3A_9, %add3A_10 : i32
    %multiple_of3A_12 = tpu.assume_multiple %add3A_11, 8 : i32
    "tpu.region"() ({
      %run_scoped3A = tpu.sem_alloc : memref<!tpu.dma_semaphore, #tpu.memory_space<semaphore_mem>>
      %dma_start3A = arith.constant 0 : i32
      %dma_start3A_34 = tpu.memref_slice %arg9[%multiple_of3A_12, %dma_start3A] : memref<10112x128xf32, #tpu.memory_space<vmem_shared>> -> memref<240x128xf32, #tpu.memory_space<vmem_shared>>
      %dma_start3A_35 = arith.constant 0 : i32
      %dma_start3A_36 = tpu.memref_slice %arg9[%multiple_of3A_12, %dma_start3A_35] : memref<10112x128xf32, #tpu.memory_space<vmem_shared>> -> memref<240x128xf32, #tpu.memory_space<vmem_shared>>
      tpu.enqueue_dma source(%arg8 : memref<240x128xf32, #tpu.memory_space<vmem>>) target(%dma_start3A_36 : memref<240x128xf32, #tpu.memory_space<vmem_shared>>) target_semaphore(%run_scoped3A : memref<!tpu.dma_semaphore, #tpu.memory_space<semaphore_mem>>)
      %dma_wait3A = arith.constant 0 : i32
      %dma_wait3A_37 = tpu.memref_slice %arg9[%multiple_of3A_12, %dma_wait3A] : memref<10112x128xf32, #tpu.memory_space<vmem_shared>> -> memref<240x128xf32, #tpu.memory_space<vmem_shared>>
      %dma_wait3A_38 = arith.constant 0 : i32
      %dma_wait3A_39 = tpu.memref_slice %arg9[%multiple_of3A_12, %dma_wait3A_38] : memref<10112x128xf32, #tpu.memory_space<vmem_shared>> -> memref<240x128xf32, #tpu.memory_space<vmem_shared>>
      tpu.wait_dma2 semaphore(%run_scoped3A : memref<!tpu.dma_semaphore, #tpu.memory_space<semaphore_mem>>) src(%arg8 : memref<240x128xf32, #tpu.memory_space<vmem>>) dst(%dma_wait3A_39 : memref<240x128xf32, #tpu.memory_space<vmem_shared>>)
      tpu.yield
    }) : () -> ()
    %mul3A_13 = arith.constant 632 : i32
    %mul3A_14 = arith.muli %arg1, %mul3A_13 : i32
    %add3A_15 = arith.constant 480 : i32
    %add3A_16 = arith.addi %mul3A_14, %add3A_15 : i32
    %multiple_of3A_17 = tpu.assume_multiple %add3A_16, 8 : i32
    "tpu.region"() ({
      %run_scoped3A = tpu.sem_alloc : memref<!tpu.dma_semaphore, #tpu.memory_space<semaphore_mem>>
      %dma_start3A = arith.constant 0 : i32
      %dma_start3A_34 = arith.constant 0 : i32
      %dma_start3A_35 = tpu.memref_slice %arg8[%dma_start3A, %dma_start3A_34] : memref<240x128xf32, #tpu.memory_space<vmem>> -> memref<152x128xf32, #tpu.memory_space<vmem>>
      %dma_start3A_36 = arith.constant 0 : i32
      %dma_start3A_37 = tpu.memref_slice %arg9[%multiple_of3A_17, %dma_start3A_36] : memref<10112x128xf32, #tpu.memory_space<vmem_shared>> -> memref<152x128xf32, #tpu.memory_space<vmem_shared>>
      %dma_start3A_38 = arith.constant 0 : i32
      %dma_start3A_39 = tpu.memref_slice %arg9[%multiple_of3A_17, %dma_start3A_38] : memref<10112x128xf32, #tpu.memory_space<vmem_shared>> -> memref<152x128xf32, #tpu.memory_space<vmem_shared>>
      %dma_start3A_40 = arith.constant 0 : i32
      %dma_start3A_41 = arith.constant 0 : i32
      %dma_start3A_42 = tpu.memref_slice %arg8[%dma_start3A_40, %dma_start3A_41] : memref<240x128xf32, #tpu.memory_space<vmem>> -> memref<152x128xf32, #tpu.memory_space<vmem>>
      tpu.enqueue_dma source(%dma_start3A_42 : memref<152x128xf32, #tpu.memory_space<vmem>>) target(%dma_start3A_39 : memref<152x128xf32, #tpu.memory_space<vmem_shared>>) target_semaphore(%run_scoped3A : memref<!tpu.dma_semaphore, #tpu.memory_space<semaphore_mem>>)
      %dma_wait3A = arith.constant 0 : i32
      %dma_wait3A_43 = arith.constant 0 : i32
      %dma_wait3A_44 = tpu.memref_slice %arg8[%dma_wait3A, %dma_wait3A_43] : memref<240x128xf32, #tpu.memory_space<vmem>> -> memref<152x128xf32, #tpu.memory_space<vmem>>
      %dma_wait3A_45 = arith.constant 0 : i32
      %dma_wait3A_46 = tpu.memref_slice %arg9[%multiple_of3A_17, %dma_wait3A_45] : memref<10112x128xf32, #tpu.memory_space<vmem_shared>> -> memref<152x128xf32, #tpu.memory_space<vmem_shared>>
      %dma_wait3A_47 = arith.constant 0 : i32
      %dma_wait3A_48 = tpu.memref_slice %arg9[%multiple_of3A_17, %dma_wait3A_47] : memref<10112x128xf32, #tpu.memory_space<vmem_shared>> -> memref<152x128xf32, #tpu.memory_space<vmem_shared>>
      %dma_wait3A_49 = arith.constant 0 : i32
      %dma_wait3A_50 = arith.constant 0 : i32
      %dma_wait3A_51 = tpu.memref_slice %arg8[%dma_wait3A_49, %dma_wait3A_50] : memref<240x128xf32, #tpu.memory_space<vmem>> -> memref<152x128xf32, #tpu.memory_space<vmem>>
      tpu.wait_dma2 semaphore(%run_scoped3A : memref<!tpu.dma_semaphore, #tpu.memory_space<semaphore_mem>>) src(%dma_wait3A_51 : memref<152x128xf32, #tpu.memory_space<vmem>>) dst(%dma_wait3A_48 : memref<152x128xf32, #tpu.memory_space<vmem_shared>>)
      tpu.yield
    }) : () -> ()
    %barrier3A = arith.constant 0 : index
    tpu.barrier barrier_id(%barrier3A)
    %scan3A_18 = arith.constant 0 : i32
    %scan3A_19 = arith.constant 0 : i32
    %scan3A_20 = arith.constant 5 : i32
    %scan3A_21 = arith.addi %scan3A_19, %scan3A_20 : i32
    %scan3A_22 = arith.constant 1 : i32
    scf.for %scan3A_34 = %scan3A_19 to %scan3A_21 step %scan3A_22  : i32 {
      "tpu.region"() ({
        %run_scoped3A_90 = tpu.sem_alloc : memref<!tpu.dma_semaphore, #tpu.memory_space<semaphore_mem>>
        %dma_start3A_91 = arith.constant 0 : i32
        %dma_start3A_92 = arith.constant 0 : i32
        %dma_start3A_93 = tpu.memref_slice %arg3[%arg0, %arg1, %scan3A_34, %dma_start3A_91, %dma_start3A_92] : memref<2x16x5x50x80xi32, #tpu.memory_space<hbm>> -> memref<1x1x1x50x80xi32, #tpu.memory_space<hbm>>
        %dma_start3A_94 = tpu.memref_squeeze %dma_start3A_93 : memref<1x1x1x50x80xi32, #tpu.memory_space<hbm>> -> memref<50x80xi32, #tpu.memory_space<hbm>>
        %dma_start3A_95 = arith.constant 0 : i32
        %dma_start3A_96 = arith.constant 0 : i32
        %dma_start3A_97 = tpu.memref_slice %arg3[%arg0, %arg1, %scan3A_34, %dma_start3A_95, %dma_start3A_96] : memref<2x16x5x50x80xi32, #tpu.memory_space<hbm>> -> memref<1x1x1x50x80xi32, #tpu.memory_space<hbm>>
        %dma_start3A_98 = tpu.memref_squeeze %dma_start3A_97 : memref<1x1x1x50x80xi32, #tpu.memory_space<hbm>> -> memref<50x80xi32, #tpu.memory_space<hbm>>
        tpu.enqueue_dma source(%dma_start3A_98 : memref<50x80xi32, #tpu.memory_space<hbm>>) target(%arg6 : memref<50x80xi32, #tpu.memory_space<vmem>>) target_semaphore(%run_scoped3A_90 : memref<!tpu.dma_semaphore, #tpu.memory_space<semaphore_mem>>)
        %dma_wait3A_99 = arith.constant 0 : i32
        %dma_wait3A_100 = arith.constant 0 : i32
        %dma_wait3A_101 = tpu.memref_slice %arg3[%arg0, %arg1, %scan3A_34, %dma_wait3A_99, %dma_wait3A_100] : memref<2x16x5x50x80xi32, #tpu.memory_space<hbm>> -> memref<1x1x1x50x80xi32, #tpu.memory_space<hbm>>
        %dma_wait3A_102 = tpu.memref_squeeze %dma_wait3A_101 : memref<1x1x1x50x80xi32, #tpu.memory_space<hbm>> -> memref<50x80xi32, #tpu.memory_space<hbm>>
        %dma_wait3A_103 = arith.constant 0 : i32
        %dma_wait3A_104 = arith.constant 0 : i32
        %dma_wait3A_105 = tpu.memref_slice %arg3[%arg0, %arg1, %scan3A_34, %dma_wait3A_103, %dma_wait3A_104] : memref<2x16x5x50x80xi32, #tpu.memory_space<hbm>> -> memref<1x1x1x50x80xi32, #tpu.memory_space<hbm>>
        %dma_wait3A_106 = tpu.memref_squeeze %dma_wait3A_105 : memref<1x1x1x50x80xi32, #tpu.memory_space<hbm>> -> memref<50x80xi32, #tpu.memory_space<hbm>>
        tpu.wait_dma2 semaphore(%run_scoped3A_90 : memref<!tpu.dma_semaphore, #tpu.memory_space<semaphore_mem>>) src(%dma_wait3A_106 : memref<50x80xi32, #tpu.memory_space<hbm>>) dst(%arg6 : memref<50x80xi32, #tpu.memory_space<vmem>>)
        tpu.yield
      }) : () -> ()
      "tpu.region"() ({
        %run_scoped3A_90 = tpu.sem_alloc : memref<!tpu.dma_semaphore, #tpu.memory_space<semaphore_mem>>
        %dma_start3A_91 = arith.constant 0 : i32
        %dma_start3A_92 = arith.constant 0 : i32
        %dma_start3A_93 = tpu.memref_slice %arg4[%arg1, %scan3A_34, %dma_start3A_91, %dma_start3A_92] : memref<16x5x50x80xi32, #tpu.memory_space<hbm>> -> memref<1x1x50x80xi32, #tpu.memory_space<hbm>>
        %dma_start3A_94 = tpu.memref_squeeze %dma_start3A_93 : memref<1x1x50x80xi32, #tpu.memory_space<hbm>> -> memref<50x80xi32, #tpu.memory_space<hbm>>
        %dma_start3A_95 = arith.constant 0 : i32
        %dma_start3A_96 = arith.constant 0 : i32
        %dma_start3A_97 = tpu.memref_slice %arg4[%arg1, %scan3A_34, %dma_start3A_95, %dma_start3A_96] : memref<16x5x50x80xi32, #tpu.memory_space<hbm>> -> memref<1x1x50x80xi32, #tpu.memory_space<hbm>>
        %dma_start3A_98 = tpu.memref_squeeze %dma_start3A_97 : memref<1x1x50x80xi32, #tpu.memory_space<hbm>> -> memref<50x80xi32, #tpu.memory_space<hbm>>
        tpu.enqueue_dma source(%dma_start3A_98 : memref<50x80xi32, #tpu.memory_space<hbm>>) target(%arg7 : memref<50x80xi32, #tpu.memory_space<vmem>>) target_semaphore(%run_scoped3A_90 : memref<!tpu.dma_semaphore, #tpu.memory_space<semaphore_mem>>)
        %dma_wait3A_99 = arith.constant 0 : i32
        %dma_wait3A_100 = arith.constant 0 : i32
        %dma_wait3A_101 = tpu.memref_slice %arg4[%arg1, %scan3A_34, %dma_wait3A_99, %dma_wait3A_100] : memref<16x5x50x80xi32, #tpu.memory_space<hbm>> -> memref<1x1x50x80xi32, #tpu.memory_space<hbm>>
        %dma_wait3A_102 = tpu.memref_squeeze %dma_wait3A_101 : memref<1x1x50x80xi32, #tpu.memory_space<hbm>> -> memref<50x80xi32, #tpu.memory_space<hbm>>
        %dma_wait3A_103 = arith.constant 0 : i32
        %dma_wait3A_104 = arith.constant 0 : i32
        %dma_wait3A_105 = tpu.memref_slice %arg4[%arg1, %scan3A_34, %dma_wait3A_103, %dma_wait3A_104] : memref<16x5x50x80xi32, #tpu.memory_space<hbm>> -> memref<1x1x50x80xi32, #tpu.memory_space<hbm>>
        %dma_wait3A_106 = tpu.memref_squeeze %dma_wait3A_105 : memref<1x1x50x80xi32, #tpu.memory_space<hbm>> -> memref<50x80xi32, #tpu.memory_space<hbm>>
        tpu.wait_dma2 semaphore(%run_scoped3A_90 : memref<!tpu.dma_semaphore, #tpu.memory_space<semaphore_mem>>) src(%dma_wait3A_106 : memref<50x80xi32, #tpu.memory_space<hbm>>) dst(%arg7 : memref<50x80xi32, #tpu.memory_space<vmem>>)
        tpu.yield
      }) : () -> ()
      %dma_start3A = arith.constant 0 : i32
      %dma_start3A_35 = arith.constant 0 : i32
      %dma_start3A_36 = arith.constant 0 : i32
      %dma_start3A_37 = tpu.memref_slice %arg8[%dma_start3A_35, %dma_start3A_36] : memref<240x128xf32, #tpu.memory_space<vmem>> -> memref<80x128xf32, #tpu.memory_space<vmem>>
      %dma_start3A_38 = arith.constant 0 : i32
      %dma_start3A_39 = tpu.memref_slice %arg6[%dma_start3A, %dma_start3A_38] : memref<50x80xi32, #tpu.memory_space<vmem>> -> memref<1x80xi32, #tpu.memory_space<vmem>>
      %dma_start3A_40 = tpu.memref_squeeze %dma_start3A_39 : memref<1x80xi32, #tpu.memory_space<vmem>> -> memref<80xi32, #tpu.memory_space<vmem>>
      %dma_start3A_41 = arith.constant 0 : i32
      %dma_start3A_42 = arith.constant 0 : i32
      %dma_start3A_43 = tpu.memref_slice %arg2[%dma_start3A_41, %dma_start3A_42] : memref<20000x128xf32, #tpu.memory_space<hbm>> -> memref<20000x128xf32, #tpu.memory_space<hbm>>
      tpu.enqueue_indirect_dma source(%dma_start3A_43 : memref<20000x128xf32, #tpu.memory_space<hbm>>) target(%dma_start3A_37 : memref<80x128xf32, #tpu.memory_space<vmem>>) offsets(%dma_start3A_40 : memref<80xi32, #tpu.memory_space<vmem>>) semaphore(%arg10 : memref<!tpu.dma_semaphore, #tpu.memory_space<semaphore_mem>>)
      %dma_start3A_44 = arith.constant 1 : i32
      %dma_start3A_45 = arith.constant 80 : i32
      %dma_start3A_46 = arith.constant 0 : i32
      %dma_start3A_47 = tpu.memref_slice %arg8[%dma_start3A_45, %dma_start3A_46] : memref<240x128xf32, #tpu.memory_space<vmem>> -> memref<80x128xf32, #tpu.memory_space<vmem>>
      %dma_start3A_48 = arith.constant 0 : i32
      %dma_start3A_49 = tpu.memref_slice %arg6[%dma_start3A_44, %dma_start3A_48] : memref<50x80xi32, #tpu.memory_space<vmem>> -> memref<1x80xi32, #tpu.memory_space<vmem>>
      %dma_start3A_50 = tpu.memref_squeeze %dma_start3A_49 : memref<1x80xi32, #tpu.memory_space<vmem>> -> memref<80xi32, #tpu.memory_space<vmem>>
      %dma_start3A_51 = arith.constant 0 : i32
      %dma_start3A_52 = arith.constant 0 : i32
      %dma_start3A_53 = tpu.memref_slice %arg2[%dma_start3A_51, %dma_start3A_52] : memref<20000x128xf32, #tpu.memory_space<hbm>> -> memref<20000x128xf32, #tpu.memory_space<hbm>>
      tpu.enqueue_indirect_dma source(%dma_start3A_53 : memref<20000x128xf32, #tpu.memory_space<hbm>>) target(%dma_start3A_47 : memref<80x128xf32, #tpu.memory_space<vmem>>) offsets(%dma_start3A_50 : memref<80xi32, #tpu.memory_space<vmem>>) semaphore(%arg11 : memref<!tpu.dma_semaphore, #tpu.memory_space<semaphore_mem>>)
      %dma_start3A_54 = arith.constant 2 : i32
      %dma_start3A_55 = arith.constant 160 : i32
      %dma_start3A_56 = arith.constant 0 : i32
      %dma_start3A_57 = tpu.memref_slice %arg8[%dma_start3A_55, %dma_start3A_56] : memref<240x128xf32, #tpu.memory_space<vmem>> -> memref<80x128xf32, #tpu.memory_space<vmem>>
      %dma_start3A_58 = arith.constant 0 : i32
      %dma_start3A_59 = tpu.memref_slice %arg6[%dma_start3A_54, %dma_start3A_58] : memref<50x80xi32, #tpu.memory_space<vmem>> -> memref<1x80xi32, #tpu.memory_space<vmem>>
      %dma_start3A_60 = tpu.memref_squeeze %dma_start3A_59 : memref<1x80xi32, #tpu.memory_space<vmem>> -> memref<80xi32, #tpu.memory_space<vmem>>
      %dma_start3A_61 = arith.constant 0 : i32
      %dma_start3A_62 = arith.constant 0 : i32
      %dma_start3A_63 = tpu.memref_slice %arg2[%dma_start3A_61, %dma_start3A_62] : memref<20000x128xf32, #tpu.memory_space<hbm>> -> memref<20000x128xf32, #tpu.memory_space<hbm>>
      tpu.enqueue_indirect_dma source(%dma_start3A_63 : memref<20000x128xf32, #tpu.memory_space<hbm>>) target(%dma_start3A_57 : memref<80x128xf32, #tpu.memory_space<vmem>>) offsets(%dma_start3A_60 : memref<80xi32, #tpu.memory_space<vmem>>) semaphore(%arg12 : memref<!tpu.dma_semaphore, #tpu.memory_space<semaphore_mem>>)
      %scan3A_64 = arith.constant 0 : i32
      %scan3A_65 = arith.constant 0 : i32
      %scan3A_66 = arith.constant 16 : i32
      %scan3A_67 = arith.addi %scan3A_65, %scan3A_66 : i32
      %scan3A_68 = arith.constant 1 : i32
      scf.for %scan3A_90 = %scan3A_65 to %scan3A_67 step %scan3A_68  : i32 {
        %mul3A_91 = arith.constant 3 : i32
        %mul3A_92 = arith.muli %mul3A_91, %scan3A_90 : i32
        %add3A_93 = arith.constant 0 : i32
        %add3A_94 = arith.addi %mul3A_92, %add3A_93 : i32
        %dma_wait3A_95 = arith.constant 0 : i32
        %dma_wait3A_96 = arith.constant 0 : i32
        %dma_wait3A_97 = tpu.memref_slice %arg8[%dma_wait3A_95, %dma_wait3A_96] : memref<240x128xf32, #tpu.memory_space<vmem>> -> memref<80x128xf32, #tpu.memory_space<vmem>>
        %dma_wait3A_98 = arith.constant 0 : i32
        %dma_wait3A_99 = tpu.memref_slice %arg6[%add3A_94, %dma_wait3A_98] : memref<50x80xi32, #tpu.memory_space<vmem>> -> memref<1x80xi32, #tpu.memory_space<vmem>>
        %dma_wait3A_100 = tpu.memref_squeeze %dma_wait3A_99 : memref<1x80xi32, #tpu.memory_space<vmem>> -> memref<80xi32, #tpu.memory_space<vmem>>
        %dma_wait3A_101 = arith.constant 0 : i32
        %dma_wait3A_102 = arith.constant 0 : i32
        %dma_wait3A_103 = tpu.memref_slice %arg2[%dma_wait3A_101, %dma_wait3A_102] : memref<20000x128xf32, #tpu.memory_space<hbm>> -> memref<20000x128xf32, #tpu.memory_space<hbm>>
        tpu.wait_indirect_dma semaphore(%arg10 : memref<!tpu.dma_semaphore, #tpu.memory_space<semaphore_mem>>) src(%dma_wait3A_103 : memref<20000x128xf32, #tpu.memory_space<hbm>>) dst(%dma_wait3A_97 : memref<80x128xf32, #tpu.memory_space<vmem>>)
        %add3A_104 = arith.constant 0 : i32
        %add3A_105 = arith.addi %mul3A_92, %add3A_104 : i32
        %dma_start3A_106 = arith.constant 0 : i32
        %dma_start3A_107 = arith.constant 0 : i32
        %dma_start3A_108 = tpu.memref_slice %arg8[%dma_start3A_106, %dma_start3A_107] : memref<240x128xf32, #tpu.memory_space<vmem>> -> memref<80x128xf32, #tpu.memory_space<vmem>>
        %dma_start3A_109 = arith.constant 0 : i32
        %dma_start3A_110 = tpu.memref_slice %arg7[%add3A_105, %dma_start3A_109] : memref<50x80xi32, #tpu.memory_space<vmem>> -> memref<1x80xi32, #tpu.memory_space<vmem>>
        %dma_start3A_111 = tpu.memref_squeeze %dma_start3A_110 : memref<1x80xi32, #tpu.memory_space<vmem>> -> memref<80xi32, #tpu.memory_space<vmem>>
        %dma_start3A_112 = arith.constant 0 : i32
        %dma_start3A_113 = arith.constant 0 : i32
        %dma_start3A_114 = tpu.memref_slice %arg9[%dma_start3A_112, %dma_start3A_113] : memref<10112x128xf32, #tpu.memory_space<vmem_shared>> -> memref<10112x128xf32, #tpu.memory_space<vmem_shared>>
        tpu.enqueue_indirect_dma source(%dma_start3A_108 : memref<80x128xf32, #tpu.memory_space<vmem>>) target(%dma_start3A_114 : memref<10112x128xf32, #tpu.memory_space<vmem_shared>>) offsets(%dma_start3A_111 : memref<80xi32, #tpu.memory_space<vmem>>) semaphore(%arg13 : memref<!tpu.dma_semaphore, #tpu.memory_space<semaphore_mem>>) {add = true}
        %add3A_115 = arith.constant 1 : i32
        %add3A_116 = arith.addi %mul3A_92, %add3A_115 : i32
        %dma_wait3A_117 = arith.constant 80 : i32
        %dma_wait3A_118 = arith.constant 0 : i32
        %dma_wait3A_119 = tpu.memref_slice %arg8[%dma_wait3A_117, %dma_wait3A_118] : memref<240x128xf32, #tpu.memory_space<vmem>> -> memref<80x128xf32, #tpu.memory_space<vmem>>
        %dma_wait3A_120 = arith.constant 0 : i32
        %dma_wait3A_121 = tpu.memref_slice %arg6[%add3A_116, %dma_wait3A_120] : memref<50x80xi32, #tpu.memory_space<vmem>> -> memref<1x80xi32, #tpu.memory_space<vmem>>
        %dma_wait3A_122 = tpu.memref_squeeze %dma_wait3A_121 : memref<1x80xi32, #tpu.memory_space<vmem>> -> memref<80xi32, #tpu.memory_space<vmem>>
        %dma_wait3A_123 = arith.constant 0 : i32
        %dma_wait3A_124 = arith.constant 0 : i32
        %dma_wait3A_125 = tpu.memref_slice %arg2[%dma_wait3A_123, %dma_wait3A_124] : memref<20000x128xf32, #tpu.memory_space<hbm>> -> memref<20000x128xf32, #tpu.memory_space<hbm>>
        tpu.wait_indirect_dma semaphore(%arg11 : memref<!tpu.dma_semaphore, #tpu.memory_space<semaphore_mem>>) src(%dma_wait3A_125 : memref<20000x128xf32, #tpu.memory_space<hbm>>) dst(%dma_wait3A_119 : memref<80x128xf32, #tpu.memory_space<vmem>>)
        %add3A_126 = arith.constant 1 : i32
        %add3A_127 = arith.addi %mul3A_92, %add3A_126 : i32
        %dma_start3A_128 = arith.constant 80 : i32
        %dma_start3A_129 = arith.constant 0 : i32
        %dma_start3A_130 = tpu.memref_slice %arg8[%dma_start3A_128, %dma_start3A_129] : memref<240x128xf32, #tpu.memory_space<vmem>> -> memref<80x128xf32, #tpu.memory_space<vmem>>
        %dma_start3A_131 = arith.constant 0 : i32
        %dma_start3A_132 = tpu.memref_slice %arg7[%add3A_127, %dma_start3A_131] : memref<50x80xi32, #tpu.memory_space<vmem>> -> memref<1x80xi32, #tpu.memory_space<vmem>>
        %dma_start3A_133 = tpu.memref_squeeze %dma_start3A_132 : memref<1x80xi32, #tpu.memory_space<vmem>> -> memref<80xi32, #tpu.memory_space<vmem>>
        %dma_start3A_134 = arith.constant 0 : i32
        %dma_start3A_135 = arith.constant 0 : i32
        %dma_start3A_136 = tpu.memref_slice %arg9[%dma_start3A_134, %dma_start3A_135] : memref<10112x128xf32, #tpu.memory_space<vmem_shared>> -> memref<10112x128xf32, #tpu.memory_space<vmem_shared>>
        tpu.enqueue_indirect_dma source(%dma_start3A_130 : memref<80x128xf32, #tpu.memory_space<vmem>>) target(%dma_start3A_136 : memref<10112x128xf32, #tpu.memory_space<vmem_shared>>) offsets(%dma_start3A_133 : memref<80xi32, #tpu.memory_space<vmem>>) semaphore(%arg14 : memref<!tpu.dma_semaphore, #tpu.memory_space<semaphore_mem>>) {add = true}
        %add3A_137 = arith.constant 2 : i32
        %add3A_138 = arith.addi %mul3A_92, %add3A_137 : i32
        %dma_wait3A_139 = arith.constant 160 : i32
        %dma_wait3A_140 = arith.constant 0 : i32
        %dma_wait3A_141 = tpu.memref_slice %arg8[%dma_wait3A_139, %dma_wait3A_140] : memref<240x128xf32, #tpu.memory_space<vmem>> -> memref<80x128xf32, #tpu.memory_space<vmem>>
        %dma_wait3A_142 = arith.constant 0 : i32
        %dma_wait3A_143 = tpu.memref_slice %arg6[%add3A_138, %dma_wait3A_142] : memref<50x80xi32, #tpu.memory_space<vmem>> -> memref<1x80xi32, #tpu.memory_space<vmem>>
        %dma_wait3A_144 = tpu.memref_squeeze %dma_wait3A_143 : memref<1x80xi32, #tpu.memory_space<vmem>> -> memref<80xi32, #tpu.memory_space<vmem>>
        %dma_wait3A_145 = arith.constant 0 : i32
        %dma_wait3A_146 = arith.constant 0 : i32
        %dma_wait3A_147 = tpu.memref_slice %arg2[%dma_wait3A_145, %dma_wait3A_146] : memref<20000x128xf32, #tpu.memory_space<hbm>> -> memref<20000x128xf32, #tpu.memory_space<hbm>>
        tpu.wait_indirect_dma semaphore(%arg12 : memref<!tpu.dma_semaphore, #tpu.memory_space<semaphore_mem>>) src(%dma_wait3A_147 : memref<20000x128xf32, #tpu.memory_space<hbm>>) dst(%dma_wait3A_141 : memref<80x128xf32, #tpu.memory_space<vmem>>)
        %add3A_148 = arith.constant 2 : i32
        %add3A_149 = arith.addi %mul3A_92, %add3A_148 : i32
        %dma_start3A_150 = arith.constant 160 : i32
        %dma_start3A_151 = arith.constant 0 : i32
        %dma_start3A_152 = tpu.memref_slice %arg8[%dma_start3A_150, %dma_start3A_151] : memref<240x128xf32, #tpu.memory_space<vmem>> -> memref<80x128xf32, #tpu.memory_space<vmem>>
        %dma_start3A_153 = arith.constant 0 : i32
        %dma_start3A_154 = tpu.memref_slice %arg7[%add3A_149, %dma_start3A_153] : memref<50x80xi32, #tpu.memory_space<vmem>> -> memref<1x80xi32, #tpu.memory_space<vmem>>
        %dma_start3A_155 = tpu.memref_squeeze %dma_start3A_154 : memref<1x80xi32, #tpu.memory_space<vmem>> -> memref<80xi32, #tpu.memory_space<vmem>>
        %dma_start3A_156 = arith.constant 0 : i32
        %dma_start3A_157 = arith.constant 0 : i32
        %dma_start3A_158 = tpu.memref_slice %arg9[%dma_start3A_156, %dma_start3A_157] : memref<10112x128xf32, #tpu.memory_space<vmem_shared>> -> memref<10112x128xf32, #tpu.memory_space<vmem_shared>>
        tpu.enqueue_indirect_dma source(%dma_start3A_152 : memref<80x128xf32, #tpu.memory_space<vmem>>) target(%dma_start3A_158 : memref<10112x128xf32, #tpu.memory_space<vmem_shared>>) offsets(%dma_start3A_155 : memref<80xi32, #tpu.memory_space<vmem>>) semaphore(%arg15 : memref<!tpu.dma_semaphore, #tpu.memory_space<semaphore_mem>>) {add = true}
        %add3A_159 = arith.constant 0 : i32
        %add3A_160 = arith.addi %mul3A_92, %add3A_159 : i32
        %dma_wait3A_161 = arith.constant 0 : i32
        %dma_wait3A_162 = arith.constant 0 : i32
        %dma_wait3A_163 = tpu.memref_slice %arg8[%dma_wait3A_161, %dma_wait3A_162] : memref<240x128xf32, #tpu.memory_space<vmem>> -> memref<80x128xf32, #tpu.memory_space<vmem>>
        %dma_wait3A_164 = arith.constant 0 : i32
        %dma_wait3A_165 = tpu.memref_slice %arg7[%add3A_160, %dma_wait3A_164] : memref<50x80xi32, #tpu.memory_space<vmem>> -> memref<1x80xi32, #tpu.memory_space<vmem>>
        %dma_wait3A_166 = tpu.memref_squeeze %dma_wait3A_165 : memref<1x80xi32, #tpu.memory_space<vmem>> -> memref<80xi32, #tpu.memory_space<vmem>>
        %dma_wait3A_167 = arith.constant 0 : i32
        %dma_wait3A_168 = arith.constant 0 : i32
        %dma_wait3A_169 = tpu.memref_slice %arg9[%dma_wait3A_167, %dma_wait3A_168] : memref<10112x128xf32, #tpu.memory_space<vmem_shared>> -> memref<10112x128xf32, #tpu.memory_space<vmem_shared>>
        tpu.wait_indirect_dma semaphore(%arg13 : memref<!tpu.dma_semaphore, #tpu.memory_space<semaphore_mem>>) src(%dma_wait3A_163 : memref<80x128xf32, #tpu.memory_space<vmem>>) dst(%dma_wait3A_169 : memref<10112x128xf32, #tpu.memory_space<vmem_shared>>)
        %add3A_170 = arith.constant 3 : i32
        %add3A_171 = arith.addi %mul3A_92, %add3A_170 : i32
        %add3A_172 = arith.constant 0 : i32
        %add3A_173 = arith.addi %add3A_171, %add3A_172 : i32
        %lt3A = arith.constant 50 : i32
        %lt3A_174 = arith.cmpi slt, %add3A_173, %lt3A : i32
        %convert_element_type3A = arith.extui %lt3A_174 : i1 to i32
        %cond3A = arith.constant 0 : i32
        %cond3A_175 = arith.cmpi ne, %convert_element_type3A, %cond3A : i32
        scf.if %cond3A_175 {
          %add3A_216 = arith.constant 3 : i32
          %add3A_217 = arith.addi %mul3A_92, %add3A_216 : i32
          %add3A_218 = arith.constant 0 : i32
          %add3A_219 = arith.addi %add3A_217, %add3A_218 : i32
          %dma_start3A_220 = arith.constant 0 : i32
          %dma_start3A_221 = arith.constant 0 : i32
          %dma_start3A_222 = tpu.memref_slice %arg8[%dma_start3A_220, %dma_start3A_221] : memref<240x128xf32, #tpu.memory_space<vmem>> -> memref<80x128xf32, #tpu.memory_space<vmem>>
          %dma_start3A_223 = arith.constant 0 : i32
          %dma_start3A_224 = tpu.memref_slice %arg6[%add3A_219, %dma_start3A_223] : memref<50x80xi32, #tpu.memory_space<vmem>> -> memref<1x80xi32, #tpu.memory_space<vmem>>
          %dma_start3A_225 = tpu.memref_squeeze %dma_start3A_224 : memref<1x80xi32, #tpu.memory_space<vmem>> -> memref<80xi32, #tpu.memory_space<vmem>>
          %dma_start3A_226 = arith.constant 0 : i32
          %dma_start3A_227 = arith.constant 0 : i32
          %dma_start3A_228 = tpu.memref_slice %arg2[%dma_start3A_226, %dma_start3A_227] : memref<20000x128xf32, #tpu.memory_space<hbm>> -> memref<20000x128xf32, #tpu.memory_space<hbm>>
          tpu.enqueue_indirect_dma source(%dma_start3A_228 : memref<20000x128xf32, #tpu.memory_space<hbm>>) target(%dma_start3A_222 : memref<80x128xf32, #tpu.memory_space<vmem>>) offsets(%dma_start3A_225 : memref<80xi32, #tpu.memory_space<vmem>>) semaphore(%arg10 : memref<!tpu.dma_semaphore, #tpu.memory_space<semaphore_mem>>)
        } else {
        }
        %add3A_176 = arith.constant 1 : i32
        %add3A_177 = arith.addi %mul3A_92, %add3A_176 : i32
        %dma_wait3A_178 = arith.constant 80 : i32
        %dma_wait3A_179 = arith.constant 0 : i32
        %dma_wait3A_180 = tpu.memref_slice %arg8[%dma_wait3A_178, %dma_wait3A_179] : memref<240x128xf32, #tpu.memory_space<vmem>> -> memref<80x128xf32, #tpu.memory_space<vmem>>
        %dma_wait3A_181 = arith.constant 0 : i32
        %dma_wait3A_182 = tpu.memref_slice %arg7[%add3A_177, %dma_wait3A_181] : memref<50x80xi32, #tpu.memory_space<vmem>> -> memref<1x80xi32, #tpu.memory_space<vmem>>
        %dma_wait3A_183 = tpu.memref_squeeze %dma_wait3A_182 : memref<1x80xi32, #tpu.memory_space<vmem>> -> memref<80xi32, #tpu.memory_space<vmem>>
        %dma_wait3A_184 = arith.constant 0 : i32
        %dma_wait3A_185 = arith.constant 0 : i32
        %dma_wait3A_186 = tpu.memref_slice %arg9[%dma_wait3A_184, %dma_wait3A_185] : memref<10112x128xf32, #tpu.memory_space<vmem_shared>> -> memref<10112x128xf32, #tpu.memory_space<vmem_shared>>
        tpu.wait_indirect_dma semaphore(%arg14 : memref<!tpu.dma_semaphore, #tpu.memory_space<semaphore_mem>>) src(%dma_wait3A_180 : memref<80x128xf32, #tpu.memory_space<vmem>>) dst(%dma_wait3A_186 : memref<10112x128xf32, #tpu.memory_space<vmem_shared>>)
        %add3A_187 = arith.constant 3 : i32
        %add3A_188 = arith.addi %mul3A_92, %add3A_187 : i32
        %add3A_189 = arith.constant 1 : i32
        %add3A_190 = arith.addi %add3A_188, %add3A_189 : i32
        %lt3A_191 = arith.constant 50 : i32
        %lt3A_192 = arith.cmpi slt, %add3A_190, %lt3A_191 : i32
        %convert_element_type3A_193 = arith.extui %lt3A_192 : i1 to i32
        %cond3A_194 = arith.constant 0 : i32
        %cond3A_195 = arith.cmpi ne, %convert_element_type3A_193, %cond3A_194 : i32
        scf.if %cond3A_195 {
          %add3A_216 = arith.constant 3 : i32
          %add3A_217 = arith.addi %mul3A_92, %add3A_216 : i32
          %add3A_218 = arith.constant 1 : i32
          %add3A_219 = arith.addi %add3A_217, %add3A_218 : i32
          %dma_start3A_220 = arith.constant 80 : i32
          %dma_start3A_221 = arith.constant 0 : i32
          %dma_start3A_222 = tpu.memref_slice %arg8[%dma_start3A_220, %dma_start3A_221] : memref<240x128xf32, #tpu.memory_space<vmem>> -> memref<80x128xf32, #tpu.memory_space<vmem>>
          %dma_start3A_223 = arith.constant 0 : i32
          %dma_start3A_224 = tpu.memref_slice %arg6[%add3A_219, %dma_start3A_223] : memref<50x80xi32, #tpu.memory_space<vmem>> -> memref<1x80xi32, #tpu.memory_space<vmem>>
          %dma_start3A_225 = tpu.memref_squeeze %dma_start3A_224 : memref<1x80xi32, #tpu.memory_space<vmem>> -> memref<80xi32, #tpu.memory_space<vmem>>
          %dma_start3A_226 = arith.constant 0 : i32
          %dma_start3A_227 = arith.constant 0 : i32
          %dma_start3A_228 = tpu.memref_slice %arg2[%dma_start3A_226, %dma_start3A_227] : memref<20000x128xf32, #tpu.memory_space<hbm>> -> memref<20000x128xf32, #tpu.memory_space<hbm>>
          tpu.enqueue_indirect_dma source(%dma_start3A_228 : memref<20000x128xf32, #tpu.memory_space<hbm>>) target(%dma_start3A_222 : memref<80x128xf32, #tpu.memory_space<vmem>>) offsets(%dma_start3A_225 : memref<80xi32, #tpu.memory_space<vmem>>) semaphore(%arg11 : memref<!tpu.dma_semaphore, #tpu.memory_space<semaphore_mem>>)
        } else {
        }
        %add3A_196 = arith.constant 2 : i32
        %add3A_197 = arith.addi %mul3A_92, %add3A_196 : i32
        %dma_wait3A_198 = arith.constant 160 : i32
        %dma_wait3A_199 = arith.constant 0 : i32
        %dma_wait3A_200 = tpu.memref_slice %arg8[%dma_wait3A_198, %dma_wait3A_199] : memref<240x128xf32, #tpu.memory_space<vmem>> -> memref<80x128xf32, #tpu.memory_space<vmem>>
        %dma_wait3A_201 = arith.constant 0 : i32
        %dma_wait3A_202 = tpu.memref_slice %arg7[%add3A_197, %dma_wait3A_201] : memref<50x80xi32, #tpu.memory_space<vmem>> -> memref<1x80xi32, #tpu.memory_space<vmem>>
        %dma_wait3A_203 = tpu.memref_squeeze %dma_wait3A_202 : memref<1x80xi32, #tpu.memory_space<vmem>> -> memref<80xi32, #tpu.memory_space<vmem>>
        %dma_wait3A_204 = arith.constant 0 : i32
        %dma_wait3A_205 = arith.constant 0 : i32
        %dma_wait3A_206 = tpu.memref_slice %arg9[%dma_wait3A_204, %dma_wait3A_205] : memref<10112x128xf32, #tpu.memory_space<vmem_shared>> -> memref<10112x128xf32, #tpu.memory_space<vmem_shared>>
        tpu.wait_indirect_dma semaphore(%arg15 : memref<!tpu.dma_semaphore, #tpu.memory_space<semaphore_mem>>) src(%dma_wait3A_200 : memref<80x128xf32, #tpu.memory_space<vmem>>) dst(%dma_wait3A_206 : memref<10112x128xf32, #tpu.memory_space<vmem_shared>>)
        %add3A_207 = arith.constant 3 : i32
        %add3A_208 = arith.addi %mul3A_92, %add3A_207 : i32
        %add3A_209 = arith.constant 2 : i32
        %add3A_210 = arith.addi %add3A_208, %add3A_209 : i32
        %lt3A_211 = arith.constant 50 : i32
        %lt3A_212 = arith.cmpi slt, %add3A_210, %lt3A_211 : i32
        %convert_element_type3A_213 = arith.extui %lt3A_212 : i1 to i32
        %cond3A_214 = arith.constant 0 : i32
        %cond3A_215 = arith.cmpi ne, %convert_element_type3A_213, %cond3A_214 : i32
        scf.if %cond3A_215 {
          %add3A_216 = arith.constant 3 : i32
          %add3A_217 = arith.addi %mul3A_92, %add3A_216 : i32
          %add3A_218 = arith.constant 2 : i32
          %add3A_219 = arith.addi %add3A_217, %add3A_218 : i32
          %dma_start3A_220 = arith.constant 160 : i32
          %dma_start3A_221 = arith.constant 0 : i32
          %dma_start3A_222 = tpu.memref_slice %arg8[%dma_start3A_220, %dma_start3A_221] : memref<240x128xf32, #tpu.memory_space<vmem>> -> memref<80x128xf32, #tpu.memory_space<vmem>>
          %dma_start3A_223 = arith.constant 0 : i32
          %dma_start3A_224 = tpu.memref_slice %arg6[%add3A_219, %dma_start3A_223] : memref<50x80xi32, #tpu.memory_space<vmem>> -> memref<1x80xi32, #tpu.memory_space<vmem>>
          %dma_start3A_225 = tpu.memref_squeeze %dma_start3A_224 : memref<1x80xi32, #tpu.memory_space<vmem>> -> memref<80xi32, #tpu.memory_space<vmem>>
          %dma_start3A_226 = arith.constant 0 : i32
          %dma_start3A_227 = arith.constant 0 : i32
          %dma_start3A_228 = tpu.memref_slice %arg2[%dma_start3A_226, %dma_start3A_227] : memref<20000x128xf32, #tpu.memory_space<hbm>> -> memref<20000x128xf32, #tpu.memory_space<hbm>>
          tpu.enqueue_indirect_dma source(%dma_start3A_228 : memref<20000x128xf32, #tpu.memory_space<hbm>>) target(%dma_start3A_222 : memref<80x128xf32, #tpu.memory_space<vmem>>) offsets(%dma_start3A_225 : memref<80xi32, #tpu.memory_space<vmem>>) semaphore(%arg12 : memref<!tpu.dma_semaphore, #tpu.memory_space<semaphore_mem>>)
        } else {
        }
      }
      %scan3A_69 = arith.constant 16 : i32
      %dma_wait3A = arith.constant 48 : i32
      %dma_wait3A_70 = arith.constant 0 : i32
      %dma_wait3A_71 = arith.constant 0 : i32
      %dma_wait3A_72 = tpu.memref_slice %arg8[%dma_wait3A_70, %dma_wait3A_71] : memref<240x128xf32, #tpu.memory_space<vmem>> -> memref<80x128xf32, #tpu.memory_space<vmem>>
      %dma_wait3A_73 = arith.constant 0 : i32
      %dma_wait3A_74 = tpu.memref_slice %arg6[%dma_wait3A, %dma_wait3A_73] : memref<50x80xi32, #tpu.memory_space<vmem>> -> memref<1x80xi32, #tpu.memory_space<vmem>>
      %dma_wait3A_75 = tpu.memref_squeeze %dma_wait3A_74 : memref<1x80xi32, #tpu.memory_space<vmem>> -> memref<80xi32, #tpu.memory_space<vmem>>
      %dma_wait3A_76 = arith.constant 0 : i32
      %dma_wait3A_77 = arith.constant 0 : i32
      %dma_wait3A_78 = tpu.memref_slice %arg2[%dma_wait3A_76, %dma_wait3A_77] : memref<20000x128xf32, #tpu.memory_space<hbm>> -> memref<20000x128xf32, #tpu.memory_space<hbm>>
      tpu.wait_indirect_dma semaphore(%arg10 : memref<!tpu.dma_semaphore, #tpu.memory_space<semaphore_mem>>) src(%dma_wait3A_78 : memref<20000x128xf32, #tpu.memory_space<hbm>>) dst(%dma_wait3A_72 : memref<80x128xf32, #tpu.memory_space<vmem>>)
      %run_scoped3A = arith.constant 48 : i32
      "tpu.region"() ({
        %run_scoped3A_90 = tpu.sem_alloc : memref<!tpu.dma_semaphore, #tpu.memory_space<semaphore_mem>>
        %dma_start3A_91 = arith.constant 0 : i32
        %dma_start3A_92 = arith.constant 0 : i32
        %dma_start3A_93 = tpu.memref_slice %arg8[%dma_start3A_91, %dma_start3A_92] : memref<240x128xf32, #tpu.memory_space<vmem>> -> memref<80x128xf32, #tpu.memory_space<vmem>>
        %dma_start3A_94 = arith.constant 0 : i32
        %dma_start3A_95 = tpu.memref_slice %arg7[%run_scoped3A, %dma_start3A_94] : memref<50x80xi32, #tpu.memory_space<vmem>> -> memref<1x80xi32, #tpu.memory_space<vmem>>
        %dma_start3A_96 = tpu.memref_squeeze %dma_start3A_95 : memref<1x80xi32, #tpu.memory_space<vmem>> -> memref<80xi32, #tpu.memory_space<vmem>>
        %dma_start3A_97 = arith.constant 0 : i32
        %dma_start3A_98 = arith.constant 0 : i32
        %dma_start3A_99 = tpu.memref_slice %arg9[%dma_start3A_97, %dma_start3A_98] : memref<10112x128xf32, #tpu.memory_space<vmem_shared>> -> memref<10112x128xf32, #tpu.memory_space<vmem_shared>>
        tpu.enqueue_indirect_dma source(%dma_start3A_93 : memref<80x128xf32, #tpu.memory_space<vmem>>) target(%dma_start3A_99 : memref<10112x128xf32, #tpu.memory_space<vmem_shared>>) offsets(%dma_start3A_96 : memref<80xi32, #tpu.memory_space<vmem>>) semaphore(%run_scoped3A_90 : memref<!tpu.dma_semaphore, #tpu.memory_space<semaphore_mem>>) {add = true}
        %dma_wait3A_100 = arith.constant 0 : i32
        %dma_wait3A_101 = arith.constant 0 : i32
        %dma_wait3A_102 = tpu.memref_slice %arg8[%dma_wait3A_100, %dma_wait3A_101] : memref<240x128xf32, #tpu.memory_space<vmem>> -> memref<80x128xf32, #tpu.memory_space<vmem>>
        %dma_wait3A_103 = arith.constant 0 : i32
        %dma_wait3A_104 = tpu.memref_slice %arg7[%run_scoped3A, %dma_wait3A_103] : memref<50x80xi32, #tpu.memory_space<vmem>> -> memref<1x80xi32, #tpu.memory_space<vmem>>
        %dma_wait3A_105 = tpu.memref_squeeze %dma_wait3A_104 : memref<1x80xi32, #tpu.memory_space<vmem>> -> memref<80xi32, #tpu.memory_space<vmem>>
        %dma_wait3A_106 = arith.constant 0 : i32
        %dma_wait3A_107 = arith.constant 0 : i32
        %dma_wait3A_108 = tpu.memref_slice %arg9[%dma_wait3A_106, %dma_wait3A_107] : memref<10112x128xf32, #tpu.memory_space<vmem_shared>> -> memref<10112x128xf32, #tpu.memory_space<vmem_shared>>
        tpu.wait_indirect_dma semaphore(%run_scoped3A_90 : memref<!tpu.dma_semaphore, #tpu.memory_space<semaphore_mem>>) src(%dma_wait3A_102 : memref<80x128xf32, #tpu.memory_space<vmem>>) dst(%dma_wait3A_108 : memref<10112x128xf32, #tpu.memory_space<vmem_shared>>)
        tpu.yield
      }) : () -> ()
      %dma_wait3A_79 = arith.constant 49 : i32
      %dma_wait3A_80 = arith.constant 80 : i32
      %dma_wait3A_81 = arith.constant 0 : i32
      %dma_wait3A_82 = tpu.memref_slice %arg8[%dma_wait3A_80, %dma_wait3A_81] : memref<240x128xf32, #tpu.memory_space<vmem>> -> memref<80x128xf32, #tpu.memory_space<vmem>>
      %dma_wait3A_83 = arith.constant 0 : i32
      %dma_wait3A_84 = tpu.memref_slice %arg6[%dma_wait3A_79, %dma_wait3A_83] : memref<50x80xi32, #tpu.memory_space<vmem>> -> memref<1x80xi32, #tpu.memory_space<vmem>>
      %dma_wait3A_85 = tpu.memref_squeeze %dma_wait3A_84 : memref<1x80xi32, #tpu.memory_space<vmem>> -> memref<80xi32, #tpu.memory_space<vmem>>
      %dma_wait3A_86 = arith.constant 0 : i32
      %dma_wait3A_87 = arith.constant 0 : i32
      %dma_wait3A_88 = tpu.memref_slice %arg2[%dma_wait3A_86, %dma_wait3A_87] : memref<20000x128xf32, #tpu.memory_space<hbm>> -> memref<20000x128xf32, #tpu.memory_space<hbm>>
      tpu.wait_indirect_dma semaphore(%arg11 : memref<!tpu.dma_semaphore, #tpu.memory_space<semaphore_mem>>) src(%dma_wait3A_88 : memref<20000x128xf32, #tpu.memory_space<hbm>>) dst(%dma_wait3A_82 : memref<80x128xf32, #tpu.memory_space<vmem>>)
      %run_scoped3A_89 = arith.constant 49 : i32
      "tpu.region"() ({
        %run_scoped3A_90 = tpu.sem_alloc : memref<!tpu.dma_semaphore, #tpu.memory_space<semaphore_mem>>
        %dma_start3A_91 = arith.constant 80 : i32
        %dma_start3A_92 = arith.constant 0 : i32
        %dma_start3A_93 = tpu.memref_slice %arg8[%dma_start3A_91, %dma_start3A_92] : memref<240x128xf32, #tpu.memory_space<vmem>> -> memref<80x128xf32, #tpu.memory_space<vmem>>
        %dma_start3A_94 = arith.constant 0 : i32
        %dma_start3A_95 = tpu.memref_slice %arg7[%run_scoped3A_89, %dma_start3A_94] : memref<50x80xi32, #tpu.memory_space<vmem>> -> memref<1x80xi32, #tpu.memory_space<vmem>>
        %dma_start3A_96 = tpu.memref_squeeze %dma_start3A_95 : memref<1x80xi32, #tpu.memory_space<vmem>> -> memref<80xi32, #tpu.memory_space<vmem>>
        %dma_start3A_97 = arith.constant 0 : i32
        %dma_start3A_98 = arith.constant 0 : i32
        %dma_start3A_99 = tpu.memref_slice %arg9[%dma_start3A_97, %dma_start3A_98] : memref<10112x128xf32, #tpu.memory_space<vmem_shared>> -> memref<10112x128xf32, #tpu.memory_space<vmem_shared>>
        tpu.enqueue_indirect_dma source(%dma_start3A_93 : memref<80x128xf32, #tpu.memory_space<vmem>>) target(%dma_start3A_99 : memref<10112x128xf32, #tpu.memory_space<vmem_shared>>) offsets(%dma_start3A_96 : memref<80xi32, #tpu.memory_space<vmem>>) semaphore(%run_scoped3A_90 : memref<!tpu.dma_semaphore, #tpu.memory_space<semaphore_mem>>) {add = true}
        %dma_wait3A_100 = arith.constant 80 : i32
        %dma_wait3A_101 = arith.constant 0 : i32
        %dma_wait3A_102 = tpu.memref_slice %arg8[%dma_wait3A_100, %dma_wait3A_101] : memref<240x128xf32, #tpu.memory_space<vmem>> -> memref<80x128xf32, #tpu.memory_space<vmem>>
        %dma_wait3A_103 = arith.constant 0 : i32
        %dma_wait3A_104 = tpu.memref_slice %arg7[%run_scoped3A_89, %dma_wait3A_103] : memref<50x80xi32, #tpu.memory_space<vmem>> -> memref<1x80xi32, #tpu.memory_space<vmem>>
        %dma_wait3A_105 = tpu.memref_squeeze %dma_wait3A_104 : memref<1x80xi32, #tpu.memory_space<vmem>> -> memref<80xi32, #tpu.memory_space<vmem>>
        %dma_wait3A_106 = arith.constant 0 : i32
        %dma_wait3A_107 = arith.constant 0 : i32
        %dma_wait3A_108 = tpu.memref_slice %arg9[%dma_wait3A_106, %dma_wait3A_107] : memref<10112x128xf32, #tpu.memory_space<vmem_shared>> -> memref<10112x128xf32, #tpu.memory_space<vmem_shared>>
        tpu.wait_indirect_dma semaphore(%run_scoped3A_90 : memref<!tpu.dma_semaphore, #tpu.memory_space<semaphore_mem>>) src(%dma_wait3A_102 : memref<80x128xf32, #tpu.memory_space<vmem>>) dst(%dma_wait3A_108 : memref<10112x128xf32, #tpu.memory_space<vmem_shared>>)
        tpu.yield
      }) : () -> ()
    }
    %scan3A_23 = arith.constant 5 : i32
    %barrier3A_24 = arith.constant 0 : index
    tpu.barrier barrier_id(%barrier3A_24)
    %mul3A_25 = arith.constant 632 : i32
    %mul3A_26 = arith.muli %arg1, %mul3A_25 : i32
    %multiple_of3A_27 = tpu.assume_multiple %mul3A_26, 8 : i32
    %mul3A_28 = arith.constant 10112 : i32
    %mul3A_29 = arith.muli %arg0, %mul3A_28 : i32
    %mul3A_30 = arith.constant 632 : i32
    %mul3A_31 = arith.muli %arg1, %mul3A_30 : i32
    %add3A_32 = arith.addi %mul3A_29, %mul3A_31 : i32
    %multiple_of3A_33 = tpu.assume_multiple %add3A_32, 8 : i32
    "tpu.region"() ({
      %run_scoped3A = tpu.sem_alloc : memref<!tpu.dma_semaphore, #tpu.memory_space<semaphore_mem>>
      %dma_start3A = arith.constant 0 : i32
      %dma_start3A_34 = tpu.memref_slice %arg5[%multiple_of3A_33, %dma_start3A] : memref<20224x128xf32, #tpu.memory_space<hbm>> -> memref<632x128xf32, #tpu.memory_space<hbm>>
      %dma_start3A_35 = arith.constant 0 : i32
      %dma_start3A_36 = tpu.memref_slice %arg9[%multiple_of3A_27, %dma_start3A_35] : memref<10112x128xf32, #tpu.memory_space<vmem_shared>> -> memref<632x128xf32, #tpu.memory_space<vmem_shared>>
      tpu.enqueue_dma source(%dma_start3A_36 : memref<632x128xf32, #tpu.memory_space<vmem_shared>>) target(%dma_start3A_34 : memref<632x128xf32, #tpu.memory_space<hbm>>) target_semaphore(%run_scoped3A : memref<!tpu.dma_semaphore, #tpu.memory_space<semaphore_mem>>)
      %dma_wait3A = arith.constant 0 : i32
      %dma_wait3A_37 = tpu.memref_slice %arg5[%multiple_of3A_33, %dma_wait3A] : memref<20224x128xf32, #tpu.memory_space<hbm>> -> memref<632x128xf32, #tpu.memory_space<hbm>>
      %dma_wait3A_38 = arith.constant 0 : i32
      %dma_wait3A_39 = tpu.memref_slice %arg9[%multiple_of3A_27, %dma_wait3A_38] : memref<10112x128xf32, #tpu.memory_space<vmem_shared>> -> memref<632x128xf32, #tpu.memory_space<vmem_shared>>
      tpu.wait_dma2 semaphore(%run_scoped3A : memref<!tpu.dma_semaphore, #tpu.memory_space<semaphore_mem>>) src(%dma_wait3A_39 : memref<632x128xf32, #tpu.memory_space<vmem_shared>>) dst(%dma_wait3A_37 : memref<632x128xf32, #tpu.memory_space<hbm>>)
      tpu.yield
    }) : () -> ()
    return
  }
}

#map = affine_map<(d0, d1) -> (0, 0)>
#map1 = affine_map<(d0, d1) -> (0, 0, 0, 0, 0)>
#map2 = affine_map<(d0, d1) -> (0, 0, 0, 0)>
module attributes {stable_mosaic.version = 14 : i64} {
  func.func @_sc_body(%arg0: i32, %arg1: i32, %arg2: memref<20000x128xf32, #tpu.memory_space<hbm>>, %arg3: memref<2x16x5x50x80xi32, #tpu.memory_space<hbm>>, %arg4: memref<16x5x50x80xi32, #tpu.memory_space<hbm>>, %arg5: memref<20224x128xf32, #tpu.memory_space<hbm>>, %arg6: memref<50x80xi32, #tpu.memory_space<vmem>>, %arg7: memref<50x80xi32, #tpu.memory_space<vmem>>, %arg8: memref<240x128xf32, #tpu.memory_space<vmem>>, %arg9: memref<10112x128xf32, #tpu.memory_space<vmem_shared>>, %arg10: memref<!tpu.dma_semaphore, #tpu.memory_space<semaphore_mem>>, %arg11: memref<!tpu.dma_semaphore, #tpu.memory_space<semaphore_mem>>, %arg12: memref<!tpu.dma_semaphore, #tpu.memory_space<semaphore_mem>>, %arg13: memref<!tpu.dma_semaphore, #tpu.memory_space<semaphore_mem>>, %arg14: memref<!tpu.dma_semaphore, #tpu.memory_space<semaphore_mem>>, %arg15: memref<!tpu.dma_semaphore, #tpu.memory_space<semaphore_mem>>) attributes {dimension_semantics = [#tpu.dimension_semantics<core_parallel>, #tpu.dimension_semantics<subcore_parallel>], iteration_bounds = array<i64: 2, 16>, scalar_prefetch = 0 : i64, scratch_operands = 10 : i64, tpu.core_type = #tpu.core_type<sc_vector_subcore>, window_params = [{transform_indices = #map}, {transform_indices = #map1}, {transform_indices = #map2}, {transform_indices = #map}]} {
    %broadcast_in_dim3A = arith.constant 0.000000e+00 : f32
    %broadcast_in_dim3A_0 = vector.broadcast %broadcast_in_dim3A : f32 to vector<16xf32>
    %scan3A = arith.constant 0 : i32
    %scan3A_1 = arith.constant 0 : i32
    %scan3A_2 = arith.constant 240 : i32
    %scan3A_3 = arith.addi %scan3A_1, %scan3A_2 : i32
    %scan3A_4 = arith.constant 1 : i32
    scf.for %scan3A_34 = %scan3A_1 to %scan3A_3 step %scan3A_4  : i32 {
      %swap3A = arith.index_cast %scan3A_34 : i32 to index
      %swap3A_35 = arith.constant 0 : index
      %swap3A_36 = tpu.vector_load %arg8[%swap3A, %swap3A_35] {strides = array<i32>} : memref<240x128xf32, #tpu.memory_space<vmem>>, vector<1x16xf32>,
      %swap3A_37 = vector.shape_cast %swap3A_36 : vector<1x16xf32> to vector<16xf32>
      %swap3A_38 = vector.shape_cast %broadcast_in_dim3A_0 : vector<16xf32> to vector<1x16xf32>
      tpu.vector_store %arg8[%swap3A, %swap3A_35], %swap3A_38 {strides = array<i32>} : memref<240x128xf32, #tpu.memory_space<vmem>>, vector<1x16xf32>,
      %swap3A_39 = arith.index_cast %scan3A_34 : i32 to index
      %swap3A_40 = arith.constant 16 : index
      %swap3A_41 = tpu.vector_load %arg8[%swap3A_39, %swap3A_40] {strides = array<i32>} : memref<240x128xf32, #tpu.memory_space<vmem>>, vector<1x16xf32>,
      %swap3A_42 = vector.shape_cast %swap3A_41 : vector<1x16xf32> to vector<16xf32>
      %swap3A_43 = vector.shape_cast %broadcast_in_dim3A_0 : vector<16xf32> to vector<1x16xf32>
      tpu.vector_store %arg8[%swap3A_39, %swap3A_40], %swap3A_43 {strides = array<i32>} : memref<240x128xf32, #tpu.memory_space<vmem>>, vector<1x16xf32>,
      %swap3A_44 = arith.index_cast %scan3A_34 : i32 to index
      %swap3A_45 = arith.constant 32 : index
      %swap3A_46 = tpu.vector_load %arg8[%swap3A_44, %swap3A_45] {strides = array<i32>} : memref<240x128xf32, #tpu.memory_space<vmem>>, vector<1x16xf32>,
      %swap3A_47 = vector.shape_cast %swap3A_46 : vector<1x16xf32> to vector<16xf32>
      %swap3A_48 = vector.shape_cast %broadcast_in_dim3A_0 : vector<16xf32> to vector<1x16xf32>
      tpu.vector_store %arg8[%swap3A_44, %swap3A_45], %swap3A_48 {strides = array<i32>} : memref<240x128xf32, #tpu.memory_space<vmem>>, vector<1x16xf32>,
      %swap3A_49 = arith.index_cast %scan3A_34 : i32 to index
      %swap3A_50 = arith.constant 48 : index
      %swap3A_51 = tpu.vector_load %arg8[%swap3A_49, %swap3A_50] {strides = array<i32>} : memref<240x128xf32, #tpu.memory_space<vmem>>, vector<1x16xf32>,
      %swap3A_52 = vector.shape_cast %swap3A_51 : vector<1x16xf32> to vector<16xf32>
      %swap3A_53 = vector.shape_cast %broadcast_in_dim3A_0 : vector<16xf32> to vector<1x16xf32>
      tpu.vector_store %arg8[%swap3A_49, %swap3A_50], %swap3A_53 {strides = array<i32>} : memref<240x128xf32, #tpu.memory_space<vmem>>, vector<1x16xf32>,
      %swap3A_54 = arith.index_cast %scan3A_34 : i32 to index
      %swap3A_55 = arith.constant 64 : index
      %swap3A_56 = tpu.vector_load %arg8[%swap3A_54, %swap3A_55] {strides = array<i32>} : memref<240x128xf32, #tpu.memory_space<vmem>>, vector<1x16xf32>,
      %swap3A_57 = vector.shape_cast %swap3A_56 : vector<1x16xf32> to vector<16xf32>
      %swap3A_58 = vector.shape_cast %broadcast_in_dim3A_0 : vector<16xf32> to vector<1x16xf32>
      tpu.vector_store %arg8[%swap3A_54, %swap3A_55], %swap3A_58 {strides = array<i32>} : memref<240x128xf32, #tpu.memory_space<vmem>>, vector<1x16xf32>,
      %swap3A_59 = arith.index_cast %scan3A_34 : i32 to index
      %swap3A_60 = arith.constant 80 : index
      %swap3A_61 = tpu.vector_load %arg8[%swap3A_59, %swap3A_60] {strides = array<i32>} : memref<240x128xf32, #tpu.memory_space<vmem>>, vector<1x16xf32>,
      %swap3A_62 = vector.shape_cast %swap3A_61 : vector<1x16xf32> to vector<16xf32>
      %swap3A_63 = vector.shape_cast %broadcast_in_dim3A_0 : vector<16xf32> to vector<1x16xf32>
      tpu.vector_store %arg8[%swap3A_59, %swap3A_60], %swap3A_63 {strides = array<i32>} : memref<240x128xf32, #tpu.memory_space<vmem>>, vector<1x16xf32>,
      %swap3A_64 = arith.index_cast %scan3A_34 : i32 to index
      %swap3A_65 = arith.constant 96 : index
      %swap3A_66 = tpu.vector_load %arg8[%swap3A_64, %swap3A_65] {strides = array<i32>} : memref<240x128xf32, #tpu.memory_space<vmem>>, vector<1x16xf32>,
      %swap3A_67 = vector.shape_cast %swap3A_66 : vector<1x16xf32> to vector<16xf32>
      %swap3A_68 = vector.shape_cast %broadcast_in_dim3A_0 : vector<16xf32> to vector<1x16xf32>
      tpu.vector_store %arg8[%swap3A_64, %swap3A_65], %swap3A_68 {strides = array<i32>} : memref<240x128xf32, #tpu.memory_space<vmem>>, vector<1x16xf32>,
      %swap3A_69 = arith.index_cast %scan3A_34 : i32 to index
      %swap3A_70 = arith.constant 112 : index
      %swap3A_71 = tpu.vector_load %arg8[%swap3A_69, %swap3A_70] {strides = array<i32>} : memref<240x128xf32, #tpu.memory_space<vmem>>, vector<1x16xf32>,
      %swap3A_72 = vector.shape_cast %swap3A_71 : vector<1x16xf32> to vector<16xf32>
      %swap3A_73 = vector.shape_cast %broadcast_in_dim3A_0 : vector<16xf32> to vector<1x16xf32>
      tpu.vector_store %arg8[%swap3A_69, %swap3A_70], %swap3A_73 {strides = array<i32>} : memref<240x128xf32, #tpu.memory_space<vmem>>, vector<1x16xf32>,
    }
    %scan3A_5 = arith.constant 240 : i32
    %mul3A = arith.constant 632 : i32
    %mul3A_6 = arith.muli %arg1, %mul3A : i32
    %add3A = arith.constant 0 : i32
    %add3A_7 = arith.addi %mul3A_6, %add3A : i32
    %multiple_of3A = tpu.assume_multiple %add3A_7, 8 : i32
    "tpu.region"() ({
      %run_scoped3A = tpu.sem_alloc : memref<!tpu.dma_semaphore, #tpu.memory_space<semaphore_mem>>
      %dma_start3A = arith.constant 0 : i32
      %dma_start3A_34 = tpu.memref_slice %arg9[%multiple_of3A, %dma_start3A] : memref<10112x128xf32, #tpu.memory_space<vmem_shared>> -> memref<240x128xf32, #tpu.memory_space<vmem_shared>>
      %dma_start3A_35 = arith.constant 0 : i32
      %dma_start3A_36 = tpu.memref_slice %arg9[%multiple_of3A, %dma_start3A_35] : memref<10112x128xf32, #tpu.memory_space<vmem_shared>> -> memref<240x128xf32, #tpu.memory_space<vmem_shared>>
      tpu.enqueue_dma source(%arg8 : memref<240x128xf32, #tpu.memory_space<vmem>>) target(%dma_start3A_36 : memref<240x128xf32, #tpu.memory_space<vmem_shared>>) target_semaphore(%run_scoped3A : memref<!tpu.dma_semaphore, #tpu.memory_space<semaphore_mem>>)
      %dma_wait3A = arith.constant 0 : i32
      %dma_wait3A_37 = tpu.memref_slice %arg9[%multiple_of3A, %dma_wait3A] : memref<10112x128xf32, #tpu.memory_space<vmem_shared>> -> memref<240x128xf32, #tpu.memory_space<vmem_shared>>
      %dma_wait3A_38 = arith.constant 0 : i32
      %dma_wait3A_39 = tpu.memref_slice %arg9[%multiple_of3A, %dma_wait3A_38] : memref<10112x128xf32, #tpu.memory_space<vmem_shared>> -> memref<240x128xf32, #tpu.memory_space<vmem_shared>>
      tpu.wait_dma2 semaphore(%run_scoped3A : memref<!tpu.dma_semaphore, #tpu.memory_space<semaphore_mem>>) src(%arg8 : memref<240x128xf32, #tpu.memory_space<vmem>>) dst(%dma_wait3A_39 : memref<240x128xf32, #tpu.memory_space<vmem_shared>>)
      tpu.yield
    }) : () -> ()
    %mul3A_8 = arith.constant 632 : i32
    %mul3A_9 = arith.muli %arg1, %mul3A_8 : i32
    %add3A_10 = arith.constant 240 : i32
    %add3A_11 = arith.addi %mul3A_9, %add3A_10 : i32
    %multiple_of3A_12 = tpu.assume_multiple %add3A_11, 8 : i32
    "tpu.region"() ({
      %run_scoped3A = tpu.sem_alloc : memref<!tpu.dma_semaphore, #tpu.memory_space<semaphore_mem>>
      %dma_start3A = arith.constant 0 : i32
      %dma_start3A_34 = tpu.memref_slice %arg9[%multiple_of3A_12, %dma_start3A] : memref<10112x128xf32, #tpu.memory_space<vmem_shared>> -> memref<240x128xf32, #tpu.memory_space<vmem_shared>>
      %dma_start3A_35 = arith.constant 0 : i32
      %dma_start3A_36 = tpu.memref_slice %arg9[%multiple_of3A_12, %dma_start3A_35] : memref<10112x128xf32, #tpu.memory_space<vmem_shared>> -> memref<240x128xf32, #tpu.memory_space<vmem_shared>>
      tpu.enqueue_dma source(%arg8 : memref<240x128xf32, #tpu.memory_space<vmem>>) target(%dma_start3A_36 : memref<240x128xf32, #tpu.memory_space<vmem_shared>>) target_semaphore(%run_scoped3A : memref<!tpu.dma_semaphore, #tpu.memory_space<semaphore_mem>>)
      %dma_wait3A = arith.constant 0 : i32
      %dma_wait3A_37 = tpu.memref_slice %arg9[%multiple_of3A_12, %dma_wait3A] : memref<10112x128xf32, #tpu.memory_space<vmem_shared>> -> memref<240x128xf32, #tpu.memory_space<vmem_shared>>
      %dma_wait3A_38 = arith.constant 0 : i32
      %dma_wait3A_39 = tpu.memref_slice %arg9[%multiple_of3A_12, %dma_wait3A_38] : memref<10112x128xf32, #tpu.memory_space<vmem_shared>> -> memref<240x128xf32, #tpu.memory_space<vmem_shared>>
      tpu.wait_dma2 semaphore(%run_scoped3A : memref<!tpu.dma_semaphore, #tpu.memory_space<semaphore_mem>>) src(%arg8 : memref<240x128xf32, #tpu.memory_space<vmem>>) dst(%dma_wait3A_39 : memref<240x128xf32, #tpu.memory_space<vmem_shared>>)
      tpu.yield
    }) : () -> ()
    %mul3A_13 = arith.constant 632 : i32
    %mul3A_14 = arith.muli %arg1, %mul3A_13 : i32
    %add3A_15 = arith.constant 480 : i32
    %add3A_16 = arith.addi %mul3A_14, %add3A_15 : i32
    %multiple_of3A_17 = tpu.assume_multiple %add3A_16, 8 : i32
    "tpu.region"() ({
      %run_scoped3A = tpu.sem_alloc : memref<!tpu.dma_semaphore, #tpu.memory_space<semaphore_mem>>
      %dma_start3A = arith.constant 0 : i32
      %dma_start3A_34 = arith.constant 0 : i32
      %dma_start3A_35 = tpu.memref_slice %arg8[%dma_start3A, %dma_start3A_34] : memref<240x128xf32, #tpu.memory_space<vmem>> -> memref<152x128xf32, #tpu.memory_space<vmem>>
      %dma_start3A_36 = arith.constant 0 : i32
      %dma_start3A_37 = tpu.memref_slice %arg9[%multiple_of3A_17, %dma_start3A_36] : memref<10112x128xf32, #tpu.memory_space<vmem_shared>> -> memref<152x128xf32, #tpu.memory_space<vmem_shared>>
      %dma_start3A_38 = arith.constant 0 : i32
      %dma_start3A_39 = tpu.memref_slice %arg9[%multiple_of3A_17, %dma_start3A_38] : memref<10112x128xf32, #tpu.memory_space<vmem_shared>> -> memref<152x128xf32, #tpu.memory_space<vmem_shared>>
      %dma_start3A_40 = arith.constant 0 : i32
      %dma_start3A_41 = arith.constant 0 : i32
      %dma_start3A_42 = tpu.memref_slice %arg8[%dma_start3A_40, %dma_start3A_41] : memref<240x128xf32, #tpu.memory_space<vmem>> -> memref<152x128xf32, #tpu.memory_space<vmem>>
      tpu.enqueue_dma source(%dma_start3A_42 : memref<152x128xf32, #tpu.memory_space<vmem>>) target(%dma_start3A_39 : memref<152x128xf32, #tpu.memory_space<vmem_shared>>) target_semaphore(%run_scoped3A : memref<!tpu.dma_semaphore, #tpu.memory_space<semaphore_mem>>)
      %dma_wait3A = arith.constant 0 : i32
      %dma_wait3A_43 = arith.constant 0 : i32
      %dma_wait3A_44 = tpu.memref_slice %arg8[%dma_wait3A, %dma_wait3A_43] : memref<240x128xf32, #tpu.memory_space<vmem>> -> memref<152x128xf32, #tpu.memory_space<vmem>>
      %dma_wait3A_45 = arith.constant 0 : i32
      %dma_wait3A_46 = tpu.memref_slice %arg9[%multiple_of3A_17, %dma_wait3A_45] : memref<10112x128xf32, #tpu.memory_space<vmem_shared>> -> memref<152x128xf32, #tpu.memory_space<vmem_shared>>
      %dma_wait3A_47 = arith.constant 0 : i32
      %dma_wait3A_48 = tpu.memref_slice %arg9[%multiple_of3A_17, %dma_wait3A_47] : memref<10112x128xf32, #tpu.memory_space<vmem_shared>> -> memref<152x128xf32, #tpu.memory_space<vmem_shared>>
      %dma_wait3A_49 = arith.constant 0 : i32
      %dma_wait3A_50 = arith.constant 0 : i32
      %dma_wait3A_51 = tpu.memref_slice %arg8[%dma_wait3A_49, %dma_wait3A_50] : memref<240x128xf32, #tpu.memory_space<vmem>> -> memref<152x128xf32, #tpu.memory_space<vmem>>
      tpu.wait_dma2 semaphore(%run_scoped3A : memref<!tpu.dma_semaphore, #tpu.memory_space<semaphore_mem>>) src(%dma_wait3A_51 : memref<152x128xf32, #tpu.memory_space<vmem>>) dst(%dma_wait3A_48 : memref<152x128xf32, #tpu.memory_space<vmem_shared>>)
      tpu.yield
    }) : () -> ()
    %barrier3A = arith.constant 0 : index
    tpu.barrier barrier_id(%barrier3A)
    %scan3A_18 = arith.constant 0 : i32
    %scan3A_19 = arith.constant 0 : i32
    %scan3A_20 = arith.constant 5 : i32
    %scan3A_21 = arith.addi %scan3A_19, %scan3A_20 : i32
    %scan3A_22 = arith.constant 1 : i32
    scf.for %scan3A_34 = %scan3A_19 to %scan3A_21 step %scan3A_22  : i32 {
      "tpu.region"() ({
        %run_scoped3A_90 = tpu.sem_alloc : memref<!tpu.dma_semaphore, #tpu.memory_space<semaphore_mem>>
        %dma_start3A_91 = arith.constant 0 : i32
        %dma_start3A_92 = arith.constant 0 : i32
        %dma_start3A_93 = tpu.memref_slice %arg3[%arg0, %arg1, %scan3A_34, %dma_start3A_91, %dma_start3A_92] : memref<2x16x5x50x80xi32, #tpu.memory_space<hbm>> -> memref<1x1x1x50x80xi32, #tpu.memory_space<hbm>>
        %dma_start3A_94 = tpu.memref_squeeze %dma_start3A_93 : memref<1x1x1x50x80xi32, #tpu.memory_space<hbm>> -> memref<50x80xi32, #tpu.memory_space<hbm>>
        %dma_start3A_95 = arith.constant 0 : i32
        %dma_start3A_96 = arith.constant 0 : i32
        %dma_start3A_97 = tpu.memref_slice %arg3[%arg0, %arg1, %scan3A_34, %dma_start3A_95, %dma_start3A_96] : memref<2x16x5x50x80xi32, #tpu.memory_space<hbm>> -> memref<1x1x1x50x80xi32, #tpu.memory_space<hbm>>
        %dma_start3A_98 = tpu.memref_squeeze %dma_start3A_97 : memref<1x1x1x50x80xi32, #tpu.memory_space<hbm>> -> memref<50x80xi32, #tpu.memory_space<hbm>>
        tpu.enqueue_dma source(%dma_start3A_98 : memref<50x80xi32, #tpu.memory_space<hbm>>) target(%arg6 : memref<50x80xi32, #tpu.memory_space<vmem>>) target_semaphore(%run_scoped3A_90 : memref<!tpu.dma_semaphore, #tpu.memory_space<semaphore_mem>>)
        %dma_wait3A_99 = arith.constant 0 : i32
        %dma_wait3A_100 = arith.constant 0 : i32
        %dma_wait3A_101 = tpu.memref_slice %arg3[%arg0, %arg1, %scan3A_34, %dma_wait3A_99, %dma_wait3A_100] : memref<2x16x5x50x80xi32, #tpu.memory_space<hbm>> -> memref<1x1x1x50x80xi32, #tpu.memory_space<hbm>>
        %dma_wait3A_102 = tpu.memref_squeeze %dma_wait3A_101 : memref<1x1x1x50x80xi32, #tpu.memory_space<hbm>> -> memref<50x80xi32, #tpu.memory_space<hbm>>
        %dma_wait3A_103 = arith.constant 0 : i32
        %dma_wait3A_104 = arith.constant 0 : i32
        %dma_wait3A_105 = tpu.memref_slice %arg3[%arg0, %arg1, %scan3A_34, %dma_wait3A_103, %dma_wait3A_104] : memref<2x16x5x50x80xi32, #tpu.memory_space<hbm>> -> memref<1x1x1x50x80xi32, #tpu.memory_space<hbm>>
        %dma_wait3A_106 = tpu.memref_squeeze %dma_wait3A_105 : memref<1x1x1x50x80xi32, #tpu.memory_space<hbm>> -> memref<50x80xi32, #tpu.memory_space<hbm>>
        tpu.wait_dma2 semaphore(%run_scoped3A_90 : memref<!tpu.dma_semaphore, #tpu.memory_space<semaphore_mem>>) src(%dma_wait3A_106 : memref<50x80xi32, #tpu.memory_space<hbm>>) dst(%arg6 : memref<50x80xi32, #tpu.memory_space<vmem>>)
        tpu.yield
      }) : () -> ()
      "tpu.region"() ({
        %run_scoped3A_90 = tpu.sem_alloc : memref<!tpu.dma_semaphore, #tpu.memory_space<semaphore_mem>>
        %dma_start3A_91 = arith.constant 0 : i32
        %dma_start3A_92 = arith.constant 0 : i32
        %dma_start3A_93 = tpu.memref_slice %arg4[%arg1, %scan3A_34, %dma_start3A_91, %dma_start3A_92] : memref<16x5x50x80xi32, #tpu.memory_space<hbm>> -> memref<1x1x50x80xi32, #tpu.memory_space<hbm>>
        %dma_start3A_94 = tpu.memref_squeeze %dma_start3A_93 : memref<1x1x50x80xi32, #tpu.memory_space<hbm>> -> memref<50x80xi32, #tpu.memory_space<hbm>>
        %dma_start3A_95 = arith.constant 0 : i32
        %dma_start3A_96 = arith.constant 0 : i32
        %dma_start3A_97 = tpu.memref_slice %arg4[%arg1, %scan3A_34, %dma_start3A_95, %dma_start3A_96] : memref<16x5x50x80xi32, #tpu.memory_space<hbm>> -> memref<1x1x50x80xi32, #tpu.memory_space<hbm>>
        %dma_start3A_98 = tpu.memref_squeeze %dma_start3A_97 : memref<1x1x50x80xi32, #tpu.memory_space<hbm>> -> memref<50x80xi32, #tpu.memory_space<hbm>>
        tpu.enqueue_dma source(%dma_start3A_98 : memref<50x80xi32, #tpu.memory_space<hbm>>) target(%arg7 : memref<50x80xi32, #tpu.memory_space<vmem>>) target_semaphore(%run_scoped3A_90 : memref<!tpu.dma_semaphore, #tpu.memory_space<semaphore_mem>>)
        %dma_wait3A_99 = arith.constant 0 : i32
        %dma_wait3A_100 = arith.constant 0 : i32
        %dma_wait3A_101 = tpu.memref_slice %arg4[%arg1, %scan3A_34, %dma_wait3A_99, %dma_wait3A_100] : memref<16x5x50x80xi32, #tpu.memory_space<hbm>> -> memref<1x1x50x80xi32, #tpu.memory_space<hbm>>
        %dma_wait3A_102 = tpu.memref_squeeze %dma_wait3A_101 : memref<1x1x50x80xi32, #tpu.memory_space<hbm>> -> memref<50x80xi32, #tpu.memory_space<hbm>>
        %dma_wait3A_103 = arith.constant 0 : i32
        %dma_wait3A_104 = arith.constant 0 : i32
        %dma_wait3A_105 = tpu.memref_slice %arg4[%arg1, %scan3A_34, %dma_wait3A_103, %dma_wait3A_104] : memref<16x5x50x80xi32, #tpu.memory_space<hbm>> -> memref<1x1x50x80xi32, #tpu.memory_space<hbm>>
        %dma_wait3A_106 = tpu.memref_squeeze %dma_wait3A_105 : memref<1x1x50x80xi32, #tpu.memory_space<hbm>> -> memref<50x80xi32, #tpu.memory_space<hbm>>
        tpu.wait_dma2 semaphore(%run_scoped3A_90 : memref<!tpu.dma_semaphore, #tpu.memory_space<semaphore_mem>>) src(%dma_wait3A_106 : memref<50x80xi32, #tpu.memory_space<hbm>>) dst(%arg7 : memref<50x80xi32, #tpu.memory_space<vmem>>)
        tpu.yield
      }) : () -> ()
      %dma_start3A = arith.constant 0 : i32
      %dma_start3A_35 = arith.constant 0 : i32
      %dma_start3A_36 = arith.constant 0 : i32
      %dma_start3A_37 = tpu.memref_slice %arg8[%dma_start3A_35, %dma_start3A_36] : memref<240x128xf32, #tpu.memory_space<vmem>> -> memref<80x128xf32, #tpu.memory_space<vmem>>
      %dma_start3A_38 = arith.constant 0 : i32
      %dma_start3A_39 = tpu.memref_slice %arg6[%dma_start3A, %dma_start3A_38] : memref<50x80xi32, #tpu.memory_space<vmem>> -> memref<1x80xi32, #tpu.memory_space<vmem>>
      %dma_start3A_40 = tpu.memref_squeeze %dma_start3A_39 : memref<1x80xi32, #tpu.memory_space<vmem>> -> memref<80xi32, #tpu.memory_space<vmem>>
      %dma_start3A_41 = arith.constant 0 : i32
      %dma_start3A_42 = arith.constant 0 : i32
      %dma_start3A_43 = tpu.memref_slice %arg2[%dma_start3A_41, %dma_start3A_42] : memref<20000x128xf32, #tpu.memory_space<hbm>> -> memref<20000x128xf32, #tpu.memory_space<hbm>>
      tpu.enqueue_indirect_dma source(%dma_start3A_43 : memref<20000x128xf32, #tpu.memory_space<hbm>>) target(%dma_start3A_37 : memref<80x128xf32, #tpu.memory_space<vmem>>) offsets(%dma_start3A_40 : memref<80xi32, #tpu.memory_space<vmem>>) semaphore(%arg10 : memref<!tpu.dma_semaphore, #tpu.memory_space<semaphore_mem>>)
      %dma_start3A_44 = arith.constant 1 : i32
      %dma_start3A_45 = arith.constant 80 : i32
      %dma_start3A_46 = arith.constant 0 : i32
      %dma_start3A_47 = tpu.memref_slice %arg8[%dma_start3A_45, %dma_start3A_46] : memref<240x128xf32, #tpu.memory_space<vmem>> -> memref<80x128xf32, #tpu.memory_space<vmem>>
      %dma_start3A_48 = arith.constant 0 : i32
      %dma_start3A_49 = tpu.memref_slice %arg6[%dma_start3A_44, %dma_start3A_48] : memref<50x80xi32, #tpu.memory_space<vmem>> -> memref<1x80xi32, #tpu.memory_space<vmem>>
      %dma_start3A_50 = tpu.memref_squeeze %dma_start3A_49 : memref<1x80xi32, #tpu.memory_space<vmem>> -> memref<80xi32, #tpu.memory_space<vmem>>
      %dma_start3A_51 = arith.constant 0 : i32
      %dma_start3A_52 = arith.constant 0 : i32
      %dma_start3A_53 = tpu.memref_slice %arg2[%dma_start3A_51, %dma_start3A_52] : memref<20000x128xf32, #tpu.memory_space<hbm>> -> memref<20000x128xf32, #tpu.memory_space<hbm>>
      tpu.enqueue_indirect_dma source(%dma_start3A_53 : memref<20000x128xf32, #tpu.memory_space<hbm>>) target(%dma_start3A_47 : memref<80x128xf32, #tpu.memory_space<vmem>>) offsets(%dma_start3A_50 : memref<80xi32, #tpu.memory_space<vmem>>) semaphore(%arg11 : memref<!tpu.dma_semaphore, #tpu.memory_space<semaphore_mem>>)
      %dma_start3A_54 = arith.constant 2 : i32
      %dma_start3A_55 = arith.constant 160 : i32
      %dma_start3A_56 = arith.constant 0 : i32
      %dma_start3A_57 = tpu.memref_slice %arg8[%dma_start3A_55, %dma_start3A_56] : memref<240x128xf32, #tpu.memory_space<vmem>> -> memref<80x128xf32, #tpu.memory_space<vmem>>
      %dma_start3A_58 = arith.constant 0 : i32
      %dma_start3A_59 = tpu.memref_slice %arg6[%dma_start3A_54, %dma_start3A_58] : memref<50x80xi32, #tpu.memory_space<vmem>> -> memref<1x80xi32, #tpu.memory_space<vmem>>
      %dma_start3A_60 = tpu.memref_squeeze %dma_start3A_59 : memref<1x80xi32, #tpu.memory_space<vmem>> -> memref<80xi32, #tpu.memory_space<vmem>>
      %dma_start3A_61 = arith.constant 0 : i32
      %dma_start3A_62 = arith.constant 0 : i32
      %dma_start3A_63 = tpu.memref_slice %arg2[%dma_start3A_61, %dma_start3A_62] : memref<20000x128xf32, #tpu.memory_space<hbm>> -> memref<20000x128xf32, #tpu.memory_space<hbm>>
      tpu.enqueue_indirect_dma source(%dma_start3A_63 : memref<20000x128xf32, #tpu.memory_space<hbm>>) target(%dma_start3A_57 : memref<80x128xf32, #tpu.memory_space<vmem>>) offsets(%dma_start3A_60 : memref<80xi32, #tpu.memory_space<vmem>>) semaphore(%arg12 : memref<!tpu.dma_semaphore, #tpu.memory_space<semaphore_mem>>)
      %scan3A_64 = arith.constant 0 : i32
      %scan3A_65 = arith.constant 0 : i32
      %scan3A_66 = arith.constant 16 : i32
      %scan3A_67 = arith.addi %scan3A_65, %scan3A_66 : i32
      %scan3A_68 = arith.constant 1 : i32
      scf.for %scan3A_90 = %scan3A_65 to %scan3A_67 step %scan3A_68  : i32 {
        %mul3A_91 = arith.constant 3 : i32
        %mul3A_92 = arith.muli %mul3A_91, %scan3A_90 : i32
        %add3A_93 = arith.constant 0 : i32
        %add3A_94 = arith.addi %mul3A_92, %add3A_93 : i32
        %dma_wait3A_95 = arith.constant 0 : i32
        %dma_wait3A_96 = arith.constant 0 : i32
        %dma_wait3A_97 = tpu.memref_slice %arg8[%dma_wait3A_95, %dma_wait3A_96] : memref<240x128xf32, #tpu.memory_space<vmem>> -> memref<80x128xf32, #tpu.memory_space<vmem>>
        %dma_wait3A_98 = arith.constant 0 : i32
        %dma_wait3A_99 = tpu.memref_slice %arg6[%add3A_94, %dma_wait3A_98] : memref<50x80xi32, #tpu.memory_space<vmem>> -> memref<1x80xi32, #tpu.memory_space<vmem>>
        %dma_wait3A_100 = tpu.memref_squeeze %dma_wait3A_99 : memref<1x80xi32, #tpu.memory_space<vmem>> -> memref<80xi32, #tpu.memory_space<vmem>>
        %dma_wait3A_101 = arith.constant 0 : i32
        %dma_wait3A_102 = arith.constant 0 : i32
        %dma_wait3A_103 = tpu.memref_slice %arg2[%dma_wait3A_101, %dma_wait3A_102] : memref<20000x128xf32, #tpu.memory_space<hbm>> -> memref<20000x128xf32, #tpu.memory_space<hbm>>
        tpu.wait_indirect_dma semaphore(%arg10 : memref<!tpu.dma_semaphore, #tpu.memory_space<semaphore_mem>>) src(%dma_wait3A_103 : memref<20000x128xf32, #tpu.memory_space<hbm>>) dst(%dma_wait3A_97 : memref<80x128xf32, #tpu.memory_space<vmem>>)
        %add3A_104 = arith.constant 0 : i32
        %add3A_105 = arith.addi %mul3A_92, %add3A_104 : i32
        %dma_start3A_106 = arith.constant 0 : i32
        %dma_start3A_107 = arith.constant 0 : i32
        %dma_start3A_108 = tpu.memref_slice %arg8[%dma_start3A_106, %dma_start3A_107] : memref<240x128xf32, #tpu.memory_space<vmem>> -> memref<80x128xf32, #tpu.memory_space<vmem>>
        %dma_start3A_109 = arith.constant 0 : i32
        %dma_start3A_110 = tpu.memref_slice %arg7[%add3A_105, %dma_start3A_109] : memref<50x80xi32, #tpu.memory_space<vmem>> -> memref<1x80xi32, #tpu.memory_space<vmem>>
        %dma_start3A_111 = tpu.memref_squeeze %dma_start3A_110 : memref<1x80xi32, #tpu.memory_space<vmem>> -> memref<80xi32, #tpu.memory_space<vmem>>
        %dma_start3A_112 = arith.constant 0 : i32
        %dma_start3A_113 = arith.constant 0 : i32
        %dma_start3A_114 = tpu.memref_slice %arg9[%dma_start3A_112, %dma_start3A_113] : memref<10112x128xf32, #tpu.memory_space<vmem_shared>> -> memref<10112x128xf32, #tpu.memory_space<vmem_shared>>
        tpu.enqueue_indirect_dma source(%dma_start3A_108 : memref<80x128xf32, #tpu.memory_space<vmem>>) target(%dma_start3A_114 : memref<10112x128xf32, #tpu.memory_space<vmem_shared>>) offsets(%dma_start3A_111 : memref<80xi32, #tpu.memory_space<vmem>>) semaphore(%arg13 : memref<!tpu.dma_semaphore, #tpu.memory_space<semaphore_mem>>) {add = true}
        %add3A_115 = arith.constant 1 : i32
        %add3A_116 = arith.addi %mul3A_92, %add3A_115 : i32
        %dma_wait3A_117 = arith.constant 80 : i32
        %dma_wait3A_118 = arith.constant 0 : i32
        %dma_wait3A_119 = tpu.memref_slice %arg8[%dma_wait3A_117, %dma_wait3A_118] : memref<240x128xf32, #tpu.memory_space<vmem>> -> memref<80x128xf32, #tpu.memory_space<vmem>>
        %dma_wait3A_120 = arith.constant 0 : i32
        %dma_wait3A_121 = tpu.memref_slice %arg6[%add3A_116, %dma_wait3A_120] : memref<50x80xi32, #tpu.memory_space<vmem>> -> memref<1x80xi32, #tpu.memory_space<vmem>>
        %dma_wait3A_122 = tpu.memref_squeeze %dma_wait3A_121 : memref<1x80xi32, #tpu.memory_space<vmem>> -> memref<80xi32, #tpu.memory_space<vmem>>
        %dma_wait3A_123 = arith.constant 0 : i32
        %dma_wait3A_124 = arith.constant 0 : i32
        %dma_wait3A_125 = tpu.memref_slice %arg2[%dma_wait3A_123, %dma_wait3A_124] : memref<20000x128xf32, #tpu.memory_space<hbm>> -> memref<20000x128xf32, #tpu.memory_space<hbm>>
        tpu.wait_indirect_dma semaphore(%arg11 : memref<!tpu.dma_semaphore, #tpu.memory_space<semaphore_mem>>) src(%dma_wait3A_125 : memref<20000x128xf32, #tpu.memory_space<hbm>>) dst(%dma_wait3A_119 : memref<80x128xf32, #tpu.memory_space<vmem>>)
        %add3A_126 = arith.constant 1 : i32
        %add3A_127 = arith.addi %mul3A_92, %add3A_126 : i32
        %dma_start3A_128 = arith.constant 80 : i32
        %dma_start3A_129 = arith.constant 0 : i32
        %dma_start3A_130 = tpu.memref_slice %arg8[%dma_start3A_128, %dma_start3A_129] : memref<240x128xf32, #tpu.memory_space<vmem>> -> memref<80x128xf32, #tpu.memory_space<vmem>>
        %dma_start3A_131 = arith.constant 0 : i32
        %dma_start3A_132 = tpu.memref_slice %arg7[%add3A_127, %dma_start3A_131] : memref<50x80xi32, #tpu.memory_space<vmem>> -> memref<1x80xi32, #tpu.memory_space<vmem>>
        %dma_start3A_133 = tpu.memref_squeeze %dma_start3A_132 : memref<1x80xi32, #tpu.memory_space<vmem>> -> memref<80xi32, #tpu.memory_space<vmem>>
        %dma_start3A_134 = arith.constant 0 : i32
        %dma_start3A_135 = arith.constant 0 : i32
        %dma_start3A_136 = tpu.memref_slice %arg9[%dma_start3A_134, %dma_start3A_135] : memref<10112x128xf32, #tpu.memory_space<vmem_shared>> -> memref<10112x128xf32, #tpu.memory_space<vmem_shared>>
        tpu.enqueue_indirect_dma source(%dma_start3A_130 : memref<80x128xf32, #tpu.memory_space<vmem>>) target(%dma_start3A_136 : memref<10112x128xf32, #tpu.memory_space<vmem_shared>>) offsets(%dma_start3A_133 : memref<80xi32, #tpu.memory_space<vmem>>) semaphore(%arg14 : memref<!tpu.dma_semaphore, #tpu.memory_space<semaphore_mem>>) {add = true}
        %add3A_137 = arith.constant 2 : i32
        %add3A_138 = arith.addi %mul3A_92, %add3A_137 : i32
        %dma_wait3A_139 = arith.constant 160 : i32
        %dma_wait3A_140 = arith.constant 0 : i32
        %dma_wait3A_141 = tpu.memref_slice %arg8[%dma_wait3A_139, %dma_wait3A_140] : memref<240x128xf32, #tpu.memory_space<vmem>> -> memref<80x128xf32, #tpu.memory_space<vmem>>
        %dma_wait3A_142 = arith.constant 0 : i32
        %dma_wait3A_143 = tpu.memref_slice %arg6[%add3A_138, %dma_wait3A_142] : memref<50x80xi32, #tpu.memory_space<vmem>> -> memref<1x80xi32, #tpu.memory_space<vmem>>
        %dma_wait3A_144 = tpu.memref_squeeze %dma_wait3A_143 : memref<1x80xi32, #tpu.memory_space<vmem>> -> memref<80xi32, #tpu.memory_space<vmem>>
        %dma_wait3A_145 = arith.constant 0 : i32
        %dma_wait3A_146 = arith.constant 0 : i32
        %dma_wait3A_147 = tpu.memref_slice %arg2[%dma_wait3A_145, %dma_wait3A_146] : memref<20000x128xf32, #tpu.memory_space<hbm>> -> memref<20000x128xf32, #tpu.memory_space<hbm>>
        tpu.wait_indirect_dma semaphore(%arg12 : memref<!tpu.dma_semaphore, #tpu.memory_space<semaphore_mem>>) src(%dma_wait3A_147 : memref<20000x128xf32, #tpu.memory_space<hbm>>) dst(%dma_wait3A_141 : memref<80x128xf32, #tpu.memory_space<vmem>>)
        %add3A_148 = arith.constant 2 : i32
        %add3A_149 = arith.addi %mul3A_92, %add3A_148 : i32
        %dma_start3A_150 = arith.constant 160 : i32
        %dma_start3A_151 = arith.constant 0 : i32
        %dma_start3A_152 = tpu.memref_slice %arg8[%dma_start3A_150, %dma_start3A_151] : memref<240x128xf32, #tpu.memory_space<vmem>> -> memref<80x128xf32, #tpu.memory_space<vmem>>
        %dma_start3A_153 = arith.constant 0 : i32
        %dma_start3A_154 = tpu.memref_slice %arg7[%add3A_149, %dma_start3A_153] : memref<50x80xi32, #tpu.memory_space<vmem>> -> memref<1x80xi32, #tpu.memory_space<vmem>>
        %dma_start3A_155 = tpu.memref_squeeze %dma_start3A_154 : memref<1x80xi32, #tpu.memory_space<vmem>> -> memref<80xi32, #tpu.memory_space<vmem>>
        %dma_start3A_156 = arith.constant 0 : i32
        %dma_start3A_157 = arith.constant 0 : i32
        %dma_start3A_158 = tpu.memref_slice %arg9[%dma_start3A_156, %dma_start3A_157] : memref<10112x128xf32, #tpu.memory_space<vmem_shared>> -> memref<10112x128xf32, #tpu.memory_space<vmem_shared>>
        tpu.enqueue_indirect_dma source(%dma_start3A_152 : memref<80x128xf32, #tpu.memory_space<vmem>>) target(%dma_start3A_158 : memref<10112x128xf32, #tpu.memory_space<vmem_shared>>) offsets(%dma_start3A_155 : memref<80xi32, #tpu.memory_space<vmem>>) semaphore(%arg15 : memref<!tpu.dma_semaphore, #tpu.memory_space<semaphore_mem>>) {add = true}
        %add3A_159 = arith.constant 0 : i32
        %add3A_160 = arith.addi %mul3A_92, %add3A_159 : i32
        %dma_wait3A_161 = arith.constant 0 : i32
        %dma_wait3A_162 = arith.constant 0 : i32
        %dma_wait3A_163 = tpu.memref_slice %arg8[%dma_wait3A_161, %dma_wait3A_162] : memref<240x128xf32, #tpu.memory_space<vmem>> -> memref<80x128xf32, #tpu.memory_space<vmem>>
        %dma_wait3A_164 = arith.constant 0 : i32
        %dma_wait3A_165 = tpu.memref_slice %arg7[%add3A_160, %dma_wait3A_164] : memref<50x80xi32, #tpu.memory_space<vmem>> -> memref<1x80xi32, #tpu.memory_space<vmem>>
        %dma_wait3A_166 = tpu.memref_squeeze %dma_wait3A_165 : memref<1x80xi32, #tpu.memory_space<vmem>> -> memref<80xi32, #tpu.memory_space<vmem>>
        %dma_wait3A_167 = arith.constant 0 : i32
        %dma_wait3A_168 = arith.constant 0 : i32
        %dma_wait3A_169 = tpu.memref_slice %arg9[%dma_wait3A_167, %dma_wait3A_168] : memref<10112x128xf32, #tpu.memory_space<vmem_shared>> -> memref<10112x128xf32, #tpu.memory_space<vmem_shared>>
        tpu.wait_indirect_dma semaphore(%arg13 : memref<!tpu.dma_semaphore, #tpu.memory_space<semaphore_mem>>) src(%dma_wait3A_163 : memref<80x128xf32, #tpu.memory_space<vmem>>) dst(%dma_wait3A_169 : memref<10112x128xf32, #tpu.memory_space<vmem_shared>>)
        %add3A_170 = arith.constant 3 : i32
        %add3A_171 = arith.addi %mul3A_92, %add3A_170 : i32
        %add3A_172 = arith.constant 0 : i32
        %add3A_173 = arith.addi %add3A_171, %add3A_172 : i32
        %lt3A = arith.constant 50 : i32
        %lt3A_174 = arith.cmpi slt, %add3A_173, %lt3A : i32
        %convert_element_type3A = arith.extui %lt3A_174 : i1 to i32
        %cond3A = arith.constant 0 : i32
        %cond3A_175 = arith.cmpi ne, %convert_element_type3A, %cond3A : i32
        scf.if %cond3A_175 {
          %add3A_216 = arith.constant 3 : i32
          %add3A_217 = arith.addi %mul3A_92, %add3A_216 : i32
          %add3A_218 = arith.constant 0 : i32
          %add3A_219 = arith.addi %add3A_217, %add3A_218 : i32
          %dma_start3A_220 = arith.constant 0 : i32
          %dma_start3A_221 = arith.constant 0 : i32
          %dma_start3A_222 = tpu.memref_slice %arg8[%dma_start3A_220, %dma_start3A_221] : memref<240x128xf32, #tpu.memory_space<vmem>> -> memref<80x128xf32, #tpu.memory_space<vmem>>
          %dma_start3A_223 = arith.constant 0 : i32
          %dma_start3A_224 = tpu.memref_slice %arg6[%add3A_219, %dma_start3A_223] : memref<50x80xi32, #tpu.memory_space<vmem>> -> memref<1x80xi32, #tpu.memory_space<vmem>>
          %dma_start3A_225 = tpu.memref_squeeze %dma_start3A_224 : memref<1x80xi32, #tpu.memory_space<vmem>> -> memref<80xi32, #tpu.memory_space<vmem>>
          %dma_start3A_226 = arith.constant 0 : i32
          %dma_start3A_227 = arith.constant 0 : i32
          %dma_start3A_228 = tpu.memref_slice %arg2[%dma_start3A_226, %dma_start3A_227] : memref<20000x128xf32, #tpu.memory_space<hbm>> -> memref<20000x128xf32, #tpu.memory_space<hbm>>
          tpu.enqueue_indirect_dma source(%dma_start3A_228 : memref<20000x128xf32, #tpu.memory_space<hbm>>) target(%dma_start3A_222 : memref<80x128xf32, #tpu.memory_space<vmem>>) offsets(%dma_start3A_225 : memref<80xi32, #tpu.memory_space<vmem>>) semaphore(%arg10 : memref<!tpu.dma_semaphore, #tpu.memory_space<semaphore_mem>>)
        } else {
        }
        %add3A_176 = arith.constant 1 : i32
        %add3A_177 = arith.addi %mul3A_92, %add3A_176 : i32
        %dma_wait3A_178 = arith.constant 80 : i32
        %dma_wait3A_179 = arith.constant 0 : i32
        %dma_wait3A_180 = tpu.memref_slice %arg8[%dma_wait3A_178, %dma_wait3A_179] : memref<240x128xf32, #tpu.memory_space<vmem>> -> memref<80x128xf32, #tpu.memory_space<vmem>>
        %dma_wait3A_181 = arith.constant 0 : i32
        %dma_wait3A_182 = tpu.memref_slice %arg7[%add3A_177, %dma_wait3A_181] : memref<50x80xi32, #tpu.memory_space<vmem>> -> memref<1x80xi32, #tpu.memory_space<vmem>>
        %dma_wait3A_183 = tpu.memref_squeeze %dma_wait3A_182 : memref<1x80xi32, #tpu.memory_space<vmem>> -> memref<80xi32, #tpu.memory_space<vmem>>
        %dma_wait3A_184 = arith.constant 0 : i32
        %dma_wait3A_185 = arith.constant 0 : i32
        %dma_wait3A_186 = tpu.memref_slice %arg9[%dma_wait3A_184, %dma_wait3A_185] : memref<10112x128xf32, #tpu.memory_space<vmem_shared>> -> memref<10112x128xf32, #tpu.memory_space<vmem_shared>>
        tpu.wait_indirect_dma semaphore(%arg14 : memref<!tpu.dma_semaphore, #tpu.memory_space<semaphore_mem>>) src(%dma_wait3A_180 : memref<80x128xf32, #tpu.memory_space<vmem>>) dst(%dma_wait3A_186 : memref<10112x128xf32, #tpu.memory_space<vmem_shared>>)
        %add3A_187 = arith.constant 3 : i32
        %add3A_188 = arith.addi %mul3A_92, %add3A_187 : i32
        %add3A_189 = arith.constant 1 : i32
        %add3A_190 = arith.addi %add3A_188, %add3A_189 : i32
        %lt3A_191 = arith.constant 50 : i32
        %lt3A_192 = arith.cmpi slt, %add3A_190, %lt3A_191 : i32
        %convert_element_type3A_193 = arith.extui %lt3A_192 : i1 to i32
        %cond3A_194 = arith.constant 0 : i32
        %cond3A_195 = arith.cmpi ne, %convert_element_type3A_193, %cond3A_194 : i32
        scf.if %cond3A_195 {
          %add3A_216 = arith.constant 3 : i32
          %add3A_217 = arith.addi %mul3A_92, %add3A_216 : i32
          %add3A_218 = arith.constant 1 : i32
          %add3A_219 = arith.addi %add3A_217, %add3A_218 : i32
          %dma_start3A_220 = arith.constant 80 : i32
          %dma_start3A_221 = arith.constant 0 : i32
          %dma_start3A_222 = tpu.memref_slice %arg8[%dma_start3A_220, %dma_start3A_221] : memref<240x128xf32, #tpu.memory_space<vmem>> -> memref<80x128xf32, #tpu.memory_space<vmem>>
          %dma_start3A_223 = arith.constant 0 : i32
          %dma_start3A_224 = tpu.memref_slice %arg6[%add3A_219, %dma_start3A_223] : memref<50x80xi32, #tpu.memory_space<vmem>> -> memref<1x80xi32, #tpu.memory_space<vmem>>
          %dma_start3A_225 = tpu.memref_squeeze %dma_start3A_224 : memref<1x80xi32, #tpu.memory_space<vmem>> -> memref<80xi32, #tpu.memory_space<vmem>>
          %dma_start3A_226 = arith.constant 0 : i32
          %dma_start3A_227 = arith.constant 0 : i32
          %dma_start3A_228 = tpu.memref_slice %arg2[%dma_start3A_226, %dma_start3A_227] : memref<20000x128xf32, #tpu.memory_space<hbm>> -> memref<20000x128xf32, #tpu.memory_space<hbm>>
          tpu.enqueue_indirect_dma source(%dma_start3A_228 : memref<20000x128xf32, #tpu.memory_space<hbm>>) target(%dma_start3A_222 : memref<80x128xf32, #tpu.memory_space<vmem>>) offsets(%dma_start3A_225 : memref<80xi32, #tpu.memory_space<vmem>>) semaphore(%arg11 : memref<!tpu.dma_semaphore, #tpu.memory_space<semaphore_mem>>)
        } else {
        }
        %add3A_196 = arith.constant 2 : i32
        %add3A_197 = arith.addi %mul3A_92, %add3A_196 : i32
        %dma_wait3A_198 = arith.constant 160 : i32
        %dma_wait3A_199 = arith.constant 0 : i32
        %dma_wait3A_200 = tpu.memref_slice %arg8[%dma_wait3A_198, %dma_wait3A_199] : memref<240x128xf32, #tpu.memory_space<vmem>> -> memref<80x128xf32, #tpu.memory_space<vmem>>
        %dma_wait3A_201 = arith.constant 0 : i32
        %dma_wait3A_202 = tpu.memref_slice %arg7[%add3A_197, %dma_wait3A_201] : memref<50x80xi32, #tpu.memory_space<vmem>> -> memref<1x80xi32, #tpu.memory_space<vmem>>
        %dma_wait3A_203 = tpu.memref_squeeze %dma_wait3A_202 : memref<1x80xi32, #tpu.memory_space<vmem>> -> memref<80xi32, #tpu.memory_space<vmem>>
        %dma_wait3A_204 = arith.constant 0 : i32
        %dma_wait3A_205 = arith.constant 0 : i32
        %dma_wait3A_206 = tpu.memref_slice %arg9[%dma_wait3A_204, %dma_wait3A_205] : memref<10112x128xf32, #tpu.memory_space<vmem_shared>> -> memref<10112x128xf32, #tpu.memory_space<vmem_shared>>
        tpu.wait_indirect_dma semaphore(%arg15 : memref<!tpu.dma_semaphore, #tpu.memory_space<semaphore_mem>>) src(%dma_wait3A_200 : memref<80x128xf32, #tpu.memory_space<vmem>>) dst(%dma_wait3A_206 : memref<10112x128xf32, #tpu.memory_space<vmem_shared>>)
        %add3A_207 = arith.constant 3 : i32
        %add3A_208 = arith.addi %mul3A_92, %add3A_207 : i32
        %add3A_209 = arith.constant 2 : i32
        %add3A_210 = arith.addi %add3A_208, %add3A_209 : i32
        %lt3A_211 = arith.constant 50 : i32
        %lt3A_212 = arith.cmpi slt, %add3A_210, %lt3A_211 : i32
        %convert_element_type3A_213 = arith.extui %lt3A_212 : i1 to i32
        %cond3A_214 = arith.constant 0 : i32
        %cond3A_215 = arith.cmpi ne, %convert_element_type3A_213, %cond3A_214 : i32
        scf.if %cond3A_215 {
          %add3A_216 = arith.constant 3 : i32
          %add3A_217 = arith.addi %mul3A_92, %add3A_216 : i32
          %add3A_218 = arith.constant 2 : i32
          %add3A_219 = arith.addi %add3A_217, %add3A_218 : i32
          %dma_start3A_220 = arith.constant 160 : i32
          %dma_start3A_221 = arith.constant 0 : i32
          %dma_start3A_222 = tpu.memref_slice %arg8[%dma_start3A_220, %dma_start3A_221] : memref<240x128xf32, #tpu.memory_space<vmem>> -> memref<80x128xf32, #tpu.memory_space<vmem>>
          %dma_start3A_223 = arith.constant 0 : i32
          %dma_start3A_224 = tpu.memref_slice %arg6[%add3A_219, %dma_start3A_223] : memref<50x80xi32, #tpu.memory_space<vmem>> -> memref<1x80xi32, #tpu.memory_space<vmem>>
          %dma_start3A_225 = tpu.memref_squeeze %dma_start3A_224 : memref<1x80xi32, #tpu.memory_space<vmem>> -> memref<80xi32, #tpu.memory_space<vmem>>
          %dma_start3A_226 = arith.constant 0 : i32
          %dma_start3A_227 = arith.constant 0 : i32
          %dma_start3A_228 = tpu.memref_slice %arg2[%dma_start3A_226, %dma_start3A_227] : memref<20000x128xf32, #tpu.memory_space<hbm>> -> memref<20000x128xf32, #tpu.memory_space<hbm>>
          tpu.enqueue_indirect_dma source(%dma_start3A_228 : memref<20000x128xf32, #tpu.memory_space<hbm>>) target(%dma_start3A_222 : memref<80x128xf32, #tpu.memory_space<vmem>>) offsets(%dma_start3A_225 : memref<80xi32, #tpu.memory_space<vmem>>) semaphore(%arg12 : memref<!tpu.dma_semaphore, #tpu.memory_space<semaphore_mem>>)
        } else {
        }
      }
      %scan3A_69 = arith.constant 16 : i32
      %dma_wait3A = arith.constant 48 : i32
      %dma_wait3A_70 = arith.constant 0 : i32
      %dma_wait3A_71 = arith.constant 0 : i32
      %dma_wait3A_72 = tpu.memref_slice %arg8[%dma_wait3A_70, %dma_wait3A_71] : memref<240x128xf32, #tpu.memory_space<vmem>> -> memref<80x128xf32, #tpu.memory_space<vmem>>
      %dma_wait3A_73 = arith.constant 0 : i32
      %dma_wait3A_74 = tpu.memref_slice %arg6[%dma_wait3A, %dma_wait3A_73] : memref<50x80xi32, #tpu.memory_space<vmem>> -> memref<1x80xi32, #tpu.memory_space<vmem>>
      %dma_wait3A_75 = tpu.memref_squeeze %dma_wait3A_74 : memref<1x80xi32, #tpu.memory_space<vmem>> -> memref<80xi32, #tpu.memory_space<vmem>>
      %dma_wait3A_76 = arith.constant 0 : i32
      %dma_wait3A_77 = arith.constant 0 : i32
      %dma_wait3A_78 = tpu.memref_slice %arg2[%dma_wait3A_76, %dma_wait3A_77] : memref<20000x128xf32, #tpu.memory_space<hbm>> -> memref<20000x128xf32, #tpu.memory_space<hbm>>
      tpu.wait_indirect_dma semaphore(%arg10 : memref<!tpu.dma_semaphore, #tpu.memory_space<semaphore_mem>>) src(%dma_wait3A_78 : memref<20000x128xf32, #tpu.memory_space<hbm>>) dst(%dma_wait3A_72 : memref<80x128xf32, #tpu.memory_space<vmem>>)
      %run_scoped3A = arith.constant 48 : i32
      "tpu.region"() ({
        %run_scoped3A_90 = tpu.sem_alloc : memref<!tpu.dma_semaphore, #tpu.memory_space<semaphore_mem>>
        %dma_start3A_91 = arith.constant 0 : i32
        %dma_start3A_92 = arith.constant 0 : i32
        %dma_start3A_93 = tpu.memref_slice %arg8[%dma_start3A_91, %dma_start3A_92] : memref<240x128xf32, #tpu.memory_space<vmem>> -> memref<80x128xf32, #tpu.memory_space<vmem>>
        %dma_start3A_94 = arith.constant 0 : i32
        %dma_start3A_95 = tpu.memref_slice %arg7[%run_scoped3A, %dma_start3A_94] : memref<50x80xi32, #tpu.memory_space<vmem>> -> memref<1x80xi32, #tpu.memory_space<vmem>>
        %dma_start3A_96 = tpu.memref_squeeze %dma_start3A_95 : memref<1x80xi32, #tpu.memory_space<vmem>> -> memref<80xi32, #tpu.memory_space<vmem>>
        %dma_start3A_97 = arith.constant 0 : i32
        %dma_start3A_98 = arith.constant 0 : i32
        %dma_start3A_99 = tpu.memref_slice %arg9[%dma_start3A_97, %dma_start3A_98] : memref<10112x128xf32, #tpu.memory_space<vmem_shared>> -> memref<10112x128xf32, #tpu.memory_space<vmem_shared>>
        tpu.enqueue_indirect_dma source(%dma_start3A_93 : memref<80x128xf32, #tpu.memory_space<vmem>>) target(%dma_start3A_99 : memref<10112x128xf32, #tpu.memory_space<vmem_shared>>) offsets(%dma_start3A_96 : memref<80xi32, #tpu.memory_space<vmem>>) semaphore(%run_scoped3A_90 : memref<!tpu.dma_semaphore, #tpu.memory_space<semaphore_mem>>) {add = true}
        %dma_wait3A_100 = arith.constant 0 : i32
        %dma_wait3A_101 = arith.constant 0 : i32
        %dma_wait3A_102 = tpu.memref_slice %arg8[%dma_wait3A_100, %dma_wait3A_101] : memref<240x128xf32, #tpu.memory_space<vmem>> -> memref<80x128xf32, #tpu.memory_space<vmem>>
        %dma_wait3A_103 = arith.constant 0 : i32
        %dma_wait3A_104 = tpu.memref_slice %arg7[%run_scoped3A, %dma_wait3A_103] : memref<50x80xi32, #tpu.memory_space<vmem>> -> memref<1x80xi32, #tpu.memory_space<vmem>>
        %dma_wait3A_105 = tpu.memref_squeeze %dma_wait3A_104 : memref<1x80xi32, #tpu.memory_space<vmem>> -> memref<80xi32, #tpu.memory_space<vmem>>
        %dma_wait3A_106 = arith.constant 0 : i32
        %dma_wait3A_107 = arith.constant 0 : i32
        %dma_wait3A_108 = tpu.memref_slice %arg9[%dma_wait3A_106, %dma_wait3A_107] : memref<10112x128xf32, #tpu.memory_space<vmem_shared>> -> memref<10112x128xf32, #tpu.memory_space<vmem_shared>>
        tpu.wait_indirect_dma semaphore(%run_scoped3A_90 : memref<!tpu.dma_semaphore, #tpu.memory_space<semaphore_mem>>) src(%dma_wait3A_102 : memref<80x128xf32, #tpu.memory_space<vmem>>) dst(%dma_wait3A_108 : memref<10112x128xf32, #tpu.memory_space<vmem_shared>>)
        tpu.yield
      }) : () -> ()
      %dma_wait3A_79 = arith.constant 49 : i32
      %dma_wait3A_80 = arith.constant 80 : i32
      %dma_wait3A_81 = arith.constant 0 : i32
      %dma_wait3A_82 = tpu.memref_slice %arg8[%dma_wait3A_80, %dma_wait3A_81] : memref<240x128xf32, #tpu.memory_space<vmem>> -> memref<80x128xf32, #tpu.memory_space<vmem>>
      %dma_wait3A_83 = arith.constant 0 : i32
      %dma_wait3A_84 = tpu.memref_slice %arg6[%dma_wait3A_79, %dma_wait3A_83] : memref<50x80xi32, #tpu.memory_space<vmem>> -> memref<1x80xi32, #tpu.memory_space<vmem>>
      %dma_wait3A_85 = tpu.memref_squeeze %dma_wait3A_84 : memref<1x80xi32, #tpu.memory_space<vmem>> -> memref<80xi32, #tpu.memory_space<vmem>>
      %dma_wait3A_86 = arith.constant 0 : i32
      %dma_wait3A_87 = arith.constant 0 : i32
      %dma_wait3A_88 = tpu.memref_slice %arg2[%dma_wait3A_86, %dma_wait3A_87] : memref<20000x128xf32, #tpu.memory_space<hbm>> -> memref<20000x128xf32, #tpu.memory_space<hbm>>
      tpu.wait_indirect_dma semaphore(%arg11 : memref<!tpu.dma_semaphore, #tpu.memory_space<semaphore_mem>>) src(%dma_wait3A_88 : memref<20000x128xf32, #tpu.memory_space<hbm>>) dst(%dma_wait3A_82 : memref<80x128xf32, #tpu.memory_space<vmem>>)
      %run_scoped3A_89 = arith.constant 49 : i32
      "tpu.region"() ({
        %run_scoped3A_90 = tpu.sem_alloc : memref<!tpu.dma_semaphore, #tpu.memory_space<semaphore_mem>>
        %dma_start3A_91 = arith.constant 80 : i32
        %dma_start3A_92 = arith.constant 0 : i32
        %dma_start3A_93 = tpu.memref_slice %arg8[%dma_start3A_91, %dma_start3A_92] : memref<240x128xf32, #tpu.memory_space<vmem>> -> memref<80x128xf32, #tpu.memory_space<vmem>>
        %dma_start3A_94 = arith.constant 0 : i32
        %dma_start3A_95 = tpu.memref_slice %arg7[%run_scoped3A_89, %dma_start3A_94] : memref<50x80xi32, #tpu.memory_space<vmem>> -> memref<1x80xi32, #tpu.memory_space<vmem>>
        %dma_start3A_96 = tpu.memref_squeeze %dma_start3A_95 : memref<1x80xi32, #tpu.memory_space<vmem>> -> memref<80xi32, #tpu.memory_space<vmem>>
        %dma_start3A_97 = arith.constant 0 : i32
        %dma_start3A_98 = arith.constant 0 : i32
        %dma_start3A_99 = tpu.memref_slice %arg9[%dma_start3A_97, %dma_start3A_98] : memref<10112x128xf32, #tpu.memory_space<vmem_shared>> -> memref<10112x128xf32, #tpu.memory_space<vmem_shared>>
        tpu.enqueue_indirect_dma source(%dma_start3A_93 : memref<80x128xf32, #tpu.memory_space<vmem>>) target(%dma_start3A_99 : memref<10112x128xf32, #tpu.memory_space<vmem_shared>>) offsets(%dma_start3A_96 : memref<80xi32, #tpu.memory_space<vmem>>) semaphore(%run_scoped3A_90 : memref<!tpu.dma_semaphore, #tpu.memory_space<semaphore_mem>>) {add = true}
        %dma_wait3A_100 = arith.constant 80 : i32
        %dma_wait3A_101 = arith.constant 0 : i32
        %dma_wait3A_102 = tpu.memref_slice %arg8[%dma_wait3A_100, %dma_wait3A_101] : memref<240x128xf32, #tpu.memory_space<vmem>> -> memref<80x128xf32, #tpu.memory_space<vmem>>
        %dma_wait3A_103 = arith.constant 0 : i32
        %dma_wait3A_104 = tpu.memref_slice %arg7[%run_scoped3A_89, %dma_wait3A_103] : memref<50x80xi32, #tpu.memory_space<vmem>> -> memref<1x80xi32, #tpu.memory_space<vmem>>
        %dma_wait3A_105 = tpu.memref_squeeze %dma_wait3A_104 : memref<1x80xi32, #tpu.memory_space<vmem>> -> memref<80xi32, #tpu.memory_space<vmem>>
        %dma_wait3A_106 = arith.constant 0 : i32
        %dma_wait3A_107 = arith.constant 0 : i32
        %dma_wait3A_108 = tpu.memref_slice %arg9[%dma_wait3A_106, %dma_wait3A_107] : memref<10112x128xf32, #tpu.memory_space<vmem_shared>> -> memref<10112x128xf32, #tpu.memory_space<vmem_shared>>
        tpu.wait_indirect_dma semaphore(%run_scoped3A_90 : memref<!tpu.dma_semaphore, #tpu.memory_space<semaphore_mem>>) src(%dma_wait3A_102 : memref<80x128xf32, #tpu.memory_space<vmem>>) dst(%dma_wait3A_108 : memref<10112x128xf32, #tpu.memory_space<vmem_shared>>)
        tpu.yield
      }) : () -> ()
    }
    %scan3A_23 = arith.constant 5 : i32
    %barrier3A_24 = arith.constant 0 : index
    tpu.barrier barrier_id(%barrier3A_24)
    %mul3A_25 = arith.constant 632 : i32
    %mul3A_26 = arith.muli %arg1, %mul3A_25 : i32
    %multiple_of3A_27 = tpu.assume_multiple %mul3A_26, 8 : i32
    %mul3A_28 = arith.constant 10112 : i32
    %mul3A_29 = arith.muli %arg0, %mul3A_28 : i32
    %mul3A_30 = arith.constant 632 : i32
    %mul3A_31 = arith.muli %arg1, %mul3A_30 : i32
    %add3A_32 = arith.addi %mul3A_29, %mul3A_31 : i32
    %multiple_of3A_33 = tpu.assume_multiple %add3A_32, 8 : i32
    "tpu.region"() ({
      %run_scoped3A = tpu.sem_alloc : memref<!tpu.dma_semaphore, #tpu.memory_space<semaphore_mem>>
      %dma_start3A = arith.constant 0 : i32
      %dma_start3A_34 = tpu.memref_slice %arg5[%multiple_of3A_33, %dma_start3A] : memref<20224x128xf32, #tpu.memory_space<hbm>> -> memref<632x128xf32, #tpu.memory_space<hbm>>
      %dma_start3A_35 = arith.constant 0 : i32
      %dma_start3A_36 = tpu.memref_slice %arg9[%multiple_of3A_27, %dma_start3A_35] : memref<10112x128xf32, #tpu.memory_space<vmem_shared>> -> memref<632x128xf32, #tpu.memory_space<vmem_shared>>
      tpu.enqueue_dma source(%dma_start3A_36 : memref<632x128xf32, #tpu.memory_space<vmem_shared>>) target(%dma_start3A_34 : memref<632x128xf32, #tpu.memory_space<hbm>>) target_semaphore(%run_scoped3A : memref<!tpu.dma_semaphore, #tpu.memory_space<semaphore_mem>>)
      %dma_wait3A = arith.constant 0 : i32
      %dma_wait3A_37 = tpu.memref_slice %arg5[%multiple_of3A_33, %dma_wait3A] : memref<20224x128xf32, #tpu.memory_space<hbm>> -> memref<632x128xf32, #tpu.memory_space<hbm>>
      %dma_wait3A_38 = arith.constant 0 : i32
      %dma_wait3A_39 = tpu.memref_slice %arg9[%multiple_of3A_27, %dma_wait3A_38] : memref<10112x128xf32, #tpu.memory_space<vmem_shared>> -> memref<632x128xf32, #tpu.memory_space<vmem_shared>>
      tpu.wait_dma2 semaphore(%run_scoped3A : memref<!tpu.dma_semaphore, #tpu.memory_space<semaphore_mem>>) src(%dma_wait3A_39 : memref<632x128xf32, #tpu.memory_space<vmem_shared>>) dst(%dma_wait3A_37 : memref<632x128xf32, #tpu.memory_space<hbm>>)
      tpu.yield
    }) : () -> ()
    return
  }
}

#map = affine_map<(d0, d1) -> (0, 0)>
#map1 = affine_map<(d0, d1) -> (0, 0, 0, 0, 0)>
#map2 = affine_map<(d0, d1) -> (0, 0, 0, 0)>
module attributes {stable_mosaic.version = 14 : i64} {
  func.func @_sc_body(%arg0: i32, %arg1: i32, %arg2: memref<20000x128xf32, #tpu.memory_space<hbm>>, %arg3: memref<2x16x5x50x80xi32, #tpu.memory_space<hbm>>, %arg4: memref<16x5x50x80xi32, #tpu.memory_space<hbm>>, %arg5: memref<20224x128xf32, #tpu.memory_space<hbm>>, %arg6: memref<50x80xi32, #tpu.memory_space<vmem>>, %arg7: memref<50x80xi32, #tpu.memory_space<vmem>>, %arg8: memref<240x128xf32, #tpu.memory_space<vmem>>, %arg9: memref<10112x128xf32, #tpu.memory_space<vmem_shared>>, %arg10: memref<!tpu.dma_semaphore, #tpu.memory_space<semaphore_mem>>, %arg11: memref<!tpu.dma_semaphore, #tpu.memory_space<semaphore_mem>>, %arg12: memref<!tpu.dma_semaphore, #tpu.memory_space<semaphore_mem>>, %arg13: memref<!tpu.dma_semaphore, #tpu.memory_space<semaphore_mem>>, %arg14: memref<!tpu.dma_semaphore, #tpu.memory_space<semaphore_mem>>, %arg15: memref<!tpu.dma_semaphore, #tpu.memory_space<semaphore_mem>>) attributes {dimension_semantics = [#tpu.dimension_semantics<core_parallel>, #tpu.dimension_semantics<subcore_parallel>], iteration_bounds = array<i64: 2, 16>, scalar_prefetch = 0 : i64, scratch_operands = 10 : i64, tpu.core_type = #tpu.core_type<sc_vector_subcore>, window_params = [{transform_indices = #map}, {transform_indices = #map1}, {transform_indices = #map2}, {transform_indices = #map}]} {
    %broadcast_in_dim3A = arith.constant 0.000000e+00 : f32
    %broadcast_in_dim3A_0 = vector.broadcast %broadcast_in_dim3A : f32 to vector<16xf32>
    %scan3A = arith.constant 0 : i32
    %scan3A_1 = arith.constant 0 : i32
    %scan3A_2 = arith.constant 240 : i32
    %scan3A_3 = arith.addi %scan3A_1, %scan3A_2 : i32
    %scan3A_4 = arith.constant 1 : i32
    scf.for %scan3A_34 = %scan3A_1 to %scan3A_3 step %scan3A_4  : i32 {
      %swap3A = arith.index_cast %scan3A_34 : i32 to index
      %swap3A_35 = arith.constant 0 : index
      %swap3A_36 = tpu.vector_load %arg8[%swap3A, %swap3A_35] {strides = array<i32>} : memref<240x128xf32, #tpu.memory_space<vmem>>, vector<1x16xf32>,
      %swap3A_37 = vector.shape_cast %swap3A_36 : vector<1x16xf32> to vector<16xf32>
      %swap3A_38 = vector.shape_cast %broadcast_in_dim3A_0 : vector<16xf32> to vector<1x16xf32>
      tpu.vector_store %arg8[%swap3A, %swap3A_35], %swap3A_38 {strides = array<i32>} : memref<240x128xf32, #tpu.memory_space<vmem>>, vector<1x16xf32>,
      %swap3A_39 = arith.index_cast %scan3A_34 : i32 to index
      %swap3A_40 = arith.constant 16 : index
      %swap3A_41 = tpu.vector_load %arg8[%swap3A_39, %swap3A_40] {strides = array<i32>} : memref<240x128xf32, #tpu.memory_space<vmem>>, vector<1x16xf32>,
      %swap3A_42 = vector.shape_cast %swap3A_41 : vector<1x16xf32> to vector<16xf32>
      %swap3A_43 = vector.shape_cast %broadcast_in_dim3A_0 : vector<16xf32> to vector<1x16xf32>
      tpu.vector_store %arg8[%swap3A_39, %swap3A_40], %swap3A_43 {strides = array<i32>} : memref<240x128xf32, #tpu.memory_space<vmem>>, vector<1x16xf32>,
      %swap3A_44 = arith.index_cast %scan3A_34 : i32 to index
      %swap3A_45 = arith.constant 32 : index
      %swap3A_46 = tpu.vector_load %arg8[%swap3A_44, %swap3A_45] {strides = array<i32>} : memref<240x128xf32, #tpu.memory_space<vmem>>, vector<1x16xf32>,
      %swap3A_47 = vector.shape_cast %swap3A_46 : vector<1x16xf32> to vector<16xf32>
      %swap3A_48 = vector.shape_cast %broadcast_in_dim3A_0 : vector<16xf32> to vector<1x16xf32>
      tpu.vector_store %arg8[%swap3A_44, %swap3A_45], %swap3A_48 {strides = array<i32>} : memref<240x128xf32, #tpu.memory_space<vmem>>, vector<1x16xf32>,
      %swap3A_49 = arith.index_cast %scan3A_34 : i32 to index
      %swap3A_50 = arith.constant 48 : index
      %swap3A_51 = tpu.vector_load %arg8[%swap3A_49, %swap3A_50] {strides = array<i32>} : memref<240x128xf32, #tpu.memory_space<vmem>>, vector<1x16xf32>,
      %swap3A_52 = vector.shape_cast %swap3A_51 : vector<1x16xf32> to vector<16xf32>
      %swap3A_53 = vector.shape_cast %broadcast_in_dim3A_0 : vector<16xf32> to vector<1x16xf32>
      tpu.vector_store %arg8[%swap3A_49, %swap3A_50], %swap3A_53 {strides = array<i32>} : memref<240x128xf32, #tpu.memory_space<vmem>>, vector<1x16xf32>,
      %swap3A_54 = arith.index_cast %scan3A_34 : i32 to index
      %swap3A_55 = arith.constant 64 : index
      %swap3A_56 = tpu.vector_load %arg8[%swap3A_54, %swap3A_55] {strides = array<i32>} : memref<240x128xf32, #tpu.memory_space<vmem>>, vector<1x16xf32>,
      %swap3A_57 = vector.shape_cast %swap3A_56 : vector<1x16xf32> to vector<16xf32>
      %swap3A_58 = vector.shape_cast %broadcast_in_dim3A_0 : vector<16xf32> to vector<1x16xf32>
      tpu.vector_store %arg8[%swap3A_54, %swap3A_55], %swap3A_58 {strides = array<i32>} : memref<240x128xf32, #tpu.memory_space<vmem>>, vector<1x16xf32>,
      %swap3A_59 = arith.index_cast %scan3A_34 : i32 to index
      %swap3A_60 = arith.constant 80 : index
      %swap3A_61 = tpu.vector_load %arg8[%swap3A_59, %swap3A_60] {strides = array<i32>} : memref<240x128xf32, #tpu.memory_space<vmem>>, vector<1x16xf32>,
      %swap3A_62 = vector.shape_cast %swap3A_61 : vector<1x16xf32> to vector<16xf32>
      %swap3A_63 = vector.shape_cast %broadcast_in_dim3A_0 : vector<16xf32> to vector<1x16xf32>
      tpu.vector_store %arg8[%swap3A_59, %swap3A_60], %swap3A_63 {strides = array<i32>} : memref<240x128xf32, #tpu.memory_space<vmem>>, vector<1x16xf32>,
      %swap3A_64 = arith.index_cast %scan3A_34 : i32 to index
      %swap3A_65 = arith.constant 96 : index
      %swap3A_66 = tpu.vector_load %arg8[%swap3A_64, %swap3A_65] {strides = array<i32>} : memref<240x128xf32, #tpu.memory_space<vmem>>, vector<1x16xf32>,
      %swap3A_67 = vector.shape_cast %swap3A_66 : vector<1x16xf32> to vector<16xf32>
      %swap3A_68 = vector.shape_cast %broadcast_in_dim3A_0 : vector<16xf32> to vector<1x16xf32>
      tpu.vector_store %arg8[%swap3A_64, %swap3A_65], %swap3A_68 {strides = array<i32>} : memref<240x128xf32, #tpu.memory_space<vmem>>, vector<1x16xf32>,
      %swap3A_69 = arith.index_cast %scan3A_34 : i32 to index
      %swap3A_70 = arith.constant 112 : index
      %swap3A_71 = tpu.vector_load %arg8[%swap3A_69, %swap3A_70] {strides = array<i32>} : memref<240x128xf32, #tpu.memory_space<vmem>>, vector<1x16xf32>,
      %swap3A_72 = vector.shape_cast %swap3A_71 : vector<1x16xf32> to vector<16xf32>
      %swap3A_73 = vector.shape_cast %broadcast_in_dim3A_0 : vector<16xf32> to vector<1x16xf32>
      tpu.vector_store %arg8[%swap3A_69, %swap3A_70], %swap3A_73 {strides = array<i32>} : memref<240x128xf32, #tpu.memory_space<vmem>>, vector<1x16xf32>,
    }
    %scan3A_5 = arith.constant 240 : i32
    %mul3A = arith.constant 632 : i32
    %mul3A_6 = arith.muli %arg1, %mul3A : i32
    %add3A = arith.constant 0 : i32
    %add3A_7 = arith.addi %mul3A_6, %add3A : i32
    %multiple_of3A = tpu.assume_multiple %add3A_7, 8 : i32
    "tpu.region"() ({
      %run_scoped3A = tpu.sem_alloc : memref<!tpu.dma_semaphore, #tpu.memory_space<semaphore_mem>>
      %dma_start3A = arith.constant 0 : i32
      %dma_start3A_34 = tpu.memref_slice %arg9[%multiple_of3A, %dma_start3A] : memref<10112x128xf32, #tpu.memory_space<vmem_shared>> -> memref<240x128xf32, #tpu.memory_space<vmem_shared>>
      %dma_start3A_35 = arith.constant 0 : i32
      %dma_start3A_36 = tpu.memref_slice %arg9[%multiple_of3A, %dma_start3A_35] : memref<10112x128xf32, #tpu.memory_space<vmem_shared>> -> memref<240x128xf32, #tpu.memory_space<vmem_shared>>
      tpu.enqueue_dma source(%arg8 : memref<240x128xf32, #tpu.memory_space<vmem>>) target(%dma_start3A_36 : memref<240x128xf32, #tpu.memory_space<vmem_shared>>) target_semaphore(%run_scoped3A : memref<!tpu.dma_semaphore, #tpu.memory_space<semaphore_mem>>)
      %dma_wait3A = arith.constant 0 : i32
      %dma_wait3A_37 = tpu.memref_slice %arg9[%multiple_of3A, %dma_wait3A] : memref<10112x128xf32, #tpu.memory_space<vmem_shared>> -> memref<240x128xf32, #tpu.memory_space<vmem_shared>>
      %dma_wait3A_38 = arith.constant 0 : i32
      %dma_wait3A_39 = tpu.memref_slice %arg9[%multiple_of3A, %dma_wait3A_38] : memref<10112x128xf32, #tpu.memory_space<vmem_shared>> -> memref<240x128xf32, #tpu.memory_space<vmem_shared>>
      tpu.wait_dma2 semaphore(%run_scoped3A : memref<!tpu.dma_semaphore, #tpu.memory_space<semaphore_mem>>) src(%arg8 : memref<240x128xf32, #tpu.memory_space<vmem>>) dst(%dma_wait3A_39 : memref<240x128xf32, #tpu.memory_space<vmem_shared>>)
      tpu.yield
    }) : () -> ()
    %mul3A_8 = arith.constant 632 : i32
    %mul3A_9 = arith.muli %arg1, %mul3A_8 : i32
    %add3A_10 = arith.constant 240 : i32
    %add3A_11 = arith.addi %mul3A_9, %add3A_10 : i32
    %multiple_of3A_12 = tpu.assume_multiple %add3A_11, 8 : i32
    "tpu.region"() ({
      %run_scoped3A = tpu.sem_alloc : memref<!tpu.dma_semaphore, #tpu.memory_space<semaphore_mem>>
      %dma_start3A = arith.constant 0 : i32
      %dma_start3A_34 = tpu.memref_slice %arg9[%multiple_of3A_12, %dma_start3A] : memref<10112x128xf32, #tpu.memory_space<vmem_shared>> -> memref<240x128xf32, #tpu.memory_space<vmem_shared>>
      %dma_start3A_35 = arith.constant 0 : i32
      %dma_start3A_36 = tpu.memref_slice %arg9[%multiple_of3A_12, %dma_start3A_35] : memref<10112x128xf32, #tpu.memory_space<vmem_shared>> -> memref<240x128xf32, #tpu.memory_space<vmem_shared>>
      tpu.enqueue_dma source(%arg8 : memref<240x128xf32, #tpu.memory_space<vmem>>) target(%dma_start3A_36 : memref<240x128xf32, #tpu.memory_space<vmem_shared>>) target_semaphore(%run_scoped3A : memref<!tpu.dma_semaphore, #tpu.memory_space<semaphore_mem>>)
      %dma_wait3A = arith.constant 0 : i32
      %dma_wait3A_37 = tpu.memref_slice %arg9[%multiple_of3A_12, %dma_wait3A] : memref<10112x128xf32, #tpu.memory_space<vmem_shared>> -> memref<240x128xf32, #tpu.memory_space<vmem_shared>>
      %dma_wait3A_38 = arith.constant 0 : i32
      %dma_wait3A_39 = tpu.memref_slice %arg9[%multiple_of3A_12, %dma_wait3A_38] : memref<10112x128xf32, #tpu.memory_space<vmem_shared>> -> memref<240x128xf32, #tpu.memory_space<vmem_shared>>
      tpu.wait_dma2 semaphore(%run_scoped3A : memref<!tpu.dma_semaphore, #tpu.memory_space<semaphore_mem>>) src(%arg8 : memref<240x128xf32, #tpu.memory_space<vmem>>) dst(%dma_wait3A_39 : memref<240x128xf32, #tpu.memory_space<vmem_shared>>)
      tpu.yield
    }) : () -> ()
    %mul3A_13 = arith.constant 632 : i32
    %mul3A_14 = arith.muli %arg1, %mul3A_13 : i32
    %add3A_15 = arith.constant 480 : i32
    %add3A_16 = arith.addi %mul3A_14, %add3A_15 : i32
    %multiple_of3A_17 = tpu.assume_multiple %add3A_16, 8 : i32
    "tpu.region"() ({
      %run_scoped3A = tpu.sem_alloc : memref<!tpu.dma_semaphore, #tpu.memory_space<semaphore_mem>>
      %dma_start3A = arith.constant 0 : i32
      %dma_start3A_34 = arith.constant 0 : i32
      %dma_start3A_35 = tpu.memref_slice %arg8[%dma_start3A, %dma_start3A_34] : memref<240x128xf32, #tpu.memory_space<vmem>> -> memref<152x128xf32, #tpu.memory_space<vmem>>
      %dma_start3A_36 = arith.constant 0 : i32
      %dma_start3A_37 = tpu.memref_slice %arg9[%multiple_of3A_17, %dma_start3A_36] : memref<10112x128xf32, #tpu.memory_space<vmem_shared>> -> memref<152x128xf32, #tpu.memory_space<vmem_shared>>
      %dma_start3A_38 = arith.constant 0 : i32
      %dma_start3A_39 = tpu.memref_slice %arg9[%multiple_of3A_17, %dma_start3A_38] : memref<10112x128xf32, #tpu.memory_space<vmem_shared>> -> memref<152x128xf32, #tpu.memory_space<vmem_shared>>
      %dma_start3A_40 = arith.constant 0 : i32
      %dma_start3A_41 = arith.constant 0 : i32
      %dma_start3A_42 = tpu.memref_slice %arg8[%dma_start3A_40, %dma_start3A_41] : memref<240x128xf32, #tpu.memory_space<vmem>> -> memref<152x128xf32, #tpu.memory_space<vmem>>
      tpu.enqueue_dma source(%dma_start3A_42 : memref<152x128xf32, #tpu.memory_space<vmem>>) target(%dma_start3A_39 : memref<152x128xf32, #tpu.memory_space<vmem_shared>>) target_semaphore(%run_scoped3A : memref<!tpu.dma_semaphore, #tpu.memory_space<semaphore_mem>>)
      %dma_wait3A = arith.constant 0 : i32
      %dma_wait3A_43 = arith.constant 0 : i32
      %dma_wait3A_44 = tpu.memref_slice %arg8[%dma_wait3A, %dma_wait3A_43] : memref<240x128xf32, #tpu.memory_space<vmem>> -> memref<152x128xf32, #tpu.memory_space<vmem>>
      %dma_wait3A_45 = arith.constant 0 : i32
      %dma_wait3A_46 = tpu.memref_slice %arg9[%multiple_of3A_17, %dma_wait3A_45] : memref<10112x128xf32, #tpu.memory_space<vmem_shared>> -> memref<152x128xf32, #tpu.memory_space<vmem_shared>>
      %dma_wait3A_47 = arith.constant 0 : i32
      %dma_wait3A_48 = tpu.memref_slice %arg9[%multiple_of3A_17, %dma_wait3A_47] : memref<10112x128xf32, #tpu.memory_space<vmem_shared>> -> memref<152x128xf32, #tpu.memory_space<vmem_shared>>
      %dma_wait3A_49 = arith.constant 0 : i32
      %dma_wait3A_50 = arith.constant 0 : i32
      %dma_wait3A_51 = tpu.memref_slice %arg8[%dma_wait3A_49, %dma_wait3A_50] : memref<240x128xf32, #tpu.memory_space<vmem>> -> memref<152x128xf32, #tpu.memory_space<vmem>>
      tpu.wait_dma2 semaphore(%run_scoped3A : memref<!tpu.dma_semaphore, #tpu.memory_space<semaphore_mem>>) src(%dma_wait3A_51 : memref<152x128xf32, #tpu.memory_space<vmem>>) dst(%dma_wait3A_48 : memref<152x128xf32, #tpu.memory_space<vmem_shared>>)
      tpu.yield
    }) : () -> ()
    %barrier3A = arith.constant 0 : index
    tpu.barrier barrier_id(%barrier3A)
    %scan3A_18 = arith.constant 0 : i32
    %scan3A_19 = arith.constant 0 : i32
    %scan3A_20 = arith.constant 5 : i32
    %scan3A_21 = arith.addi %scan3A_19, %scan3A_20 : i32
    %scan3A_22 = arith.constant 1 : i32
    scf.for %scan3A_34 = %scan3A_19 to %scan3A_21 step %scan3A_22  : i32 {
      "tpu.region"() ({
        %run_scoped3A_90 = tpu.sem_alloc : memref<!tpu.dma_semaphore, #tpu.memory_space<semaphore_mem>>
        %dma_start3A_91 = arith.constant 0 : i32
        %dma_start3A_92 = arith.constant 0 : i32
        %dma_start3A_93 = tpu.memref_slice %arg3[%arg0, %arg1, %scan3A_34, %dma_start3A_91, %dma_start3A_92] : memref<2x16x5x50x80xi32, #tpu.memory_space<hbm>> -> memref<1x1x1x50x80xi32, #tpu.memory_space<hbm>>
        %dma_start3A_94 = tpu.memref_squeeze %dma_start3A_93 : memref<1x1x1x50x80xi32, #tpu.memory_space<hbm>> -> memref<50x80xi32, #tpu.memory_space<hbm>>
        %dma_start3A_95 = arith.constant 0 : i32
        %dma_start3A_96 = arith.constant 0 : i32
        %dma_start3A_97 = tpu.memref_slice %arg3[%arg0, %arg1, %scan3A_34, %dma_start3A_95, %dma_start3A_96] : memref<2x16x5x50x80xi32, #tpu.memory_space<hbm>> -> memref<1x1x1x50x80xi32, #tpu.memory_space<hbm>>
        %dma_start3A_98 = tpu.memref_squeeze %dma_start3A_97 : memref<1x1x1x50x80xi32, #tpu.memory_space<hbm>> -> memref<50x80xi32, #tpu.memory_space<hbm>>
        tpu.enqueue_dma source(%dma_start3A_98 : memref<50x80xi32, #tpu.memory_space<hbm>>) target(%arg6 : memref<50x80xi32, #tpu.memory_space<vmem>>) target_semaphore(%run_scoped3A_90 : memref<!tpu.dma_semaphore, #tpu.memory_space<semaphore_mem>>)
        %dma_wait3A_99 = arith.constant 0 : i32
        %dma_wait3A_100 = arith.constant 0 : i32
        %dma_wait3A_101 = tpu.memref_slice %arg3[%arg0, %arg1, %scan3A_34, %dma_wait3A_99, %dma_wait3A_100] : memref<2x16x5x50x80xi32, #tpu.memory_space<hbm>> -> memref<1x1x1x50x80xi32, #tpu.memory_space<hbm>>
        %dma_wait3A_102 = tpu.memref_squeeze %dma_wait3A_101 : memref<1x1x1x50x80xi32, #tpu.memory_space<hbm>> -> memref<50x80xi32, #tpu.memory_space<hbm>>
        %dma_wait3A_103 = arith.constant 0 : i32
        %dma_wait3A_104 = arith.constant 0 : i32
        %dma_wait3A_105 = tpu.memref_slice %arg3[%arg0, %arg1, %scan3A_34, %dma_wait3A_103, %dma_wait3A_104] : memref<2x16x5x50x80xi32, #tpu.memory_space<hbm>> -> memref<1x1x1x50x80xi32, #tpu.memory_space<hbm>>
        %dma_wait3A_106 = tpu.memref_squeeze %dma_wait3A_105 : memref<1x1x1x50x80xi32, #tpu.memory_space<hbm>> -> memref<50x80xi32, #tpu.memory_space<hbm>>
        tpu.wait_dma2 semaphore(%run_scoped3A_90 : memref<!tpu.dma_semaphore, #tpu.memory_space<semaphore_mem>>) src(%dma_wait3A_106 : memref<50x80xi32, #tpu.memory_space<hbm>>) dst(%arg6 : memref<50x80xi32, #tpu.memory_space<vmem>>)
        tpu.yield
      }) : () -> ()
      "tpu.region"() ({
        %run_scoped3A_90 = tpu.sem_alloc : memref<!tpu.dma_semaphore, #tpu.memory_space<semaphore_mem>>
        %dma_start3A_91 = arith.constant 0 : i32
        %dma_start3A_92 = arith.constant 0 : i32
        %dma_start3A_93 = tpu.memref_slice %arg4[%arg1, %scan3A_34, %dma_start3A_91, %dma_start3A_92] : memref<16x5x50x80xi32, #tpu.memory_space<hbm>> -> memref<1x1x50x80xi32, #tpu.memory_space<hbm>>
        %dma_start3A_94 = tpu.memref_squeeze %dma_start3A_93 : memref<1x1x50x80xi32, #tpu.memory_space<hbm>> -> memref<50x80xi32, #tpu.memory_space<hbm>>
        %dma_start3A_95 = arith.constant 0 : i32
        %dma_start3A_96 = arith.constant 0 : i32
        %dma_start3A_97 = tpu.memref_slice %arg4[%arg1, %scan3A_34, %dma_start3A_95, %dma_start3A_96] : memref<16x5x50x80xi32, #tpu.memory_space<hbm>> -> memref<1x1x50x80xi32, #tpu.memory_space<hbm>>
        %dma_start3A_98 = tpu.memref_squeeze %dma_start3A_97 : memref<1x1x50x80xi32, #tpu.memory_space<hbm>> -> memref<50x80xi32, #tpu.memory_space<hbm>>
        tpu.enqueue_dma source(%dma_start3A_98 : memref<50x80xi32, #tpu.memory_space<hbm>>) target(%arg7 : memref<50x80xi32, #tpu.memory_space<vmem>>) target_semaphore(%run_scoped3A_90 : memref<!tpu.dma_semaphore, #tpu.memory_space<semaphore_mem>>)
        %dma_wait3A_99 = arith.constant 0 : i32
        %dma_wait3A_100 = arith.constant 0 : i32
        %dma_wait3A_101 = tpu.memref_slice %arg4[%arg1, %scan3A_34, %dma_wait3A_99, %dma_wait3A_100] : memref<16x5x50x80xi32, #tpu.memory_space<hbm>> -> memref<1x1x50x80xi32, #tpu.memory_space<hbm>>
        %dma_wait3A_102 = tpu.memref_squeeze %dma_wait3A_101 : memref<1x1x50x80xi32, #tpu.memory_space<hbm>> -> memref<50x80xi32, #tpu.memory_space<hbm>>
        %dma_wait3A_103 = arith.constant 0 : i32
        %dma_wait3A_104 = arith.constant 0 : i32
        %dma_wait3A_105 = tpu.memref_slice %arg4[%arg1, %scan3A_34, %dma_wait3A_103, %dma_wait3A_104] : memref<16x5x50x80xi32, #tpu.memory_space<hbm>> -> memref<1x1x50x80xi32, #tpu.memory_space<hbm>>
        %dma_wait3A_106 = tpu.memref_squeeze %dma_wait3A_105 : memref<1x1x50x80xi32, #tpu.memory_space<hbm>> -> memref<50x80xi32, #tpu.memory_space<hbm>>
        tpu.wait_dma2 semaphore(%run_scoped3A_90 : memref<!tpu.dma_semaphore, #tpu.memory_space<semaphore_mem>>) src(%dma_wait3A_106 : memref<50x80xi32, #tpu.memory_space<hbm>>) dst(%arg7 : memref<50x80xi32, #tpu.memory_space<vmem>>)
        tpu.yield
      }) : () -> ()
      %dma_start3A = arith.constant 0 : i32
      %dma_start3A_35 = arith.constant 0 : i32
      %dma_start3A_36 = arith.constant 0 : i32
      %dma_start3A_37 = tpu.memref_slice %arg8[%dma_start3A_35, %dma_start3A_36] : memref<240x128xf32, #tpu.memory_space<vmem>> -> memref<80x128xf32, #tpu.memory_space<vmem>>
      %dma_start3A_38 = arith.constant 0 : i32
      %dma_start3A_39 = tpu.memref_slice %arg6[%dma_start3A, %dma_start3A_38] : memref<50x80xi32, #tpu.memory_space<vmem>> -> memref<1x80xi32, #tpu.memory_space<vmem>>
      %dma_start3A_40 = tpu.memref_squeeze %dma_start3A_39 : memref<1x80xi32, #tpu.memory_space<vmem>> -> memref<80xi32, #tpu.memory_space<vmem>>
      %dma_start3A_41 = arith.constant 0 : i32
      %dma_start3A_42 = arith.constant 0 : i32
      %dma_start3A_43 = tpu.memref_slice %arg2[%dma_start3A_41, %dma_start3A_42] : memref<20000x128xf32, #tpu.memory_space<hbm>> -> memref<20000x128xf32, #tpu.memory_space<hbm>>
      tpu.enqueue_indirect_dma source(%dma_start3A_43 : memref<20000x128xf32, #tpu.memory_space<hbm>>) target(%dma_start3A_37 : memref<80x128xf32, #tpu.memory_space<vmem>>) offsets(%dma_start3A_40 : memref<80xi32, #tpu.memory_space<vmem>>) semaphore(%arg10 : memref<!tpu.dma_semaphore, #tpu.memory_space<semaphore_mem>>)
      %dma_start3A_44 = arith.constant 1 : i32
      %dma_start3A_45 = arith.constant 80 : i32
      %dma_start3A_46 = arith.constant 0 : i32
      %dma_start3A_47 = tpu.memref_slice %arg8[%dma_start3A_45, %dma_start3A_46] : memref<240x128xf32, #tpu.memory_space<vmem>> -> memref<80x128xf32, #tpu.memory_space<vmem>>
      %dma_start3A_48 = arith.constant 0 : i32
      %dma_start3A_49 = tpu.memref_slice %arg6[%dma_start3A_44, %dma_start3A_48] : memref<50x80xi32, #tpu.memory_space<vmem>> -> memref<1x80xi32, #tpu.memory_space<vmem>>
      %dma_start3A_50 = tpu.memref_squeeze %dma_start3A_49 : memref<1x80xi32, #tpu.memory_space<vmem>> -> memref<80xi32, #tpu.memory_space<vmem>>
      %dma_start3A_51 = arith.constant 0 : i32
      %dma_start3A_52 = arith.constant 0 : i32
      %dma_start3A_53 = tpu.memref_slice %arg2[%dma_start3A_51, %dma_start3A_52] : memref<20000x128xf32, #tpu.memory_space<hbm>> -> memref<20000x128xf32, #tpu.memory_space<hbm>>
      tpu.enqueue_indirect_dma source(%dma_start3A_53 : memref<20000x128xf32, #tpu.memory_space<hbm>>) target(%dma_start3A_47 : memref<80x128xf32, #tpu.memory_space<vmem>>) offsets(%dma_start3A_50 : memref<80xi32, #tpu.memory_space<vmem>>) semaphore(%arg11 : memref<!tpu.dma_semaphore, #tpu.memory_space<semaphore_mem>>)
      %dma_start3A_54 = arith.constant 2 : i32
      %dma_start3A_55 = arith.constant 160 : i32
      %dma_start3A_56 = arith.constant 0 : i32
      %dma_start3A_57 = tpu.memref_slice %arg8[%dma_start3A_55, %dma_start3A_56] : memref<240x128xf32, #tpu.memory_space<vmem>> -> memref<80x128xf32, #tpu.memory_space<vmem>>
      %dma_start3A_58 = arith.constant 0 : i32
      %dma_start3A_59 = tpu.memref_slice %arg6[%dma_start3A_54, %dma_start3A_58] : memref<50x80xi32, #tpu.memory_space<vmem>> -> memref<1x80xi32, #tpu.memory_space<vmem>>
      %dma_start3A_60 = tpu.memref_squeeze %dma_start3A_59 : memref<1x80xi32, #tpu.memory_space<vmem>> -> memref<80xi32, #tpu.memory_space<vmem>>
      %dma_start3A_61 = arith.constant 0 : i32
      %dma_start3A_62 = arith.constant 0 : i32
      %dma_start3A_63 = tpu.memref_slice %arg2[%dma_start3A_61, %dma_start3A_62] : memref<20000x128xf32, #tpu.memory_space<hbm>> -> memref<20000x128xf32, #tpu.memory_space<hbm>>
      tpu.enqueue_indirect_dma source(%dma_start3A_63 : memref<20000x128xf32, #tpu.memory_space<hbm>>) target(%dma_start3A_57 : memref<80x128xf32, #tpu.memory_space<vmem>>) offsets(%dma_start3A_60 : memref<80xi32, #tpu.memory_space<vmem>>) semaphore(%arg12 : memref<!tpu.dma_semaphore, #tpu.memory_space<semaphore_mem>>)
      %scan3A_64 = arith.constant 0 : i32
      %scan3A_65 = arith.constant 0 : i32
      %scan3A_66 = arith.constant 16 : i32
      %scan3A_67 = arith.addi %scan3A_65, %scan3A_66 : i32
      %scan3A_68 = arith.constant 1 : i32
      scf.for %scan3A_90 = %scan3A_65 to %scan3A_67 step %scan3A_68  : i32 {
        %mul3A_91 = arith.constant 3 : i32
        %mul3A_92 = arith.muli %mul3A_91, %scan3A_90 : i32
        %add3A_93 = arith.constant 0 : i32
        %add3A_94 = arith.addi %mul3A_92, %add3A_93 : i32
        %dma_wait3A_95 = arith.constant 0 : i32
        %dma_wait3A_96 = arith.constant 0 : i32
        %dma_wait3A_97 = tpu.memref_slice %arg8[%dma_wait3A_95, %dma_wait3A_96] : memref<240x128xf32, #tpu.memory_space<vmem>> -> memref<80x128xf32, #tpu.memory_space<vmem>>
        %dma_wait3A_98 = arith.constant 0 : i32
        %dma_wait3A_99 = tpu.memref_slice %arg6[%add3A_94, %dma_wait3A_98] : memref<50x80xi32, #tpu.memory_space<vmem>> -> memref<1x80xi32, #tpu.memory_space<vmem>>
        %dma_wait3A_100 = tpu.memref_squeeze %dma_wait3A_99 : memref<1x80xi32, #tpu.memory_space<vmem>> -> memref<80xi32, #tpu.memory_space<vmem>>
        %dma_wait3A_101 = arith.constant 0 : i32
        %dma_wait3A_102 = arith.constant 0 : i32
        %dma_wait3A_103 = tpu.memref_slice %arg2[%dma_wait3A_101, %dma_wait3A_102] : memref<20000x128xf32, #tpu.memory_space<hbm>> -> memref<20000x128xf32, #tpu.memory_space<hbm>>
        tpu.wait_indirect_dma semaphore(%arg10 : memref<!tpu.dma_semaphore, #tpu.memory_space<semaphore_mem>>) src(%dma_wait3A_103 : memref<20000x128xf32, #tpu.memory_space<hbm>>) dst(%dma_wait3A_97 : memref<80x128xf32, #tpu.memory_space<vmem>>)
        %add3A_104 = arith.constant 0 : i32
        %add3A_105 = arith.addi %mul3A_92, %add3A_104 : i32
        %dma_start3A_106 = arith.constant 0 : i32
        %dma_start3A_107 = arith.constant 0 : i32
        %dma_start3A_108 = tpu.memref_slice %arg8[%dma_start3A_106, %dma_start3A_107] : memref<240x128xf32, #tpu.memory_space<vmem>> -> memref<80x128xf32, #tpu.memory_space<vmem>>
        %dma_start3A_109 = arith.constant 0 : i32
        %dma_start3A_110 = tpu.memref_slice %arg7[%add3A_105, %dma_start3A_109] : memref<50x80xi32, #tpu.memory_space<vmem>> -> memref<1x80xi32, #tpu.memory_space<vmem>>
        %dma_start3A_111 = tpu.memref_squeeze %dma_start3A_110 : memref<1x80xi32, #tpu.memory_space<vmem>> -> memref<80xi32, #tpu.memory_space<vmem>>
        %dma_start3A_112 = arith.constant 0 : i32
        %dma_start3A_113 = arith.constant 0 : i32
        %dma_start3A_114 = tpu.memref_slice %arg9[%dma_start3A_112, %dma_start3A_113] : memref<10112x128xf32, #tpu.memory_space<vmem_shared>> -> memref<10112x128xf32, #tpu.memory_space<vmem_shared>>
        tpu.enqueue_indirect_dma source(%dma_start3A_108 : memref<80x128xf32, #tpu.memory_space<vmem>>) target(%dma_start3A_114 : memref<10112x128xf32, #tpu.memory_space<vmem_shared>>) offsets(%dma_start3A_111 : memref<80xi32, #tpu.memory_space<vmem>>) semaphore(%arg13 : memref<!tpu.dma_semaphore, #tpu.memory_space<semaphore_mem>>) {add = true}
        %add3A_115 = arith.constant 1 : i32
        %add3A_116 = arith.addi %mul3A_92, %add3A_115 : i32
        %dma_wait3A_117 = arith.constant 80 : i32
        %dma_wait3A_118 = arith.constant 0 : i32
        %dma_wait3A_119 = tpu.memref_slice %arg8[%dma_wait3A_117, %dma_wait3A_118] : memref<240x128xf32, #tpu.memory_space<vmem>> -> memref<80x128xf32, #tpu.memory_space<vmem>>
        %dma_wait3A_120 = arith.constant 0 : i32
        %dma_wait3A_121 = tpu.memref_slice %arg6[%add3A_116, %dma_wait3A_120] : memref<50x80xi32, #tpu.memory_space<vmem>> -> memref<1x80xi32, #tpu.memory_space<vmem>>
        %dma_wait3A_122 = tpu.memref_squeeze %dma_wait3A_121 : memref<1x80xi32, #tpu.memory_space<vmem>> -> memref<80xi32, #tpu.memory_space<vmem>>
        %dma_wait3A_123 = arith.constant 0 : i32
        %dma_wait3A_124 = arith.constant 0 : i32
        %dma_wait3A_125 = tpu.memref_slice %arg2[%dma_wait3A_123, %dma_wait3A_124] : memref<20000x128xf32, #tpu.memory_space<hbm>> -> memref<20000x128xf32, #tpu.memory_space<hbm>>
        tpu.wait_indirect_dma semaphore(%arg11 : memref<!tpu.dma_semaphore, #tpu.memory_space<semaphore_mem>>) src(%dma_wait3A_125 : memref<20000x128xf32, #tpu.memory_space<hbm>>) dst(%dma_wait3A_119 : memref<80x128xf32, #tpu.memory_space<vmem>>)
        %add3A_126 = arith.constant 1 : i32
        %add3A_127 = arith.addi %mul3A_92, %add3A_126 : i32
        %dma_start3A_128 = arith.constant 80 : i32
        %dma_start3A_129 = arith.constant 0 : i32
        %dma_start3A_130 = tpu.memref_slice %arg8[%dma_start3A_128, %dma_start3A_129] : memref<240x128xf32, #tpu.memory_space<vmem>> -> memref<80x128xf32, #tpu.memory_space<vmem>>
        %dma_start3A_131 = arith.constant 0 : i32
        %dma_start3A_132 = tpu.memref_slice %arg7[%add3A_127, %dma_start3A_131] : memref<50x80xi32, #tpu.memory_space<vmem>> -> memref<1x80xi32, #tpu.memory_space<vmem>>
        %dma_start3A_133 = tpu.memref_squeeze %dma_start3A_132 : memref<1x80xi32, #tpu.memory_space<vmem>> -> memref<80xi32, #tpu.memory_space<vmem>>
        %dma_start3A_134 = arith.constant 0 : i32
        %dma_start3A_135 = arith.constant 0 : i32
        %dma_start3A_136 = tpu.memref_slice %arg9[%dma_start3A_134, %dma_start3A_135] : memref<10112x128xf32, #tpu.memory_space<vmem_shared>> -> memref<10112x128xf32, #tpu.memory_space<vmem_shared>>
        tpu.enqueue_indirect_dma source(%dma_start3A_130 : memref<80x128xf32, #tpu.memory_space<vmem>>) target(%dma_start3A_136 : memref<10112x128xf32, #tpu.memory_space<vmem_shared>>) offsets(%dma_start3A_133 : memref<80xi32, #tpu.memory_space<vmem>>) semaphore(%arg14 : memref<!tpu.dma_semaphore, #tpu.memory_space<semaphore_mem>>) {add = true}
        %add3A_137 = arith.constant 2 : i32
        %add3A_138 = arith.addi %mul3A_92, %add3A_137 : i32
        %dma_wait3A_139 = arith.constant 160 : i32
        %dma_wait3A_140 = arith.constant 0 : i32
        %dma_wait3A_141 = tpu.memref_slice %arg8[%dma_wait3A_139, %dma_wait3A_140] : memref<240x128xf32, #tpu.memory_space<vmem>> -> memref<80x128xf32, #tpu.memory_space<vmem>>
        %dma_wait3A_142 = arith.constant 0 : i32
        %dma_wait3A_143 = tpu.memref_slice %arg6[%add3A_138, %dma_wait3A_142] : memref<50x80xi32, #tpu.memory_space<vmem>> -> memref<1x80xi32, #tpu.memory_space<vmem>>
        %dma_wait3A_144 = tpu.memref_squeeze %dma_wait3A_143 : memref<1x80xi32, #tpu.memory_space<vmem>> -> memref<80xi32, #tpu.memory_space<vmem>>
        %dma_wait3A_145 = arith.constant 0 : i32
        %dma_wait3A_146 = arith.constant 0 : i32
        %dma_wait3A_147 = tpu.memref_slice %arg2[%dma_wait3A_145, %dma_wait3A_146] : memref<20000x128xf32, #tpu.memory_space<hbm>> -> memref<20000x128xf32, #tpu.memory_space<hbm>>
        tpu.wait_indirect_dma semaphore(%arg12 : memref<!tpu.dma_semaphore, #tpu.memory_space<semaphore_mem>>) src(%dma_wait3A_147 : memref<20000x128xf32, #tpu.memory_space<hbm>>) dst(%dma_wait3A_141 : memref<80x128xf32, #tpu.memory_space<vmem>>)
        %add3A_148 = arith.constant 2 : i32
        %add3A_149 = arith.addi %mul3A_92, %add3A_148 : i32
        %dma_start3A_150 = arith.constant 160 : i32
        %dma_start3A_151 = arith.constant 0 : i32
        %dma_start3A_152 = tpu.memref_slice %arg8[%dma_start3A_150, %dma_start3A_151] : memref<240x128xf32, #tpu.memory_space<vmem>> -> memref<80x128xf32, #tpu.memory_space<vmem>>
        %dma_start3A_153 = arith.constant 0 : i32
        %dma_start3A_154 = tpu.memref_slice %arg7[%add3A_149, %dma_start3A_153] : memref<50x80xi32, #tpu.memory_space<vmem>> -> memref<1x80xi32, #tpu.memory_space<vmem>>
        %dma_start3A_155 = tpu.memref_squeeze %dma_start3A_154 : memref<1x80xi32, #tpu.memory_space<vmem>> -> memref<80xi32, #tpu.memory_space<vmem>>
        %dma_start3A_156 = arith.constant 0 : i32
        %dma_start3A_157 = arith.constant 0 : i32
        %dma_start3A_158 = tpu.memref_slice %arg9[%dma_start3A_156, %dma_start3A_157] : memref<10112x128xf32, #tpu.memory_space<vmem_shared>> -> memref<10112x128xf32, #tpu.memory_space<vmem_shared>>
        tpu.enqueue_indirect_dma source(%dma_start3A_152 : memref<80x128xf32, #tpu.memory_space<vmem>>) target(%dma_start3A_158 : memref<10112x128xf32, #tpu.memory_space<vmem_shared>>) offsets(%dma_start3A_155 : memref<80xi32, #tpu.memory_space<vmem>>) semaphore(%arg15 : memref<!tpu.dma_semaphore, #tpu.memory_space<semaphore_mem>>) {add = true}
        %add3A_159 = arith.constant 0 : i32
        %add3A_160 = arith.addi %mul3A_92, %add3A_159 : i32
        %dma_wait3A_161 = arith.constant 0 : i32
        %dma_wait3A_162 = arith.constant 0 : i32
        %dma_wait3A_163 = tpu.memref_slice %arg8[%dma_wait3A_161, %dma_wait3A_162] : memref<240x128xf32, #tpu.memory_space<vmem>> -> memref<80x128xf32, #tpu.memory_space<vmem>>
        %dma_wait3A_164 = arith.constant 0 : i32
        %dma_wait3A_165 = tpu.memref_slice %arg7[%add3A_160, %dma_wait3A_164] : memref<50x80xi32, #tpu.memory_space<vmem>> -> memref<1x80xi32, #tpu.memory_space<vmem>>
        %dma_wait3A_166 = tpu.memref_squeeze %dma_wait3A_165 : memref<1x80xi32, #tpu.memory_space<vmem>> -> memref<80xi32, #tpu.memory_space<vmem>>
        %dma_wait3A_167 = arith.constant 0 : i32
        %dma_wait3A_168 = arith.constant 0 : i32
        %dma_wait3A_169 = tpu.memref_slice %arg9[%dma_wait3A_167, %dma_wait3A_168] : memref<10112x128xf32, #tpu.memory_space<vmem_shared>> -> memref<10112x128xf32, #tpu.memory_space<vmem_shared>>
        tpu.wait_indirect_dma semaphore(%arg13 : memref<!tpu.dma_semaphore, #tpu.memory_space<semaphore_mem>>) src(%dma_wait3A_163 : memref<80x128xf32, #tpu.memory_space<vmem>>) dst(%dma_wait3A_169 : memref<10112x128xf32, #tpu.memory_space<vmem_shared>>)
        %add3A_170 = arith.constant 3 : i32
        %add3A_171 = arith.addi %mul3A_92, %add3A_170 : i32
        %add3A_172 = arith.constant 0 : i32
        %add3A_173 = arith.addi %add3A_171, %add3A_172 : i32
        %lt3A = arith.constant 50 : i32
        %lt3A_174 = arith.cmpi slt, %add3A_173, %lt3A : i32
        %convert_element_type3A = arith.extui %lt3A_174 : i1 to i32
        %cond3A = arith.constant 0 : i32
        %cond3A_175 = arith.cmpi ne, %convert_element_type3A, %cond3A : i32
        scf.if %cond3A_175 {
          %add3A_216 = arith.constant 3 : i32
          %add3A_217 = arith.addi %mul3A_92, %add3A_216 : i32
          %add3A_218 = arith.constant 0 : i32
          %add3A_219 = arith.addi %add3A_217, %add3A_218 : i32
          %dma_start3A_220 = arith.constant 0 : i32
          %dma_start3A_221 = arith.constant 0 : i32
          %dma_start3A_222 = tpu.memref_slice %arg8[%dma_start3A_220, %dma_start3A_221] : memref<240x128xf32, #tpu.memory_space<vmem>> -> memref<80x128xf32, #tpu.memory_space<vmem>>
          %dma_start3A_223 = arith.constant 0 : i32
          %dma_start3A_224 = tpu.memref_slice %arg6[%add3A_219, %dma_start3A_223] : memref<50x80xi32, #tpu.memory_space<vmem>> -> memref<1x80xi32, #tpu.memory_space<vmem>>
          %dma_start3A_225 = tpu.memref_squeeze %dma_start3A_224 : memref<1x80xi32, #tpu.memory_space<vmem>> -> memref<80xi32, #tpu.memory_space<vmem>>
          %dma_start3A_226 = arith.constant 0 : i32
          %dma_start3A_227 = arith.constant 0 : i32
          %dma_start3A_228 = tpu.memref_slice %arg2[%dma_start3A_226, %dma_start3A_227] : memref<20000x128xf32, #tpu.memory_space<hbm>> -> memref<20000x128xf32, #tpu.memory_space<hbm>>
          tpu.enqueue_indirect_dma source(%dma_start3A_228 : memref<20000x128xf32, #tpu.memory_space<hbm>>) target(%dma_start3A_222 : memref<80x128xf32, #tpu.memory_space<vmem>>) offsets(%dma_start3A_225 : memref<80xi32, #tpu.memory_space<vmem>>) semaphore(%arg10 : memref<!tpu.dma_semaphore, #tpu.memory_space<semaphore_mem>>)
        } else {
        }
        %add3A_176 = arith.constant 1 : i32
        %add3A_177 = arith.addi %mul3A_92, %add3A_176 : i32
        %dma_wait3A_178 = arith.constant 80 : i32
        %dma_wait3A_179 = arith.constant 0 : i32
        %dma_wait3A_180 = tpu.memref_slice %arg8[%dma_wait3A_178, %dma_wait3A_179] : memref<240x128xf32, #tpu.memory_space<vmem>> -> memref<80x128xf32, #tpu.memory_space<vmem>>
        %dma_wait3A_181 = arith.constant 0 : i32
        %dma_wait3A_182 = tpu.memref_slice %arg7[%add3A_177, %dma_wait3A_181] : memref<50x80xi32, #tpu.memory_space<vmem>> -> memref<1x80xi32, #tpu.memory_space<vmem>>
        %dma_wait3A_183 = tpu.memref_squeeze %dma_wait3A_182 : memref<1x80xi32, #tpu.memory_space<vmem>> -> memref<80xi32, #tpu.memory_space<vmem>>
        %dma_wait3A_184 = arith.constant 0 : i32
        %dma_wait3A_185 = arith.constant 0 : i32
        %dma_wait3A_186 = tpu.memref_slice %arg9[%dma_wait3A_184, %dma_wait3A_185] : memref<10112x128xf32, #tpu.memory_space<vmem_shared>> -> memref<10112x128xf32, #tpu.memory_space<vmem_shared>>
        tpu.wait_indirect_dma semaphore(%arg14 : memref<!tpu.dma_semaphore, #tpu.memory_space<semaphore_mem>>) src(%dma_wait3A_180 : memref<80x128xf32, #tpu.memory_space<vmem>>) dst(%dma_wait3A_186 : memref<10112x128xf32, #tpu.memory_space<vmem_shared>>)
        %add3A_187 = arith.constant 3 : i32
        %add3A_188 = arith.addi %mul3A_92, %add3A_187 : i32
        %add3A_189 = arith.constant 1 : i32
        %add3A_190 = arith.addi %add3A_188, %add3A_189 : i32
        %lt3A_191 = arith.constant 50 : i32
        %lt3A_192 = arith.cmpi slt, %add3A_190, %lt3A_191 : i32
        %convert_element_type3A_193 = arith.extui %lt3A_192 : i1 to i32
        %cond3A_194 = arith.constant 0 : i32
        %cond3A_195 = arith.cmpi ne, %convert_element_type3A_193, %cond3A_194 : i32
        scf.if %cond3A_195 {
          %add3A_216 = arith.constant 3 : i32
          %add3A_217 = arith.addi %mul3A_92, %add3A_216 : i32
          %add3A_218 = arith.constant 1 : i32
          %add3A_219 = arith.addi %add3A_217, %add3A_218 : i32
          %dma_start3A_220 = arith.constant 80 : i32
          %dma_start3A_221 = arith.constant 0 : i32
          %dma_start3A_222 = tpu.memref_slice %arg8[%dma_start3A_220, %dma_start3A_221] : memref<240x128xf32, #tpu.memory_space<vmem>> -> memref<80x128xf32, #tpu.memory_space<vmem>>
          %dma_start3A_223 = arith.constant 0 : i32
          %dma_start3A_224 = tpu.memref_slice %arg6[%add3A_219, %dma_start3A_223] : memref<50x80xi32, #tpu.memory_space<vmem>> -> memref<1x80xi32, #tpu.memory_space<vmem>>
          %dma_start3A_225 = tpu.memref_squeeze %dma_start3A_224 : memref<1x80xi32, #tpu.memory_space<vmem>> -> memref<80xi32, #tpu.memory_space<vmem>>
          %dma_start3A_226 = arith.constant 0 : i32
          %dma_start3A_227 = arith.constant 0 : i32
          %dma_start3A_228 = tpu.memref_slice %arg2[%dma_start3A_226, %dma_start3A_227] : memref<20000x128xf32, #tpu.memory_space<hbm>> -> memref<20000x128xf32, #tpu.memory_space<hbm>>
          tpu.enqueue_indirect_dma source(%dma_start3A_228 : memref<20000x128xf32, #tpu.memory_space<hbm>>) target(%dma_start3A_222 : memref<80x128xf32, #tpu.memory_space<vmem>>) offsets(%dma_start3A_225 : memref<80xi32, #tpu.memory_space<vmem>>) semaphore(%arg11 : memref<!tpu.dma_semaphore, #tpu.memory_space<semaphore_mem>>)
        } else {
        }
        %add3A_196 = arith.constant 2 : i32
        %add3A_197 = arith.addi %mul3A_92, %add3A_196 : i32
        %dma_wait3A_198 = arith.constant 160 : i32
        %dma_wait3A_199 = arith.constant 0 : i32
        %dma_wait3A_200 = tpu.memref_slice %arg8[%dma_wait3A_198, %dma_wait3A_199] : memref<240x128xf32, #tpu.memory_space<vmem>> -> memref<80x128xf32, #tpu.memory_space<vmem>>
        %dma_wait3A_201 = arith.constant 0 : i32
        %dma_wait3A_202 = tpu.memref_slice %arg7[%add3A_197, %dma_wait3A_201] : memref<50x80xi32, #tpu.memory_space<vmem>> -> memref<1x80xi32, #tpu.memory_space<vmem>>
        %dma_wait3A_203 = tpu.memref_squeeze %dma_wait3A_202 : memref<1x80xi32, #tpu.memory_space<vmem>> -> memref<80xi32, #tpu.memory_space<vmem>>
        %dma_wait3A_204 = arith.constant 0 : i32
        %dma_wait3A_205 = arith.constant 0 : i32
        %dma_wait3A_206 = tpu.memref_slice %arg9[%dma_wait3A_204, %dma_wait3A_205] : memref<10112x128xf32, #tpu.memory_space<vmem_shared>> -> memref<10112x128xf32, #tpu.memory_space<vmem_shared>>
        tpu.wait_indirect_dma semaphore(%arg15 : memref<!tpu.dma_semaphore, #tpu.memory_space<semaphore_mem>>) src(%dma_wait3A_200 : memref<80x128xf32, #tpu.memory_space<vmem>>) dst(%dma_wait3A_206 : memref<10112x128xf32, #tpu.memory_space<vmem_shared>>)
        %add3A_207 = arith.constant 3 : i32
        %add3A_208 = arith.addi %mul3A_92, %add3A_207 : i32
        %add3A_209 = arith.constant 2 : i32
        %add3A_210 = arith.addi %add3A_208, %add3A_209 : i32
        %lt3A_211 = arith.constant 50 : i32
        %lt3A_212 = arith.cmpi slt, %add3A_210, %lt3A_211 : i32
        %convert_element_type3A_213 = arith.extui %lt3A_212 : i1 to i32
        %cond3A_214 = arith.constant 0 : i32
        %cond3A_215 = arith.cmpi ne, %convert_element_type3A_213, %cond3A_214 : i32
        scf.if %cond3A_215 {
          %add3A_216 = arith.constant 3 : i32
          %add3A_217 = arith.addi %mul3A_92, %add3A_216 : i32
          %add3A_218 = arith.constant 2 : i32
          %add3A_219 = arith.addi %add3A_217, %add3A_218 : i32
          %dma_start3A_220 = arith.constant 160 : i32
          %dma_start3A_221 = arith.constant 0 : i32
          %dma_start3A_222 = tpu.memref_slice %arg8[%dma_start3A_220, %dma_start3A_221] : memref<240x128xf32, #tpu.memory_space<vmem>> -> memref<80x128xf32, #tpu.memory_space<vmem>>
          %dma_start3A_223 = arith.constant 0 : i32
          %dma_start3A_224 = tpu.memref_slice %arg6[%add3A_219, %dma_start3A_223] : memref<50x80xi32, #tpu.memory_space<vmem>> -> memref<1x80xi32, #tpu.memory_space<vmem>>
          %dma_start3A_225 = tpu.memref_squeeze %dma_start3A_224 : memref<1x80xi32, #tpu.memory_space<vmem>> -> memref<80xi32, #tpu.memory_space<vmem>>
          %dma_start3A_226 = arith.constant 0 : i32
          %dma_start3A_227 = arith.constant 0 : i32
          %dma_start3A_228 = tpu.memref_slice %arg2[%dma_start3A_226, %dma_start3A_227] : memref<20000x128xf32, #tpu.memory_space<hbm>> -> memref<20000x128xf32, #tpu.memory_space<hbm>>
          tpu.enqueue_indirect_dma source(%dma_start3A_228 : memref<20000x128xf32, #tpu.memory_space<hbm>>) target(%dma_start3A_222 : memref<80x128xf32, #tpu.memory_space<vmem>>) offsets(%dma_start3A_225 : memref<80xi32, #tpu.memory_space<vmem>>) semaphore(%arg12 : memref<!tpu.dma_semaphore, #tpu.memory_space<semaphore_mem>>)
        } else {
        }
      }
      %scan3A_69 = arith.constant 16 : i32
      %dma_wait3A = arith.constant 48 : i32
      %dma_wait3A_70 = arith.constant 0 : i32
      %dma_wait3A_71 = arith.constant 0 : i32
      %dma_wait3A_72 = tpu.memref_slice %arg8[%dma_wait3A_70, %dma_wait3A_71] : memref<240x128xf32, #tpu.memory_space<vmem>> -> memref<80x128xf32, #tpu.memory_space<vmem>>
      %dma_wait3A_73 = arith.constant 0 : i32
      %dma_wait3A_74 = tpu.memref_slice %arg6[%dma_wait3A, %dma_wait3A_73] : memref<50x80xi32, #tpu.memory_space<vmem>> -> memref<1x80xi32, #tpu.memory_space<vmem>>
      %dma_wait3A_75 = tpu.memref_squeeze %dma_wait3A_74 : memref<1x80xi32, #tpu.memory_space<vmem>> -> memref<80xi32, #tpu.memory_space<vmem>>
      %dma_wait3A_76 = arith.constant 0 : i32
      %dma_wait3A_77 = arith.constant 0 : i32
      %dma_wait3A_78 = tpu.memref_slice %arg2[%dma_wait3A_76, %dma_wait3A_77] : memref<20000x128xf32, #tpu.memory_space<hbm>> -> memref<20000x128xf32, #tpu.memory_space<hbm>>
      tpu.wait_indirect_dma semaphore(%arg10 : memref<!tpu.dma_semaphore, #tpu.memory_space<semaphore_mem>>) src(%dma_wait3A_78 : memref<20000x128xf32, #tpu.memory_space<hbm>>) dst(%dma_wait3A_72 : memref<80x128xf32, #tpu.memory_space<vmem>>)
      %run_scoped3A = arith.constant 48 : i32
      "tpu.region"() ({
        %run_scoped3A_90 = tpu.sem_alloc : memref<!tpu.dma_semaphore, #tpu.memory_space<semaphore_mem>>
        %dma_start3A_91 = arith.constant 0 : i32
        %dma_start3A_92 = arith.constant 0 : i32
        %dma_start3A_93 = tpu.memref_slice %arg8[%dma_start3A_91, %dma_start3A_92] : memref<240x128xf32, #tpu.memory_space<vmem>> -> memref<80x128xf32, #tpu.memory_space<vmem>>
        %dma_start3A_94 = arith.constant 0 : i32
        %dma_start3A_95 = tpu.memref_slice %arg7[%run_scoped3A, %dma_start3A_94] : memref<50x80xi32, #tpu.memory_space<vmem>> -> memref<1x80xi32, #tpu.memory_space<vmem>>
        %dma_start3A_96 = tpu.memref_squeeze %dma_start3A_95 : memref<1x80xi32, #tpu.memory_space<vmem>> -> memref<80xi32, #tpu.memory_space<vmem>>
        %dma_start3A_97 = arith.constant 0 : i32
        %dma_start3A_98 = arith.constant 0 : i32
        %dma_start3A_99 = tpu.memref_slice %arg9[%dma_start3A_97, %dma_start3A_98] : memref<10112x128xf32, #tpu.memory_space<vmem_shared>> -> memref<10112x128xf32, #tpu.memory_space<vmem_shared>>
        tpu.enqueue_indirect_dma source(%dma_start3A_93 : memref<80x128xf32, #tpu.memory_space<vmem>>) target(%dma_start3A_99 : memref<10112x128xf32, #tpu.memory_space<vmem_shared>>) offsets(%dma_start3A_96 : memref<80xi32, #tpu.memory_space<vmem>>) semaphore(%run_scoped3A_90 : memref<!tpu.dma_semaphore, #tpu.memory_space<semaphore_mem>>) {add = true}
        %dma_wait3A_100 = arith.constant 0 : i32
        %dma_wait3A_101 = arith.constant 0 : i32
        %dma_wait3A_102 = tpu.memref_slice %arg8[%dma_wait3A_100, %dma_wait3A_101] : memref<240x128xf32, #tpu.memory_space<vmem>> -> memref<80x128xf32, #tpu.memory_space<vmem>>
        %dma_wait3A_103 = arith.constant 0 : i32
        %dma_wait3A_104 = tpu.memref_slice %arg7[%run_scoped3A, %dma_wait3A_103] : memref<50x80xi32, #tpu.memory_space<vmem>> -> memref<1x80xi32, #tpu.memory_space<vmem>>
        %dma_wait3A_105 = tpu.memref_squeeze %dma_wait3A_104 : memref<1x80xi32, #tpu.memory_space<vmem>> -> memref<80xi32, #tpu.memory_space<vmem>>
        %dma_wait3A_106 = arith.constant 0 : i32
        %dma_wait3A_107 = arith.constant 0 : i32
        %dma_wait3A_108 = tpu.memref_slice %arg9[%dma_wait3A_106, %dma_wait3A_107] : memref<10112x128xf32, #tpu.memory_space<vmem_shared>> -> memref<10112x128xf32, #tpu.memory_space<vmem_shared>>
        tpu.wait_indirect_dma semaphore(%run_scoped3A_90 : memref<!tpu.dma_semaphore, #tpu.memory_space<semaphore_mem>>) src(%dma_wait3A_102 : memref<80x128xf32, #tpu.memory_space<vmem>>) dst(%dma_wait3A_108 : memref<10112x128xf32, #tpu.memory_space<vmem_shared>>)
        tpu.yield
      }) : () -> ()
      %dma_wait3A_79 = arith.constant 49 : i32
      %dma_wait3A_80 = arith.constant 80 : i32
      %dma_wait3A_81 = arith.constant 0 : i32
      %dma_wait3A_82 = tpu.memref_slice %arg8[%dma_wait3A_80, %dma_wait3A_81] : memref<240x128xf32, #tpu.memory_space<vmem>> -> memref<80x128xf32, #tpu.memory_space<vmem>>
      %dma_wait3A_83 = arith.constant 0 : i32
      %dma_wait3A_84 = tpu.memref_slice %arg6[%dma_wait3A_79, %dma_wait3A_83] : memref<50x80xi32, #tpu.memory_space<vmem>> -> memref<1x80xi32, #tpu.memory_space<vmem>>
      %dma_wait3A_85 = tpu.memref_squeeze %dma_wait3A_84 : memref<1x80xi32, #tpu.memory_space<vmem>> -> memref<80xi32, #tpu.memory_space<vmem>>
      %dma_wait3A_86 = arith.constant 0 : i32
      %dma_wait3A_87 = arith.constant 0 : i32
      %dma_wait3A_88 = tpu.memref_slice %arg2[%dma_wait3A_86, %dma_wait3A_87] : memref<20000x128xf32, #tpu.memory_space<hbm>> -> memref<20000x128xf32, #tpu.memory_space<hbm>>
      tpu.wait_indirect_dma semaphore(%arg11 : memref<!tpu.dma_semaphore, #tpu.memory_space<semaphore_mem>>) src(%dma_wait3A_88 : memref<20000x128xf32, #tpu.memory_space<hbm>>) dst(%dma_wait3A_82 : memref<80x128xf32, #tpu.memory_space<vmem>>)
      %run_scoped3A_89 = arith.constant 49 : i32
      "tpu.region"() ({
        %run_scoped3A_90 = tpu.sem_alloc : memref<!tpu.dma_semaphore, #tpu.memory_space<semaphore_mem>>
        %dma_start3A_91 = arith.constant 80 : i32
        %dma_start3A_92 = arith.constant 0 : i32
        %dma_start3A_93 = tpu.memref_slice %arg8[%dma_start3A_91, %dma_start3A_92] : memref<240x128xf32, #tpu.memory_space<vmem>> -> memref<80x128xf32, #tpu.memory_space<vmem>>
        %dma_start3A_94 = arith.constant 0 : i32
        %dma_start3A_95 = tpu.memref_slice %arg7[%run_scoped3A_89, %dma_start3A_94] : memref<50x80xi32, #tpu.memory_space<vmem>> -> memref<1x80xi32, #tpu.memory_space<vmem>>
        %dma_start3A_96 = tpu.memref_squeeze %dma_start3A_95 : memref<1x80xi32, #tpu.memory_space<vmem>> -> memref<80xi32, #tpu.memory_space<vmem>>
        %dma_start3A_97 = arith.constant 0 : i32
        %dma_start3A_98 = arith.constant 0 : i32
        %dma_start3A_99 = tpu.memref_slice %arg9[%dma_start3A_97, %dma_start3A_98] : memref<10112x128xf32, #tpu.memory_space<vmem_shared>> -> memref<10112x128xf32, #tpu.memory_space<vmem_shared>>
        tpu.enqueue_indirect_dma source(%dma_start3A_93 : memref<80x128xf32, #tpu.memory_space<vmem>>) target(%dma_start3A_99 : memref<10112x128xf32, #tpu.memory_space<vmem_shared>>) offsets(%dma_start3A_96 : memref<80xi32, #tpu.memory_space<vmem>>) semaphore(%run_scoped3A_90 : memref<!tpu.dma_semaphore, #tpu.memory_space<semaphore_mem>>) {add = true}
        %dma_wait3A_100 = arith.constant 80 : i32
        %dma_wait3A_101 = arith.constant 0 : i32
        %dma_wait3A_102 = tpu.memref_slice %arg8[%dma_wait3A_100, %dma_wait3A_101] : memref<240x128xf32, #tpu.memory_space<vmem>> -> memref<80x128xf32, #tpu.memory_space<vmem>>
        %dma_wait3A_103 = arith.constant 0 : i32
        %dma_wait3A_104 = tpu.memref_slice %arg7[%run_scoped3A_89, %dma_wait3A_103] : memref<50x80xi32, #tpu.memory_space<vmem>> -> memref<1x80xi32, #tpu.memory_space<vmem>>
        %dma_wait3A_105 = tpu.memref_squeeze %dma_wait3A_104 : memref<1x80xi32, #tpu.memory_space<vmem>> -> memref<80xi32, #tpu.memory_space<vmem>>
        %dma_wait3A_106 = arith.constant 0 : i32
        %dma_wait3A_107 = arith.constant 0 : i32
        %dma_wait3A_108 = tpu.memref_slice %arg9[%dma_wait3A_106, %dma_wait3A_107] : memref<10112x128xf32, #tpu.memory_space<vmem_shared>> -> memref<10112x128xf32, #tpu.memory_space<vmem_shared>>
        tpu.wait_indirect_dma semaphore(%run_scoped3A_90 : memref<!tpu.dma_semaphore, #tpu.memory_space<semaphore_mem>>) src(%dma_wait3A_102 : memref<80x128xf32, #tpu.memory_space<vmem>>) dst(%dma_wait3A_108 : memref<10112x128xf32, #tpu.memory_space<vmem_shared>>)
        tpu.yield
      }) : () -> ()
    }
    %scan3A_23 = arith.constant 5 : i32
    %barrier3A_24 = arith.constant 0 : index
    tpu.barrier barrier_id(%barrier3A_24)
    %mul3A_25 = arith.constant 632 : i32
    %mul3A_26 = arith.muli %arg1, %mul3A_25 : i32
    %multiple_of3A_27 = tpu.assume_multiple %mul3A_26, 8 : i32
    %mul3A_28 = arith.constant 10112 : i32
    %mul3A_29 = arith.muli %arg0, %mul3A_28 : i32
    %mul3A_30 = arith.constant 632 : i32
    %mul3A_31 = arith.muli %arg1, %mul3A_30 : i32
    %add3A_32 = arith.addi %mul3A_29, %mul3A_31 : i32
    %multiple_of3A_33 = tpu.assume_multiple %add3A_32, 8 : i32
    "tpu.region"() ({
      %run_scoped3A = tpu.sem_alloc : memref<!tpu.dma_semaphore, #tpu.memory_space<semaphore_mem>>
      %dma_start3A = arith.constant 0 : i32
      %dma_start3A_34 = tpu.memref_slice %arg5[%multiple_of3A_33, %dma_start3A] : memref<20224x128xf32, #tpu.memory_space<hbm>> -> memref<632x128xf32, #tpu.memory_space<hbm>>
      %dma_start3A_35 = arith.constant 0 : i32
      %dma_start3A_36 = tpu.memref_slice %arg9[%multiple_of3A_27, %dma_start3A_35] : memref<10112x128xf32, #tpu.memory_space<vmem_shared>> -> memref<632x128xf32, #tpu.memory_space<vmem_shared>>
      tpu.enqueue_dma source(%dma_start3A_36 : memref<632x128xf32, #tpu.memory_space<vmem_shared>>) target(%dma_start3A_34 : memref<632x128xf32, #tpu.memory_space<hbm>>) target_semaphore(%run_scoped3A : memref<!tpu.dma_semaphore, #tpu.memory_space<semaphore_mem>>)
      %dma_wait3A = arith.constant 0 : i32
      %dma_wait3A_37 = tpu.memref_slice %arg5[%multiple_of3A_33, %dma_wait3A] : memref<20224x128xf32, #tpu.memory_space<hbm>> -> memref<632x128xf32, #tpu.memory_space<hbm>>
      %dma_wait3A_38 = arith.constant 0 : i32
      %dma_wait3A_39 = tpu.memref_slice %arg9[%multiple_of3A_27, %dma_wait3A_38] : memref<10112x128xf32, #tpu.memory_space<vmem_shared>> -> memref<632x128xf32, #tpu.memory_space<vmem_shared>>
      tpu.wait_dma2 semaphore(%run_scoped3A : memref<!tpu.dma_semaphore, #tpu.memory_space<semaphore_mem>>) src(%dma_wait3A_39 : memref<632x128xf32, #tpu.memory_space<vmem_shared>>) dst(%dma_wait3A_37 : memref<632x128xf32, #tpu.memory_space<hbm>>)
      tpu.yield
    }) : () -> ()
    return
  }
}

#map = affine_map<(d0, d1) -> (0, 0)>
#map1 = affine_map<(d0, d1) -> (0, 0, 0, 0, 0)>
#map2 = affine_map<(d0, d1) -> (0, 0, 0, 0)>
module attributes {stable_mosaic.version = 14 : i64} {
  func.func @_sc_body(%arg0: i32, %arg1: i32, %arg2: memref<20000x128xf32, #tpu.memory_space<hbm>>, %arg3: memref<2x16x5x50x80xi32, #tpu.memory_space<hbm>>, %arg4: memref<16x5x50x80xi32, #tpu.memory_space<hbm>>, %arg5: memref<20224x128xf32, #tpu.memory_space<hbm>>, %arg6: memref<50x80xi32, #tpu.memory_space<vmem>>, %arg7: memref<50x80xi32, #tpu.memory_space<vmem>>, %arg8: memref<240x128xf32, #tpu.memory_space<vmem>>, %arg9: memref<10112x128xf32, #tpu.memory_space<vmem_shared>>, %arg10: memref<!tpu.dma_semaphore, #tpu.memory_space<semaphore_mem>>, %arg11: memref<!tpu.dma_semaphore, #tpu.memory_space<semaphore_mem>>, %arg12: memref<!tpu.dma_semaphore, #tpu.memory_space<semaphore_mem>>, %arg13: memref<!tpu.dma_semaphore, #tpu.memory_space<semaphore_mem>>, %arg14: memref<!tpu.dma_semaphore, #tpu.memory_space<semaphore_mem>>, %arg15: memref<!tpu.dma_semaphore, #tpu.memory_space<semaphore_mem>>) attributes {dimension_semantics = [#tpu.dimension_semantics<core_parallel>, #tpu.dimension_semantics<subcore_parallel>], iteration_bounds = array<i64: 2, 16>, scalar_prefetch = 0 : i64, scratch_operands = 10 : i64, tpu.core_type = #tpu.core_type<sc_vector_subcore>, window_params = [{transform_indices = #map}, {transform_indices = #map1}, {transform_indices = #map2}, {transform_indices = #map}]} {
    %broadcast_in_dim3A = arith.constant 0.000000e+00 : f32
    %broadcast_in_dim3A_0 = vector.broadcast %broadcast_in_dim3A : f32 to vector<16xf32>
    %scan3A = arith.constant 0 : i32
    %scan3A_1 = arith.constant 0 : i32
    %scan3A_2 = arith.constant 240 : i32
    %scan3A_3 = arith.addi %scan3A_1, %scan3A_2 : i32
    %scan3A_4 = arith.constant 1 : i32
    scf.for %scan3A_34 = %scan3A_1 to %scan3A_3 step %scan3A_4  : i32 {
      %swap3A = arith.index_cast %scan3A_34 : i32 to index
      %swap3A_35 = arith.constant 0 : index
      %swap3A_36 = tpu.vector_load %arg8[%swap3A, %swap3A_35] {strides = array<i32>} : memref<240x128xf32, #tpu.memory_space<vmem>>, vector<1x16xf32>,
      %swap3A_37 = vector.shape_cast %swap3A_36 : vector<1x16xf32> to vector<16xf32>
      %swap3A_38 = vector.shape_cast %broadcast_in_dim3A_0 : vector<16xf32> to vector<1x16xf32>
      tpu.vector_store %arg8[%swap3A, %swap3A_35], %swap3A_38 {strides = array<i32>} : memref<240x128xf32, #tpu.memory_space<vmem>>, vector<1x16xf32>,
      %swap3A_39 = arith.index_cast %scan3A_34 : i32 to index
      %swap3A_40 = arith.constant 16 : index
      %swap3A_41 = tpu.vector_load %arg8[%swap3A_39, %swap3A_40] {strides = array<i32>} : memref<240x128xf32, #tpu.memory_space<vmem>>, vector<1x16xf32>,
      %swap3A_42 = vector.shape_cast %swap3A_41 : vector<1x16xf32> to vector<16xf32>
      %swap3A_43 = vector.shape_cast %broadcast_in_dim3A_0 : vector<16xf32> to vector<1x16xf32>
      tpu.vector_store %arg8[%swap3A_39, %swap3A_40], %swap3A_43 {strides = array<i32>} : memref<240x128xf32, #tpu.memory_space<vmem>>, vector<1x16xf32>,
      %swap3A_44 = arith.index_cast %scan3A_34 : i32 to index
      %swap3A_45 = arith.constant 32 : index
      %swap3A_46 = tpu.vector_load %arg8[%swap3A_44, %swap3A_45] {strides = array<i32>} : memref<240x128xf32, #tpu.memory_space<vmem>>, vector<1x16xf32>,
      %swap3A_47 = vector.shape_cast %swap3A_46 : vector<1x16xf32> to vector<16xf32>
      %swap3A_48 = vector.shape_cast %broadcast_in_dim3A_0 : vector<16xf32> to vector<1x16xf32>
      tpu.vector_store %arg8[%swap3A_44, %swap3A_45], %swap3A_48 {strides = array<i32>} : memref<240x128xf32, #tpu.memory_space<vmem>>, vector<1x16xf32>,
      %swap3A_49 = arith.index_cast %scan3A_34 : i32 to index
      %swap3A_50 = arith.constant 48 : index
      %swap3A_51 = tpu.vector_load %arg8[%swap3A_49, %swap3A_50] {strides = array<i32>} : memref<240x128xf32, #tpu.memory_space<vmem>>, vector<1x16xf32>,
      %swap3A_52 = vector.shape_cast %swap3A_51 : vector<1x16xf32> to vector<16xf32>
      %swap3A_53 = vector.shape_cast %broadcast_in_dim3A_0 : vector<16xf32> to vector<1x16xf32>
      tpu.vector_store %arg8[%swap3A_49, %swap3A_50], %swap3A_53 {strides = array<i32>} : memref<240x128xf32, #tpu.memory_space<vmem>>, vector<1x16xf32>,
      %swap3A_54 = arith.index_cast %scan3A_34 : i32 to index
      %swap3A_55 = arith.constant 64 : index
      %swap3A_56 = tpu.vector_load %arg8[%swap3A_54, %swap3A_55] {strides = array<i32>} : memref<240x128xf32, #tpu.memory_space<vmem>>, vector<1x16xf32>,
      %swap3A_57 = vector.shape_cast %swap3A_56 : vector<1x16xf32> to vector<16xf32>
      %swap3A_58 = vector.shape_cast %broadcast_in_dim3A_0 : vector<16xf32> to vector<1x16xf32>
      tpu.vector_store %arg8[%swap3A_54, %swap3A_55], %swap3A_58 {strides = array<i32>} : memref<240x128xf32, #tpu.memory_space<vmem>>, vector<1x16xf32>,
      %swap3A_59 = arith.index_cast %scan3A_34 : i32 to index
      %swap3A_60 = arith.constant 80 : index
      %swap3A_61 = tpu.vector_load %arg8[%swap3A_59, %swap3A_60] {strides = array<i32>} : memref<240x128xf32, #tpu.memory_space<vmem>>, vector<1x16xf32>,
      %swap3A_62 = vector.shape_cast %swap3A_61 : vector<1x16xf32> to vector<16xf32>
      %swap3A_63 = vector.shape_cast %broadcast_in_dim3A_0 : vector<16xf32> to vector<1x16xf32>
      tpu.vector_store %arg8[%swap3A_59, %swap3A_60], %swap3A_63 {strides = array<i32>} : memref<240x128xf32, #tpu.memory_space<vmem>>, vector<1x16xf32>,
      %swap3A_64 = arith.index_cast %scan3A_34 : i32 to index
      %swap3A_65 = arith.constant 96 : index
      %swap3A_66 = tpu.vector_load %arg8[%swap3A_64, %swap3A_65] {strides = array<i32>} : memref<240x128xf32, #tpu.memory_space<vmem>>, vector<1x16xf32>,
      %swap3A_67 = vector.shape_cast %swap3A_66 : vector<1x16xf32> to vector<16xf32>
      %swap3A_68 = vector.shape_cast %broadcast_in_dim3A_0 : vector<16xf32> to vector<1x16xf32>
      tpu.vector_store %arg8[%swap3A_64, %swap3A_65], %swap3A_68 {strides = array<i32>} : memref<240x128xf32, #tpu.memory_space<vmem>>, vector<1x16xf32>,
      %swap3A_69 = arith.index_cast %scan3A_34 : i32 to index
      %swap3A_70 = arith.constant 112 : index
      %swap3A_71 = tpu.vector_load %arg8[%swap3A_69, %swap3A_70] {strides = array<i32>} : memref<240x128xf32, #tpu.memory_space<vmem>>, vector<1x16xf32>,
      %swap3A_72 = vector.shape_cast %swap3A_71 : vector<1x16xf32> to vector<16xf32>
      %swap3A_73 = vector.shape_cast %broadcast_in_dim3A_0 : vector<16xf32> to vector<1x16xf32>
      tpu.vector_store %arg8[%swap3A_69, %swap3A_70], %swap3A_73 {strides = array<i32>} : memref<240x128xf32, #tpu.memory_space<vmem>>, vector<1x16xf32>,
    }
    %scan3A_5 = arith.constant 240 : i32
    %mul3A = arith.constant 632 : i32
    %mul3A_6 = arith.muli %arg1, %mul3A : i32
    %add3A = arith.constant 0 : i32
    %add3A_7 = arith.addi %mul3A_6, %add3A : i32
    %multiple_of3A = tpu.assume_multiple %add3A_7, 8 : i32
    "tpu.region"() ({
      %run_scoped3A = tpu.sem_alloc : memref<!tpu.dma_semaphore, #tpu.memory_space<semaphore_mem>>
      %dma_start3A = arith.constant 0 : i32
      %dma_start3A_34 = tpu.memref_slice %arg9[%multiple_of3A, %dma_start3A] : memref<10112x128xf32, #tpu.memory_space<vmem_shared>> -> memref<240x128xf32, #tpu.memory_space<vmem_shared>>
      %dma_start3A_35 = arith.constant 0 : i32
      %dma_start3A_36 = tpu.memref_slice %arg9[%multiple_of3A, %dma_start3A_35] : memref<10112x128xf32, #tpu.memory_space<vmem_shared>> -> memref<240x128xf32, #tpu.memory_space<vmem_shared>>
      tpu.enqueue_dma source(%arg8 : memref<240x128xf32, #tpu.memory_space<vmem>>) target(%dma_start3A_36 : memref<240x128xf32, #tpu.memory_space<vmem_shared>>) target_semaphore(%run_scoped3A : memref<!tpu.dma_semaphore, #tpu.memory_space<semaphore_mem>>)
      %dma_wait3A = arith.constant 0 : i32
      %dma_wait3A_37 = tpu.memref_slice %arg9[%multiple_of3A, %dma_wait3A] : memref<10112x128xf32, #tpu.memory_space<vmem_shared>> -> memref<240x128xf32, #tpu.memory_space<vmem_shared>>
      %dma_wait3A_38 = arith.constant 0 : i32
      %dma_wait3A_39 = tpu.memref_slice %arg9[%multiple_of3A, %dma_wait3A_38] : memref<10112x128xf32, #tpu.memory_space<vmem_shared>> -> memref<240x128xf32, #tpu.memory_space<vmem_shared>>
      tpu.wait_dma2 semaphore(%run_scoped3A : memref<!tpu.dma_semaphore, #tpu.memory_space<semaphore_mem>>) src(%arg8 : memref<240x128xf32, #tpu.memory_space<vmem>>) dst(%dma_wait3A_39 : memref<240x128xf32, #tpu.memory_space<vmem_shared>>)
      tpu.yield
    }) : () -> ()
    %mul3A_8 = arith.constant 632 : i32
    %mul3A_9 = arith.muli %arg1, %mul3A_8 : i32
    %add3A_10 = arith.constant 240 : i32
    %add3A_11 = arith.addi %mul3A_9, %add3A_10 : i32
    %multiple_of3A_12 = tpu.assume_multiple %add3A_11, 8 : i32
    "tpu.region"() ({
      %run_scoped3A = tpu.sem_alloc : memref<!tpu.dma_semaphore, #tpu.memory_space<semaphore_mem>>
      %dma_start3A = arith.constant 0 : i32
      %dma_start3A_34 = tpu.memref_slice %arg9[%multiple_of3A_12, %dma_start3A] : memref<10112x128xf32, #tpu.memory_space<vmem_shared>> -> memref<240x128xf32, #tpu.memory_space<vmem_shared>>
      %dma_start3A_35 = arith.constant 0 : i32
      %dma_start3A_36 = tpu.memref_slice %arg9[%multiple_of3A_12, %dma_start3A_35] : memref<10112x128xf32, #tpu.memory_space<vmem_shared>> -> memref<240x128xf32, #tpu.memory_space<vmem_shared>>
      tpu.enqueue_dma source(%arg8 : memref<240x128xf32, #tpu.memory_space<vmem>>) target(%dma_start3A_36 : memref<240x128xf32, #tpu.memory_space<vmem_shared>>) target_semaphore(%run_scoped3A : memref<!tpu.dma_semaphore, #tpu.memory_space<semaphore_mem>>)
      %dma_wait3A = arith.constant 0 : i32
      %dma_wait3A_37 = tpu.memref_slice %arg9[%multiple_of3A_12, %dma_wait3A] : memref<10112x128xf32, #tpu.memory_space<vmem_shared>> -> memref<240x128xf32, #tpu.memory_space<vmem_shared>>
      %dma_wait3A_38 = arith.constant 0 : i32
      %dma_wait3A_39 = tpu.memref_slice %arg9[%multiple_of3A_12, %dma_wait3A_38] : memref<10112x128xf32, #tpu.memory_space<vmem_shared>> -> memref<240x128xf32, #tpu.memory_space<vmem_shared>>
      tpu.wait_dma2 semaphore(%run_scoped3A : memref<!tpu.dma_semaphore, #tpu.memory_space<semaphore_mem>>) src(%arg8 : memref<240x128xf32, #tpu.memory_space<vmem>>) dst(%dma_wait3A_39 : memref<240x128xf32, #tpu.memory_space<vmem_shared>>)
      tpu.yield
    }) : () -> ()
    %mul3A_13 = arith.constant 632 : i32
    %mul3A_14 = arith.muli %arg1, %mul3A_13 : i32
    %add3A_15 = arith.constant 480 : i32
    %add3A_16 = arith.addi %mul3A_14, %add3A_15 : i32
    %multiple_of3A_17 = tpu.assume_multiple %add3A_16, 8 : i32
    "tpu.region"() ({
      %run_scoped3A = tpu.sem_alloc : memref<!tpu.dma_semaphore, #tpu.memory_space<semaphore_mem>>
      %dma_start3A = arith.constant 0 : i32
      %dma_start3A_34 = arith.constant 0 : i32
      %dma_start3A_35 = tpu.memref_slice %arg8[%dma_start3A, %dma_start3A_34] : memref<240x128xf32, #tpu.memory_space<vmem>> -> memref<152x128xf32, #tpu.memory_space<vmem>>
      %dma_start3A_36 = arith.constant 0 : i32
      %dma_start3A_37 = tpu.memref_slice %arg9[%multiple_of3A_17, %dma_start3A_36] : memref<10112x128xf32, #tpu.memory_space<vmem_shared>> -> memref<152x128xf32, #tpu.memory_space<vmem_shared>>
      %dma_start3A_38 = arith.constant 0 : i32
      %dma_start3A_39 = tpu.memref_slice %arg9[%multiple_of3A_17, %dma_start3A_38] : memref<10112x128xf32, #tpu.memory_space<vmem_shared>> -> memref<152x128xf32, #tpu.memory_space<vmem_shared>>
      %dma_start3A_40 = arith.constant 0 : i32
      %dma_start3A_41 = arith.constant 0 : i32
      %dma_start3A_42 = tpu.memref_slice %arg8[%dma_start3A_40, %dma_start3A_41] : memref<240x128xf32, #tpu.memory_space<vmem>> -> memref<152x128xf32, #tpu.memory_space<vmem>>
      tpu.enqueue_dma source(%dma_start3A_42 : memref<152x128xf32, #tpu.memory_space<vmem>>) target(%dma_start3A_39 : memref<152x128xf32, #tpu.memory_space<vmem_shared>>) target_semaphore(%run_scoped3A : memref<!tpu.dma_semaphore, #tpu.memory_space<semaphore_mem>>)
      %dma_wait3A = arith.constant 0 : i32
      %dma_wait3A_43 = arith.constant 0 : i32
      %dma_wait3A_44 = tpu.memref_slice %arg8[%dma_wait3A, %dma_wait3A_43] : memref<240x128xf32, #tpu.memory_space<vmem>> -> memref<152x128xf32, #tpu.memory_space<vmem>>
      %dma_wait3A_45 = arith.constant 0 : i32
      %dma_wait3A_46 = tpu.memref_slice %arg9[%multiple_of3A_17, %dma_wait3A_45] : memref<10112x128xf32, #tpu.memory_space<vmem_shared>> -> memref<152x128xf32, #tpu.memory_space<vmem_shared>>
      %dma_wait3A_47 = arith.constant 0 : i32
      %dma_wait3A_48 = tpu.memref_slice %arg9[%multiple_of3A_17, %dma_wait3A_47] : memref<10112x128xf32, #tpu.memory_space<vmem_shared>> -> memref<152x128xf32, #tpu.memory_space<vmem_shared>>
      %dma_wait3A_49 = arith.constant 0 : i32
      %dma_wait3A_50 = arith.constant 0 : i32
      %dma_wait3A_51 = tpu.memref_slice %arg8[%dma_wait3A_49, %dma_wait3A_50] : memref<240x128xf32, #tpu.memory_space<vmem>> -> memref<152x128xf32, #tpu.memory_space<vmem>>
      tpu.wait_dma2 semaphore(%run_scoped3A : memref<!tpu.dma_semaphore, #tpu.memory_space<semaphore_mem>>) src(%dma_wait3A_51 : memref<152x128xf32, #tpu.memory_space<vmem>>) dst(%dma_wait3A_48 : memref<152x128xf32, #tpu.memory_space<vmem_shared>>)
      tpu.yield
    }) : () -> ()
    %barrier3A = arith.constant 0 : index
    tpu.barrier barrier_id(%barrier3A)
    %scan3A_18 = arith.constant 0 : i32
    %scan3A_19 = arith.constant 0 : i32
    %scan3A_20 = arith.constant 5 : i32
    %scan3A_21 = arith.addi %scan3A_19, %scan3A_20 : i32
    %scan3A_22 = arith.constant 1 : i32
    scf.for %scan3A_34 = %scan3A_19 to %scan3A_21 step %scan3A_22  : i32 {
      "tpu.region"() ({
        %run_scoped3A_90 = tpu.sem_alloc : memref<!tpu.dma_semaphore, #tpu.memory_space<semaphore_mem>>
        %dma_start3A_91 = arith.constant 0 : i32
        %dma_start3A_92 = arith.constant 0 : i32
        %dma_start3A_93 = tpu.memref_slice %arg3[%arg0, %arg1, %scan3A_34, %dma_start3A_91, %dma_start3A_92] : memref<2x16x5x50x80xi32, #tpu.memory_space<hbm>> -> memref<1x1x1x50x80xi32, #tpu.memory_space<hbm>>
        %dma_start3A_94 = tpu.memref_squeeze %dma_start3A_93 : memref<1x1x1x50x80xi32, #tpu.memory_space<hbm>> -> memref<50x80xi32, #tpu.memory_space<hbm>>
        %dma_start3A_95 = arith.constant 0 : i32
        %dma_start3A_96 = arith.constant 0 : i32
        %dma_start3A_97 = tpu.memref_slice %arg3[%arg0, %arg1, %scan3A_34, %dma_start3A_95, %dma_start3A_96] : memref<2x16x5x50x80xi32, #tpu.memory_space<hbm>> -> memref<1x1x1x50x80xi32, #tpu.memory_space<hbm>>
        %dma_start3A_98 = tpu.memref_squeeze %dma_start3A_97 : memref<1x1x1x50x80xi32, #tpu.memory_space<hbm>> -> memref<50x80xi32, #tpu.memory_space<hbm>>
        tpu.enqueue_dma source(%dma_start3A_98 : memref<50x80xi32, #tpu.memory_space<hbm>>) target(%arg6 : memref<50x80xi32, #tpu.memory_space<vmem>>) target_semaphore(%run_scoped3A_90 : memref<!tpu.dma_semaphore, #tpu.memory_space<semaphore_mem>>)
        %dma_wait3A_99 = arith.constant 0 : i32
        %dma_wait3A_100 = arith.constant 0 : i32
        %dma_wait3A_101 = tpu.memref_slice %arg3[%arg0, %arg1, %scan3A_34, %dma_wait3A_99, %dma_wait3A_100] : memref<2x16x5x50x80xi32, #tpu.memory_space<hbm>> -> memref<1x1x1x50x80xi32, #tpu.memory_space<hbm>>
        %dma_wait3A_102 = tpu.memref_squeeze %dma_wait3A_101 : memref<1x1x1x50x80xi32, #tpu.memory_space<hbm>> -> memref<50x80xi32, #tpu.memory_space<hbm>>
        %dma_wait3A_103 = arith.constant 0 : i32
        %dma_wait3A_104 = arith.constant 0 : i32
        %dma_wait3A_105 = tpu.memref_slice %arg3[%arg0, %arg1, %scan3A_34, %dma_wait3A_103, %dma_wait3A_104] : memref<2x16x5x50x80xi32, #tpu.memory_space<hbm>> -> memref<1x1x1x50x80xi32, #tpu.memory_space<hbm>>
        %dma_wait3A_106 = tpu.memref_squeeze %dma_wait3A_105 : memref<1x1x1x50x80xi32, #tpu.memory_space<hbm>> -> memref<50x80xi32, #tpu.memory_space<hbm>>
        tpu.wait_dma2 semaphore(%run_scoped3A_90 : memref<!tpu.dma_semaphore, #tpu.memory_space<semaphore_mem>>) src(%dma_wait3A_106 : memref<50x80xi32, #tpu.memory_space<hbm>>) dst(%arg6 : memref<50x80xi32, #tpu.memory_space<vmem>>)
        tpu.yield
      }) : () -> ()
      "tpu.region"() ({
        %run_scoped3A_90 = tpu.sem_alloc : memref<!tpu.dma_semaphore, #tpu.memory_space<semaphore_mem>>
        %dma_start3A_91 = arith.constant 0 : i32
        %dma_start3A_92 = arith.constant 0 : i32
        %dma_start3A_93 = tpu.memref_slice %arg4[%arg1, %scan3A_34, %dma_start3A_91, %dma_start3A_92] : memref<16x5x50x80xi32, #tpu.memory_space<hbm>> -> memref<1x1x50x80xi32, #tpu.memory_space<hbm>>
        %dma_start3A_94 = tpu.memref_squeeze %dma_start3A_93 : memref<1x1x50x80xi32, #tpu.memory_space<hbm>> -> memref<50x80xi32, #tpu.memory_space<hbm>>
        %dma_start3A_95 = arith.constant 0 : i32
        %dma_start3A_96 = arith.constant 0 : i32
        %dma_start3A_97 = tpu.memref_slice %arg4[%arg1, %scan3A_34, %dma_start3A_95, %dma_start3A_96] : memref<16x5x50x80xi32, #tpu.memory_space<hbm>> -> memref<1x1x50x80xi32, #tpu.memory_space<hbm>>
        %dma_start3A_98 = tpu.memref_squeeze %dma_start3A_97 : memref<1x1x50x80xi32, #tpu.memory_space<hbm>> -> memref<50x80xi32, #tpu.memory_space<hbm>>
        tpu.enqueue_dma source(%dma_start3A_98 : memref<50x80xi32, #tpu.memory_space<hbm>>) target(%arg7 : memref<50x80xi32, #tpu.memory_space<vmem>>) target_semaphore(%run_scoped3A_90 : memref<!tpu.dma_semaphore, #tpu.memory_space<semaphore_mem>>)
        %dma_wait3A_99 = arith.constant 0 : i32
        %dma_wait3A_100 = arith.constant 0 : i32
        %dma_wait3A_101 = tpu.memref_slice %arg4[%arg1, %scan3A_34, %dma_wait3A_99, %dma_wait3A_100] : memref<16x5x50x80xi32, #tpu.memory_space<hbm>> -> memref<1x1x50x80xi32, #tpu.memory_space<hbm>>
        %dma_wait3A_102 = tpu.memref_squeeze %dma_wait3A_101 : memref<1x1x50x80xi32, #tpu.memory_space<hbm>> -> memref<50x80xi32, #tpu.memory_space<hbm>>
        %dma_wait3A_103 = arith.constant 0 : i32
        %dma_wait3A_104 = arith.constant 0 : i32
        %dma_wait3A_105 = tpu.memref_slice %arg4[%arg1, %scan3A_34, %dma_wait3A_103, %dma_wait3A_104] : memref<16x5x50x80xi32, #tpu.memory_space<hbm>> -> memref<1x1x50x80xi32, #tpu.memory_space<hbm>>
        %dma_wait3A_106 = tpu.memref_squeeze %dma_wait3A_105 : memref<1x1x50x80xi32, #tpu.memory_space<hbm>> -> memref<50x80xi32, #tpu.memory_space<hbm>>
        tpu.wait_dma2 semaphore(%run_scoped3A_90 : memref<!tpu.dma_semaphore, #tpu.memory_space<semaphore_mem>>) src(%dma_wait3A_106 : memref<50x80xi32, #tpu.memory_space<hbm>>) dst(%arg7 : memref<50x80xi32, #tpu.memory_space<vmem>>)
        tpu.yield
      }) : () -> ()
      %dma_start3A = arith.constant 0 : i32
      %dma_start3A_35 = arith.constant 0 : i32
      %dma_start3A_36 = arith.constant 0 : i32
      %dma_start3A_37 = tpu.memref_slice %arg8[%dma_start3A_35, %dma_start3A_36] : memref<240x128xf32, #tpu.memory_space<vmem>> -> memref<80x128xf32, #tpu.memory_space<vmem>>
      %dma_start3A_38 = arith.constant 0 : i32
      %dma_start3A_39 = tpu.memref_slice %arg6[%dma_start3A, %dma_start3A_38] : memref<50x80xi32, #tpu.memory_space<vmem>> -> memref<1x80xi32, #tpu.memory_space<vmem>>
      %dma_start3A_40 = tpu.memref_squeeze %dma_start3A_39 : memref<1x80xi32, #tpu.memory_space<vmem>> -> memref<80xi32, #tpu.memory_space<vmem>>
      %dma_start3A_41 = arith.constant 0 : i32
      %dma_start3A_42 = arith.constant 0 : i32
      %dma_start3A_43 = tpu.memref_slice %arg2[%dma_start3A_41, %dma_start3A_42] : memref<20000x128xf32, #tpu.memory_space<hbm>> -> memref<20000x128xf32, #tpu.memory_space<hbm>>
      tpu.enqueue_indirect_dma source(%dma_start3A_43 : memref<20000x128xf32, #tpu.memory_space<hbm>>) target(%dma_start3A_37 : memref<80x128xf32, #tpu.memory_space<vmem>>) offsets(%dma_start3A_40 : memref<80xi32, #tpu.memory_space<vmem>>) semaphore(%arg10 : memref<!tpu.dma_semaphore, #tpu.memory_space<semaphore_mem>>)
      %dma_start3A_44 = arith.constant 1 : i32
      %dma_start3A_45 = arith.constant 80 : i32
      %dma_start3A_46 = arith.constant 0 : i32
      %dma_start3A_47 = tpu.memref_slice %arg8[%dma_start3A_45, %dma_start3A_46] : memref<240x128xf32, #tpu.memory_space<vmem>> -> memref<80x128xf32, #tpu.memory_space<vmem>>
      %dma_start3A_48 = arith.constant 0 : i32
      %dma_start3A_49 = tpu.memref_slice %arg6[%dma_start3A_44, %dma_start3A_48] : memref<50x80xi32, #tpu.memory_space<vmem>> -> memref<1x80xi32, #tpu.memory_space<vmem>>
      %dma_start3A_50 = tpu.memref_squeeze %dma_start3A_49 : memref<1x80xi32, #tpu.memory_space<vmem>> -> memref<80xi32, #tpu.memory_space<vmem>>
      %dma_start3A_51 = arith.constant 0 : i32
      %dma_start3A_52 = arith.constant 0 : i32
      %dma_start3A_53 = tpu.memref_slice %arg2[%dma_start3A_51, %dma_start3A_52] : memref<20000x128xf32, #tpu.memory_space<hbm>> -> memref<20000x128xf32, #tpu.memory_space<hbm>>
      tpu.enqueue_indirect_dma source(%dma_start3A_53 : memref<20000x128xf32, #tpu.memory_space<hbm>>) target(%dma_start3A_47 : memref<80x128xf32, #tpu.memory_space<vmem>>) offsets(%dma_start3A_50 : memref<80xi32, #tpu.memory_space<vmem>>) semaphore(%arg11 : memref<!tpu.dma_semaphore, #tpu.memory_space<semaphore_mem>>)
      %dma_start3A_54 = arith.constant 2 : i32
      %dma_start3A_55 = arith.constant 160 : i32
      %dma_start3A_56 = arith.constant 0 : i32
      %dma_start3A_57 = tpu.memref_slice %arg8[%dma_start3A_55, %dma_start3A_56] : memref<240x128xf32, #tpu.memory_space<vmem>> -> memref<80x128xf32, #tpu.memory_space<vmem>>
      %dma_start3A_58 = arith.constant 0 : i32
      %dma_start3A_59 = tpu.memref_slice %arg6[%dma_start3A_54, %dma_start3A_58] : memref<50x80xi32, #tpu.memory_space<vmem>> -> memref<1x80xi32, #tpu.memory_space<vmem>>
      %dma_start3A_60 = tpu.memref_squeeze %dma_start3A_59 : memref<1x80xi32, #tpu.memory_space<vmem>> -> memref<80xi32, #tpu.memory_space<vmem>>
      %dma_start3A_61 = arith.constant 0 : i32
      %dma_start3A_62 = arith.constant 0 : i32
      %dma_start3A_63 = tpu.memref_slice %arg2[%dma_start3A_61, %dma_start3A_62] : memref<20000x128xf32, #tpu.memory_space<hbm>> -> memref<20000x128xf32, #tpu.memory_space<hbm>>
      tpu.enqueue_indirect_dma source(%dma_start3A_63 : memref<20000x128xf32, #tpu.memory_space<hbm>>) target(%dma_start3A_57 : memref<80x128xf32, #tpu.memory_space<vmem>>) offsets(%dma_start3A_60 : memref<80xi32, #tpu.memory_space<vmem>>) semaphore(%arg12 : memref<!tpu.dma_semaphore, #tpu.memory_space<semaphore_mem>>)
      %scan3A_64 = arith.constant 0 : i32
      %scan3A_65 = arith.constant 0 : i32
      %scan3A_66 = arith.constant 16 : i32
      %scan3A_67 = arith.addi %scan3A_65, %scan3A_66 : i32
      %scan3A_68 = arith.constant 1 : i32
      scf.for %scan3A_90 = %scan3A_65 to %scan3A_67 step %scan3A_68  : i32 {
        %mul3A_91 = arith.constant 3 : i32
        %mul3A_92 = arith.muli %mul3A_91, %scan3A_90 : i32
        %add3A_93 = arith.constant 0 : i32
        %add3A_94 = arith.addi %mul3A_92, %add3A_93 : i32
        %dma_wait3A_95 = arith.constant 0 : i32
        %dma_wait3A_96 = arith.constant 0 : i32
        %dma_wait3A_97 = tpu.memref_slice %arg8[%dma_wait3A_95, %dma_wait3A_96] : memref<240x128xf32, #tpu.memory_space<vmem>> -> memref<80x128xf32, #tpu.memory_space<vmem>>
        %dma_wait3A_98 = arith.constant 0 : i32
        %dma_wait3A_99 = tpu.memref_slice %arg6[%add3A_94, %dma_wait3A_98] : memref<50x80xi32, #tpu.memory_space<vmem>> -> memref<1x80xi32, #tpu.memory_space<vmem>>
        %dma_wait3A_100 = tpu.memref_squeeze %dma_wait3A_99 : memref<1x80xi32, #tpu.memory_space<vmem>> -> memref<80xi32, #tpu.memory_space<vmem>>
        %dma_wait3A_101 = arith.constant 0 : i32
        %dma_wait3A_102 = arith.constant 0 : i32
        %dma_wait3A_103 = tpu.memref_slice %arg2[%dma_wait3A_101, %dma_wait3A_102] : memref<20000x128xf32, #tpu.memory_space<hbm>> -> memref<20000x128xf32, #tpu.memory_space<hbm>>
        tpu.wait_indirect_dma semaphore(%arg10 : memref<!tpu.dma_semaphore, #tpu.memory_space<semaphore_mem>>) src(%dma_wait3A_103 : memref<20000x128xf32, #tpu.memory_space<hbm>>) dst(%dma_wait3A_97 : memref<80x128xf32, #tpu.memory_space<vmem>>)
        %add3A_104 = arith.constant 0 : i32
        %add3A_105 = arith.addi %mul3A_92, %add3A_104 : i32
        %dma_start3A_106 = arith.constant 0 : i32
        %dma_start3A_107 = arith.constant 0 : i32
        %dma_start3A_108 = tpu.memref_slice %arg8[%dma_start3A_106, %dma_start3A_107] : memref<240x128xf32, #tpu.memory_space<vmem>> -> memref<80x128xf32, #tpu.memory_space<vmem>>
        %dma_start3A_109 = arith.constant 0 : i32
        %dma_start3A_110 = tpu.memref_slice %arg7[%add3A_105, %dma_start3A_109] : memref<50x80xi32, #tpu.memory_space<vmem>> -> memref<1x80xi32, #tpu.memory_space<vmem>>
        %dma_start3A_111 = tpu.memref_squeeze %dma_start3A_110 : memref<1x80xi32, #tpu.memory_space<vmem>> -> memref<80xi32, #tpu.memory_space<vmem>>
        %dma_start3A_112 = arith.constant 0 : i32
        %dma_start3A_113 = arith.constant 0 : i32
        %dma_start3A_114 = tpu.memref_slice %arg9[%dma_start3A_112, %dma_start3A_113] : memref<10112x128xf32, #tpu.memory_space<vmem_shared>> -> memref<10112x128xf32, #tpu.memory_space<vmem_shared>>
        tpu.enqueue_indirect_dma source(%dma_start3A_108 : memref<80x128xf32, #tpu.memory_space<vmem>>) target(%dma_start3A_114 : memref<10112x128xf32, #tpu.memory_space<vmem_shared>>) offsets(%dma_start3A_111 : memref<80xi32, #tpu.memory_space<vmem>>) semaphore(%arg13 : memref<!tpu.dma_semaphore, #tpu.memory_space<semaphore_mem>>) {add = true}
        %add3A_115 = arith.constant 1 : i32
        %add3A_116 = arith.addi %mul3A_92, %add3A_115 : i32
        %dma_wait3A_117 = arith.constant 80 : i32
        %dma_wait3A_118 = arith.constant 0 : i32
        %dma_wait3A_119 = tpu.memref_slice %arg8[%dma_wait3A_117, %dma_wait3A_118] : memref<240x128xf32, #tpu.memory_space<vmem>> -> memref<80x128xf32, #tpu.memory_space<vmem>>
        %dma_wait3A_120 = arith.constant 0 : i32
        %dma_wait3A_121 = tpu.memref_slice %arg6[%add3A_116, %dma_wait3A_120] : memref<50x80xi32, #tpu.memory_space<vmem>> -> memref<1x80xi32, #tpu.memory_space<vmem>>
        %dma_wait3A_122 = tpu.memref_squeeze %dma_wait3A_121 : memref<1x80xi32, #tpu.memory_space<vmem>> -> memref<80xi32, #tpu.memory_space<vmem>>
        %dma_wait3A_123 = arith.constant 0 : i32
        %dma_wait3A_124 = arith.constant 0 : i32
        %dma_wait3A_125 = tpu.memref_slice %arg2[%dma_wait3A_123, %dma_wait3A_124] : memref<20000x128xf32, #tpu.memory_space<hbm>> -> memref<20000x128xf32, #tpu.memory_space<hbm>>
        tpu.wait_indirect_dma semaphore(%arg11 : memref<!tpu.dma_semaphore, #tpu.memory_space<semaphore_mem>>) src(%dma_wait3A_125 : memref<20000x128xf32, #tpu.memory_space<hbm>>) dst(%dma_wait3A_119 : memref<80x128xf32, #tpu.memory_space<vmem>>)
        %add3A_126 = arith.constant 1 : i32
        %add3A_127 = arith.addi %mul3A_92, %add3A_126 : i32
        %dma_start3A_128 = arith.constant 80 : i32
        %dma_start3A_129 = arith.constant 0 : i32
        %dma_start3A_130 = tpu.memref_slice %arg8[%dma_start3A_128, %dma_start3A_129] : memref<240x128xf32, #tpu.memory_space<vmem>> -> memref<80x128xf32, #tpu.memory_space<vmem>>
        %dma_start3A_131 = arith.constant 0 : i32
        %dma_start3A_132 = tpu.memref_slice %arg7[%add3A_127, %dma_start3A_131] : memref<50x80xi32, #tpu.memory_space<vmem>> -> memref<1x80xi32, #tpu.memory_space<vmem>>
        %dma_start3A_133 = tpu.memref_squeeze %dma_start3A_132 : memref<1x80xi32, #tpu.memory_space<vmem>> -> memref<80xi32, #tpu.memory_space<vmem>>
        %dma_start3A_134 = arith.constant 0 : i32
        %dma_start3A_135 = arith.constant 0 : i32
        %dma_start3A_136 = tpu.memref_slice %arg9[%dma_start3A_134, %dma_start3A_135] : memref<10112x128xf32, #tpu.memory_space<vmem_shared>> -> memref<10112x128xf32, #tpu.memory_space<vmem_shared>>
        tpu.enqueue_indirect_dma source(%dma_start3A_130 : memref<80x128xf32, #tpu.memory_space<vmem>>) target(%dma_start3A_136 : memref<10112x128xf32, #tpu.memory_space<vmem_shared>>) offsets(%dma_start3A_133 : memref<80xi32, #tpu.memory_space<vmem>>) semaphore(%arg14 : memref<!tpu.dma_semaphore, #tpu.memory_space<semaphore_mem>>) {add = true}
        %add3A_137 = arith.constant 2 : i32
        %add3A_138 = arith.addi %mul3A_92, %add3A_137 : i32
        %dma_wait3A_139 = arith.constant 160 : i32
        %dma_wait3A_140 = arith.constant 0 : i32
        %dma_wait3A_141 = tpu.memref_slice %arg8[%dma_wait3A_139, %dma_wait3A_140] : memref<240x128xf32, #tpu.memory_space<vmem>> -> memref<80x128xf32, #tpu.memory_space<vmem>>
        %dma_wait3A_142 = arith.constant 0 : i32
        %dma_wait3A_143 = tpu.memref_slice %arg6[%add3A_138, %dma_wait3A_142] : memref<50x80xi32, #tpu.memory_space<vmem>> -> memref<1x80xi32, #tpu.memory_space<vmem>>
        %dma_wait3A_144 = tpu.memref_squeeze %dma_wait3A_143 : memref<1x80xi32, #tpu.memory_space<vmem>> -> memref<80xi32, #tpu.memory_space<vmem>>
        %dma_wait3A_145 = arith.constant 0 : i32
        %dma_wait3A_146 = arith.constant 0 : i32
        %dma_wait3A_147 = tpu.memref_slice %arg2[%dma_wait3A_145, %dma_wait3A_146] : memref<20000x128xf32, #tpu.memory_space<hbm>> -> memref<20000x128xf32, #tpu.memory_space<hbm>>
        tpu.wait_indirect_dma semaphore(%arg12 : memref<!tpu.dma_semaphore, #tpu.memory_space<semaphore_mem>>) src(%dma_wait3A_147 : memref<20000x128xf32, #tpu.memory_space<hbm>>) dst(%dma_wait3A_141 : memref<80x128xf32, #tpu.memory_space<vmem>>)
        %add3A_148 = arith.constant 2 : i32
        %add3A_149 = arith.addi %mul3A_92, %add3A_148 : i32
        %dma_start3A_150 = arith.constant 160 : i32
        %dma_start3A_151 = arith.constant 0 : i32
        %dma_start3A_152 = tpu.memref_slice %arg8[%dma_start3A_150, %dma_start3A_151] : memref<240x128xf32, #tpu.memory_space<vmem>> -> memref<80x128xf32, #tpu.memory_space<vmem>>
        %dma_start3A_153 = arith.constant 0 : i32
        %dma_start3A_154 = tpu.memref_slice %arg7[%add3A_149, %dma_start3A_153] : memref<50x80xi32, #tpu.memory_space<vmem>> -> memref<1x80xi32, #tpu.memory_space<vmem>>
        %dma_start3A_155 = tpu.memref_squeeze %dma_start3A_154 : memref<1x80xi32, #tpu.memory_space<vmem>> -> memref<80xi32, #tpu.memory_space<vmem>>
        %dma_start3A_156 = arith.constant 0 : i32
        %dma_start3A_157 = arith.constant 0 : i32
        %dma_start3A_158 = tpu.memref_slice %arg9[%dma_start3A_156, %dma_start3A_157] : memref<10112x128xf32, #tpu.memory_space<vmem_shared>> -> memref<10112x128xf32, #tpu.memory_space<vmem_shared>>
        tpu.enqueue_indirect_dma source(%dma_start3A_152 : memref<80x128xf32, #tpu.memory_space<vmem>>) target(%dma_start3A_158 : memref<10112x128xf32, #tpu.memory_space<vmem_shared>>) offsets(%dma_start3A_155 : memref<80xi32, #tpu.memory_space<vmem>>) semaphore(%arg15 : memref<!tpu.dma_semaphore, #tpu.memory_space<semaphore_mem>>) {add = true}
        %add3A_159 = arith.constant 0 : i32
        %add3A_160 = arith.addi %mul3A_92, %add3A_159 : i32
        %dma_wait3A_161 = arith.constant 0 : i32
        %dma_wait3A_162 = arith.constant 0 : i32
        %dma_wait3A_163 = tpu.memref_slice %arg8[%dma_wait3A_161, %dma_wait3A_162] : memref<240x128xf32, #tpu.memory_space<vmem>> -> memref<80x128xf32, #tpu.memory_space<vmem>>
        %dma_wait3A_164 = arith.constant 0 : i32
        %dma_wait3A_165 = tpu.memref_slice %arg7[%add3A_160, %dma_wait3A_164] : memref<50x80xi32, #tpu.memory_space<vmem>> -> memref<1x80xi32, #tpu.memory_space<vmem>>
        %dma_wait3A_166 = tpu.memref_squeeze %dma_wait3A_165 : memref<1x80xi32, #tpu.memory_space<vmem>> -> memref<80xi32, #tpu.memory_space<vmem>>
        %dma_wait3A_167 = arith.constant 0 : i32
        %dma_wait3A_168 = arith.constant 0 : i32
        %dma_wait3A_169 = tpu.memref_slice %arg9[%dma_wait3A_167, %dma_wait3A_168] : memref<10112x128xf32, #tpu.memory_space<vmem_shared>> -> memref<10112x128xf32, #tpu.memory_space<vmem_shared>>
        tpu.wait_indirect_dma semaphore(%arg13 : memref<!tpu.dma_semaphore, #tpu.memory_space<semaphore_mem>>) src(%dma_wait3A_163 : memref<80x128xf32, #tpu.memory_space<vmem>>) dst(%dma_wait3A_169 : memref<10112x128xf32, #tpu.memory_space<vmem_shared>>)
        %add3A_170 = arith.constant 3 : i32
        %add3A_171 = arith.addi %mul3A_92, %add3A_170 : i32
        %add3A_172 = arith.constant 0 : i32
        %add3A_173 = arith.addi %add3A_171, %add3A_172 : i32
        %lt3A = arith.constant 50 : i32
        %lt3A_174 = arith.cmpi slt, %add3A_173, %lt3A : i32
        %convert_element_type3A = arith.extui %lt3A_174 : i1 to i32
        %cond3A = arith.constant 0 : i32
        %cond3A_175 = arith.cmpi ne, %convert_element_type3A, %cond3A : i32
        scf.if %cond3A_175 {
          %add3A_216 = arith.constant 3 : i32
          %add3A_217 = arith.addi %mul3A_92, %add3A_216 : i32
          %add3A_218 = arith.constant 0 : i32
          %add3A_219 = arith.addi %add3A_217, %add3A_218 : i32
          %dma_start3A_220 = arith.constant 0 : i32
          %dma_start3A_221 = arith.constant 0 : i32
          %dma_start3A_222 = tpu.memref_slice %arg8[%dma_start3A_220, %dma_start3A_221] : memref<240x128xf32, #tpu.memory_space<vmem>> -> memref<80x128xf32, #tpu.memory_space<vmem>>
          %dma_start3A_223 = arith.constant 0 : i32
          %dma_start3A_224 = tpu.memref_slice %arg6[%add3A_219, %dma_start3A_223] : memref<50x80xi32, #tpu.memory_space<vmem>> -> memref<1x80xi32, #tpu.memory_space<vmem>>
          %dma_start3A_225 = tpu.memref_squeeze %dma_start3A_224 : memref<1x80xi32, #tpu.memory_space<vmem>> -> memref<80xi32, #tpu.memory_space<vmem>>
          %dma_start3A_226 = arith.constant 0 : i32
          %dma_start3A_227 = arith.constant 0 : i32
          %dma_start3A_228 = tpu.memref_slice %arg2[%dma_start3A_226, %dma_start3A_227] : memref<20000x128xf32, #tpu.memory_space<hbm>> -> memref<20000x128xf32, #tpu.memory_space<hbm>>
          tpu.enqueue_indirect_dma source(%dma_start3A_228 : memref<20000x128xf32, #tpu.memory_space<hbm>>) target(%dma_start3A_222 : memref<80x128xf32, #tpu.memory_space<vmem>>) offsets(%dma_start3A_225 : memref<80xi32, #tpu.memory_space<vmem>>) semaphore(%arg10 : memref<!tpu.dma_semaphore, #tpu.memory_space<semaphore_mem>>)
        } else {
        }
        %add3A_176 = arith.constant 1 : i32
        %add3A_177 = arith.addi %mul3A_92, %add3A_176 : i32
        %dma_wait3A_178 = arith.constant 80 : i32
        %dma_wait3A_179 = arith.constant 0 : i32
        %dma_wait3A_180 = tpu.memref_slice %arg8[%dma_wait3A_178, %dma_wait3A_179] : memref<240x128xf32, #tpu.memory_space<vmem>> -> memref<80x128xf32, #tpu.memory_space<vmem>>
        %dma_wait3A_181 = arith.constant 0 : i32
        %dma_wait3A_182 = tpu.memref_slice %arg7[%add3A_177, %dma_wait3A_181] : memref<50x80xi32, #tpu.memory_space<vmem>> -> memref<1x80xi32, #tpu.memory_space<vmem>>
        %dma_wait3A_183 = tpu.memref_squeeze %dma_wait3A_182 : memref<1x80xi32, #tpu.memory_space<vmem>> -> memref<80xi32, #tpu.memory_space<vmem>>
        %dma_wait3A_184 = arith.constant 0 : i32
        %dma_wait3A_185 = arith.constant 0 : i32
        %dma_wait3A_186 = tpu.memref_slice %arg9[%dma_wait3A_184, %dma_wait3A_185] : memref<10112x128xf32, #tpu.memory_space<vmem_shared>> -> memref<10112x128xf32, #tpu.memory_space<vmem_shared>>
        tpu.wait_indirect_dma semaphore(%arg14 : memref<!tpu.dma_semaphore, #tpu.memory_space<semaphore_mem>>) src(%dma_wait3A_180 : memref<80x128xf32, #tpu.memory_space<vmem>>) dst(%dma_wait3A_186 : memref<10112x128xf32, #tpu.memory_space<vmem_shared>>)
        %add3A_187 = arith.constant 3 : i32
        %add3A_188 = arith.addi %mul3A_92, %add3A_187 : i32
        %add3A_189 = arith.constant 1 : i32
        %add3A_190 = arith.addi %add3A_188, %add3A_189 : i32
        %lt3A_191 = arith.constant 50 : i32
        %lt3A_192 = arith.cmpi slt, %add3A_190, %lt3A_191 : i32
        %convert_element_type3A_193 = arith.extui %lt3A_192 : i1 to i32
        %cond3A_194 = arith.constant 0 : i32
        %cond3A_195 = arith.cmpi ne, %convert_element_type3A_193, %cond3A_194 : i32
        scf.if %cond3A_195 {
          %add3A_216 = arith.constant 3 : i32
          %add3A_217 = arith.addi %mul3A_92, %add3A_216 : i32
          %add3A_218 = arith.constant 1 : i32
          %add3A_219 = arith.addi %add3A_217, %add3A_218 : i32
          %dma_start3A_220 = arith.constant 80 : i32
          %dma_start3A_221 = arith.constant 0 : i32
          %dma_start3A_222 = tpu.memref_slice %arg8[%dma_start3A_220, %dma_start3A_221] : memref<240x128xf32, #tpu.memory_space<vmem>> -> memref<80x128xf32, #tpu.memory_space<vmem>>
          %dma_start3A_223 = arith.constant 0 : i32
          %dma_start3A_224 = tpu.memref_slice %arg6[%add3A_219, %dma_start3A_223] : memref<50x80xi32, #tpu.memory_space<vmem>> -> memref<1x80xi32, #tpu.memory_space<vmem>>
          %dma_start3A_225 = tpu.memref_squeeze %dma_start3A_224 : memref<1x80xi32, #tpu.memory_space<vmem>> -> memref<80xi32, #tpu.memory_space<vmem>>
          %dma_start3A_226 = arith.constant 0 : i32
          %dma_start3A_227 = arith.constant 0 : i32
          %dma_start3A_228 = tpu.memref_slice %arg2[%dma_start3A_226, %dma_start3A_227] : memref<20000x128xf32, #tpu.memory_space<hbm>> -> memref<20000x128xf32, #tpu.memory_space<hbm>>
          tpu.enqueue_indirect_dma source(%dma_start3A_228 : memref<20000x128xf32, #tpu.memory_space<hbm>>) target(%dma_start3A_222 : memref<80x128xf32, #tpu.memory_space<vmem>>) offsets(%dma_start3A_225 : memref<80xi32, #tpu.memory_space<vmem>>) semaphore(%arg11 : memref<!tpu.dma_semaphore, #tpu.memory_space<semaphore_mem>>)
        } else {
        }
        %add3A_196 = arith.constant 2 : i32
        %add3A_197 = arith.addi %mul3A_92, %add3A_196 : i32
        %dma_wait3A_198 = arith.constant 160 : i32
        %dma_wait3A_199 = arith.constant 0 : i32
        %dma_wait3A_200 = tpu.memref_slice %arg8[%dma_wait3A_198, %dma_wait3A_199] : memref<240x128xf32, #tpu.memory_space<vmem>> -> memref<80x128xf32, #tpu.memory_space<vmem>>
        %dma_wait3A_201 = arith.constant 0 : i32
        %dma_wait3A_202 = tpu.memref_slice %arg7[%add3A_197, %dma_wait3A_201] : memref<50x80xi32, #tpu.memory_space<vmem>> -> memref<1x80xi32, #tpu.memory_space<vmem>>
        %dma_wait3A_203 = tpu.memref_squeeze %dma_wait3A_202 : memref<1x80xi32, #tpu.memory_space<vmem>> -> memref<80xi32, #tpu.memory_space<vmem>>
        %dma_wait3A_204 = arith.constant 0 : i32
        %dma_wait3A_205 = arith.constant 0 : i32
        %dma_wait3A_206 = tpu.memref_slice %arg9[%dma_wait3A_204, %dma_wait3A_205] : memref<10112x128xf32, #tpu.memory_space<vmem_shared>> -> memref<10112x128xf32, #tpu.memory_space<vmem_shared>>
        tpu.wait_indirect_dma semaphore(%arg15 : memref<!tpu.dma_semaphore, #tpu.memory_space<semaphore_mem>>) src(%dma_wait3A_200 : memref<80x128xf32, #tpu.memory_space<vmem>>) dst(%dma_wait3A_206 : memref<10112x128xf32, #tpu.memory_space<vmem_shared>>)
        %add3A_207 = arith.constant 3 : i32
        %add3A_208 = arith.addi %mul3A_92, %add3A_207 : i32
        %add3A_209 = arith.constant 2 : i32
        %add3A_210 = arith.addi %add3A_208, %add3A_209 : i32
        %lt3A_211 = arith.constant 50 : i32
        %lt3A_212 = arith.cmpi slt, %add3A_210, %lt3A_211 : i32
        %convert_element_type3A_213 = arith.extui %lt3A_212 : i1 to i32
        %cond3A_214 = arith.constant 0 : i32
        %cond3A_215 = arith.cmpi ne, %convert_element_type3A_213, %cond3A_214 : i32
        scf.if %cond3A_215 {
          %add3A_216 = arith.constant 3 : i32
          %add3A_217 = arith.addi %mul3A_92, %add3A_216 : i32
          %add3A_218 = arith.constant 2 : i32
          %add3A_219 = arith.addi %add3A_217, %add3A_218 : i32
          %dma_start3A_220 = arith.constant 160 : i32
          %dma_start3A_221 = arith.constant 0 : i32
          %dma_start3A_222 = tpu.memref_slice %arg8[%dma_start3A_220, %dma_start3A_221] : memref<240x128xf32, #tpu.memory_space<vmem>> -> memref<80x128xf32, #tpu.memory_space<vmem>>
          %dma_start3A_223 = arith.constant 0 : i32
          %dma_start3A_224 = tpu.memref_slice %arg6[%add3A_219, %dma_start3A_223] : memref<50x80xi32, #tpu.memory_space<vmem>> -> memref<1x80xi32, #tpu.memory_space<vmem>>
          %dma_start3A_225 = tpu.memref_squeeze %dma_start3A_224 : memref<1x80xi32, #tpu.memory_space<vmem>> -> memref<80xi32, #tpu.memory_space<vmem>>
          %dma_start3A_226 = arith.constant 0 : i32
          %dma_start3A_227 = arith.constant 0 : i32
          %dma_start3A_228 = tpu.memref_slice %arg2[%dma_start3A_226, %dma_start3A_227] : memref<20000x128xf32, #tpu.memory_space<hbm>> -> memref<20000x128xf32, #tpu.memory_space<hbm>>
          tpu.enqueue_indirect_dma source(%dma_start3A_228 : memref<20000x128xf32, #tpu.memory_space<hbm>>) target(%dma_start3A_222 : memref<80x128xf32, #tpu.memory_space<vmem>>) offsets(%dma_start3A_225 : memref<80xi32, #tpu.memory_space<vmem>>) semaphore(%arg12 : memref<!tpu.dma_semaphore, #tpu.memory_space<semaphore_mem>>)
        } else {
        }
      }
      %scan3A_69 = arith.constant 16 : i32
      %dma_wait3A = arith.constant 48 : i32
      %dma_wait3A_70 = arith.constant 0 : i32
      %dma_wait3A_71 = arith.constant 0 : i32
      %dma_wait3A_72 = tpu.memref_slice %arg8[%dma_wait3A_70, %dma_wait3A_71] : memref<240x128xf32, #tpu.memory_space<vmem>> -> memref<80x128xf32, #tpu.memory_space<vmem>>
      %dma_wait3A_73 = arith.constant 0 : i32
      %dma_wait3A_74 = tpu.memref_slice %arg6[%dma_wait3A, %dma_wait3A_73] : memref<50x80xi32, #tpu.memory_space<vmem>> -> memref<1x80xi32, #tpu.memory_space<vmem>>
      %dma_wait3A_75 = tpu.memref_squeeze %dma_wait3A_74 : memref<1x80xi32, #tpu.memory_space<vmem>> -> memref<80xi32, #tpu.memory_space<vmem>>
      %dma_wait3A_76 = arith.constant 0 : i32
      %dma_wait3A_77 = arith.constant 0 : i32
      %dma_wait3A_78 = tpu.memref_slice %arg2[%dma_wait3A_76, %dma_wait3A_77] : memref<20000x128xf32, #tpu.memory_space<hbm>> -> memref<20000x128xf32, #tpu.memory_space<hbm>>
      tpu.wait_indirect_dma semaphore(%arg10 : memref<!tpu.dma_semaphore, #tpu.memory_space<semaphore_mem>>) src(%dma_wait3A_78 : memref<20000x128xf32, #tpu.memory_space<hbm>>) dst(%dma_wait3A_72 : memref<80x128xf32, #tpu.memory_space<vmem>>)
      %run_scoped3A = arith.constant 48 : i32
      "tpu.region"() ({
        %run_scoped3A_90 = tpu.sem_alloc : memref<!tpu.dma_semaphore, #tpu.memory_space<semaphore_mem>>
        %dma_start3A_91 = arith.constant 0 : i32
        %dma_start3A_92 = arith.constant 0 : i32
        %dma_start3A_93 = tpu.memref_slice %arg8[%dma_start3A_91, %dma_start3A_92] : memref<240x128xf32, #tpu.memory_space<vmem>> -> memref<80x128xf32, #tpu.memory_space<vmem>>
        %dma_start3A_94 = arith.constant 0 : i32
        %dma_start3A_95 = tpu.memref_slice %arg7[%run_scoped3A, %dma_start3A_94] : memref<50x80xi32, #tpu.memory_space<vmem>> -> memref<1x80xi32, #tpu.memory_space<vmem>>
        %dma_start3A_96 = tpu.memref_squeeze %dma_start3A_95 : memref<1x80xi32, #tpu.memory_space<vmem>> -> memref<80xi32, #tpu.memory_space<vmem>>
        %dma_start3A_97 = arith.constant 0 : i32
        %dma_start3A_98 = arith.constant 0 : i32
        %dma_start3A_99 = tpu.memref_slice %arg9[%dma_start3A_97, %dma_start3A_98] : memref<10112x128xf32, #tpu.memory_space<vmem_shared>> -> memref<10112x128xf32, #tpu.memory_space<vmem_shared>>
        tpu.enqueue_indirect_dma source(%dma_start3A_93 : memref<80x128xf32, #tpu.memory_space<vmem>>) target(%dma_start3A_99 : memref<10112x128xf32, #tpu.memory_space<vmem_shared>>) offsets(%dma_start3A_96 : memref<80xi32, #tpu.memory_space<vmem>>) semaphore(%run_scoped3A_90 : memref<!tpu.dma_semaphore, #tpu.memory_space<semaphore_mem>>) {add = true}
        %dma_wait3A_100 = arith.constant 0 : i32
        %dma_wait3A_101 = arith.constant 0 : i32
        %dma_wait3A_102 = tpu.memref_slice %arg8[%dma_wait3A_100, %dma_wait3A_101] : memref<240x128xf32, #tpu.memory_space<vmem>> -> memref<80x128xf32, #tpu.memory_space<vmem>>
        %dma_wait3A_103 = arith.constant 0 : i32
        %dma_wait3A_104 = tpu.memref_slice %arg7[%run_scoped3A, %dma_wait3A_103] : memref<50x80xi32, #tpu.memory_space<vmem>> -> memref<1x80xi32, #tpu.memory_space<vmem>>
        %dma_wait3A_105 = tpu.memref_squeeze %dma_wait3A_104 : memref<1x80xi32, #tpu.memory_space<vmem>> -> memref<80xi32, #tpu.memory_space<vmem>>
        %dma_wait3A_106 = arith.constant 0 : i32
        %dma_wait3A_107 = arith.constant 0 : i32
        %dma_wait3A_108 = tpu.memref_slice %arg9[%dma_wait3A_106, %dma_wait3A_107] : memref<10112x128xf32, #tpu.memory_space<vmem_shared>> -> memref<10112x128xf32, #tpu.memory_space<vmem_shared>>
        tpu.wait_indirect_dma semaphore(%run_scoped3A_90 : memref<!tpu.dma_semaphore, #tpu.memory_space<semaphore_mem>>) src(%dma_wait3A_102 : memref<80x128xf32, #tpu.memory_space<vmem>>) dst(%dma_wait3A_108 : memref<10112x128xf32, #tpu.memory_space<vmem_shared>>)
        tpu.yield
      }) : () -> ()
      %dma_wait3A_79 = arith.constant 49 : i32
      %dma_wait3A_80 = arith.constant 80 : i32
      %dma_wait3A_81 = arith.constant 0 : i32
      %dma_wait3A_82 = tpu.memref_slice %arg8[%dma_wait3A_80, %dma_wait3A_81] : memref<240x128xf32, #tpu.memory_space<vmem>> -> memref<80x128xf32, #tpu.memory_space<vmem>>
      %dma_wait3A_83 = arith.constant 0 : i32
      %dma_wait3A_84 = tpu.memref_slice %arg6[%dma_wait3A_79, %dma_wait3A_83] : memref<50x80xi32, #tpu.memory_space<vmem>> -> memref<1x80xi32, #tpu.memory_space<vmem>>
      %dma_wait3A_85 = tpu.memref_squeeze %dma_wait3A_84 : memref<1x80xi32, #tpu.memory_space<vmem>> -> memref<80xi32, #tpu.memory_space<vmem>>
      %dma_wait3A_86 = arith.constant 0 : i32
      %dma_wait3A_87 = arith.constant 0 : i32
      %dma_wait3A_88 = tpu.memref_slice %arg2[%dma_wait3A_86, %dma_wait3A_87] : memref<20000x128xf32, #tpu.memory_space<hbm>> -> memref<20000x128xf32, #tpu.memory_space<hbm>>
      tpu.wait_indirect_dma semaphore(%arg11 : memref<!tpu.dma_semaphore, #tpu.memory_space<semaphore_mem>>) src(%dma_wait3A_88 : memref<20000x128xf32, #tpu.memory_space<hbm>>) dst(%dma_wait3A_82 : memref<80x128xf32, #tpu.memory_space<vmem>>)
      %run_scoped3A_89 = arith.constant 49 : i32
      "tpu.region"() ({
        %run_scoped3A_90 = tpu.sem_alloc : memref<!tpu.dma_semaphore, #tpu.memory_space<semaphore_mem>>
        %dma_start3A_91 = arith.constant 80 : i32
        %dma_start3A_92 = arith.constant 0 : i32
        %dma_start3A_93 = tpu.memref_slice %arg8[%dma_start3A_91, %dma_start3A_92] : memref<240x128xf32, #tpu.memory_space<vmem>> -> memref<80x128xf32, #tpu.memory_space<vmem>>
        %dma_start3A_94 = arith.constant 0 : i32
        %dma_start3A_95 = tpu.memref_slice %arg7[%run_scoped3A_89, %dma_start3A_94] : memref<50x80xi32, #tpu.memory_space<vmem>> -> memref<1x80xi32, #tpu.memory_space<vmem>>
        %dma_start3A_96 = tpu.memref_squeeze %dma_start3A_95 : memref<1x80xi32, #tpu.memory_space<vmem>> -> memref<80xi32, #tpu.memory_space<vmem>>
        %dma_start3A_97 = arith.constant 0 : i32
        %dma_start3A_98 = arith.constant 0 : i32
        %dma_start3A_99 = tpu.memref_slice %arg9[%dma_start3A_97, %dma_start3A_98] : memref<10112x128xf32, #tpu.memory_space<vmem_shared>> -> memref<10112x128xf32, #tpu.memory_space<vmem_shared>>
        tpu.enqueue_indirect_dma source(%dma_start3A_93 : memref<80x128xf32, #tpu.memory_space<vmem>>) target(%dma_start3A_99 : memref<10112x128xf32, #tpu.memory_space<vmem_shared>>) offsets(%dma_start3A_96 : memref<80xi32, #tpu.memory_space<vmem>>) semaphore(%run_scoped3A_90 : memref<!tpu.dma_semaphore, #tpu.memory_space<semaphore_mem>>) {add = true}
        %dma_wait3A_100 = arith.constant 80 : i32
        %dma_wait3A_101 = arith.constant 0 : i32
        %dma_wait3A_102 = tpu.memref_slice %arg8[%dma_wait3A_100, %dma_wait3A_101] : memref<240x128xf32, #tpu.memory_space<vmem>> -> memref<80x128xf32, #tpu.memory_space<vmem>>
        %dma_wait3A_103 = arith.constant 0 : i32
        %dma_wait3A_104 = tpu.memref_slice %arg7[%run_scoped3A_89, %dma_wait3A_103] : memref<50x80xi32, #tpu.memory_space<vmem>> -> memref<1x80xi32, #tpu.memory_space<vmem>>
        %dma_wait3A_105 = tpu.memref_squeeze %dma_wait3A_104 : memref<1x80xi32, #tpu.memory_space<vmem>> -> memref<80xi32, #tpu.memory_space<vmem>>
        %dma_wait3A_106 = arith.constant 0 : i32
        %dma_wait3A_107 = arith.constant 0 : i32
        %dma_wait3A_108 = tpu.memref_slice %arg9[%dma_wait3A_106, %dma_wait3A_107] : memref<10112x128xf32, #tpu.memory_space<vmem_shared>> -> memref<10112x128xf32, #tpu.memory_space<vmem_shared>>
        tpu.wait_indirect_dma semaphore(%run_scoped3A_90 : memref<!tpu.dma_semaphore, #tpu.memory_space<semaphore_mem>>) src(%dma_wait3A_102 : memref<80x128xf32, #tpu.memory_space<vmem>>) dst(%dma_wait3A_108 : memref<10112x128xf32, #tpu.memory_space<vmem_shared>>)
        tpu.yield
      }) : () -> ()
    }
    %scan3A_23 = arith.constant 5 : i32
    %barrier3A_24 = arith.constant 0 : index
    tpu.barrier barrier_id(%barrier3A_24)
    %mul3A_25 = arith.constant 632 : i32
    %mul3A_26 = arith.muli %arg1, %mul3A_25 : i32
    %multiple_of3A_27 = tpu.assume_multiple %mul3A_26, 8 : i32
    %mul3A_28 = arith.constant 10112 : i32
    %mul3A_29 = arith.muli %arg0, %mul3A_28 : i32
    %mul3A_30 = arith.constant 632 : i32
    %mul3A_31 = arith.muli %arg1, %mul3A_30 : i32
    %add3A_32 = arith.addi %mul3A_29, %mul3A_31 : i32
    %multiple_of3A_33 = tpu.assume_multiple %add3A_32, 8 : i32
    "tpu.region"() ({
      %run_scoped3A = tpu.sem_alloc : memref<!tpu.dma_semaphore, #tpu.memory_space<semaphore_mem>>
      %dma_start3A = arith.constant 0 : i32
      %dma_start3A_34 = tpu.memref_slice %arg5[%multiple_of3A_33, %dma_start3A] : memref<20224x128xf32, #tpu.memory_space<hbm>> -> memref<632x128xf32, #tpu.memory_space<hbm>>
      %dma_start3A_35 = arith.constant 0 : i32
      %dma_start3A_36 = tpu.memref_slice %arg9[%multiple_of3A_27, %dma_start3A_35] : memref<10112x128xf32, #tpu.memory_space<vmem_shared>> -> memref<632x128xf32, #tpu.memory_space<vmem_shared>>
      tpu.enqueue_dma source(%dma_start3A_36 : memref<632x128xf32, #tpu.memory_space<vmem_shared>>) target(%dma_start3A_34 : memref<632x128xf32, #tpu.memory_space<hbm>>) target_semaphore(%run_scoped3A : memref<!tpu.dma_semaphore, #tpu.memory_space<semaphore_mem>>)
      %dma_wait3A = arith.constant 0 : i32
      %dma_wait3A_37 = tpu.memref_slice %arg5[%multiple_of3A_33, %dma_wait3A] : memref<20224x128xf32, #tpu.memory_space<hbm>> -> memref<632x128xf32, #tpu.memory_space<hbm>>
      %dma_wait3A_38 = arith.constant 0 : i32
      %dma_wait3A_39 = tpu.memref_slice %arg9[%multiple_of3A_27, %dma_wait3A_38] : memref<10112x128xf32, #tpu.memory_space<vmem_shared>> -> memref<632x128xf32, #tpu.memory_space<vmem_shared>>
      tpu.wait_dma2 semaphore(%run_scoped3A : memref<!tpu.dma_semaphore, #tpu.memory_space<semaphore_mem>>) src(%dma_wait3A_39 : memref<632x128xf32, #tpu.memory_space<vmem_shared>>) dst(%dma_wait3A_37 : memref<632x128xf32, #tpu.memory_space<hbm>>)
      tpu.yield
    }) : () -> ()
    return
  }
}

module attributes {stable_mosaic.version = 14 : i64} {
  func.func @_tc_pre_body(%arg0: memref<10000x128xf32, #tpu.memory_space<vmem>>, %arg1: memref<20000x128xf32, #tpu.memory_space<vmem>>) attributes {dimension_semantics = [], scalar_prefetch = 0 : i64, scratch_operands = 0 : i64, tpu.core_type = #tpu.core_type<tc>} {
    %get3A = arith.constant 0 : index
    %get3A_0 = arith.constant 0 : index
    %get3A_1 = vector.load %arg0[%get3A, %get3A_0] : memref<10000x128xf32, #tpu.memory_space<vmem>>, vector<10000x128xf32>
    %max3A = arith.constant 0.000000e+00 : f32
    %max3A_2 = vector.broadcast %max3A : f32 to vector<10000x128xf32>
    %max3A_3 = arith.maximumf %get3A_1, %max3A_2 : vector<10000x128xf32>
    %add3A = arith.constant 1.000000e-07 : f32
    %add3A_4 = vector.broadcast %add3A : f32 to vector<10000x128xf32>
    %add3A_5 = arith.addf %max3A_3, %add3A_4 : vector<10000x128xf32>
    %reduce_max3A = arith.constant dense<0xFF800000> : vector<128xf32>
    %reduce_max3A_6 = vector.multi_reduction <maximumf>, %add3A_5, %reduce_max3A [0] : vector<10000x128xf32> to vector<128xf32>
    %broadcast_in_dim3A = vector.shape_cast %reduce_max3A_6 : vector<128xf32> to vector<1x128xf32>
    %sub3A = vector.broadcast %broadcast_in_dim3A : vector<1x128xf32> to vector<10000x128xf32>
    %sub3A_7 = arith.subf %add3A_5, %sub3A : vector<10000x128xf32>
    %exp3A = math.exp %sub3A_7 : vector<10000x128xf32>
    %mul3A = arith.mulf %exp3A, %add3A_5 : vector<10000x128xf32>
    %swap3A = arith.constant 0 : index
    %swap3A_8 = arith.constant 0 : index
    %swap3A_9 = vector.load %arg1[%swap3A, %swap3A_8] : memref<20000x128xf32, #tpu.memory_space<vmem>>, vector<10000x128xf32>
    tpu.vector_store %arg1[%swap3A, %swap3A_8], %mul3A {strides = array<i32>} : memref<20000x128xf32, #tpu.memory_space<vmem>>, vector<10000x128xf32>,
    %swap3A_10 = arith.constant 10000 : index
    %swap3A_11 = arith.constant 0 : index
    %swap3A_12 = vector.load %arg1[%swap3A_10, %swap3A_11] : memref<20000x128xf32, #tpu.memory_space<vmem>>, vector<10000x128xf32>
    tpu.vector_store %arg1[%swap3A_10, %swap3A_11], %exp3A {strides = array<i32>} : memref<20000x128xf32, #tpu.memory_space<vmem>>, vector<10000x128xf32>,
    return
  }
}

module attributes {stable_mosaic.version = 14 : i64} {
  func.func @_tc_layer_body(%arg0: memref<10000x128xf32, #tpu.memory_space<vmem>>, %arg1: memref<20224x128xf32, #tpu.memory_space<vmem>>, %arg2: memref<128x256xf32, #tpu.memory_space<vmem>>, %arg3: memref<1x256xf32, #tpu.memory_space<vmem>>, %arg4: memref<1x256xf32, #tpu.memory_space<vmem>>, %arg5: memref<1x256xf32, #tpu.memory_space<vmem>>, %arg6: memref<256x128xf32, #tpu.memory_space<vmem>>, %arg7: memref<1x128xf32, #tpu.memory_space<vmem>>, %arg8: memref<10000x128xf32, #tpu.memory_space<vmem>>, %arg9: memref<20000x128xf32, #tpu.memory_space<vmem>>) attributes {dimension_semantics = [], scalar_prefetch = 0 : i64, scratch_operands = 0 : i64, tpu.core_type = #tpu.core_type<tc>} {
    %get3A = arith.constant 0 : index
    %get3A_0 = arith.constant 0 : index
    %get3A_1 = vector.load %arg1[%get3A, %get3A_0] : memref<20224x128xf32, #tpu.memory_space<vmem>>, vector<10000x128xf32>
    %get3A_2 = arith.constant 10112 : index
    %get3A_3 = arith.constant 0 : index
    %get3A_4 = vector.load %arg1[%get3A_2, %get3A_3] : memref<20224x128xf32, #tpu.memory_space<vmem>>, vector<10000x128xf32>
    %add3A = arith.constant 1.000000e-30 : f32
    %add3A_5 = vector.broadcast %add3A : f32 to vector<10000x128xf32>
    %add3A_6 = arith.addf %get3A_4, %add3A_5 : vector<10000x128xf32>
    %div3A = arith.divf %get3A_1, %add3A_6 : vector<10000x128xf32>
    %get3A_7 = arith.constant 0 : index
    %get3A_8 = arith.constant 0 : index
    %get3A_9 = vector.load %arg0[%get3A_7, %get3A_8] : memref<10000x128xf32, #tpu.memory_space<vmem>>, vector<10000x128xf32>
    %add3A_10 = arith.addf %div3A, %get3A_9 : vector<10000x128xf32>
    %get3A_11 = arith.constant 0 : index
    %get3A_12 = arith.constant 0 : index
    %get3A_13 = vector.load %arg2[%get3A_11, %get3A_12] : memref<128x256xf32, #tpu.memory_space<vmem>>, vector<128x256xf32>
    %dot_general3A = arith.constant dense<0.000000e+00> : vector<10000x256xf32>
    %dot_general3A_14 = tpu.matmul %add3A_10, %get3A_13, %dot_general3A {dimension_numbers = #tpu.dot_dimension_numbers<[1], [0], [0], [1], [0, 0, 1, 1], [], []>, transpose_lhs_hint = false} : vector<10000x128xf32>, vector<128x256xf32>, vector<10000x256xf32> -> vector<10000x256xf32>
    %get3A_15 = arith.constant 0 : index
    %get3A_16 = arith.constant 0 : index
    %get3A_17 = vector.load %arg3[%get3A_15, %get3A_16] : memref<1x256xf32, #tpu.memory_space<vmem>>, vector<1x256xf32>
    %add3A_18 = vector.broadcast %get3A_17 : vector<1x256xf32> to vector<10000x256xf32>
    %add3A_19 = arith.addf %dot_general3A_14, %add3A_18 : vector<10000x256xf32>
    %reduce_sum3A = arith.constant dense<0.000000e+00> : vector<256xf32>
    %reduce_sum3A_20 = vector.multi_reduction <add>, %add3A_19, %reduce_sum3A [0] : vector<10000x256xf32> to vector<256xf32>
    %broadcast_in_dim3A = vector.shape_cast %reduce_sum3A_20 : vector<256xf32> to vector<1x256xf32>
    %div3A_21 = arith.constant 1.000000e+04 : f32
    %div3A_22 = vector.broadcast %div3A_21 : f32 to vector<1x256xf32>
    %div3A_23 = arith.divf %broadcast_in_dim3A, %div3A_22 : vector<1x256xf32>
    %sub3A = vector.broadcast %div3A_23 : vector<1x256xf32> to vector<10000x256xf32>
    %sub3A_24 = arith.subf %add3A_19, %sub3A : vector<10000x256xf32>
    %integer_pow3A = arith.mulf %sub3A_24, %sub3A_24 : vector<10000x256xf32>
    %reduce_sum3A_25 = arith.constant dense<0.000000e+00> : vector<256xf32>
    %reduce_sum3A_26 = vector.multi_reduction <add>, %integer_pow3A, %reduce_sum3A_25 [0] : vector<10000x256xf32> to vector<256xf32>
    %broadcast_in_dim3A_27 = vector.shape_cast %reduce_sum3A_26 : vector<256xf32> to vector<1x256xf32>
    %div3A_28 = arith.constant 1.000000e+04 : f32
    %div3A_29 = vector.broadcast %div3A_28 : f32 to vector<1x256xf32>
    %div3A_30 = arith.divf %broadcast_in_dim3A_27, %div3A_29 : vector<1x256xf32>
    %sub3A_31 = vector.broadcast %div3A_23 : vector<1x256xf32> to vector<10000x256xf32>
    %sub3A_32 = arith.subf %add3A_19, %sub3A_31 : vector<10000x256xf32>
    %add3A_33 = arith.constant 9.99999974E-6 : f32
    %add3A_34 = vector.broadcast %add3A_33 : f32 to vector<1x256xf32>
    %add3A_35 = arith.addf %div3A_30, %add3A_34 : vector<1x256xf32>
    %sqrt3A = math.sqrt %add3A_35 : vector<1x256xf32>
    %div3A_36 = vector.broadcast %sqrt3A : vector<1x256xf32> to vector<10000x256xf32>
    %div3A_37 = arith.divf %sub3A_32, %div3A_36 : vector<10000x256xf32>
    %get3A_38 = arith.constant 0 : index
    %get3A_39 = arith.constant 0 : index
    %get3A_40 = vector.load %arg4[%get3A_38, %get3A_39] : memref<1x256xf32, #tpu.memory_space<vmem>>, vector<1x256xf32>
    %mul3A = vector.broadcast %get3A_40 : vector<1x256xf32> to vector<10000x256xf32>
    %mul3A_41 = arith.mulf %div3A_37, %mul3A : vector<10000x256xf32>
    %get3A_42 = arith.constant 0 : index
    %get3A_43 = arith.constant 0 : index
    %get3A_44 = vector.load %arg5[%get3A_42, %get3A_43] : memref<1x256xf32, #tpu.memory_space<vmem>>, vector<1x256xf32>
    %add3A_45 = vector.broadcast %get3A_44 : vector<1x256xf32> to vector<10000x256xf32>
    %add3A_46 = arith.addf %mul3A_41, %add3A_45 : vector<10000x256xf32>
    %max3A = arith.constant 0.000000e+00 : f32
    %max3A_47 = vector.broadcast %max3A : f32 to vector<10000x256xf32>
    %max3A_48 = arith.maximumf %add3A_46, %max3A_47 : vector<10000x256xf32>
    %get3A_49 = arith.constant 0 : index
    %get3A_50 = arith.constant 0 : index
    %get3A_51 = vector.load %arg6[%get3A_49, %get3A_50] : memref<256x128xf32, #tpu.memory_space<vmem>>, vector<256x128xf32>
    %dot_general3A_52 = arith.constant dense<0.000000e+00> : vector<10000x128xf32>
    %dot_general3A_53 = tpu.matmul %max3A_48, %get3A_51, %dot_general3A_52 {dimension_numbers = #tpu.dot_dimension_numbers<[1], [0], [0], [1], [0, 0, 1, 1], [], []>, transpose_lhs_hint = false} : vector<10000x256xf32>, vector<256x128xf32>, vector<10000x128xf32> -> vector<10000x128xf32>
    %get3A_54 = arith.constant 0 : index
    %get3A_55 = arith.constant 0 : index
    %get3A_56 = vector.load %arg7[%get3A_54, %get3A_55] : memref<1x128xf32, #tpu.memory_space<vmem>>, vector<1x128xf32>
    %add3A_57 = vector.broadcast %get3A_56 : vector<1x128xf32> to vector<10000x128xf32>
    %add3A_58 = arith.addf %dot_general3A_53, %add3A_57 : vector<10000x128xf32>
    %custom_jvp_call3A = arith.constant 0.000000e+00 : f32
    %max3A_59 = vector.broadcast %custom_jvp_call3A : f32 to vector<10000x128xf32>
    %max3A_60 = arith.maximumf %add3A_58, %max3A_59 : vector<10000x128xf32>
    %sub3A_61 = vector.broadcast %custom_jvp_call3A : f32 to vector<10000x128xf32>
    %sub3A_62 = arith.subf %add3A_58, %sub3A_61 : vector<10000x128xf32>
    %ne3A = arith.cmpf one, %sub3A_62, %sub3A_62 : vector<10000x128xf32>
    %add3A_63 = vector.broadcast %custom_jvp_call3A : f32 to vector<10000x128xf32>
    %add3A_64 = arith.addf %add3A_58, %add3A_63 : vector<10000x128xf32>
    %abs3A = math.absf %sub3A_62 : vector<10000x128xf32>
    %neg3A = arith.constant 0.000000e+00 : f32
    %neg3A_65 = vector.broadcast %neg3A : f32 to vector<10000x128xf32>
    %neg3A_66 = arith.subf %neg3A_65, %abs3A : vector<10000x128xf32>
    %exp3A = math.exp %neg3A_66 : vector<10000x128xf32>
    %log1p3A = math.log1p %exp3A : vector<10000x128xf32>
    %add3A_67 = arith.addf %max3A_60, %log1p3A : vector<10000x128xf32>
    %select_n3A = arith.select %ne3A, %add3A_64, %add3A_67 : vector<10000x128xi1>, vector<10000x128xf32>
    %tanh3A = math.tanh %select_n3A : vector<10000x128xf32>
    %mul3A_68 = arith.mulf %add3A_58, %tanh3A : vector<10000x128xf32>
    %swap3A = arith.constant 0 : index
    %swap3A_69 = arith.constant 0 : index
    %swap3A_70 = vector.load %arg8[%swap3A, %swap3A_69] : memref<10000x128xf32, #tpu.memory_space<vmem>>, vector<10000x128xf32>
    tpu.vector_store %arg8[%swap3A, %swap3A_69], %mul3A_68 {strides = array<i32>} : memref<10000x128xf32, #tpu.memory_space<vmem>>, vector<10000x128xf32>,
    %max3A_71 = arith.constant 0.000000e+00 : f32
    %max3A_72 = vector.broadcast %max3A_71 : f32 to vector<10000x128xf32>
    %max3A_73 = arith.maximumf %mul3A_68, %max3A_72 : vector<10000x128xf32>
    %add3A_74 = arith.constant 1.000000e-07 : f32
    %add3A_75 = vector.broadcast %add3A_74 : f32 to vector<10000x128xf32>
    %add3A_76 = arith.addf %max3A_73, %add3A_75 : vector<10000x128xf32>
    %reduce_max3A = arith.constant dense<0xFF800000> : vector<128xf32>
    %reduce_max3A_77 = vector.multi_reduction <maximumf>, %add3A_76, %reduce_max3A [0] : vector<10000x128xf32> to vector<128xf32>
    %broadcast_in_dim3A_78 = vector.shape_cast %reduce_max3A_77 : vector<128xf32> to vector<1x128xf32>
    %sub3A_79 = vector.broadcast %broadcast_in_dim3A_78 : vector<1x128xf32> to vector<10000x128xf32>
    %sub3A_80 = arith.subf %add3A_76, %sub3A_79 : vector<10000x128xf32>
    %exp3A_81 = math.exp %sub3A_80 : vector<10000x128xf32>
    %mul3A_82 = arith.mulf %exp3A_81, %add3A_76 : vector<10000x128xf32>
    %swap3A_83 = arith.constant 0 : index
    %swap3A_84 = arith.constant 0 : index
    %swap3A_85 = vector.load %arg9[%swap3A_83, %swap3A_84] : memref<20000x128xf32, #tpu.memory_space<vmem>>, vector<10000x128xf32>
    tpu.vector_store %arg9[%swap3A_83, %swap3A_84], %mul3A_82 {strides = array<i32>} : memref<20000x128xf32, #tpu.memory_space<vmem>>, vector<10000x128xf32>,
    %swap3A_86 = arith.constant 10000 : index
    %swap3A_87 = arith.constant 0 : index
    %swap3A_88 = vector.load %arg9[%swap3A_86, %swap3A_87] : memref<20000x128xf32, #tpu.memory_space<vmem>>, vector<10000x128xf32>
    tpu.vector_store %arg9[%swap3A_86, %swap3A_87], %exp3A_81 {strides = array<i32>} : memref<20000x128xf32, #tpu.memory_space<vmem>>, vector<10000x128xf32>,
    return
  }
}

module attributes {stable_mosaic.version = 14 : i64} {
  func.func @_tc_layer_body(%arg0: memref<10000x128xf32, #tpu.memory_space<vmem>>, %arg1: memref<20224x128xf32, #tpu.memory_space<vmem>>, %arg2: memref<128x256xf32, #tpu.memory_space<vmem>>, %arg3: memref<1x256xf32, #tpu.memory_space<vmem>>, %arg4: memref<1x256xf32, #tpu.memory_space<vmem>>, %arg5: memref<1x256xf32, #tpu.memory_space<vmem>>, %arg6: memref<256x128xf32, #tpu.memory_space<vmem>>, %arg7: memref<1x128xf32, #tpu.memory_space<vmem>>, %arg8: memref<10000x128xf32, #tpu.memory_space<vmem>>) attributes {dimension_semantics = [], scalar_prefetch = 0 : i64, scratch_operands = 0 : i64, tpu.core_type = #tpu.core_type<tc>} {
    %get3A = arith.constant 0 : index
    %get3A_0 = arith.constant 0 : index
    %get3A_1 = vector.load %arg1[%get3A, %get3A_0] : memref<20224x128xf32, #tpu.memory_space<vmem>>, vector<10000x128xf32>
    %get3A_2 = arith.constant 10112 : index
    %get3A_3 = arith.constant 0 : index
    %get3A_4 = vector.load %arg1[%get3A_2, %get3A_3] : memref<20224x128xf32, #tpu.memory_space<vmem>>, vector<10000x128xf32>
    %add3A = arith.constant 1.000000e-30 : f32
    %add3A_5 = vector.broadcast %add3A : f32 to vector<10000x128xf32>
    %add3A_6 = arith.addf %get3A_4, %add3A_5 : vector<10000x128xf32>
    %div3A = arith.divf %get3A_1, %add3A_6 : vector<10000x128xf32>
    %get3A_7 = arith.constant 0 : index
    %get3A_8 = arith.constant 0 : index
    %get3A_9 = vector.load %arg0[%get3A_7, %get3A_8] : memref<10000x128xf32, #tpu.memory_space<vmem>>, vector<10000x128xf32>
    %add3A_10 = arith.addf %div3A, %get3A_9 : vector<10000x128xf32>
    %get3A_11 = arith.constant 0 : index
    %get3A_12 = arith.constant 0 : index
    %get3A_13 = vector.load %arg2[%get3A_11, %get3A_12] : memref<128x256xf32, #tpu.memory_space<vmem>>, vector<128x256xf32>
    %dot_general3A = arith.constant dense<0.000000e+00> : vector<10000x256xf32>
    %dot_general3A_14 = tpu.matmul %add3A_10, %get3A_13, %dot_general3A {dimension_numbers = #tpu.dot_dimension_numbers<[1], [0], [0], [1], [0, 0, 1, 1], [], []>, transpose_lhs_hint = false} : vector<10000x128xf32>, vector<128x256xf32>, vector<10000x256xf32> -> vector<10000x256xf32>
    %get3A_15 = arith.constant 0 : index
    %get3A_16 = arith.constant 0 : index
    %get3A_17 = vector.load %arg3[%get3A_15, %get3A_16] : memref<1x256xf32, #tpu.memory_space<vmem>>, vector<1x256xf32>
    %add3A_18 = vector.broadcast %get3A_17 : vector<1x256xf32> to vector<10000x256xf32>
    %add3A_19 = arith.addf %dot_general3A_14, %add3A_18 : vector<10000x256xf32>
    %reduce_sum3A = arith.constant dense<0.000000e+00> : vector<256xf32>
    %reduce_sum3A_20 = vector.multi_reduction <add>, %add3A_19, %reduce_sum3A [0] : vector<10000x256xf32> to vector<256xf32>
    %broadcast_in_dim3A = vector.shape_cast %reduce_sum3A_20 : vector<256xf32> to vector<1x256xf32>
    %div3A_21 = arith.constant 1.000000e+04 : f32
    %div3A_22 = vector.broadcast %div3A_21 : f32 to vector<1x256xf32>
    %div3A_23 = arith.divf %broadcast_in_dim3A, %div3A_22 : vector<1x256xf32>
    %sub3A = vector.broadcast %div3A_23 : vector<1x256xf32> to vector<10000x256xf32>
    %sub3A_24 = arith.subf %add3A_19, %sub3A : vector<10000x256xf32>
    %integer_pow3A = arith.mulf %sub3A_24, %sub3A_24 : vector<10000x256xf32>
    %reduce_sum3A_25 = arith.constant dense<0.000000e+00> : vector<256xf32>
    %reduce_sum3A_26 = vector.multi_reduction <add>, %integer_pow3A, %reduce_sum3A_25 [0] : vector<10000x256xf32> to vector<256xf32>
    %broadcast_in_dim3A_27 = vector.shape_cast %reduce_sum3A_26 : vector<256xf32> to vector<1x256xf32>
    %div3A_28 = arith.constant 1.000000e+04 : f32
    %div3A_29 = vector.broadcast %div3A_28 : f32 to vector<1x256xf32>
    %div3A_30 = arith.divf %broadcast_in_dim3A_27, %div3A_29 : vector<1x256xf32>
    %sub3A_31 = vector.broadcast %div3A_23 : vector<1x256xf32> to vector<10000x256xf32>
    %sub3A_32 = arith.subf %add3A_19, %sub3A_31 : vector<10000x256xf32>
    %add3A_33 = arith.constant 9.99999974E-6 : f32
    %add3A_34 = vector.broadcast %add3A_33 : f32 to vector<1x256xf32>
    %add3A_35 = arith.addf %div3A_30, %add3A_34 : vector<1x256xf32>
    %sqrt3A = math.sqrt %add3A_35 : vector<1x256xf32>
    %div3A_36 = vector.broadcast %sqrt3A : vector<1x256xf32> to vector<10000x256xf32>
    %div3A_37 = arith.divf %sub3A_32, %div3A_36 : vector<10000x256xf32>
    %get3A_38 = arith.constant 0 : index
    %get3A_39 = arith.constant 0 : index
    %get3A_40 = vector.load %arg4[%get3A_38, %get3A_39] : memref<1x256xf32, #tpu.memory_space<vmem>>, vector<1x256xf32>
    %mul3A = vector.broadcast %get3A_40 : vector<1x256xf32> to vector<10000x256xf32>
    %mul3A_41 = arith.mulf %div3A_37, %mul3A : vector<10000x256xf32>
    %get3A_42 = arith.constant 0 : index
    %get3A_43 = arith.constant 0 : index
    %get3A_44 = vector.load %arg5[%get3A_42, %get3A_43] : memref<1x256xf32, #tpu.memory_space<vmem>>, vector<1x256xf32>
    %add3A_45 = vector.broadcast %get3A_44 : vector<1x256xf32> to vector<10000x256xf32>
    %add3A_46 = arith.addf %mul3A_41, %add3A_45 : vector<10000x256xf32>
    %max3A = arith.constant 0.000000e+00 : f32
    %max3A_47 = vector.broadcast %max3A : f32 to vector<10000x256xf32>
    %max3A_48 = arith.maximumf %add3A_46, %max3A_47 : vector<10000x256xf32>
    %get3A_49 = arith.constant 0 : index
    %get3A_50 = arith.constant 0 : index
    %get3A_51 = vector.load %arg6[%get3A_49, %get3A_50] : memref<256x128xf32, #tpu.memory_space<vmem>>, vector<256x128xf32>
    %dot_general3A_52 = arith.constant dense<0.000000e+00> : vector<10000x128xf32>
    %dot_general3A_53 = tpu.matmul %max3A_48, %get3A_51, %dot_general3A_52 {dimension_numbers = #tpu.dot_dimension_numbers<[1], [0], [0], [1], [0, 0, 1, 1], [], []>, transpose_lhs_hint = false} : vector<10000x256xf32>, vector<256x128xf32>, vector<10000x128xf32> -> vector<10000x128xf32>
    %get3A_54 = arith.constant 0 : index
    %get3A_55 = arith.constant 0 : index
    %get3A_56 = vector.load %arg7[%get3A_54, %get3A_55] : memref<1x128xf32, #tpu.memory_space<vmem>>, vector<1x128xf32>
    %add3A_57 = vector.broadcast %get3A_56 : vector<1x128xf32> to vector<10000x128xf32>
    %add3A_58 = arith.addf %dot_general3A_53, %add3A_57 : vector<10000x128xf32>
    %swap3A = arith.constant 0 : index
    %swap3A_59 = arith.constant 0 : index
    %swap3A_60 = vector.load %arg8[%swap3A, %swap3A_59] : memref<10000x128xf32, #tpu.memory_space<vmem>>, vector<10000x128xf32>
    tpu.vector_store %arg8[%swap3A, %swap3A_59], %add3A_58 {strides = array<i32>} : memref<10000x128xf32, #tpu.memory_space<vmem>>, vector<10000x128xf32>,
    return
  }
}

</mosaic_0001>

<sc_bundles>
// kernel: kernel.11.cloned.1.call-start
scs
__scs_entry_jumppad:
0x0: {  	(pc) =	sbr.rel $0x88, $3  }
0x1: {  	(tag) =	ssettag $0x0;
	lr =	simm.s32 $0x1  }
0x2: {  	[smem:$0x3F99] =	sst lr;
	_ =	strace $0xD0000000  }
0x3: {  	_ = 	snop  }
0x4: {  	_ = 	snop  }
0x5: {  	_ = 	snop  }
0x6: {  	_ = 	snop  }
0x7: {  	_ = 	snop  }
__scs_overlays_trampoline_lowered:
0x8: {  	[smem:$0x3FA8] =	sst s0  }
0x9: {  	[smem:$0x3FA9] =	sst s1  }
0xa: {  	[smem:$0x3FAA] =	sst s2  }
0xb: {  	[smem:$0x3FAB] =	sst s3  }
0xc: {  	[smem:$0x3FAC] =	sst s4  }
0xd: {  	[smem:$0x3FAD] =	sst s5  }
0xe: {  	[smem:$0x3FAE] =	sst s6  }
0xf: {  	[smem:$0x3FAF] =	sst s7  }
0x10: {  	[smem:$0x3FB0] =	sst s8  }
0x11: {  	[smem:$0x3FB1] =	sst s9;
	s0 =	simm.s32 @!p0 $0x0  }
0x12: {  	s1 =	sld [smem:$0x3F97];
	s0 =	simm.s32 @p0 $0x1  }
0x13: {  	[smem:$0x3FB2] =	sst s0;
	s0 =	simm.s32 @!p1 $0x0  }
0x14: {  	s2 =	sld [smem:$0x3F96];
	s0 =	simm.s32 @p1 $0x1  }
0x15: {  	[smem:$0x3FB3] =	sst s0;
	s0 =	simm.s32 @!p2 $0x0  }
0x16: {  	s3 =	sld [smem:$0x3FDB];
	s0 =	simm.s32 @p2 $0x1  }
0x17: {  	s4 =	simm.s32 $0x1BF5;
	[smem:$0x3FB5] =	sst s0  }
0x18: {  	s0 =	sld [smem:$0x3F98];
	_ =	swait.ge [sflag:s4], $0x0  }
0x19: {  	s7 =	sld [smem:$0x3F99]  }
0x1a: {  	s8 =	sadd.s32 $0xFFFFE003, lr  }
0x1b: {  	s9 =	sadd.s32 $0xFFFFFEF7, lr;
	s5 =	simm.s32 $0xFFFFFFFF;
	p2 =	slt.u32 s8, $0xFFFFF086  }
0x1c: {  	p1 =	slt.u32 s9, $0xF7A;
	s5 =	simm.s32 @!p2 $0x0  }
0x1d: {  	s5 =	simm.s32 @p1 $0x1;
	p0 =	seq.s32 s7, s2  }
0x1e: {  	s7 =	smul.u32 @!p0 $0xF7A, s2;
	p2 =	seq.s32 @!p0 s5, $0x0  }
0x1f: {  	s9 =	smul.u32 $0xF7A, s1;
	s8 =	simm.s32 @!p0 $0x1BF5;
	p2 =	por !p2, p0  }
0x20: {  	[sflag:s8] =	ssyncset.s32 @!p0 $0xFFFFF086;
	s6 =	sadd.s32 @!p0 s3, s7;
	s7 =	simm.s32 @!p0 $0x108  }
0x21: {  	s3 =	sadd.s32 s3, s9;
	s6 =	sadd.s32 @!p0 $0x88, s6;
	s7 =	simm.s32 @p2 $0x1082  }
0x22: {  	[simem:s7], [sflag:s8] =	dma.local @!p0 [hbm:s6], $0xF7A  }
0x23: {  	s9 =	sor.u32 $0xD0000000, s2;
	s6 =	simm.s32 $0x108;
	_ =	swait.ge @!p0 [sflag:s8], $0x0  }
0x24: {  	s3 =	sadd.s32 $0x88, s3;
	s6 =	simm.s32 @!p1 $0x1082;
	[sflag:s4] =	ssyncset.s32 $0xFFFFF086  }
0x25: {  	[simem:s6], [sflag:s4] =	dma.local [hbm:s3], $0xF7A  }
0x26: {  	[smem:$0x3F99] =	sst s1;
	(tag) =	ssettag s2;
	_ =	strace s9  }
0x27: {  	s1 =	sld [smem:$0x3FA9]  }
0x28: {  	s2 =	sld [smem:$0x3FAA]  }
0x29: {  	s4 =	sld [smem:$0x3FAC]  }
0x2a: {  	p0 =	seq.s32 s5, $0x0;
	s5 =	sld [smem:$0x3FAD]  }
0x2b: {  	s6 =	sld [smem:$0x3FAE]  }
0x2c: {  	s7 =	sld [smem:$0x3FAF]  }
0x2d: {  	s3 =	simm.s32 $0x108;
	s8 =	sld [smem:$0x3FB0]  }
0x2e: {  	s3 =	simm.s32 @!p0 $0x1082;
	s9 =	sld [smem:$0x3FB1]  }
0x2f: {  	lr =	sadd.s32 s0, s3;
	s0 =	sld [smem:$0x3FA8]  }
0x30: {  	s3 =	sld [smem:$0x3FAB]  }
0x31: {  	[smem:$0x3FB4] =	sst s10  }
0x32: {  	s10 =	sld [smem:$0x3FB2];
	_ =	sdelay $0x3  }
0x33: {  	p0 =	seq.s32 s10, $0x1;
	s10 =	sld [smem:$0x3FB4];
	_ =	sdelay $0x3  }
0x34: {  	[smem:$0x3FB4] =	sst s10  }
0x35: {  	s10 =	sld [smem:$0x3FB3];
	_ =	sdelay $0x3  }
0x36: {  	p1 =	seq.s32 s10, $0x1;
	s10 =	sld [smem:$0x3FB4];
	_ =	sdelay $0x3  }
0x37: {  	[smem:$0x3FB4] =	sst s10  }
0x38: {  	s10 =	sld [smem:$0x3FB5]  }
0x39: {  	_ = 	snop;
	(pc) =	sbr.ind lr, $3  }
0x3a: {  	_ = 	snop  }
0x3b: {  	_ = 	snop  }
0x3c: {  	p2 =	seq.s32 s10, $0x1;
	s10 =	sld [smem:$0x3FB4]  }
0x3d: {  	_ =	shalt  }
0x3e: {  	_ =	shalt  }
0x3f: {  	_ =	shalt  }
0x40: {  	_ =	shalt  }
0x41: {  	_ =	shalt  }
0x42: {  	_ =	shalt  }
0x43: {  	_ =	shalt  }
0x44: {  	_ =	shalt  }
0x45: {  	_ =	shalt  }
0x46: {  	_ =	shalt  }
0x47: {  	_ =	shalt  }
0x48: {  	_ =	shalt  }
0x49: {  	_ =	shalt  }
0x4a: {  	_ =	shalt  }
0x4b: {  	_ =	shalt  }
0x4c: {  	_ =	shalt  }
0x4d: {  	_ =	shalt  }
0x4e: {  	_ =	shalt  }
0x4f: {  	_ =	shalt  }
0x50: {  	_ =	shalt  }
0x51: {  	_ =	shalt  }
0x52: {  	_ =	shalt  }
0x53: {  	_ =	shalt  }
0x54: {  	_ =	shalt  }
0x55: {  	_ =	shalt  }
0x56: {  	_ =	shalt  }
0x57: {  	_ =	shalt  }
0x58: {  	_ =	shalt  }
0x59: {  	_ =	shalt  }
0x5a: {  	_ =	shalt  }
0x5b: {  	_ =	shalt  }
0x5c: {  	_ =	shalt  }
0x5d: {  	_ =	shalt  }
0x5e: {  	_ =	shalt  }
0x5f: {  	_ =	shalt  }
0x60: {  	_ =	shalt  }
0x61: {  	_ =	shalt  }
0x62: {  	_ =	shalt  }
0x63: {  	_ =	shalt  }
0x64: {  	_ =	shalt  }
0x65: {  	_ =	shalt  }
0x66: {  	_ =	shalt  }
0x67: {  	_ =	shalt  }
0x68: {  	_ =	shalt  }
0x69: {  	_ =	shalt  }
0x6a: {  	_ =	shalt  }
0x6b: {  	_ =	shalt  }
0x6c: {  	_ =	shalt  }
0x6d: {  	_ =	shalt  }
0x6e: {  	_ =	shalt  }
0x6f: {  	_ =	shalt  }
0x70: {  	_ =	shalt  }
0x71: {  	_ =	shalt  }
0x72: {  	_ =	shalt  }
0x73: {  	_ =	shalt  }
0x74: {  	_ =	shalt  }
0x75: {  	_ =	shalt  }
0x76: {  	_ =	shalt  }
0x77: {  	_ =	shalt  }
0x78: {  	_ =	shalt  }
0x79: {  	_ =	shalt  }
0x7a: {  	_ =	shalt  }
0x7b: {  	_ =	shalt  }
0x7c: {  	_ =	shalt  }
0x7d: {  	_ =	shalt  }
0x7e: {  	_ =	shalt  }
0x7f: {  	_ =	shalt  }
0x80: {  	_ =	shalt  }
0x81: {  	_ =	shalt  }
0x82: {  	_ =	shalt  }
0x83: {  	_ =	shalt  }
0x84: {  	_ =	shalt  }
0x85: {  	_ =	shalt  }
0x86: {  	_ =	shalt  }
0x87: {  	_ =	shalt  }
.Lfunc_end0:
.L_simem_size_0:
called_computation_lowered:
.L_overlay_start_0:
0x88: {  	s2 =	sld [smem:$0x3FD9]  }
0x89: {  	s3 =	sld [smem:$0x3FFE];
	_ =	sdelay $0x1  }
0x8a: {  	s1 =	srdreg.scid  }
0x8b: {  	s0 =	sand.u32 $0x1, s1  }
0x8c: {  	s17 =	sshll.u32 s0, $0xA;
	s2 =	sadd.s32 s3, s2  }
0x8d: {  	s2 =	sadd.s32 s2, s17  }
0x8e: {  	[smem:$0x3FC0] =	sst s2  }
0x8f: {  	_ = 	snop  }
0x90: {  	s2 =	sld [smem:$0x3FD0];
	(tm) =	ssettm $0x1  }
0x91: {  	s18 =	sld [smem:$0x3FFB];
	_ =	sdelay $0x3  }
0x92: {  	_ =	strace s18  }
0x93: {  	s3 =	sld [smem:$0x3FFC];
	_ =	sdelay $0x3  }
0x94: {  	_ =	strace s3  }
0x95: {  	s3 =	sld [smem:$0x3FFD];
	_ =	sdelay $0x3  }
0x96: {  	_ =	strace s3  }
0x97: {  	_ =	strace $0x8FFFFFFF  }
0x98: {  	s19 =	sld [smem:$0x3FDB];
	_ =	sdelay $0x1  }
0x99: {  	s4 =	simm.s32 $_scs_section_size  }
0x9a: {  	s5 =	simm.s32 $_size__tile_overlayer_lowered;
	s6 =	simm.s32 $_tile_overlayer_lowered  }
0x9b: {  	s22 =	simm.s32 $0x1BFF;
	s21 =	sshll.u32 s6, $0x1;
	s3 =	sadd.s32 s4, s19  }
0x9c: {  	s7 =	simm.s32 $0x0;
	s20 =	sshll.u32 s5, $0x1;
	s5 =	sadd.s32 s21, s3  }
0x9d: {  	[timem:s7], [sflag:s22] =	dma.local [hbm:s5], s20  }
0x9e: {  	_ =	swait.ge [sflag:s22], s20  }
0x9f: {  	s4 =	ssub.s32 $0x0, s20;
	[sflag:s22] =	ssyncset.done $0x0  }
0xa0: {  	[sflag:s22] =	ssyncadd.s32 s4;
	_ =	sdelay $0x1  }
0xa1: {  	s23 =	simm.s32 $0x1B8B  }
0xa2: {  	_ =	swait.ge [sflag:s23], $0x1  }
0xa3: {  	[sflag:s23] =	ssyncset.done $0x0  }
0xa4: {  	s25 =	simm.s32 $0x1B8E;
	s24 =	sld [smem:$0x3FFE];
	[sflag:s23] =	ssyncadd.s32 $0xFFFFFFFF  }
0xa5: {  	s26 =	simm.s32 $execute0_lowered;
	[smem:$0x3FD2] =	sst s25  }
0xa6: {  	s5 =	sshll.u32 s26, $0x1;
	_ =	strace $0x80000046;
	[dreg:$0x1] =	wrdreg $0xFFFFFFFF  }
0xa7: {  	s28 =	simm.s32 $_size_execute0_lowered;
	s3 =	sadd.s32 s3, s5;
	[dreg:$0x0] =	wrdreg $0x0  }
0xa8: {  	s5 =	sshll.u32 s28, $0x1;
	[dreg:$0x2] =	wrdreg s3  }
0xa9: {  	[dreg:$0x3] =	wrdreg s5  }
0xaa: {  	[dreg:$0x4] =	wrdreg $0xC0  }
0xab: {  	_ =	task [dreg:s7], $0x5FFFF  }
0xac: {  	[dreg:$0x1] =	wrdreg $0xFFFFFFFF  }
0xad: {  	[dreg:$0x0] =	wrdreg $0x60  }
0xae: {  	[dreg:$0x2] =	wrdreg s24  }
0xaf: {  	[dreg:$0x3] =	wrdreg s2  }
0xb0: {  	[dreg:$0x4] =	wrdreg $0xB0000  }
0xb1: {  	[dreg:$0x5] =	wrdreg $0x9  }
0xb2: {  	_ =	task.clear_ibuf [dreg:s7], $0x6FFFF;
	_ =	strace $0x90000046  }
0xb3: {  	s29 =	simm.s32 $0x9;
	_ =	strace $0x80000048  }
0xb4: {  	_ =	swait.ge [sflag:s29], $0x1  }
0xb5: {  	[sflag:s29] =	ssyncadd.s32 $0xFFFFFFFF  }
0xb6: {  	_ =	strace $0x90000048  }
0xb7: {  	_ =	sfence  }
0xb8: {  	s30 =	sld [smem:$0x0];
	_ =	sdelay $0x2  }
0xb9: {  	s31 =	sshll.u32 s1, $0xD;
	s1 =	sshrl.u32 s1, $0x2  }
0xba: {  	s3 =	sand.u32 $0x4000, s31;
	s1 =	sadd.s32 s1, s30  }
0xbb: {  	s0 =	sor.u32 s3, s0;
	s1 =	sshll.u32 s1, $0x11  }
0xbc: {  	s0 =	sor.u32 s1, s0  }
0xbd: {  	s0 =	sadd.s32 $0x8F2B, s0  }
0xbe: {  	[sflag:s0] =	ssyncadd.remote.s32 $0x1  }
0xbf: {  	_ =	sfence.sel $0xFFFF  }
0xc0: {  	[dreg:$0x0] =	wrdreg $0xFFFFFFFF;
	(pc) =	sbr.abs _section_cstart, $3  }
0xc1: {  	[dreg:$0x1] =	wrdreg $0xFFFFFFFF  }
0xc2: {  	_ =	task.clear_ibuf [dreg:s7], $0x2FFFF;
	_ =	strace $0x9FFFFFFF  }
0xc3: {  	(tm) =	ssettm $0x7FFFFFFF  }
tec
execute0_lowered:
.L_overlay_start_1:
0x0: {  	(tag) =	ssettag $0x1  }
0x1: {  	s0 =	rddreg [dreg:$0x0];
	s1 =	srdreg.scid  }
0x2: {  	s2 =	stileid.u32;
	s3 =	rddreg [dreg:$0x2];
	s12 =	simm.s32 $0x0  }
0x3: {  	s14 =	simm.s32 $0x3800;
	s15 =	simm.s32 $0x7;
	s16 =	simm.s32 $0x1C00  }
0x4: {  	s17 =	simm.s32 $0x50;
	s18 =	simm.s32 $0x80;
	s19 =	simm.s32 $0x6000  }
0x5: {  	s20 =	simm.s32 $0x100;
	s21 =	simm.s32 $0x8800;
	s22 =	simm.s32 $0x1  }
0x6: {  	s28 =	simm.s32 $0x6;
	s29 =	simm.s32 $0x3280;
	s4 =	smul.u32 $0x2780, s2  }
0x7: {  	s30 =	simm.s32 $0x3300;
	s31 =	simm.s32 $0x3380;
	s7 =	smul.u32 $0x4F000, s2  }
0x8: {  	s10 =	simm.s32 $0x3480;
	s1 =	sand.u32 $0x1, s1;
	s8 =	smul.u32 $0x8C00, s2  }
0x9: {  	[smem:$0x7FF] =	sst s12;
	s6 =	sadd.s32 $0x3200, s0;
	s5 =	smul.u32 $0x27800, s1  }
0xa: {  	_ =	strace $0x80000047;
	s23 =	ssub.s32 $0x2, s1;
	s1 =	smul.u32 $0x8C000, s1  }
0xb: {  	s7 =	sshrl.u32 s7, $0x2;
	s9 =	sshrl.u32 s23, $0x1;
	s4 =	sadd.s32 s4, s5  }
0xc: {  	s5 =	sadd.s32 $0x14A00, s0;
	s13 =	sadd.s32 s7, s3;
	s11 =	sadd.s32 s1, s8  }
0xd: {  	s1 =	simm.s32 $0x1800;
	s0 =	sadd.s32 s4, s0;
	s4 =	ssub.s32 s23, s9  }
0xe: {  	s24 =	sadd.s32 $0x7800, s13;
	s25 =	sadd.s32 $0xF000, s13;
	[dreg:$0x5] =	wrdreg s13  }
0xf: {  	s23 =	simm.s32 $0x2;
	s9 =	simm.s32 $0x3400;
	[dreg:$0x6] =	wrdreg s24  }
0x10: {  	[dreg:$0x7] =	wrdreg s25;
	s0 =	sadd.s32 $0x62C00, s0;
	s26 =	smax.u32 s4, $0x1  }
0x11: {  	s24 =	simm.s32 $0x3;
	s25 =	simm.s32 $0x4;
	[dreg:$0x8] =	wrdreg s0  }
0x12: {  	v0 =	vimm.f32 $0.0e+00;
	[dreg:$0x9] =	wrdreg s26;
	s26 =	simm.s32 $0x5;
	s0 =	simm.s32 $0x1880  }
.LBB2_1:
0x13: {  	[dreg:$0x4] =	wrdreg s12;
	s7 =	simm.s32 $0x0;
	s12 =	simm.s32 $0x200  }
.LBB2_2:
0x14: {  	p0 =	sne.s32 s12, $0x1DE00;
	[tilespmem:s7+$0x3870] =	vst v0  }
0x15: {  	[tilespmem:s7+$0x3800] =	vst v0  }
0x16: {  	[tilespmem:s7+$0x3810] =	vst v0  }
.Ltmp0:
0x17: {  	[tilespmem:s7+$0x3820] =	vst v0;
	(pc) =	sbr.rel @p0 .LBB2_2-.Ltmp0, $4  }
0x18: {  	[tilespmem:s7+$0x3830] =	vst v0  }
0x19: {  	[tilespmem:s7+$0x3840] =	vst v0  }
0x1a: {  	[tilespmem:s7+$0x3850] =	vst v0  }
0x1b: {  	[tilespmem:s7+$0x3860] =	vst v0;
	s7 =	sshra.s32 s12, $0x2;
	s12 =	sadd.s32 $0x200, s12  }
0x1c: {  	[tilespmem:s7+$0x3870] =	vst v0  }
0x1d: {  	[tilespmem:s7+$0x3800] =	vst v0  }
0x1e: {  	[tilespmem:s7+$0x3810] =	vst v0  }
0x1f: {  	[tilespmem:s7+$0x3820] =	vst v0  }
0x20: {  	[tilespmem:s7+$0x3830] =	vst v0  }
0x21: {  	[tilespmem:s7+$0x3840] =	vst v0  }
0x22: {  	[tilespmem:s7+$0x3850] =	vst v0  }
0x23: {  	[tilespmem:s7+$0x3860] =	vst v0  }
0x24: {  	[spmem:s13] =	stream.linear.scatter [tilespmem:s14], [sflag:$0x7], $0x7800, $0x38;
	[tilespmem:$0x1EC00] =	vst v63  }
0x25: {  	_ =	swait.ge [sflag:s15], $0x7800  }
0x26: {  	[sflag:s15] =	ssyncset.done $0x0  }
0x27: {  	s2 =	rddreg [dreg:$0x6];
	[sflag:s15] =	ssyncadd.s32 $0xFFFF8800  }
0x28: {  	[spmem:s2] =	stream.linear.scatter [tilespmem:s14], [sflag:$0x7], $0x7800, $0x38;
	[tilespmem:$0x1EC00] =	vst v63  }
0x29: {  	_ =	swait.ge [sflag:s15], $0x7800  }
0x2a: {  	[sflag:s15] =	ssyncset.done $0x0  }
0x2b: {  	s13 =	rddreg [dreg:$0x7];
	[sflag:s15] =	ssyncadd.s32 $0xFFFF8800  }
0x2c: {  	[spmem:s13] =	stream.linear.scatter [tilespmem:s14], [sflag:$0x7], $0x4C00, $0x38;
	[tilespmem:$0x1EC00] =	vst v63  }
0x2d: {  	_ =	swait.ge [sflag:s15], $0x4C00  }
0x2e: {  	[sflag:s15] =	ssyncset.done $0x0  }
0x2f: {  	[sflag:s15] =	ssyncadd.s32 $0xFFFFB400  }
0x30: {  	s12 =	simm.s32 $0x0;
	s13 =	simm.s32 $0x0;
	[bflag:$0x0] =	sbarrier.arrive $0xFFFF  }
.LBB2_4:
0x31: {  	s4 =	smul.u32 $0x1C00, s13;
	_ =	sdelay $0x1  }
0x32: {  	s7 =	sadd.s32 s11, s4  }
0x33: {  	s2 =	rddreg [dreg:$0x1];
	s7 =	sshrl.u32 s7, $0x3  }
0x34: {  	s7 =	sadd.s32 s2, s7  }
0x35: {  	[tilespmem:s12], [sflag:$0x7] =	stream.linear.gather [hbm4b:s7+s12], $0x1900, $0x38;
	[tilespmem:$0x1EC00] =	vst v63  }
0x36: {  	s4 =	sadd.s32 s8, s4;
	_ =	swait.ge [sflag:s15], $0x1900  }
0x37: {  	s4 =	sshrl.u32 s4, $0x3;
	[sflag:s15] =	ssyncset.done $0x0  }
0x38: {  	s4 =	sadd.s32 s6, s4;
	[sflag:s15] =	ssyncadd.s32 $0xFFFFE700  }
0x39: {  	[tilespmem:s16], [sflag:$0x7] =	stream.linear.gather [hbm4b:s4+s12], $0x1900, $0x38;
	[tilespmem:$0x1EC00] =	vst v63  }
0x3a: {  	_ =	swait.ge [sflag:s15], $0x1900  }
0x3b: {  	[sflag:s15] =	ssyncset.done $0x0  }
0x3c: {  	[sflag:s15] =	ssyncadd.s32 $0xFFFFE700  }
0x3d: {  	[tilespmem:s14], [sflag:$0x1] =	stream.indirect.gather [hbm4b:s5+s17], $0x80, s12, s17, $0xb8;
	[tilespmem:$0x1EC00] =	vst v63  }
0x3e: {  	_ = 	snop  }
0x3f: {  	[tilespmem:s19], [sflag:$0x2] =	stream.indirect.gather [hbm4b:s5+s17], $0x80, s18, s17, $0xb8;
	[tilespmem:$0x1EC00] =	vst v63  }
0x40: {  	_ = 	snop  }
0x41: {  	[tilespmem:s21], [sflag:$0x3] =	stream.indirect.gather [hbm4b:s5+s17], $0x80, s20, s17, $0xb8;
	[tilespmem:$0x1EC00] =	vst v63  }
0x42: {  	_ =	swait.ge [sflag:s22], $0x2800  }
0x43: {  	[sflag:s22] =	ssyncset.done $0x0  }
0x44: {  	s7 =	simm.s32 $0x1C00;
	[sflag:s22] =	ssyncadd.s32 $0xFFFFD800  }
0x45: {  	[spmem:s3] =	stream.indirect.scatter.add.f32 [tilespmem:s14], [sflag:$0x4], $0x80, s7, s17, $0xb8;
	[tilespmem:$0x1EC00] =	vst v63  }
0x46: {  	_ =	swait.ge [sflag:s23], $0x2800  }
0x47: {  	[sflag:s23] =	ssyncset.done $0x0  }
0x48: {  	s2 =	simm.s32 $0x1C80;
	[sflag:s23] =	ssyncadd.s32 $0xFFFFD800  }
0x49: {  	[spmem:s3] =	stream.indirect.scatter.add.f32 [tilespmem:s19], [sflag:$0x5], $0x80, s2, s17, $0xb8;
	[tilespmem:$0x1EC00] =	vst v63  }
0x4a: {  	_ =	swait.ge [sflag:s24], $0x2800  }
0x4b: {  	[sflag:s24] =	ssyncset.done $0x0  }
0x4c: {  	s7 =	simm.s32 $0x1D00;
	[sflag:s24] =	ssyncadd.s32 $0xFFFFD800  }
0x4d: {  	[spmem:s3] =	stream.indirect.scatter.add.f32 [tilespmem:s21], [sflag:$0x6], $0x80, s7, s17, $0xb8;
	[tilespmem:$0x1EC00] =	vst v63  }
0x4e: {  	_ =	swait.ge [sflag:s25], $0x2800  }
0x4f: {  	[sflag:s25] =	ssyncset.done $0x0  }
0x50: {  	s2 =	simm.s32 $0x180;
	[sflag:s25] =	ssyncadd.s32 $0xFFFFD800  }
0x51: {  	[tilespmem:s14], [sflag:$0x1] =	stream.indirect.gather [hbm4b:s5+s17], $0x80, s2, s17, $0xb8;
	[tilespmem:$0x1EC00] =	vst v63  }
0x52: {  	_ =	swait.ge [sflag:s26], $0x2800  }
0x53: {  	[sflag:s26] =	ssyncset.done $0x0  }
0x54: {  	s7 =	simm.s32 $0x200;
	[sflag:s26] =	ssyncadd.s32 $0xFFFFD800  }
0x55: {  	[tilespmem:s19], [sflag:$0x2] =	stream.indirect.gather [hbm4b:s5+s17], $0x80, s7, s17, $0xb8;
	[tilespmem:$0x1EC00] =	vst v63  }
0x56: {  	_ =	swait.ge [sflag:s28], $0x2800  }
0x57: {  	[sflag:s28] =	ssyncset.done $0x0  }
0x58: {  	s4 =	simm.s32 $0x280;
	s7 =	simm.s32 $0x600;
	[sflag:s28] =	ssyncadd.s32 $0xFFFFD800  }
.LBB2_5:
0x59: {  	[tilespmem:s21], [sflag:$0x3] =	stream.indirect.gather [hbm4b:s5+s17], $0x80, s4, s17, $0xb8;
	[tilespmem:$0x1EC00] =	vst v63  }
0x5a: {  	s4 =	smov.u32 s7  }
0x5b: {  	p0 =	sne.s32 s7, $0x5400;
	s7 =	sadd.s32 $0x600, s7;
	_ =	swait.ge [sflag:s22], $0x2800  }
0x5c: {  	s4 =	sshra.s32 s4, $0x2;
	[sflag:s22] =	ssyncset.done $0x0  }
0x5d: {  	s2 =	sadd.s32 $0x1C00, s4;
	[sflag:s22] =	ssyncadd.s32 $0xFFFFD800  }
0x5e: {  	[spmem:s3] =	stream.indirect.scatter.add.f32 [tilespmem:s14], [sflag:$0x4], $0x80, s2, s17, $0xb8;
	[tilespmem:$0x1EC00] =	vst v63  }
0x5f: {  	_ =	swait.ge [sflag:s23], $0x2800  }
0x60: {  	[sflag:s23] =	ssyncset.done $0x0  }
0x61: {  	s2 =	sadd.s32 $0x1C80, s4;
	[sflag:s23] =	ssyncadd.s32 $0xFFFFD800  }
0x62: {  	[spmem:s3] =	stream.indirect.scatter.add.f32 [tilespmem:s19], [sflag:$0x5], $0x80, s2, s17, $0xb8;
	[tilespmem:$0x1EC00] =	vst v63  }
0x63: {  	_ =	swait.ge [sflag:s24], $0x2800  }
0x64: {  	[sflag:s24] =	ssyncset.done $0x0  }
0x65: {  	s2 =	sadd.s32 $0x1D00, s4;
	[sflag:s24] =	ssyncadd.s32 $0xFFFFD800  }
0x66: {  	[spmem:s3] =	stream.indirect.scatter.add.f32 [tilespmem:s21], [sflag:$0x6], $0x80, s2, s17, $0xb8;
	[tilespmem:$0x1EC00] =	vst v63  }
0x67: {  	_ =	swait.ge [sflag:s25], $0x2800  }
0x68: {  	[sflag:s25] =	ssyncset.done $0x0  }
0x69: {  	s2 =	sadd.s32 $0x180, s4;
	[sflag:s25] =	ssyncadd.s32 $0xFFFFD800  }
0x6a: {  	[tilespmem:s14], [sflag:$0x1] =	stream.indirect.gather [hbm4b:s5+s17], $0x80, s2, s17, $0xb8;
	[tilespmem:$0x1EC00] =	vst v63  }
0x6b: {  	_ =	swait.ge [sflag:s26], $0x2800  }
0x6c: {  	[sflag:s26] =	ssyncset.done $0x0  }
.Ltmp1:
0x6d: {  	s2 =	sadd.s32 $0x200, s4;
	[sflag:s26] =	ssyncadd.s32 $0xFFFFD800;
	(pc) =	sbr.rel @p0 .LBB2_5-.Ltmp1, $4  }
0x6e: {  	[tilespmem:s19], [sflag:$0x2] =	stream.indirect.gather [hbm4b:s5+s17], $0x80, s2, s17, $0xb8;
	[tilespmem:$0x1EC00] =	vst v63  }
0x6f: {  	_ =	swait.ge [sflag:s28], $0x2800  }
0x70: {  	[sflag:s28] =	ssyncset.done $0x0  }
0x71: {  	s4 =	sadd.s32 $0x280, s4;
	[sflag:s28] =	ssyncadd.s32 $0xFFFFD800  }
0x72: {  	[tilespmem:s21], [sflag:$0x3] =	stream.indirect.gather [hbm4b:s5+s17], $0x80, s4, s17, $0xb8;
	[tilespmem:$0x1EC00] =	vst v63  }
0x73: {  	_ =	swait.ge [sflag:s22], $0x2800  }
0x74: {  	[sflag:s22] =	ssyncset.done $0x0  }
0x75: {  	[sflag:s22] =	ssyncadd.s32 $0xFFFFD800  }
0x76: {  	[spmem:s3] =	stream.indirect.scatter.add.f32 [tilespmem:s14], [sflag:$0x4], $0x80, s29, s17, $0xb8;
	[tilespmem:$0x1EC00] =	vst v63  }
0x77: {  	_ =	swait.ge [sflag:s23], $0x2800  }
0x78: {  	[sflag:s23] =	ssyncset.done $0x0  }
0x79: {  	[sflag:s23] =	ssyncadd.s32 $0xFFFFD800  }
0x7a: {  	[spmem:s3] =	stream.indirect.scatter.add.f32 [tilespmem:s19], [sflag:$0x5], $0x80, s30, s17, $0xb8;
	[tilespmem:$0x1EC00] =	vst v63  }
0x7b: {  	_ =	swait.ge [sflag:s24], $0x2800  }
0x7c: {  	[sflag:s24] =	ssyncset.done $0x0  }
0x7d: {  	[sflag:s24] =	ssyncadd.s32 $0xFFFFD800  }
0x7e: {  	[spmem:s3] =	stream.indirect.scatter.add.f32 [tilespmem:s21], [sflag:$0x6], $0x80, s31, s17, $0xb8;
	[tilespmem:$0x1EC00] =	vst v63  }
0x7f: {  	_ =	swait.ge [sflag:s25], $0x2800  }
0x80: {  	[sflag:s25] =	ssyncset.done $0x0  }
0x81: {  	[sflag:s25] =	ssyncadd.s32 $0xFFFFD800  }
0x82: {  	[tilespmem:s14], [sflag:$0x1] =	stream.indirect.gather [hbm4b:s5+s17], $0x80, s1, s17, $0xb8;
	[tilespmem:$0x1EC00] =	vst v63  }
0x83: {  	_ =	swait.ge [sflag:s26], $0x2800  }
0x84: {  	[sflag:s26] =	ssyncset.done $0x0  }
0x85: {  	[sflag:s26] =	ssyncadd.s32 $0xFFFFD800  }
0x86: {  	[tilespmem:s19], [sflag:$0x2] =	stream.indirect.gather [hbm4b:s5+s17], $0x80, s0, s17, $0xb8;
	[tilespmem:$0x1EC00] =	vst v63  }
0x87: {  	_ =	swait.ge [sflag:s28], $0x2800  }
0x88: {  	[sflag:s28] =	ssyncset.done $0x0  }
0x89: {  	[sflag:s28] =	ssyncadd.s32 $0xFFFFD800  }
0x8a: {  	_ =	swait.ge [sflag:s22], $0x2800  }
0x8b: {  	[sflag:s22] =	ssyncset.done $0x0  }
0x8c: {  	[sflag:s22] =	ssyncadd.s32 $0xFFFFD800  }
0x8d: {  	[spmem:s3] =	stream.indirect.scatter.add.f32 [tilespmem:s14], [sflag:$0x7], $0x80, s9, s17, $0xb8;
	[tilespmem:$0x1EC00] =	vst v63  }
0x8e: {  	_ =	swait.ge [sflag:s15], $0x2800  }
0x8f: {  	[sflag:s15] =	ssyncset.done $0x0  }
0x90: {  	[sflag:s15] =	ssyncadd.s32 $0xFFFFD800  }
0x91: {  	s13 =	sadd.s32 $0x1, s13;
	_ =	swait.ge [sflag:s23], $0x2800  }
0x92: {  	p0 =	sne.s32 s13, $0x5;
	[sflag:s23] =	ssyncset.done $0x0  }
.Ltmp2:
0x93: {  	[sflag:s23] =	ssyncadd.s32 $0xFFFFD800;
	(pc) =	sbr.rel @p0 .LBB2_4-.Ltmp2, $4  }
0x94: {  	[spmem:s3] =	stream.indirect.scatter.add.f32 [tilespmem:s19], [sflag:$0x7], $0x80, s10, s17, $0xb8;
	[tilespmem:$0x1EC00] =	vst v63  }
0x95: {  	_ =	swait.ge [sflag:s15], $0x2800  }
0x96: {  	[sflag:s15] =	ssyncset.done $0x0  }
0x97: {  	[sflag:s15] =	ssyncadd.s32 $0xFFFFD800  }
0x98: {  	s2 =	stileid.u32;
	[bflag:$0x0] =	sbarrier.arrive $0xFFFF  }
0x99: {  	s2 =	sshll.u32 s2, $0x6;
	s13 =	rddreg [dreg:$0x5]  }
0x9a: {  	s7 =	rddreg [dreg:$0x8];
	s2 =	sor.u32 $0x1C07, s2;
	s4 =	sshrl.u32 s13, $0x3  }
0x9b: {  	[hbm:s7], [sflag:s2] =	dma.local [spmem:s4], $0x2780  }
0x9c: {  	_ =	swait.ge [sflag:s15], $0x2780  }
0x9d: {  	s12 =	rddreg [dreg:$0x4]  }
0x9e: {  	s7 =	rddreg [dreg:$0x9];
	s12 =	sadd.s32 $0x1, s12  }
0x9f: {  	p0 =	sne.s32 s12, s7  }
.Ltmp3:
0xa0: {  	_ = 	snop;
	(pc) =	sbr.rel @p0 .LBB2_1-.Ltmp3, $3  }
0xa1: {  	_ =	sdelay $0x1  }
0xa2: {  	[sflag:s15] =	ssyncset.done $0x0  }
0xa3: {  	[sflag:s15] =	ssyncadd.s32 $0xFFFFD880  }
0xa4: {  	_ =	sfence.sel $0x180000  }
0xa5: {  	[bflag:$0x0] =	sbarrier.arrive $0xFFFF  }
0xa6: {  	_ =	strace $0x90000047  }
0xa7: {  	s0 =	stileid.u32;
	[bflag:$0x2] =	sbarrier.arrive $0xFFFF  }
0xa8: {  	p0 =	sne.s32 s0, $0x0;
	s0 =	rddreg [dreg:$0x3]  }
0xa9: {  	s0 =	sadd.s32 @!p0 $0x100000, s0  }
0xaa: {  	[sflag:s0] =	ssyncadd.tile.s32 @!p0 $0x1;
	_ =	shalt  }
.Lfunc_end2:
_tile_overlayer_lowered:
.L_overlay_start_2:
0xab: {  	(tag) =	ssettag $0x2  }
0xac: {  	s0 =	rddreg [dreg:$0x0];
	s2 =	stileid.u32  }
0xad: {  	s1 =	rddreg [dreg:$0x1];
	p0 =	sne.s32 s2, $0x0  }
0xae: {  	s3 =	rddreg [dreg:$0x2];
	[bflag:$0x3] =	sbarrier.arrive $0xFFFF;
	s2 =	simm.s32 @!p0 $0x1C07  }
0xaf: {  	[timem:s3], [sflag:s2] =	dma.local @!p0 [hbm:s0], s1  }
0xb0: {  	s0 =	simm.s32 @!p0 $0x7  }
0xb1: {  	_ =	swait.ge @!p0 [sflag:s0], s1  }
0xb2: {  	s1 =	ssub.s32 @!p0 $0x0, s1;
	[sflag:s0] =	ssyncset.done @!p0 $0x0  }
0xb3: {  	[sflag:s0] =	ssyncadd.s32 @!p0 s1  }
0xb4: {  	[bflag:$0x3] =	sbarrier.arrive $0xFFFF  }
0xb5: {  	_ =	shalt  }

// kernel: kernel.14.cloned.1.call-start
scs
__scs_entry_jumppad:
0x0: {  	(pc) =	sbr.rel $0x88, $3  }
0x1: {  	(tag) =	ssettag $0x0;
	lr =	simm.s32 $0x1  }
0x2: {  	[smem:$0x3F99] =	sst lr;
	_ =	strace $0xD0000000  }
0x3: {  	_ = 	snop  }
0x4: {  	_ = 	snop  }
0x5: {  	_ = 	snop  }
0x6: {  	_ = 	snop  }
0x7: {  	_ = 	snop  }
__scs_overlays_trampoline_lowered:
0x8: {  	[smem:$0x3FA8] =	sst s0  }
0x9: {  	[smem:$0x3FA9] =	sst s1  }
0xa: {  	[smem:$0x3FAA] =	sst s2  }
0xb: {  	[smem:$0x3FAB] =	sst s3  }
0xc: {  	[smem:$0x3FAC] =	sst s4  }
0xd: {  	[smem:$0x3FAD] =	sst s5  }
0xe: {  	[smem:$0x3FAE] =	sst s6  }
0xf: {  	[smem:$0x3FAF] =	sst s7  }
0x10: {  	[smem:$0x3FB0] =	sst s8  }
0x11: {  	[smem:$0x3FB1] =	sst s9;
	s0 =	simm.s32 @!p0 $0x0  }
0x12: {  	s1 =	sld [smem:$0x3F97];
	s0 =	simm.s32 @p0 $0x1  }
0x13: {  	[smem:$0x3FB2] =	sst s0;
	s0 =	simm.s32 @!p1 $0x0  }
0x14: {  	s2 =	sld [smem:$0x3F96];
	s0 =	simm.s32 @p1 $0x1  }
0x15: {  	[smem:$0x3FB3] =	sst s0;
	s0 =	simm.s32 @!p2 $0x0  }
0x16: {  	s3 =	sld [smem:$0x3FDB];
	s0 =	simm.s32 @p2 $0x1  }
0x17: {  	s4 =	simm.s32 $0x1BF5;
	[smem:$0x3FB5] =	sst s0  }
0x18: {  	s0 =	sld [smem:$0x3F98];
	_ =	swait.ge [sflag:s4], $0x0  }
0x19: {  	s7 =	sld [smem:$0x3F99]  }
0x1a: {  	s8 =	sadd.s32 $0xFFFFE003, lr  }
0x1b: {  	s9 =	sadd.s32 $0xFFFFFEF7, lr;
	s5 =	simm.s32 $0xFFFFFFFF;
	p2 =	slt.u32 s8, $0xFFFFF086  }
0x1c: {  	p1 =	slt.u32 s9, $0xF7A;
	s5 =	simm.s32 @!p2 $0x0  }
0x1d: {  	s5 =	simm.s32 @p1 $0x1;
	p0 =	seq.s32 s7, s2  }
0x1e: {  	s7 =	smul.u32 @!p0 $0xF7A, s2;
	p2 =	seq.s32 @!p0 s5, $0x0  }
0x1f: {  	s9 =	smul.u32 $0xF7A, s1;
	s8 =	simm.s32 @!p0 $0x1BF5;
	p2 =	por !p2, p0  }
0x20: {  	[sflag:s8] =	ssyncset.s32 @!p0 $0xFFFFF086;
	s6 =	sadd.s32 @!p0 s3, s7;
	s7 =	simm.s32 @!p0 $0x108  }
0x21: {  	s3 =	sadd.s32 s3, s9;
	s6 =	sadd.s32 @!p0 $0x88, s6;
	s7 =	simm.s32 @p2 $0x1082  }
0x22: {  	[simem:s7], [sflag:s8] =	dma.local @!p0 [hbm:s6], $0xF7A  }
0x23: {  	s9 =	sor.u32 $0xD0000000, s2;
	s6 =	simm.s32 $0x108;
	_ =	swait.ge @!p0 [sflag:s8], $0x0  }
0x24: {  	s3 =	sadd.s32 $0x88, s3;
	s6 =	simm.s32 @!p1 $0x1082;
	[sflag:s4] =	ssyncset.s32 $0xFFFFF086  }
0x25: {  	[simem:s6], [sflag:s4] =	dma.local [hbm:s3], $0xF7A  }
0x26: {  	[smem:$0x3F99] =	sst s1;
	(tag) =	ssettag s2;
	_ =	strace s9  }
0x27: {  	s1 =	sld [smem:$0x3FA9]  }
0x28: {  	s2 =	sld [smem:$0x3FAA]  }
0x29: {  	s4 =	sld [smem:$0x3FAC]  }
0x2a: {  	p0 =	seq.s32 s5, $0x0;
	s5 =	sld [smem:$0x3FAD]  }
0x2b: {  	s6 =	sld [smem:$0x3FAE]  }
0x2c: {  	s7 =	sld [smem:$0x3FAF]  }
0x2d: {  	s3 =	simm.s32 $0x108;
	s8 =	sld [smem:$0x3FB0]  }
0x2e: {  	s3 =	simm.s32 @!p0 $0x1082;
	s9 =	sld [smem:$0x3FB1]  }
0x2f: {  	lr =	sadd.s32 s0, s3;
	s0 =	sld [smem:$0x3FA8]  }
0x30: {  	s3 =	sld [smem:$0x3FAB]  }
0x31: {  	[smem:$0x3FB4] =	sst s10  }
0x32: {  	s10 =	sld [smem:$0x3FB2];
	_ =	sdelay $0x3  }
0x33: {  	p0 =	seq.s32 s10, $0x1;
	s10 =	sld [smem:$0x3FB4];
	_ =	sdelay $0x3  }
0x34: {  	[smem:$0x3FB4] =	sst s10  }
0x35: {  	s10 =	sld [smem:$0x3FB3];
	_ =	sdelay $0x3  }
0x36: {  	p1 =	seq.s32 s10, $0x1;
	s10 =	sld [smem:$0x3FB4];
	_ =	sdelay $0x3  }
0x37: {  	[smem:$0x3FB4] =	sst s10  }
0x38: {  	s10 =	sld [smem:$0x3FB5]  }
0x39: {  	_ = 	snop;
	(pc) =	sbr.ind lr, $3  }
0x3a: {  	_ = 	snop  }
0x3b: {  	_ = 	snop  }
0x3c: {  	p2 =	seq.s32 s10, $0x1;
	s10 =	sld [smem:$0x3FB4]  }
0x3d: {  	_ =	shalt  }
0x3e: {  	_ =	shalt  }
0x3f: {  	_ =	shalt  }
0x40: {  	_ =	shalt  }
0x41: {  	_ =	shalt  }
0x42: {  	_ =	shalt  }
0x43: {  	_ =	shalt  }
0x44: {  	_ =	shalt  }
0x45: {  	_ =	shalt  }
0x46: {  	_ =	shalt  }
0x47: {  	_ =	shalt  }
0x48: {  	_ =	shalt  }
0x49: {  	_ =	shalt  }
0x4a: {  	_ =	shalt  }
0x4b: {  	_ =	shalt  }
0x4c: {  	_ =	shalt  }
0x4d: {  	_ =	shalt  }
0x4e: {  	_ =	shalt  }
0x4f: {  	_ =	shalt  }
0x50: {  	_ =	shalt  }
0x51: {  	_ =	shalt  }
0x52: {  	_ =	shalt  }
0x53: {  	_ =	shalt  }
0x54: {  	_ =	shalt  }
0x55: {  	_ =	shalt  }
0x56: {  	_ =	shalt  }
0x57: {  	_ =	shalt  }
0x58: {  	_ =	shalt  }
0x59: {  	_ =	shalt  }
0x5a: {  	_ =	shalt  }
0x5b: {  	_ =	shalt  }
0x5c: {  	_ =	shalt  }
0x5d: {  	_ =	shalt  }
0x5e: {  	_ =	shalt  }
0x5f: {  	_ =	shalt  }
0x60: {  	_ =	shalt  }
0x61: {  	_ =	shalt  }
0x62: {  	_ =	shalt  }
0x63: {  	_ =	shalt  }
0x64: {  	_ =	shalt  }
0x65: {  	_ =	shalt  }
0x66: {  	_ =	shalt  }
0x67: {  	_ =	shalt  }
0x68: {  	_ =	shalt  }
0x69: {  	_ =	shalt  }
0x6a: {  	_ =	shalt  }
0x6b: {  	_ =	shalt  }
0x6c: {  	_ =	shalt  }
0x6d: {  	_ =	shalt  }
0x6e: {  	_ =	shalt  }
0x6f: {  	_ =	shalt  }
0x70: {  	_ =	shalt  }
0x71: {  	_ =	shalt  }
0x72: {  	_ =	shalt  }
0x73: {  	_ =	shalt  }
0x74: {  	_ =	shalt  }
0x75: {  	_ =	shalt  }
0x76: {  	_ =	shalt  }
0x77: {  	_ =	shalt  }
0x78: {  	_ =	shalt  }
0x79: {  	_ =	shalt  }
0x7a: {  	_ =	shalt  }
0x7b: {  	_ =	shalt  }
0x7c: {  	_ =	shalt  }
0x7d: {  	_ =	shalt  }
0x7e: {  	_ =	shalt  }
0x7f: {  	_ =	shalt  }
0x80: {  	_ =	shalt  }
0x81: {  	_ =	shalt  }
0x82: {  	_ =	shalt  }
0x83: {  	_ =	shalt  }
0x84: {  	_ =	shalt  }
0x85: {  	_ =	shalt  }
0x86: {  	_ =	shalt  }
0x87: {  	_ =	shalt  }
.Lfunc_end0:
.L_simem_size_0:
called_computation.1_lowered:
.L_overlay_start_0:
0x88: {  	s2 =	sld [smem:$0x3FD9]  }
0x89: {  	s3 =	sld [smem:$0x3FFE];
	_ =	sdelay $0x1  }
0x8a: {  	s1 =	srdreg.scid  }
0x8b: {  	s0 =	sand.u32 $0x1, s1  }
0x8c: {  	s17 =	sshll.u32 s0, $0xA;
	s2 =	sadd.s32 s3, s2  }
0x8d: {  	s2 =	sadd.s32 s2, s17  }
0x8e: {  	[smem:$0x3FC0] =	sst s2  }
0x8f: {  	_ = 	snop  }
0x90: {  	s2 =	sld [smem:$0x3FD0];
	(tm) =	ssettm $0x1  }
0x91: {  	s18 =	sld [smem:$0x3FFB];
	_ =	sdelay $0x3  }
0x92: {  	_ =	strace s18  }
0x93: {  	s3 =	sld [smem:$0x3FFC];
	_ =	sdelay $0x3  }
0x94: {  	_ =	strace s3  }
0x95: {  	s3 =	sld [smem:$0x3FFD];
	_ =	sdelay $0x3  }
0x96: {  	_ =	strace s3  }
0x97: {  	_ =	strace $0x8FFFFFFF  }
0x98: {  	s19 =	sld [smem:$0x3FDB];
	_ =	sdelay $0x1  }
0x99: {  	s4 =	simm.s32 $_scs_section_size  }
0x9a: {  	s5 =	simm.s32 $_size__tile_overlayer_lowered;
	s6 =	simm.s32 $_tile_overlayer_lowered  }
0x9b: {  	s22 =	simm.s32 $0x1BFF;
	s21 =	sshll.u32 s6, $0x1;
	s3 =	sadd.s32 s4, s19  }
0x9c: {  	s7 =	simm.s32 $0x0;
	s20 =	sshll.u32 s5, $0x1;
	s5 =	sadd.s32 s21, s3  }
0x9d: {  	[timem:s7], [sflag:s22] =	dma.local [hbm:s5], s20  }
0x9e: {  	_ =	swait.ge [sflag:s22], s20  }
0x9f: {  	s4 =	ssub.s32 $0x0, s20;
	[sflag:s22] =	ssyncset.done $0x0  }
0xa0: {  	[sflag:s22] =	ssyncadd.s32 s4;
	_ =	sdelay $0x1  }
0xa1: {  	s23 =	simm.s32 $0x1B8B  }
0xa2: {  	_ =	swait.ge [sflag:s23], $0x1  }
0xa3: {  	[sflag:s23] =	ssyncset.done $0x0  }
0xa4: {  	s25 =	simm.s32 $0x1B8E;
	s24 =	sld [smem:$0x3FFE];
	[sflag:s23] =	ssyncadd.s32 $0xFFFFFFFF  }
0xa5: {  	s26 =	simm.s32 $execute0_lowered;
	[smem:$0x3FD2] =	sst s25  }
0xa6: {  	s5 =	sshll.u32 s26, $0x1;
	_ =	strace $0x80000049;
	[dreg:$0x1] =	wrdreg $0xFFFFFFFF  }
0xa7: {  	s28 =	simm.s32 $_size_execute0_lowered;
	s3 =	sadd.s32 s3, s5;
	[dreg:$0x0] =	wrdreg $0x0  }
0xa8: {  	s5 =	sshll.u32 s28, $0x1;
	[dreg:$0x2] =	wrdreg s3  }
0xa9: {  	[dreg:$0x3] =	wrdreg s5  }
0xaa: {  	[dreg:$0x4] =	wrdreg $0xC0  }
0xab: {  	_ =	task [dreg:s7], $0x5FFFF  }
0xac: {  	[dreg:$0x1] =	wrdreg $0xFFFFFFFF  }
0xad: {  	[dreg:$0x0] =	wrdreg $0x60  }
0xae: {  	[dreg:$0x2] =	wrdreg s24  }
0xaf: {  	[dreg:$0x3] =	wrdreg s2  }
0xb0: {  	[dreg:$0x4] =	wrdreg $0xB0000  }
0xb1: {  	[dreg:$0x5] =	wrdreg $0x9  }
0xb2: {  	_ =	task.clear_ibuf [dreg:s7], $0x6FFFF;
	_ =	strace $0x90000049  }
0xb3: {  	s29 =	simm.s32 $0x9;
	_ =	strace $0x8000004B  }
0xb4: {  	_ =	swait.ge [sflag:s29], $0x1  }
0xb5: {  	[sflag:s29] =	ssyncadd.s32 $0xFFFFFFFF  }
0xb6: {  	_ =	strace $0x9000004B  }
0xb7: {  	_ =	sfence  }
0xb8: {  	s30 =	sld [smem:$0x0];
	_ =	sdelay $0x2  }
0xb9: {  	s31 =	sshll.u32 s1, $0xD;
	s1 =	sshrl.u32 s1, $0x2  }
0xba: {  	s3 =	sand.u32 $0x4000, s31;
	s1 =	sadd.s32 s1, s30  }
0xbb: {  	s0 =	sor.u32 s3, s0;
	s1 =	sshll.u32 s1, $0x11  }
0xbc: {  	s0 =	sor.u32 s1, s0  }
0xbd: {  	s0 =	sadd.s32 $0x8F2B, s0  }
0xbe: {  	[sflag:s0] =	ssyncadd.remote.s32 $0x1  }
0xbf: {  	_ =	sfence.sel $0xFFFF  }
0xc0: {  	[dreg:$0x0] =	wrdreg $0xFFFFFFFF;
	(pc) =	sbr.abs _section_cstart, $3  }
0xc1: {  	[dreg:$0x1] =	wrdreg $0xFFFFFFFF  }
0xc2: {  	_ =	task.clear_ibuf [dreg:s7], $0x2FFFF;
	_ =	strace $0x9FFFFFFF  }
0xc3: {  	(tm) =	ssettm $0x7FFFFFFF  }
tec
execute0_lowered:
.L_overlay_start_1:
0x0: {  	(tag) =	ssettag $0x1  }
0x1: {  	s0 =	rddreg [dreg:$0x0];
	s1 =	srdreg.scid  }
0x2: {  	s2 =	stileid.u32;
	s3 =	rddreg [dreg:$0x2];
	s12 =	simm.s32 $0x0  }
0x3: {  	s14 =	simm.s32 $0x3800;
	s15 =	simm.s32 $0x7;
	s16 =	simm.s32 $0x1C00  }
0x4: {  	s17 =	simm.s32 $0x50;
	s18 =	simm.s32 $0x80;
	s19 =	simm.s32 $0x6000  }
0x5: {  	s20 =	simm.s32 $0x100;
	s21 =	simm.s32 $0x8800;
	s22 =	simm.s32 $0x1  }
0x6: {  	s28 =	simm.s32 $0x6;
	s29 =	simm.s32 $0x3280;
	s4 =	smul.u32 $0x2780, s2  }
0x7: {  	s30 =	simm.s32 $0x3300;
	s31 =	simm.s32 $0x3380;
	s7 =	smul.u32 $0x4F000, s2  }
0x8: {  	s10 =	simm.s32 $0x3480;
	s1 =	sand.u32 $0x1, s1;
	s8 =	smul.u32 $0x8C00, s2  }
0x9: {  	[smem:$0x7FF] =	sst s12;
	s6 =	sadd.s32 $0x3200, s0;
	s5 =	smul.u32 $0x27800, s1  }
0xa: {  	_ =	strace $0x8000004A;
	s23 =	ssub.s32 $0x2, s1;
	s1 =	smul.u32 $0x8C000, s1  }
0xb: {  	s7 =	sshrl.u32 s7, $0x2;
	s9 =	sshrl.u32 s23, $0x1;
	s4 =	sadd.s32 s4, s5  }
0xc: {  	s5 =	sadd.s32 $0x14A00, s0;
	s13 =	sadd.s32 s7, s3;
	s11 =	sadd.s32 s1, s8  }
0xd: {  	s1 =	simm.s32 $0x1800;
	s0 =	sadd.s32 s4, s0;
	s4 =	ssub.s32 s23, s9  }
0xe: {  	s24 =	sadd.s32 $0x7800, s13;
	s25 =	sadd.s32 $0xF000, s13;
	[dreg:$0x5] =	wrdreg s13  }
0xf: {  	s23 =	simm.s32 $0x2;
	s9 =	simm.s32 $0x3400;
	[dreg:$0x6] =	wrdreg s24  }
0x10: {  	[dreg:$0x7] =	wrdreg s25;
	s0 =	sadd.s32 $0x62C00, s0;
	s26 =	smax.u32 s4, $0x1  }
0x11: {  	s24 =	simm.s32 $0x3;
	s25 =	simm.s32 $0x4;
	[dreg:$0x8] =	wrdreg s0  }
0x12: {  	v0 =	vimm.f32 $0.0e+00;
	[dreg:$0x9] =	wrdreg s26;
	s26 =	simm.s32 $0x5;
	s0 =	simm.s32 $0x1880  }
.LBB2_1:
0x13: {  	[dreg:$0x4] =	wrdreg s12;
	s7 =	simm.s32 $0x0;
	s12 =	simm.s32 $0x200  }
.LBB2_2:
0x14: {  	p0 =	sne.s32 s12, $0x1DE00;
	[tilespmem:s7+$0x3870] =	vst v0  }
0x15: {  	[tilespmem:s7+$0x3800] =	vst v0  }
0x16: {  	[tilespmem:s7+$0x3810] =	vst v0  }
.Ltmp0:
0x17: {  	[tilespmem:s7+$0x3820] =	vst v0;
	(pc) =	sbr.rel @p0 .LBB2_2-.Ltmp0, $4  }
0x18: {  	[tilespmem:s7+$0x3830] =	vst v0  }
0x19: {  	[tilespmem:s7+$0x3840] =	vst v0  }
0x1a: {  	[tilespmem:s7+$0x3850] =	vst v0  }
0x1b: {  	[tilespmem:s7+$0x3860] =	vst v0;
	s7 =	sshra.s32 s12, $0x2;
	s12 =	sadd.s32 $0x200, s12  }
0x1c: {  	[tilespmem:s7+$0x3870] =	vst v0  }
0x1d: {  	[tilespmem:s7+$0x3800] =	vst v0  }
0x1e: {  	[tilespmem:s7+$0x3810] =	vst v0  }
0x1f: {  	[tilespmem:s7+$0x3820] =	vst v0  }
0x20: {  	[tilespmem:s7+$0x3830] =	vst v0  }
0x21: {  	[tilespmem:s7+$0x3840] =	vst v0  }
0x22: {  	[tilespmem:s7+$0x3850] =	vst v0  }
0x23: {  	[tilespmem:s7+$0x3860] =	vst v0  }
0x24: {  	[spmem:s13] =	stream.linear.scatter [tilespmem:s14], [sflag:$0x7], $0x7800, $0x38;
	[tilespmem:$0x1EC00] =	vst v63  }
0x25: {  	_ =	swait.ge [sflag:s15], $0x7800  }
0x26: {  	[sflag:s15] =	ssyncset.done $0x0  }
0x27: {  	s2 =	rddreg [dreg:$0x6];
	[sflag:s15] =	ssyncadd.s32 $0xFFFF8800  }
0x28: {  	[spmem:s2] =	stream.linear.scatter [tilespmem:s14], [sflag:$0x7], $0x7800, $0x38;
	[tilespmem:$0x1EC00] =	vst v63  }
0x29: {  	_ =	swait.ge [sflag:s15], $0x7800  }
0x2a: {  	[sflag:s15] =	ssyncset.done $0x0  }
0x2b: {  	s13 =	rddreg [dreg:$0x7];
	[sflag:s15] =	ssyncadd.s32 $0xFFFF8800  }
0x2c: {  	[spmem:s13] =	stream.linear.scatter [tilespmem:s14], [sflag:$0x7], $0x4C00, $0x38;
	[tilespmem:$0x1EC00] =	vst v63  }
0x2d: {  	_ =	swait.ge [sflag:s15], $0x4C00  }
0x2e: {  	[sflag:s15] =	ssyncset.done $0x0  }
0x2f: {  	[sflag:s15] =	ssyncadd.s32 $0xFFFFB400  }
0x30: {  	s12 =	simm.s32 $0x0;
	s13 =	simm.s32 $0x0;
	[bflag:$0x0] =	sbarrier.arrive $0xFFFF  }
.LBB2_4:
0x31: {  	s4 =	smul.u32 $0x1C00, s13;
	_ =	sdelay $0x1  }
0x32: {  	s7 =	sadd.s32 s11, s4  }
0x33: {  	s2 =	rddreg [dreg:$0x1];
	s7 =	sshrl.u32 s7, $0x3  }
0x34: {  	s7 =	sadd.s32 s2, s7  }
0x35: {  	[tilespmem:s12], [sflag:$0x7] =	stream.linear.gather [hbm4b:s7+s12], $0x1900, $0x38;
	[tilespmem:$0x1EC00] =	vst v63  }
0x36: {  	s4 =	sadd.s32 s8, s4;
	_ =	swait.ge [sflag:s15], $0x1900  }
0x37: {  	s4 =	sshrl.u32 s4, $0x3;
	[sflag:s15] =	ssyncset.done $0x0  }
0x38: {  	s4 =	sadd.s32 s6, s4;
	[sflag:s15] =	ssyncadd.s32 $0xFFFFE700  }
0x39: {  	[tilespmem:s16], [sflag:$0x7] =	stream.linear.gather [hbm4b:s4+s12], $0x1900, $0x38;
	[tilespmem:$0x1EC00] =	vst v63  }
0x3a: {  	_ =	swait.ge [sflag:s15], $0x1900  }
0x3b: {  	[sflag:s15] =	ssyncset.done $0x0  }
0x3c: {  	[sflag:s15] =	ssyncadd.s32 $0xFFFFE700  }
0x3d: {  	[tilespmem:s14], [sflag:$0x1] =	stream.indirect.gather [hbm4b:s5+s17], $0x80, s12, s17, $0xb8;
	[tilespmem:$0x1EC00] =	vst v63  }
0x3e: {  	_ = 	snop  }
0x3f: {  	[tilespmem:s19], [sflag:$0x2] =	stream.indirect.gather [hbm4b:s5+s17], $0x80, s18, s17, $0xb8;
	[tilespmem:$0x1EC00] =	vst v63  }
0x40: {  	_ = 	snop  }
0x41: {  	[tilespmem:s21], [sflag:$0x3] =	stream.indirect.gather [hbm4b:s5+s17], $0x80, s20, s17, $0xb8;
	[tilespmem:$0x1EC00] =	vst v63  }
0x42: {  	_ =	swait.ge [sflag:s22], $0x2800  }
0x43: {  	[sflag:s22] =	ssyncset.done $0x0  }
0x44: {  	s7 =	simm.s32 $0x1C00;
	[sflag:s22] =	ssyncadd.s32 $0xFFFFD800  }
0x45: {  	[spmem:s3] =	stream.indirect.scatter.add.f32 [tilespmem:s14], [sflag:$0x4], $0x80, s7, s17, $0xb8;
	[tilespmem:$0x1EC00] =	vst v63  }
0x46: {  	_ =	swait.ge [sflag:s23], $0x2800  }
0x47: {  	[sflag:s23] =	ssyncset.done $0x0  }
0x48: {  	s2 =	simm.s32 $0x1C80;
	[sflag:s23] =	ssyncadd.s32 $0xFFFFD800  }
0x49: {  	[spmem:s3] =	stream.indirect.scatter.add.f32 [tilespmem:s19], [sflag:$0x5], $0x80, s2, s17, $0xb8;
	[tilespmem:$0x1EC00] =	vst v63  }
0x4a: {  	_ =	swait.ge [sflag:s24], $0x2800  }
0x4b: {  	[sflag:s24] =	ssyncset.done $0x0  }
0x4c: {  	s7 =	simm.s32 $0x1D00;
	[sflag:s24] =	ssyncadd.s32 $0xFFFFD800  }
0x4d: {  	[spmem:s3] =	stream.indirect.scatter.add.f32 [tilespmem:s21], [sflag:$0x6], $0x80, s7, s17, $0xb8;
	[tilespmem:$0x1EC00] =	vst v63  }
0x4e: {  	_ =	swait.ge [sflag:s25], $0x2800  }
0x4f: {  	[sflag:s25] =	ssyncset.done $0x0  }
0x50: {  	s2 =	simm.s32 $0x180;
	[sflag:s25] =	ssyncadd.s32 $0xFFFFD800  }
0x51: {  	[tilespmem:s14], [sflag:$0x1] =	stream.indirect.gather [hbm4b:s5+s17], $0x80, s2, s17, $0xb8;
	[tilespmem:$0x1EC00] =	vst v63  }
0x52: {  	_ =	swait.ge [sflag:s26], $0x2800  }
0x53: {  	[sflag:s26] =	ssyncset.done $0x0  }
0x54: {  	s7 =	simm.s32 $0x200;
	[sflag:s26] =	ssyncadd.s32 $0xFFFFD800  }
0x55: {  	[tilespmem:s19], [sflag:$0x2] =	stream.indirect.gather [hbm4b:s5+s17], $0x80, s7, s17, $0xb8;
	[tilespmem:$0x1EC00] =	vst v63  }
0x56: {  	_ =	swait.ge [sflag:s28], $0x2800  }
0x57: {  	[sflag:s28] =	ssyncset.done $0x0  }
0x58: {  	s4 =	simm.s32 $0x280;
	s7 =	simm.s32 $0x600;
	[sflag:s28] =	ssyncadd.s32 $0xFFFFD800  }
.LBB2_5:
0x59: {  	[tilespmem:s21], [sflag:$0x3] =	stream.indirect.gather [hbm4b:s5+s17], $0x80, s4, s17, $0xb8;
	[tilespmem:$0x1EC00] =	vst v63  }
0x5a: {  	s4 =	smov.u32 s7  }
0x5b: {  	p0 =	sne.s32 s7, $0x5400;
	s7 =	sadd.s32 $0x600, s7;
	_ =	swait.ge [sflag:s22], $0x2800  }
0x5c: {  	s4 =	sshra.s32 s4, $0x2;
	[sflag:s22] =	ssyncset.done $0x0  }
0x5d: {  	s2 =	sadd.s32 $0x1C00, s4;
	[sflag:s22] =	ssyncadd.s32 $0xFFFFD800  }
0x5e: {  	[spmem:s3] =	stream.indirect.scatter.add.f32 [tilespmem:s14], [sflag:$0x4], $0x80, s2, s17, $0xb8;
	[tilespmem:$0x1EC00] =	vst v63  }
0x5f: {  	_ =	swait.ge [sflag:s23], $0x2800  }
0x60: {  	[sflag:s23] =	ssyncset.done $0x0  }
0x61: {  	s2 =	sadd.s32 $0x1C80, s4;
	[sflag:s23] =	ssyncadd.s32 $0xFFFFD800  }
0x62: {  	[spmem:s3] =	stream.indirect.scatter.add.f32 [tilespmem:s19], [sflag:$0x5], $0x80, s2, s17, $0xb8;
	[tilespmem:$0x1EC00] =	vst v63  }
0x63: {  	_ =	swait.ge [sflag:s24], $0x2800  }
0x64: {  	[sflag:s24] =	ssyncset.done $0x0  }
0x65: {  	s2 =	sadd.s32 $0x1D00, s4;
	[sflag:s24] =	ssyncadd.s32 $0xFFFFD800  }
0x66: {  	[spmem:s3] =	stream.indirect.scatter.add.f32 [tilespmem:s21], [sflag:$0x6], $0x80, s2, s17, $0xb8;
	[tilespmem:$0x1EC00] =	vst v63  }
0x67: {  	_ =	swait.ge [sflag:s25], $0x2800  }
0x68: {  	[sflag:s25] =	ssyncset.done $0x0  }
0x69: {  	s2 =	sadd.s32 $0x180, s4;
	[sflag:s25] =	ssyncadd.s32 $0xFFFFD800  }
0x6a: {  	[tilespmem:s14], [sflag:$0x1] =	stream.indirect.gather [hbm4b:s5+s17], $0x80, s2, s17, $0xb8;
	[tilespmem:$0x1EC00] =	vst v63  }
0x6b: {  	_ =	swait.ge [sflag:s26], $0x2800  }
0x6c: {  	[sflag:s26] =	ssyncset.done $0x0  }
.Ltmp1:
0x6d: {  	s2 =	sadd.s32 $0x200, s4;
	[sflag:s26] =	ssyncadd.s32 $0xFFFFD800;
	(pc) =	sbr.rel @p0 .LBB2_5-.Ltmp1, $4  }
0x6e: {  	[tilespmem:s19], [sflag:$0x2] =	stream.indirect.gather [hbm4b:s5+s17], $0x80, s2, s17, $0xb8;
	[tilespmem:$0x1EC00] =	vst v63  }
0x6f: {  	_ =	swait.ge [sflag:s28], $0x2800  }
0x70: {  	[sflag:s28] =	ssyncset.done $0x0  }
0x71: {  	s4 =	sadd.s32 $0x280, s4;
	[sflag:s28] =	ssyncadd.s32 $0xFFFFD800  }
0x72: {  	[tilespmem:s21], [sflag:$0x3] =	stream.indirect.gather [hbm4b:s5+s17], $0x80, s4, s17, $0xb8;
	[tilespmem:$0x1EC00] =	vst v63  }
0x73: {  	_ =	swait.ge [sflag:s22], $0x2800  }
0x74: {  	[sflag:s22] =	ssyncset.done $0x0  }
0x75: {  	[sflag:s22] =	ssyncadd.s32 $0xFFFFD800  }
0x76: {  	[spmem:s3] =	stream.indirect.scatter.add.f32 [tilespmem:s14], [sflag:$0x4], $0x80, s29, s17, $0xb8;
	[tilespmem:$0x1EC00] =	vst v63  }
0x77: {  	_ =	swait.ge [sflag:s23], $0x2800  }
0x78: {  	[sflag:s23] =	ssyncset.done $0x0  }
0x79: {  	[sflag:s23] =	ssyncadd.s32 $0xFFFFD800  }
0x7a: {  	[spmem:s3] =	stream.indirect.scatter.add.f32 [tilespmem:s19], [sflag:$0x5], $0x80, s30, s17, $0xb8;
	[tilespmem:$0x1EC00] =	vst v63  }
0x7b: {  	_ =	swait.ge [sflag:s24], $0x2800  }
0x7c: {  	[sflag:s24] =	ssyncset.done $0x0  }
0x7d: {  	[sflag:s24] =	ssyncadd.s32 $0xFFFFD800  }
0x7e: {  	[spmem:s3] =	stream.indirect.scatter.add.f32 [tilespmem:s21], [sflag:$0x6], $0x80, s31, s17, $0xb8;
	[tilespmem:$0x1EC00] =	vst v63  }
0x7f: {  	_ =	swait.ge [sflag:s25], $0x2800  }
0x80: {  	[sflag:s25] =	ssyncset.done $0x0  }
0x81: {  	[sflag:s25] =	ssyncadd.s32 $0xFFFFD800  }
0x82: {  	[tilespmem:s14], [sflag:$0x1] =	stream.indirect.gather [hbm4b:s5+s17], $0x80, s1, s17, $0xb8;
	[tilespmem:$0x1EC00] =	vst v63  }
0x83: {  	_ =	swait.ge [sflag:s26], $0x2800  }
0x84: {  	[sflag:s26] =	ssyncset.done $0x0  }
0x85: {  	[sflag:s26] =	ssyncadd.s32 $0xFFFFD800  }
0x86: {  	[tilespmem:s19], [sflag:$0x2] =	stream.indirect.gather [hbm4b:s5+s17], $0x80, s0, s17, $0xb8;
	[tilespmem:$0x1EC00] =	vst v63  }
0x87: {  	_ =	swait.ge [sflag:s28], $0x2800  }
0x88: {  	[sflag:s28] =	ssyncset.done $0x0  }
0x89: {  	[sflag:s28] =	ssyncadd.s32 $0xFFFFD800  }
0x8a: {  	_ =	swait.ge [sflag:s22], $0x2800  }
0x8b: {  	[sflag:s22] =	ssyncset.done $0x0  }
0x8c: {  	[sflag:s22] =	ssyncadd.s32 $0xFFFFD800  }
0x8d: {  	[spmem:s3] =	stream.indirect.scatter.add.f32 [tilespmem:s14], [sflag:$0x7], $0x80, s9, s17, $0xb8;
	[tilespmem:$0x1EC00] =	vst v63  }
0x8e: {  	_ =	swait.ge [sflag:s15], $0x2800  }
0x8f: {  	[sflag:s15] =	ssyncset.done $0x0  }
0x90: {  	[sflag:s15] =	ssyncadd.s32 $0xFFFFD800  }
0x91: {  	s13 =	sadd.s32 $0x1, s13;
	_ =	swait.ge [sflag:s23], $0x2800  }
0x92: {  	p0 =	sne.s32 s13, $0x5;
	[sflag:s23] =	ssyncset.done $0x0  }
.Ltmp2:
0x93: {  	[sflag:s23] =	ssyncadd.s32 $0xFFFFD800;
	(pc) =	sbr.rel @p0 .LBB2_4-.Ltmp2, $4  }
0x94: {  	[spmem:s3] =	stream.indirect.scatter.add.f32 [tilespmem:s19], [sflag:$0x7], $0x80, s10, s17, $0xb8;
	[tilespmem:$0x1EC00] =	vst v63  }
0x95: {  	_ =	swait.ge [sflag:s15], $0x2800  }
0x96: {  	[sflag:s15] =	ssyncset.done $0x0  }
0x97: {  	[sflag:s15] =	ssyncadd.s32 $0xFFFFD800  }
0x98: {  	s2 =	stileid.u32;
	[bflag:$0x0] =	sbarrier.arrive $0xFFFF  }
0x99: {  	s2 =	sshll.u32 s2, $0x6;
	s13 =	rddreg [dreg:$0x5]  }
0x9a: {  	s7 =	rddreg [dreg:$0x8];
	s2 =	sor.u32 $0x1C07, s2;
	s4 =	sshrl.u32 s13, $0x3  }
0x9b: {  	[hbm:s7], [sflag:s2] =	dma.local [spmem:s4], $0x2780  }
0x9c: {  	_ =	swait.ge [sflag:s15], $0x2780  }
0x9d: {  	s12 =	rddreg [dreg:$0x4]  }
0x9e: {  	s7 =	rddreg [dreg:$0x9];
	s12 =	sadd.s32 $0x1, s12  }
0x9f: {  	p0 =	sne.s32 s12, s7  }
.Ltmp3:
0xa0: {  	_ = 	snop;
	(pc) =	sbr.rel @p0 .LBB2_1-.Ltmp3, $3  }
0xa1: {  	_ =	sdelay $0x1  }
0xa2: {  	[sflag:s15] =	ssyncset.done $0x0  }
0xa3: {  	[sflag:s15] =	ssyncadd.s32 $0xFFFFD880  }
0xa4: {  	_ =	sfence.sel $0x180000  }
0xa5: {  	[bflag:$0x0] =	sbarrier.arrive $0xFFFF  }
0xa6: {  	_ =	strace $0x9000004A  }
0xa7: {  	s0 =	stileid.u32;
	[bflag:$0x2] =	sbarrier.arrive $0xFFFF  }
0xa8: {  	p0 =	sne.s32 s0, $0x0;
	s0 =	rddreg [dreg:$0x3]  }
0xa9: {  	s0 =	sadd.s32 @!p0 $0x100000, s0  }
0xaa: {  	[sflag:s0] =	ssyncadd.tile.s32 @!p0 $0x1;
	_ =	shalt  }
.Lfunc_end2:
_tile_overlayer_lowered:
.L_overlay_start_2:
0xab: {  	(tag) =	ssettag $0x2  }
0xac: {  	s0 =	rddreg [dreg:$0x0];
	s2 =	stileid.u32  }
0xad: {  	s1 =	rddreg [dreg:$0x1];
	p0 =	sne.s32 s2, $0x0  }
0xae: {  	s3 =	rddreg [dreg:$0x2];
	[bflag:$0x3] =	sbarrier.arrive $0xFFFF;
	s2 =	simm.s32 @!p0 $0x1C07  }
0xaf: {  	[timem:s3], [sflag:s2] =	dma.local @!p0 [hbm:s0], s1  }
0xb0: {  	s0 =	simm.s32 @!p0 $0x7  }
0xb1: {  	_ =	swait.ge @!p0 [sflag:s0], s1  }
0xb2: {  	s1 =	ssub.s32 @!p0 $0x0, s1;
	[sflag:s0] =	ssyncset.done @!p0 $0x0  }
0xb3: {  	[sflag:s0] =	ssyncadd.s32 @!p0 s1  }
0xb4: {  	[bflag:$0x3] =	sbarrier.arrive $0xFFFF  }
0xb5: {  	_ =	shalt  }

// kernel: kernel.17.cloned.1.call-start
scs
__scs_entry_jumppad:
0x0: {  	(pc) =	sbr.rel $0x88, $3  }
0x1: {  	(tag) =	ssettag $0x0;
	lr =	simm.s32 $0x1  }
0x2: {  	[smem:$0x3F99] =	sst lr;
	_ =	strace $0xD0000000  }
0x3: {  	_ = 	snop  }
0x4: {  	_ = 	snop  }
0x5: {  	_ = 	snop  }
0x6: {  	_ = 	snop  }
0x7: {  	_ = 	snop  }
__scs_overlays_trampoline_lowered:
0x8: {  	[smem:$0x3FA8] =	sst s0  }
0x9: {  	[smem:$0x3FA9] =	sst s1  }
0xa: {  	[smem:$0x3FAA] =	sst s2  }
0xb: {  	[smem:$0x3FAB] =	sst s3  }
0xc: {  	[smem:$0x3FAC] =	sst s4  }
0xd: {  	[smem:$0x3FAD] =	sst s5  }
0xe: {  	[smem:$0x3FAE] =	sst s6  }
0xf: {  	[smem:$0x3FAF] =	sst s7  }
0x10: {  	[smem:$0x3FB0] =	sst s8  }
0x11: {  	[smem:$0x3FB1] =	sst s9;
	s0 =	simm.s32 @!p0 $0x0  }
0x12: {  	s1 =	sld [smem:$0x3F97];
	s0 =	simm.s32 @p0 $0x1  }
0x13: {  	[smem:$0x3FB2] =	sst s0;
	s0 =	simm.s32 @!p1 $0x0  }
0x14: {  	s2 =	sld [smem:$0x3F96];
	s0 =	simm.s32 @p1 $0x1  }
0x15: {  	[smem:$0x3FB3] =	sst s0;
	s0 =	simm.s32 @!p2 $0x0  }
0x16: {  	s3 =	sld [smem:$0x3FDB];
	s0 =	simm.s32 @p2 $0x1  }
0x17: {  	s4 =	simm.s32 $0x1BF5;
	[smem:$0x3FB5] =	sst s0  }
0x18: {  	s0 =	sld [smem:$0x3F98];
	_ =	swait.ge [sflag:s4], $0x0  }
0x19: {  	s7 =	sld [smem:$0x3F99]  }
0x1a: {  	s8 =	sadd.s32 $0xFFFFE003, lr  }
0x1b: {  	s9 =	sadd.s32 $0xFFFFFEF7, lr;
	s5 =	simm.s32 $0xFFFFFFFF;
	p2 =	slt.u32 s8, $0xFFFFF086  }
0x1c: {  	p1 =	slt.u32 s9, $0xF7A;
	s5 =	simm.s32 @!p2 $0x0  }
0x1d: {  	s5 =	simm.s32 @p1 $0x1;
	p0 =	seq.s32 s7, s2  }
0x1e: {  	s7 =	smul.u32 @!p0 $0xF7A, s2;
	p2 =	seq.s32 @!p0 s5, $0x0  }
0x1f: {  	s9 =	smul.u32 $0xF7A, s1;
	s8 =	simm.s32 @!p0 $0x1BF5;
	p2 =	por !p2, p0  }
0x20: {  	[sflag:s8] =	ssyncset.s32 @!p0 $0xFFFFF086;
	s6 =	sadd.s32 @!p0 s3, s7;
	s7 =	simm.s32 @!p0 $0x108  }
0x21: {  	s3 =	sadd.s32 s3, s9;
	s6 =	sadd.s32 @!p0 $0x88, s6;
	s7 =	simm.s32 @p2 $0x1082  }
0x22: {  	[simem:s7], [sflag:s8] =	dma.local @!p0 [hbm:s6], $0xF7A  }
0x23: {  	s9 =	sor.u32 $0xD0000000, s2;
	s6 =	simm.s32 $0x108;
	_ =	swait.ge @!p0 [sflag:s8], $0x0  }
0x24: {  	s3 =	sadd.s32 $0x88, s3;
	s6 =	simm.s32 @!p1 $0x1082;
	[sflag:s4] =	ssyncset.s32 $0xFFFFF086  }
0x25: {  	[simem:s6], [sflag:s4] =	dma.local [hbm:s3], $0xF7A  }
0x26: {  	[smem:$0x3F99] =	sst s1;
	(tag) =	ssettag s2;
	_ =	strace s9  }
0x27: {  	s1 =	sld [smem:$0x3FA9]  }
0x28: {  	s2 =	sld [smem:$0x3FAA]  }
0x29: {  	s4 =	sld [smem:$0x3FAC]  }
0x2a: {  	p0 =	seq.s32 s5, $0x0;
	s5 =	sld [smem:$0x3FAD]  }
0x2b: {  	s6 =	sld [smem:$0x3FAE]  }
0x2c: {  	s7 =	sld [smem:$0x3FAF]  }
0x2d: {  	s3 =	simm.s32 $0x108;
	s8 =	sld [smem:$0x3FB0]  }
0x2e: {  	s3 =	simm.s32 @!p0 $0x1082;
	s9 =	sld [smem:$0x3FB1]  }
0x2f: {  	lr =	sadd.s32 s0, s3;
	s0 =	sld [smem:$0x3FA8]  }
0x30: {  	s3 =	sld [smem:$0x3FAB]  }
0x31: {  	[smem:$0x3FB4] =	sst s10  }
0x32: {  	s10 =	sld [smem:$0x3FB2];
	_ =	sdelay $0x3  }
0x33: {  	p0 =	seq.s32 s10, $0x1;
	s10 =	sld [smem:$0x3FB4];
	_ =	sdelay $0x3  }
0x34: {  	[smem:$0x3FB4] =	sst s10  }
0x35: {  	s10 =	sld [smem:$0x3FB3];
	_ =	sdelay $0x3  }
0x36: {  	p1 =	seq.s32 s10, $0x1;
	s10 =	sld [smem:$0x3FB4];
	_ =	sdelay $0x3  }
0x37: {  	[smem:$0x3FB4] =	sst s10  }
0x38: {  	s10 =	sld [smem:$0x3FB5]  }
0x39: {  	_ = 	snop;
	(pc) =	sbr.ind lr, $3  }
0x3a: {  	_ = 	snop  }
0x3b: {  	_ = 	snop  }
0x3c: {  	p2 =	seq.s32 s10, $0x1;
	s10 =	sld [smem:$0x3FB4]  }
0x3d: {  	_ =	shalt  }
0x3e: {  	_ =	shalt  }
0x3f: {  	_ =	shalt  }
0x40: {  	_ =	shalt  }
0x41: {  	_ =	shalt  }
0x42: {  	_ =	shalt  }
0x43: {  	_ =	shalt  }
0x44: {  	_ =	shalt  }
0x45: {  	_ =	shalt  }
0x46: {  	_ =	shalt  }
0x47: {  	_ =	shalt  }
0x48: {  	_ =	shalt  }
0x49: {  	_ =	shalt  }
0x4a: {  	_ =	shalt  }
0x4b: {  	_ =	shalt  }
0x4c: {  	_ =	shalt  }
0x4d: {  	_ =	shalt  }
0x4e: {  	_ =	shalt  }
0x4f: {  	_ =	shalt  }
0x50: {  	_ =	shalt  }
0x51: {  	_ =	shalt  }
0x52: {  	_ =	shalt  }
0x53: {  	_ =	shalt  }
0x54: {  	_ =	shalt  }
0x55: {  	_ =	shalt  }
0x56: {  	_ =	shalt  }
0x57: {  	_ =	shalt  }
0x58: {  	_ =	shalt  }
0x59: {  	_ =	shalt  }
0x5a: {  	_ =	shalt  }
0x5b: {  	_ =	shalt  }
0x5c: {  	_ =	shalt  }
0x5d: {  	_ =	shalt  }
0x5e: {  	_ =	shalt  }
0x5f: {  	_ =	shalt  }
0x60: {  	_ =	shalt  }
0x61: {  	_ =	shalt  }
0x62: {  	_ =	shalt  }
0x63: {  	_ =	shalt  }
0x64: {  	_ =	shalt  }
0x65: {  	_ =	shalt  }
0x66: {  	_ =	shalt  }
0x67: {  	_ =	shalt  }
0x68: {  	_ =	shalt  }
0x69: {  	_ =	shalt  }
0x6a: {  	_ =	shalt  }
0x6b: {  	_ =	shalt  }
0x6c: {  	_ =	shalt  }
0x6d: {  	_ =	shalt  }
0x6e: {  	_ =	shalt  }
0x6f: {  	_ =	shalt  }
0x70: {  	_ =	shalt  }
0x71: {  	_ =	shalt  }
0x72: {  	_ =	shalt  }
0x73: {  	_ =	shalt  }
0x74: {  	_ =	shalt  }
0x75: {  	_ =	shalt  }
0x76: {  	_ =	shalt  }
0x77: {  	_ =	shalt  }
0x78: {  	_ =	shalt  }
0x79: {  	_ =	shalt  }
0x7a: {  	_ =	shalt  }
0x7b: {  	_ =	shalt  }
0x7c: {  	_ =	shalt  }
0x7d: {  	_ =	shalt  }
0x7e: {  	_ =	shalt  }
0x7f: {  	_ =	shalt  }
0x80: {  	_ =	shalt  }
0x81: {  	_ =	shalt  }
0x82: {  	_ =	shalt  }
0x83: {  	_ =	shalt  }
0x84: {  	_ =	shalt  }
0x85: {  	_ =	shalt  }
0x86: {  	_ =	shalt  }
0x87: {  	_ =	shalt  }
.Lfunc_end0:
.L_simem_size_0:
called_computation.2_lowered:
.L_overlay_start_0:
0x88: {  	s2 =	sld [smem:$0x3FD9]  }
0x89: {  	s3 =	sld [smem:$0x3FFE];
	_ =	sdelay $0x1  }
0x8a: {  	s1 =	srdreg.scid  }
0x8b: {  	s0 =	sand.u32 $0x1, s1  }
0x8c: {  	s17 =	sshll.u32 s0, $0xA;
	s2 =	sadd.s32 s3, s2  }
0x8d: {  	s2 =	sadd.s32 s2, s17  }
0x8e: {  	[smem:$0x3FC0] =	sst s2  }
0x8f: {  	_ = 	snop  }
0x90: {  	s2 =	sld [smem:$0x3FD0];
	(tm) =	ssettm $0x1  }
0x91: {  	s18 =	sld [smem:$0x3FFB];
	_ =	sdelay $0x3  }
0x92: {  	_ =	strace s18  }
0x93: {  	s3 =	sld [smem:$0x3FFC];
	_ =	sdelay $0x3  }
0x94: {  	_ =	strace s3  }
0x95: {  	s3 =	sld [smem:$0x3FFD];
	_ =	sdelay $0x3  }
0x96: {  	_ =	strace s3  }
0x97: {  	_ =	strace $0x8FFFFFFF  }
0x98: {  	s19 =	sld [smem:$0x3FDB];
	_ =	sdelay $0x1  }
0x99: {  	s4 =	simm.s32 $_scs_section_size  }
0x9a: {  	s5 =	simm.s32 $_size__tile_overlayer_lowered;
	s6 =	simm.s32 $_tile_overlayer_lowered  }
0x9b: {  	s22 =	simm.s32 $0x1BFF;
	s21 =	sshll.u32 s6, $0x1;
	s3 =	sadd.s32 s4, s19  }
0x9c: {  	s7 =	simm.s32 $0x0;
	s20 =	sshll.u32 s5, $0x1;
	s5 =	sadd.s32 s21, s3  }
0x9d: {  	[timem:s7], [sflag:s22] =	dma.local [hbm:s5], s20  }
0x9e: {  	_ =	swait.ge [sflag:s22], s20  }
0x9f: {  	s4 =	ssub.s32 $0x0, s20;
	[sflag:s22] =	ssyncset.done $0x0  }
0xa0: {  	[sflag:s22] =	ssyncadd.s32 s4;
	_ =	sdelay $0x1  }
0xa1: {  	s23 =	simm.s32 $0x1B8B  }
0xa2: {  	_ =	swait.ge [sflag:s23], $0x1  }
0xa3: {  	[sflag:s23] =	ssyncset.done $0x0  }
0xa4: {  	s25 =	simm.s32 $0x1B8E;
	s24 =	sld [smem:$0x3FFE];
	[sflag:s23] =	ssyncadd.s32 $0xFFFFFFFF  }
0xa5: {  	s26 =	simm.s32 $execute0_lowered;
	[smem:$0x3FD2] =	sst s25  }
0xa6: {  	s5 =	sshll.u32 s26, $0x1;
	_ =	strace $0x8000004C;
	[dreg:$0x1] =	wrdreg $0xFFFFFFFF  }
0xa7: {  	s28 =	simm.s32 $_size_execute0_lowered;
	s3 =	sadd.s32 s3, s5;
	[dreg:$0x0] =	wrdreg $0x0  }
0xa8: {  	s5 =	sshll.u32 s28, $0x1;
	[dreg:$0x2] =	wrdreg s3  }
0xa9: {  	[dreg:$0x3] =	wrdreg s5  }
0xaa: {  	[dreg:$0x4] =	wrdreg $0xC0  }
0xab: {  	_ =	task [dreg:s7], $0x5FFFF  }
0xac: {  	[dreg:$0x1] =	wrdreg $0xFFFFFFFF  }
0xad: {  	[dreg:$0x0] =	wrdreg $0x60  }
0xae: {  	[dreg:$0x2] =	wrdreg s24  }
0xaf: {  	[dreg:$0x3] =	wrdreg s2  }
0xb0: {  	[dreg:$0x4] =	wrdreg $0xB0000  }
0xb1: {  	[dreg:$0x5] =	wrdreg $0x9  }
0xb2: {  	_ =	task.clear_ibuf [dreg:s7], $0x6FFFF;
	_ =	strace $0x9000004C  }
0xb3: {  	s29 =	simm.s32 $0x9;
	_ =	strace $0x8000004E  }
0xb4: {  	_ =	swait.ge [sflag:s29], $0x1  }
0xb5: {  	[sflag:s29] =	ssyncadd.s32 $0xFFFFFFFF  }
0xb6: {  	_ =	strace $0x9000004E  }
0xb7: {  	_ =	sfence  }
0xb8: {  	s30 =	sld [smem:$0x0];
	_ =	sdelay $0x2  }
0xb9: {  	s31 =	sshll.u32 s1, $0xD;
	s1 =	sshrl.u32 s1, $0x2  }
0xba: {  	s3 =	sand.u32 $0x4000, s31;
	s1 =	sadd.s32 s1, s30  }
0xbb: {  	s0 =	sor.u32 s3, s0;
	s1 =	sshll.u32 s1, $0x11  }
0xbc: {  	s0 =	sor.u32 s1, s0  }
0xbd: {  	s0 =	sadd.s32 $0x8F2B, s0  }
0xbe: {  	[sflag:s0] =	ssyncadd.remote.s32 $0x1  }
0xbf: {  	_ =	sfence.sel $0xFFFF  }
0xc0: {  	[dreg:$0x0] =	wrdreg $0xFFFFFFFF;
	(pc) =	sbr.abs _section_cstart, $3  }
0xc1: {  	[dreg:$0x1] =	wrdreg $0xFFFFFFFF  }
0xc2: {  	_ =	task.clear_ibuf [dreg:s7], $0x2FFFF;
	_ =	strace $0x9FFFFFFF  }
0xc3: {  	(tm) =	ssettm $0x7FFFFFFF  }
tec
execute0_lowered:
.L_overlay_start_1:
0x0: {  	(tag) =	ssettag $0x1  }
0x1: {  	s0 =	rddreg [dreg:$0x0];
	s1 =	srdreg.scid  }
0x2: {  	s2 =	stileid.u32;
	s3 =	rddreg [dreg:$0x2];
	s12 =	simm.s32 $0x0  }
0x3: {  	s14 =	simm.s32 $0x3800;
	s15 =	simm.s32 $0x7;
	s16 =	simm.s32 $0x1C00  }
0x4: {  	s17 =	simm.s32 $0x50;
	s18 =	simm.s32 $0x80;
	s19 =	simm.s32 $0x6000  }
0x5: {  	s20 =	simm.s32 $0x100;
	s21 =	simm.s32 $0x8800;
	s22 =	simm.s32 $0x1  }
0x6: {  	s28 =	simm.s32 $0x6;
	s29 =	simm.s32 $0x3280;
	s4 =	smul.u32 $0x2780, s2  }
0x7: {  	s30 =	simm.s32 $0x3300;
	s31 =	simm.s32 $0x3380;
	s7 =	smul.u32 $0x4F000, s2  }
0x8: {  	s10 =	simm.s32 $0x3480;
	s1 =	sand.u32 $0x1, s1;
	s8 =	smul.u32 $0x8C00, s2  }
0x9: {  	[smem:$0x7FF] =	sst s12;
	s6 =	sadd.s32 $0x3200, s0;
	s5 =	smul.u32 $0x27800, s1  }
0xa: {  	_ =	strace $0x8000004D;
	s23 =	ssub.s32 $0x2, s1;
	s1 =	smul.u32 $0x8C000, s1  }
0xb: {  	s7 =	sshrl.u32 s7, $0x2;
	s9 =	sshrl.u32 s23, $0x1;
	s4 =	sadd.s32 s4, s5  }
0xc: {  	s5 =	sadd.s32 $0x14A00, s0;
	s13 =	sadd.s32 s7, s3;
	s11 =	sadd.s32 s1, s8  }
0xd: {  	s1 =	simm.s32 $0x1800;
	s0 =	sadd.s32 s4, s0;
	s4 =	ssub.s32 s23, s9  }
0xe: {  	s24 =	sadd.s32 $0x7800, s13;
	s25 =	sadd.s32 $0xF000, s13;
	[dreg:$0x5] =	wrdreg s13  }
0xf: {  	s23 =	simm.s32 $0x2;
	s9 =	simm.s32 $0x3400;
	[dreg:$0x6] =	wrdreg s24  }
0x10: {  	[dreg:$0x7] =	wrdreg s25;
	s0 =	sadd.s32 $0x62C00, s0;
	s26 =	smax.u32 s4, $0x1  }
0x11: {  	s24 =	simm.s32 $0x3;
	s25 =	simm.s32 $0x4;
	[dreg:$0x8] =	wrdreg s0  }
0x12: {  	v0 =	vimm.f32 $0.0e+00;
	[dreg:$0x9] =	wrdreg s26;
	s26 =	simm.s32 $0x5;
	s0 =	simm.s32 $0x1880  }
.LBB2_1:
0x13: {  	[dreg:$0x4] =	wrdreg s12;
	s7 =	simm.s32 $0x0;
	s12 =	simm.s32 $0x200  }
.LBB2_2:
0x14: {  	p0 =	sne.s32 s12, $0x1DE00;
	[tilespmem:s7+$0x3870] =	vst v0  }
0x15: {  	[tilespmem:s7+$0x3800] =	vst v0  }
0x16: {  	[tilespmem:s7+$0x3810] =	vst v0  }
.Ltmp0:
0x17: {  	[tilespmem:s7+$0x3820] =	vst v0;
	(pc) =	sbr.rel @p0 .LBB2_2-.Ltmp0, $4  }
0x18: {  	[tilespmem:s7+$0x3830] =	vst v0  }
0x19: {  	[tilespmem:s7+$0x3840] =	vst v0  }
0x1a: {  	[tilespmem:s7+$0x3850] =	vst v0  }
0x1b: {  	[tilespmem:s7+$0x3860] =	vst v0;
	s7 =	sshra.s32 s12, $0x2;
	s12 =	sadd.s32 $0x200, s12  }
0x1c: {  	[tilespmem:s7+$0x3870] =	vst v0  }
0x1d: {  	[tilespmem:s7+$0x3800] =	vst v0  }
0x1e: {  	[tilespmem:s7+$0x3810] =	vst v0  }
0x1f: {  	[tilespmem:s7+$0x3820] =	vst v0  }
0x20: {  	[tilespmem:s7+$0x3830] =	vst v0  }
0x21: {  	[tilespmem:s7+$0x3840] =	vst v0  }
0x22: {  	[tilespmem:s7+$0x3850] =	vst v0  }
0x23: {  	[tilespmem:s7+$0x3860] =	vst v0  }
0x24: {  	[spmem:s13] =	stream.linear.scatter [tilespmem:s14], [sflag:$0x7], $0x7800, $0x38;
	[tilespmem:$0x1EC00] =	vst v63  }
0x25: {  	_ =	swait.ge [sflag:s15], $0x7800  }
0x26: {  	[sflag:s15] =	ssyncset.done $0x0  }
0x27: {  	s2 =	rddreg [dreg:$0x6];
	[sflag:s15] =	ssyncadd.s32 $0xFFFF8800  }
0x28: {  	[spmem:s2] =	stream.linear.scatter [tilespmem:s14], [sflag:$0x7], $0x7800, $0x38;
	[tilespmem:$0x1EC00] =	vst v63  }
0x29: {  	_ =	swait.ge [sflag:s15], $0x7800  }
0x2a: {  	[sflag:s15] =	ssyncset.done $0x0  }
0x2b: {  	s13 =	rddreg [dreg:$0x7];
	[sflag:s15] =	ssyncadd.s32 $0xFFFF8800  }
0x2c: {  	[spmem:s13] =	stream.linear.scatter [tilespmem:s14], [sflag:$0x7], $0x4C00, $0x38;
	[tilespmem:$0x1EC00] =	vst v63  }
0x2d: {  	_ =	swait.ge [sflag:s15], $0x4C00  }
0x2e: {  	[sflag:s15] =	ssyncset.done $0x0  }
0x2f: {  	[sflag:s15] =	ssyncadd.s32 $0xFFFFB400  }
0x30: {  	s12 =	simm.s32 $0x0;
	s13 =	simm.s32 $0x0;
	[bflag:$0x0] =	sbarrier.arrive $0xFFFF  }
.LBB2_4:
0x31: {  	s4 =	smul.u32 $0x1C00, s13;
	_ =	sdelay $0x1  }
0x32: {  	s7 =	sadd.s32 s11, s4  }
0x33: {  	s2 =	rddreg [dreg:$0x1];
	s7 =	sshrl.u32 s7, $0x3  }
0x34: {  	s7 =	sadd.s32 s2, s7  }
0x35: {  	[tilespmem:s12], [sflag:$0x7] =	stream.linear.gather [hbm4b:s7+s12], $0x1900, $0x38;
	[tilespmem:$0x1EC00] =	vst v63  }
0x36: {  	s4 =	sadd.s32 s8, s4;
	_ =	swait.ge [sflag:s15], $0x1900  }
0x37: {  	s4 =	sshrl.u32 s4, $0x3;
	[sflag:s15] =	ssyncset.done $0x0  }
0x38: {  	s4 =	sadd.s32 s6, s4;
	[sflag:s15] =	ssyncadd.s32 $0xFFFFE700  }
0x39: {  	[tilespmem:s16], [sflag:$0x7] =	stream.linear.gather [hbm4b:s4+s12], $0x1900, $0x38;
	[tilespmem:$0x1EC00] =	vst v63  }
0x3a: {  	_ =	swait.ge [sflag:s15], $0x1900  }
0x3b: {  	[sflag:s15] =	ssyncset.done $0x0  }
0x3c: {  	[sflag:s15] =	ssyncadd.s32 $0xFFFFE700  }
0x3d: {  	[tilespmem:s14], [sflag:$0x1] =	stream.indirect.gather [hbm4b:s5+s17], $0x80, s12, s17, $0xb8;
	[tilespmem:$0x1EC00] =	vst v63  }
0x3e: {  	_ = 	snop  }
0x3f: {  	[tilespmem:s19], [sflag:$0x2] =	stream.indirect.gather [hbm4b:s5+s17], $0x80, s18, s17, $0xb8;
	[tilespmem:$0x1EC00] =	vst v63  }
0x40: {  	_ = 	snop  }
0x41: {  	[tilespmem:s21], [sflag:$0x3] =	stream.indirect.gather [hbm4b:s5+s17], $0x80, s20, s17, $0xb8;
	[tilespmem:$0x1EC00] =	vst v63  }
0x42: {  	_ =	swait.ge [sflag:s22], $0x2800  }
0x43: {  	[sflag:s22] =	ssyncset.done $0x0  }
0x44: {  	s7 =	simm.s32 $0x1C00;
	[sflag:s22] =	ssyncadd.s32 $0xFFFFD800  }
0x45: {  	[spmem:s3] =	stream.indirect.scatter.add.f32 [tilespmem:s14], [sflag:$0x4], $0x80, s7, s17, $0xb8;
	[tilespmem:$0x1EC00] =	vst v63  }
0x46: {  	_ =	swait.ge [sflag:s23], $0x2800  }
0x47: {  	[sflag:s23] =	ssyncset.done $0x0  }
0x48: {  	s2 =	simm.s32 $0x1C80;
	[sflag:s23] =	ssyncadd.s32 $0xFFFFD800  }
0x49: {  	[spmem:s3] =	stream.indirect.scatter.add.f32 [tilespmem:s19], [sflag:$0x5], $0x80, s2, s17, $0xb8;
	[tilespmem:$0x1EC00] =	vst v63  }
0x4a: {  	_ =	swait.ge [sflag:s24], $0x2800  }
0x4b: {  	[sflag:s24] =	ssyncset.done $0x0  }
0x4c: {  	s7 =	simm.s32 $0x1D00;
	[sflag:s24] =	ssyncadd.s32 $0xFFFFD800  }
0x4d: {  	[spmem:s3] =	stream.indirect.scatter.add.f32 [tilespmem:s21], [sflag:$0x6], $0x80, s7, s17, $0xb8;
	[tilespmem:$0x1EC00] =	vst v63  }
0x4e: {  	_ =	swait.ge [sflag:s25], $0x2800  }
0x4f: {  	[sflag:s25] =	ssyncset.done $0x0  }
0x50: {  	s2 =	simm.s32 $0x180;
	[sflag:s25] =	ssyncadd.s32 $0xFFFFD800  }
0x51: {  	[tilespmem:s14], [sflag:$0x1] =	stream.indirect.gather [hbm4b:s5+s17], $0x80, s2, s17, $0xb8;
	[tilespmem:$0x1EC00] =	vst v63  }
0x52: {  	_ =	swait.ge [sflag:s26], $0x2800  }
0x53: {  	[sflag:s26] =	ssyncset.done $0x0  }
0x54: {  	s7 =	simm.s32 $0x200;
	[sflag:s26] =	ssyncadd.s32 $0xFFFFD800  }
0x55: {  	[tilespmem:s19], [sflag:$0x2] =	stream.indirect.gather [hbm4b:s5+s17], $0x80, s7, s17, $0xb8;
	[tilespmem:$0x1EC00] =	vst v63  }
0x56: {  	_ =	swait.ge [sflag:s28], $0x2800  }
0x57: {  	[sflag:s28] =	ssyncset.done $0x0  }
0x58: {  	s4 =	simm.s32 $0x280;
	s7 =	simm.s32 $0x600;
	[sflag:s28] =	ssyncadd.s32 $0xFFFFD800  }
.LBB2_5:
0x59: {  	[tilespmem:s21], [sflag:$0x3] =	stream.indirect.gather [hbm4b:s5+s17], $0x80, s4, s17, $0xb8;
	[tilespmem:$0x1EC00] =	vst v63  }
0x5a: {  	s4 =	smov.u32 s7  }
0x5b: {  	p0 =	sne.s32 s7, $0x5400;
	s7 =	sadd.s32 $0x600, s7;
	_ =	swait.ge [sflag:s22], $0x2800  }
0x5c: {  	s4 =	sshra.s32 s4, $0x2;
	[sflag:s22] =	ssyncset.done $0x0  }
0x5d: {  	s2 =	sadd.s32 $0x1C00, s4;
	[sflag:s22] =	ssyncadd.s32 $0xFFFFD800  }
0x5e: {  	[spmem:s3] =	stream.indirect.scatter.add.f32 [tilespmem:s14], [sflag:$0x4], $0x80, s2, s17, $0xb8;
	[tilespmem:$0x1EC00] =	vst v63  }
0x5f: {  	_ =	swait.ge [sflag:s23], $0x2800  }
0x60: {  	[sflag:s23] =	ssyncset.done $0x0  }
0x61: {  	s2 =	sadd.s32 $0x1C80, s4;
	[sflag:s23] =	ssyncadd.s32 $0xFFFFD800  }
0x62: {  	[spmem:s3] =	stream.indirect.scatter.add.f32 [tilespmem:s19], [sflag:$0x5], $0x80, s2, s17, $0xb8;
	[tilespmem:$0x1EC00] =	vst v63  }
0x63: {  	_ =	swait.ge [sflag:s24], $0x2800  }
0x64: {  	[sflag:s24] =	ssyncset.done $0x0  }
0x65: {  	s2 =	sadd.s32 $0x1D00, s4;
	[sflag:s24] =	ssyncadd.s32 $0xFFFFD800  }
0x66: {  	[spmem:s3] =	stream.indirect.scatter.add.f32 [tilespmem:s21], [sflag:$0x6], $0x80, s2, s17, $0xb8;
	[tilespmem:$0x1EC00] =	vst v63  }
0x67: {  	_ =	swait.ge [sflag:s25], $0x2800  }
0x68: {  	[sflag:s25] =	ssyncset.done $0x0  }
0x69: {  	s2 =	sadd.s32 $0x180, s4;
	[sflag:s25] =	ssyncadd.s32 $0xFFFFD800  }
0x6a: {  	[tilespmem:s14], [sflag:$0x1] =	stream.indirect.gather [hbm4b:s5+s17], $0x80, s2, s17, $0xb8;
	[tilespmem:$0x1EC00] =	vst v63  }
0x6b: {  	_ =	swait.ge [sflag:s26], $0x2800  }
0x6c: {  	[sflag:s26] =	ssyncset.done $0x0  }
.Ltmp1:
0x6d: {  	s2 =	sadd.s32 $0x200, s4;
	[sflag:s26] =	ssyncadd.s32 $0xFFFFD800;
	(pc) =	sbr.rel @p0 .LBB2_5-.Ltmp1, $4  }
0x6e: {  	[tilespmem:s19], [sflag:$0x2] =	stream.indirect.gather [hbm4b:s5+s17], $0x80, s2, s17, $0xb8;
	[tilespmem:$0x1EC00] =	vst v63  }
0x6f: {  	_ =	swait.ge [sflag:s28], $0x2800  }
0x70: {  	[sflag:s28] =	ssyncset.done $0x0  }
0x71: {  	s4 =	sadd.s32 $0x280, s4;
	[sflag:s28] =	ssyncadd.s32 $0xFFFFD800  }
0x72: {  	[tilespmem:s21], [sflag:$0x3] =	stream.indirect.gather [hbm4b:s5+s17], $0x80, s4, s17, $0xb8;
	[tilespmem:$0x1EC00] =	vst v63  }
0x73: {  	_ =	swait.ge [sflag:s22], $0x2800  }
0x74: {  	[sflag:s22] =	ssyncset.done $0x0  }
0x75: {  	[sflag:s22] =	ssyncadd.s32 $0xFFFFD800  }
0x76: {  	[spmem:s3] =	stream.indirect.scatter.add.f32 [tilespmem:s14], [sflag:$0x4], $0x80, s29, s17, $0xb8;
	[tilespmem:$0x1EC00] =	vst v63  }
0x77: {  	_ =	swait.ge [sflag:s23], $0x2800  }
0x78: {  	[sflag:s23] =	ssyncset.done $0x0  }
0x79: {  	[sflag:s23] =	ssyncadd.s32 $0xFFFFD800  }
0x7a: {  	[spmem:s3] =	stream.indirect.scatter.add.f32 [tilespmem:s19], [sflag:$0x5], $0x80, s30, s17, $0xb8;
	[tilespmem:$0x1EC00] =	vst v63  }
0x7b: {  	_ =	swait.ge [sflag:s24], $0x2800  }
0x7c: {  	[sflag:s24] =	ssyncset.done $0x0  }
0x7d: {  	[sflag:s24] =	ssyncadd.s32 $0xFFFFD800  }
0x7e: {  	[spmem:s3] =	stream.indirect.scatter.add.f32 [tilespmem:s21], [sflag:$0x6], $0x80, s31, s17, $0xb8;
	[tilespmem:$0x1EC00] =	vst v63  }
0x7f: {  	_ =	swait.ge [sflag:s25], $0x2800  }
0x80: {  	[sflag:s25] =	ssyncset.done $0x0  }
0x81: {  	[sflag:s25] =	ssyncadd.s32 $0xFFFFD800  }
0x82: {  	[tilespmem:s14], [sflag:$0x1] =	stream.indirect.gather [hbm4b:s5+s17], $0x80, s1, s17, $0xb8;
	[tilespmem:$0x1EC00] =	vst v63  }
0x83: {  	_ =	swait.ge [sflag:s26], $0x2800  }
0x84: {  	[sflag:s26] =	ssyncset.done $0x0  }
0x85: {  	[sflag:s26] =	ssyncadd.s32 $0xFFFFD800  }
0x86: {  	[tilespmem:s19], [sflag:$0x2] =	stream.indirect.gather [hbm4b:s5+s17], $0x80, s0, s17, $0xb8;
	[tilespmem:$0x1EC00] =	vst v63  }
0x87: {  	_ =	swait.ge [sflag:s28], $0x2800  }
0x88: {  	[sflag:s28] =	ssyncset.done $0x0  }
0x89: {  	[sflag:s28] =	ssyncadd.s32 $0xFFFFD800  }
0x8a: {  	_ =	swait.ge [sflag:s22], $0x2800  }
0x8b: {  	[sflag:s22] =	ssyncset.done $0x0  }
0x8c: {  	[sflag:s22] =	ssyncadd.s32 $0xFFFFD800  }
0x8d: {  	[spmem:s3] =	stream.indirect.scatter.add.f32 [tilespmem:s14], [sflag:$0x7], $0x80, s9, s17, $0xb8;
	[tilespmem:$0x1EC00] =	vst v63  }
0x8e: {  	_ =	swait.ge [sflag:s15], $0x2800  }
0x8f: {  	[sflag:s15] =	ssyncset.done $0x0  }
0x90: {  	[sflag:s15] =	ssyncadd.s32 $0xFFFFD800  }
0x91: {  	s13 =	sadd.s32 $0x1, s13;
	_ =	swait.ge [sflag:s23], $0x2800  }
0x92: {  	p0 =	sne.s32 s13, $0x5;
	[sflag:s23] =	ssyncset.done $0x0  }
.Ltmp2:
0x93: {  	[sflag:s23] =	ssyncadd.s32 $0xFFFFD800;
	(pc) =	sbr.rel @p0 .LBB2_4-.Ltmp2, $4  }
0x94: {  	[spmem:s3] =	stream.indirect.scatter.add.f32 [tilespmem:s19], [sflag:$0x7], $0x80, s10, s17, $0xb8;
	[tilespmem:$0x1EC00] =	vst v63  }
0x95: {  	_ =	swait.ge [sflag:s15], $0x2800  }
0x96: {  	[sflag:s15] =	ssyncset.done $0x0  }
0x97: {  	[sflag:s15] =	ssyncadd.s32 $0xFFFFD800  }
0x98: {  	s2 =	stileid.u32;
	[bflag:$0x0] =	sbarrier.arrive $0xFFFF  }
0x99: {  	s2 =	sshll.u32 s2, $0x6;
	s13 =	rddreg [dreg:$0x5]  }
0x9a: {  	s7 =	rddreg [dreg:$0x8];
	s2 =	sor.u32 $0x1C07, s2;
	s4 =	sshrl.u32 s13, $0x3  }
0x9b: {  	[hbm:s7], [sflag:s2] =	dma.local [spmem:s4], $0x2780  }
0x9c: {  	_ =	swait.ge [sflag:s15], $0x2780  }
0x9d: {  	s12 =	rddreg [dreg:$0x4]  }
0x9e: {  	s7 =	rddreg [dreg:$0x9];
	s12 =	sadd.s32 $0x1, s12  }
0x9f: {  	p0 =	sne.s32 s12, s7  }
.Ltmp3:
0xa0: {  	_ = 	snop;
	(pc) =	sbr.rel @p0 .LBB2_1-.Ltmp3, $3  }
0xa1: {  	_ =	sdelay $0x1  }
0xa2: {  	[sflag:s15] =	ssyncset.done $0x0  }
0xa3: {  	[sflag:s15] =	ssyncadd.s32 $0xFFFFD880  }
0xa4: {  	_ =	sfence.sel $0x180000  }
0xa5: {  	[bflag:$0x0] =	sbarrier.arrive $0xFFFF  }
0xa6: {  	_ =	strace $0x9000004D  }
0xa7: {  	s0 =	stileid.u32;
	[bflag:$0x2] =	sbarrier.arrive $0xFFFF  }
0xa8: {  	p0 =	sne.s32 s0, $0x0;
	s0 =	rddreg [dreg:$0x3]  }
0xa9: {  	s0 =	sadd.s32 @!p0 $0x100000, s0  }
0xaa: {  	[sflag:s0] =	ssyncadd.tile.s32 @!p0 $0x1;
	_ =	shalt  }
.Lfunc_end2:
_tile_overlayer_lowered:
.L_overlay_start_2:
0xab: {  	(tag) =	ssettag $0x2  }
0xac: {  	s0 =	rddreg [dreg:$0x0];
	s2 =	stileid.u32  }
0xad: {  	s1 =	rddreg [dreg:$0x1];
	p0 =	sne.s32 s2, $0x0  }
0xae: {  	s3 =	rddreg [dreg:$0x2];
	[bflag:$0x3] =	sbarrier.arrive $0xFFFF;
	s2 =	simm.s32 @!p0 $0x1C07  }
0xaf: {  	[timem:s3], [sflag:s2] =	dma.local @!p0 [hbm:s0], s1  }
0xb0: {  	s0 =	simm.s32 @!p0 $0x7  }
0xb1: {  	_ =	swait.ge @!p0 [sflag:s0], s1  }
0xb2: {  	s1 =	ssub.s32 @!p0 $0x0, s1;
	[sflag:s0] =	ssyncset.done @!p0 $0x0  }
0xb3: {  	[sflag:s0] =	ssyncadd.s32 @!p0 s1  }
0xb4: {  	[bflag:$0x3] =	sbarrier.arrive $0xFFFF  }
0xb5: {  	_ =	shalt  }

// kernel: kernel.20.cloned.1.call-start
scs
__scs_entry_jumppad:
0x0: {  	(pc) =	sbr.rel $0x88, $3  }
0x1: {  	(tag) =	ssettag $0x0;
	lr =	simm.s32 $0x1  }
0x2: {  	[smem:$0x3F99] =	sst lr;
	_ =	strace $0xD0000000  }
0x3: {  	_ = 	snop  }
0x4: {  	_ = 	snop  }
0x5: {  	_ = 	snop  }
0x6: {  	_ = 	snop  }
0x7: {  	_ = 	snop  }
__scs_overlays_trampoline_lowered:
0x8: {  	[smem:$0x3FA8] =	sst s0  }
0x9: {  	[smem:$0x3FA9] =	sst s1  }
0xa: {  	[smem:$0x3FAA] =	sst s2  }
0xb: {  	[smem:$0x3FAB] =	sst s3  }
0xc: {  	[smem:$0x3FAC] =	sst s4  }
0xd: {  	[smem:$0x3FAD] =	sst s5  }
0xe: {  	[smem:$0x3FAE] =	sst s6  }
0xf: {  	[smem:$0x3FAF] =	sst s7  }
0x10: {  	[smem:$0x3FB0] =	sst s8  }
0x11: {  	[smem:$0x3FB1] =	sst s9;
	s0 =	simm.s32 @!p0 $0x0  }
0x12: {  	s1 =	sld [smem:$0x3F97];
	s0 =	simm.s32 @p0 $0x1  }
0x13: {  	[smem:$0x3FB2] =	sst s0;
	s0 =	simm.s32 @!p1 $0x0  }
0x14: {  	s2 =	sld [smem:$0x3F96];
	s0 =	simm.s32 @p1 $0x1  }
0x15: {  	[smem:$0x3FB3] =	sst s0;
	s0 =	simm.s32 @!p2 $0x0  }
0x16: {  	s3 =	sld [smem:$0x3FDB];
	s0 =	simm.s32 @p2 $0x1  }
0x17: {  	s4 =	simm.s32 $0x1BF5;
	[smem:$0x3FB5] =	sst s0  }
0x18: {  	s0 =	sld [smem:$0x3F98];
	_ =	swait.ge [sflag:s4], $0x0  }
0x19: {  	s7 =	sld [smem:$0x3F99]  }
0x1a: {  	s8 =	sadd.s32 $0xFFFFE003, lr  }
0x1b: {  	s9 =	sadd.s32 $0xFFFFFEF7, lr;
	s5 =	simm.s32 $0xFFFFFFFF;
	p2 =	slt.u32 s8, $0xFFFFF086  }
0x1c: {  	p1 =	slt.u32 s9, $0xF7A;
	s5 =	simm.s32 @!p2 $0x0  }
0x1d: {  	s5 =	simm.s32 @p1 $0x1;
	p0 =	seq.s32 s7, s2  }
0x1e: {  	s7 =	smul.u32 @!p0 $0xF7A, s2;
	p2 =	seq.s32 @!p0 s5, $0x0  }
0x1f: {  	s9 =	smul.u32 $0xF7A, s1;
	s8 =	simm.s32 @!p0 $0x1BF5;
	p2 =	por !p2, p0  }
0x20: {  	[sflag:s8] =	ssyncset.s32 @!p0 $0xFFFFF086;
	s6 =	sadd.s32 @!p0 s3, s7;
	s7 =	simm.s32 @!p0 $0x108  }
0x21: {  	s3 =	sadd.s32 s3, s9;
	s6 =	sadd.s32 @!p0 $0x88, s6;
	s7 =	simm.s32 @p2 $0x1082  }
0x22: {  	[simem:s7], [sflag:s8] =	dma.local @!p0 [hbm:s6], $0xF7A  }
0x23: {  	s9 =	sor.u32 $0xD0000000, s2;
	s6 =	simm.s32 $0x108;
	_ =	swait.ge @!p0 [sflag:s8], $0x0  }
0x24: {  	s3 =	sadd.s32 $0x88, s3;
	s6 =	simm.s32 @!p1 $0x1082;
	[sflag:s4] =	ssyncset.s32 $0xFFFFF086  }
0x25: {  	[simem:s6], [sflag:s4] =	dma.local [hbm:s3], $0xF7A  }
0x26: {  	[smem:$0x3F99] =	sst s1;
	(tag) =	ssettag s2;
	_ =	strace s9  }
0x27: {  	s1 =	sld [smem:$0x3FA9]  }
0x28: {  	s2 =	sld [smem:$0x3FAA]  }
0x29: {  	s4 =	sld [smem:$0x3FAC]  }
0x2a: {  	p0 =	seq.s32 s5, $0x0;
	s5 =	sld [smem:$0x3FAD]  }
0x2b: {  	s6 =	sld [smem:$0x3FAE]  }
0x2c: {  	s7 =	sld [smem:$0x3FAF]  }
0x2d: {  	s3 =	simm.s32 $0x108;
	s8 =	sld [smem:$0x3FB0]  }
0x2e: {  	s3 =	simm.s32 @!p0 $0x1082;
	s9 =	sld [smem:$0x3FB1]  }
0x2f: {  	lr =	sadd.s32 s0, s3;
	s0 =	sld [smem:$0x3FA8]  }
0x30: {  	s3 =	sld [smem:$0x3FAB]  }
0x31: {  	[smem:$0x3FB4] =	sst s10  }
0x32: {  	s10 =	sld [smem:$0x3FB2];
	_ =	sdelay $0x3  }
0x33: {  	p0 =	seq.s32 s10, $0x1;
	s10 =	sld [smem:$0x3FB4];
	_ =	sdelay $0x3  }
0x34: {  	[smem:$0x3FB4] =	sst s10  }
0x35: {  	s10 =	sld [smem:$0x3FB3];
	_ =	sdelay $0x3  }
0x36: {  	p1 =	seq.s32 s10, $0x1;
	s10 =	sld [smem:$0x3FB4];
	_ =	sdelay $0x3  }
0x37: {  	[smem:$0x3FB4] =	sst s10  }
0x38: {  	s10 =	sld [smem:$0x3FB5]  }
0x39: {  	_ = 	snop;
	(pc) =	sbr.ind lr, $3  }
0x3a: {  	_ = 	snop  }
0x3b: {  	_ = 	snop  }
0x3c: {  	p2 =	seq.s32 s10, $0x1;
	s10 =	sld [smem:$0x3FB4]  }
0x3d: {  	_ =	shalt  }
0x3e: {  	_ =	shalt  }
0x3f: {  	_ =	shalt  }
0x40: {  	_ =	shalt  }
0x41: {  	_ =	shalt  }
0x42: {  	_ =	shalt  }
0x43: {  	_ =	shalt  }
0x44: {  	_ =	shalt  }
0x45: {  	_ =	shalt  }
0x46: {  	_ =	shalt  }
0x47: {  	_ =	shalt  }
0x48: {  	_ =	shalt  }
0x49: {  	_ =	shalt  }
0x4a: {  	_ =	shalt  }
0x4b: {  	_ =	shalt  }
0x4c: {  	_ =	shalt  }
0x4d: {  	_ =	shalt  }
0x4e: {  	_ =	shalt  }
0x4f: {  	_ =	shalt  }
0x50: {  	_ =	shalt  }
0x51: {  	_ =	shalt  }
0x52: {  	_ =	shalt  }
0x53: {  	_ =	shalt  }
0x54: {  	_ =	shalt  }
0x55: {  	_ =	shalt  }
0x56: {  	_ =	shalt  }
0x57: {  	_ =	shalt  }
0x58: {  	_ =	shalt  }
0x59: {  	_ =	shalt  }
0x5a: {  	_ =	shalt  }
0x5b: {  	_ =	shalt  }
0x5c: {  	_ =	shalt  }
0x5d: {  	_ =	shalt  }
0x5e: {  	_ =	shalt  }
0x5f: {  	_ =	shalt  }
0x60: {  	_ =	shalt  }
0x61: {  	_ =	shalt  }
0x62: {  	_ =	shalt  }
0x63: {  	_ =	shalt  }
0x64: {  	_ =	shalt  }
0x65: {  	_ =	shalt  }
0x66: {  	_ =	shalt  }
0x67: {  	_ =	shalt  }
0x68: {  	_ =	shalt  }
0x69: {  	_ =	shalt  }
0x6a: {  	_ =	shalt  }
0x6b: {  	_ =	shalt  }
0x6c: {  	_ =	shalt  }
0x6d: {  	_ =	shalt  }
0x6e: {  	_ =	shalt  }
0x6f: {  	_ =	shalt  }
0x70: {  	_ =	shalt  }
0x71: {  	_ =	shalt  }
0x72: {  	_ =	shalt  }
0x73: {  	_ =	shalt  }
0x74: {  	_ =	shalt  }
0x75: {  	_ =	shalt  }
0x76: {  	_ =	shalt  }
0x77: {  	_ =	shalt  }
0x78: {  	_ =	shalt  }
0x79: {  	_ =	shalt  }
0x7a: {  	_ =	shalt  }
0x7b: {  	_ =	shalt  }
0x7c: {  	_ =	shalt  }
0x7d: {  	_ =	shalt  }
0x7e: {  	_ =	shalt  }
0x7f: {  	_ =	shalt  }
0x80: {  	_ =	shalt  }
0x81: {  	_ =	shalt  }
0x82: {  	_ =	shalt  }
0x83: {  	_ =	shalt  }
0x84: {  	_ =	shalt  }
0x85: {  	_ =	shalt  }
0x86: {  	_ =	shalt  }
0x87: {  	_ =	shalt  }
.Lfunc_end0:
.L_simem_size_0:
called_computation.3_lowered:
.L_overlay_start_0:
0x88: {  	s2 =	sld [smem:$0x3FD9]  }
0x89: {  	s3 =	sld [smem:$0x3FFE];
	_ =	sdelay $0x1  }
0x8a: {  	s1 =	srdreg.scid  }
0x8b: {  	s0 =	sand.u32 $0x1, s1  }
0x8c: {  	s17 =	sshll.u32 s0, $0xA;
	s2 =	sadd.s32 s3, s2  }
0x8d: {  	s2 =	sadd.s32 s2, s17  }
0x8e: {  	[smem:$0x3FC0] =	sst s2  }
0x8f: {  	_ = 	snop  }
0x90: {  	s2 =	sld [smem:$0x3FD0];
	(tm) =	ssettm $0x1  }
0x91: {  	s18 =	sld [smem:$0x3FFB];
	_ =	sdelay $0x3  }
0x92: {  	_ =	strace s18  }
0x93: {  	s3 =	sld [smem:$0x3FFC];
	_ =	sdelay $0x3  }
0x94: {  	_ =	strace s3  }
0x95: {  	s3 =	sld [smem:$0x3FFD];
	_ =	sdelay $0x3  }
0x96: {  	_ =	strace s3  }
0x97: {  	_ =	strace $0x8FFFFFFF  }
0x98: {  	s19 =	sld [smem:$0x3FDB];
	_ =	sdelay $0x1  }
0x99: {  	s4 =	simm.s32 $_scs_section_size  }
0x9a: {  	s5 =	simm.s32 $_size__tile_overlayer_lowered;
	s6 =	simm.s32 $_tile_overlayer_lowered  }
0x9b: {  	s22 =	simm.s32 $0x1BFF;
	s21 =	sshll.u32 s6, $0x1;
	s3 =	sadd.s32 s4, s19  }
0x9c: {  	s7 =	simm.s32 $0x0;
	s20 =	sshll.u32 s5, $0x1;
	s5 =	sadd.s32 s21, s3  }
0x9d: {  	[timem:s7], [sflag:s22] =	dma.local [hbm:s5], s20  }
0x9e: {  	_ =	swait.ge [sflag:s22], s20  }
0x9f: {  	s4 =	ssub.s32 $0x0, s20;
	[sflag:s22] =	ssyncset.done $0x0  }
0xa0: {  	[sflag:s22] =	ssyncadd.s32 s4;
	_ =	sdelay $0x1  }
0xa1: {  	s23 =	simm.s32 $0x1B8B  }
0xa2: {  	_ =	swait.ge [sflag:s23], $0x1  }
0xa3: {  	[sflag:s23] =	ssyncset.done $0x0  }
0xa4: {  	s25 =	simm.s32 $0x1B8E;
	s24 =	sld [smem:$0x3FFE];
	[sflag:s23] =	ssyncadd.s32 $0xFFFFFFFF  }
0xa5: {  	s26 =	simm.s32 $execute0_lowered;
	[smem:$0x3FD2] =	sst s25  }
0xa6: {  	s5 =	sshll.u32 s26, $0x1;
	_ =	strace $0x8000004F;
	[dreg:$0x1] =	wrdreg $0xFFFFFFFF  }
0xa7: {  	s28 =	simm.s32 $_size_execute0_lowered;
	s3 =	sadd.s32 s3, s5;
	[dreg:$0x0] =	wrdreg $0x0  }
0xa8: {  	s5 =	sshll.u32 s28, $0x1;
	[dreg:$0x2] =	wrdreg s3  }
0xa9: {  	[dreg:$0x3] =	wrdreg s5  }
0xaa: {  	[dreg:$0x4] =	wrdreg $0xC0  }
0xab: {  	_ =	task [dreg:s7], $0x5FFFF  }
0xac: {  	[dreg:$0x1] =	wrdreg $0xFFFFFFFF  }
0xad: {  	[dreg:$0x0] =	wrdreg $0x60  }
0xae: {  	[dreg:$0x2] =	wrdreg s24  }
0xaf: {  	[dreg:$0x3] =	wrdreg s2  }
0xb0: {  	[dreg:$0x4] =	wrdreg $0xB0000  }
0xb1: {  	[dreg:$0x5] =	wrdreg $0x9  }
0xb2: {  	_ =	task.clear_ibuf [dreg:s7], $0x6FFFF;
	_ =	strace $0x9000004F  }
0xb3: {  	s29 =	simm.s32 $0x9;
	_ =	strace $0x80000051  }
0xb4: {  	_ =	swait.ge [sflag:s29], $0x1  }
0xb5: {  	[sflag:s29] =	ssyncadd.s32 $0xFFFFFFFF  }
0xb6: {  	_ =	strace $0x90000051  }
0xb7: {  	_ =	sfence  }
0xb8: {  	s30 =	sld [smem:$0x0];
	_ =	sdelay $0x2  }
0xb9: {  	s31 =	sshll.u32 s1, $0xD;
	s1 =	sshrl.u32 s1, $0x2  }
0xba: {  	s3 =	sand.u32 $0x4000, s31;
	s1 =	sadd.s32 s1, s30  }
0xbb: {  	s0 =	sor.u32 s3, s0;
	s1 =	sshll.u32 s1, $0x11  }
0xbc: {  	s0 =	sor.u32 s1, s0  }
0xbd: {  	s0 =	sadd.s32 $0x8F2B, s0  }
0xbe: {  	[sflag:s0] =	ssyncadd.remote.s32 $0x1  }
0xbf: {  	_ =	sfence.sel $0xFFFF  }
0xc0: {  	[dreg:$0x0] =	wrdreg $0xFFFFFFFF;
	(pc) =	sbr.abs _section_cstart, $3  }
0xc1: {  	[dreg:$0x1] =	wrdreg $0xFFFFFFFF  }
0xc2: {  	_ =	task.clear_ibuf [dreg:s7], $0x2FFFF;
	_ =	strace $0x9FFFFFFF  }
0xc3: {  	(tm) =	ssettm $0x7FFFFFFF  }
tec
execute0_lowered:
.L_overlay_start_1:
0x0: {  	(tag) =	ssettag $0x1  }
0x1: {  	s0 =	rddreg [dreg:$0x0];
	s1 =	srdreg.scid  }
0x2: {  	s2 =	stileid.u32;
	s3 =	rddreg [dreg:$0x2];
	s12 =	simm.s32 $0x0  }
0x3: {  	s14 =	simm.s32 $0x3800;
	s15 =	simm.s32 $0x7;
	s16 =	simm.s32 $0x1C00  }
0x4: {  	s17 =	simm.s32 $0x50;
	s18 =	simm.s32 $0x80;
	s19 =	simm.s32 $0x6000  }
0x5: {  	s20 =	simm.s32 $0x100;
	s21 =	simm.s32 $0x8800;
	s22 =	simm.s32 $0x1  }
0x6: {  	s28 =	simm.s32 $0x6;
	s29 =	simm.s32 $0x3280;
	s4 =	smul.u32 $0x2780, s2  }
0x7: {  	s30 =	simm.s32 $0x3300;
	s31 =	simm.s32 $0x3380;
	s7 =	smul.u32 $0x4F000, s2  }
0x8: {  	s10 =	simm.s32 $0x3480;
	s1 =	sand.u32 $0x1, s1;
	s8 =	smul.u32 $0x8C00, s2  }
0x9: {  	[smem:$0x7FF] =	sst s12;
	s6 =	sadd.s32 $0x3200, s0;
	s5 =	smul.u32 $0x27800, s1  }
0xa: {  	_ =	strace $0x80000050;
	s23 =	ssub.s32 $0x2, s1;
	s1 =	smul.u32 $0x8C000, s1  }
0xb: {  	s7 =	sshrl.u32 s7, $0x2;
	s9 =	sshrl.u32 s23, $0x1;
	s4 =	sadd.s32 s4, s5  }
0xc: {  	s5 =	sadd.s32 $0x14A00, s0;
	s13 =	sadd.s32 s7, s3;
	s11 =	sadd.s32 s1, s8  }
0xd: {  	s1 =	simm.s32 $0x1800;
	s0 =	sadd.s32 s4, s0;
	s4 =	ssub.s32 s23, s9  }
0xe: {  	s24 =	sadd.s32 $0x7800, s13;
	s25 =	sadd.s32 $0xF000, s13;
	[dreg:$0x5] =	wrdreg s13  }
0xf: {  	s23 =	simm.s32 $0x2;
	s9 =	simm.s32 $0x3400;
	[dreg:$0x6] =	wrdreg s24  }
0x10: {  	[dreg:$0x7] =	wrdreg s25;
	s0 =	sadd.s32 $0x62C00, s0;
	s26 =	smax.u32 s4, $0x1  }
0x11: {  	s24 =	simm.s32 $0x3;
	s25 =	simm.s32 $0x4;
	[dreg:$0x8] =	wrdreg s0  }
0x12: {  	v0 =	vimm.f32 $0.0e+00;
	[dreg:$0x9] =	wrdreg s26;
	s26 =	simm.s32 $0x5;
	s0 =	simm.s32 $0x1880  }
.LBB2_1:
0x13: {  	[dreg:$0x4] =	wrdreg s12;
	s7 =	simm.s32 $0x0;
	s12 =	simm.s32 $0x200  }
.LBB2_2:
0x14: {  	p0 =	sne.s32 s12, $0x1DE00;
	[tilespmem:s7+$0x3870] =	vst v0  }
0x15: {  	[tilespmem:s7+$0x3800] =	vst v0  }
0x16: {  	[tilespmem:s7+$0x3810] =	vst v0  }
.Ltmp0:
0x17: {  	[tilespmem:s7+$0x3820] =	vst v0;
	(pc) =	sbr.rel @p0 .LBB2_2-.Ltmp0, $4  }
0x18: {  	[tilespmem:s7+$0x3830] =	vst v0  }
0x19: {  	[tilespmem:s7+$0x3840] =	vst v0  }
0x1a: {  	[tilespmem:s7+$0x3850] =	vst v0  }
0x1b: {  	[tilespmem:s7+$0x3860] =	vst v0;
	s7 =	sshra.s32 s12, $0x2;
	s12 =	sadd.s32 $0x200, s12  }
0x1c: {  	[tilespmem:s7+$0x3870] =	vst v0  }
0x1d: {  	[tilespmem:s7+$0x3800] =	vst v0  }
0x1e: {  	[tilespmem:s7+$0x3810] =	vst v0  }
0x1f: {  	[tilespmem:s7+$0x3820] =	vst v0  }
0x20: {  	[tilespmem:s7+$0x3830] =	vst v0  }
0x21: {  	[tilespmem:s7+$0x3840] =	vst v0  }
0x22: {  	[tilespmem:s7+$0x3850] =	vst v0  }
0x23: {  	[tilespmem:s7+$0x3860] =	vst v0  }
0x24: {  	[spmem:s13] =	stream.linear.scatter [tilespmem:s14], [sflag:$0x7], $0x7800, $0x38;
	[tilespmem:$0x1EC00] =	vst v63  }
0x25: {  	_ =	swait.ge [sflag:s15], $0x7800  }
0x26: {  	[sflag:s15] =	ssyncset.done $0x0  }
0x27: {  	s2 =	rddreg [dreg:$0x6];
	[sflag:s15] =	ssyncadd.s32 $0xFFFF8800  }
0x28: {  	[spmem:s2] =	stream.linear.scatter [tilespmem:s14], [sflag:$0x7], $0x7800, $0x38;
	[tilespmem:$0x1EC00] =	vst v63  }
0x29: {  	_ =	swait.ge [sflag:s15], $0x7800  }
0x2a: {  	[sflag:s15] =	ssyncset.done $0x0  }
0x2b: {  	s13 =	rddreg [dreg:$0x7];
	[sflag:s15] =	ssyncadd.s32 $0xFFFF8800  }
0x2c: {  	[spmem:s13] =	stream.linear.scatter [tilespmem:s14], [sflag:$0x7], $0x4C00, $0x38;
	[tilespmem:$0x1EC00] =	vst v63  }
0x2d: {  	_ =	swait.ge [sflag:s15], $0x4C00  }
0x2e: {  	[sflag:s15] =	ssyncset.done $0x0  }
0x2f: {  	[sflag:s15] =	ssyncadd.s32 $0xFFFFB400  }
0x30: {  	s12 =	simm.s32 $0x0;
	s13 =	simm.s32 $0x0;
	[bflag:$0x0] =	sbarrier.arrive $0xFFFF  }
.LBB2_4:
0x31: {  	s4 =	smul.u32 $0x1C00, s13;
	_ =	sdelay $0x1  }
0x32: {  	s7 =	sadd.s32 s11, s4  }
0x33: {  	s2 =	rddreg [dreg:$0x1];
	s7 =	sshrl.u32 s7, $0x3  }
0x34: {  	s7 =	sadd.s32 s2, s7  }
0x35: {  	[tilespmem:s12], [sflag:$0x7] =	stream.linear.gather [hbm4b:s7+s12], $0x1900, $0x38;
	[tilespmem:$0x1EC00] =	vst v63  }
0x36: {  	s4 =	sadd.s32 s8, s4;
	_ =	swait.ge [sflag:s15], $0x1900  }
0x37: {  	s4 =	sshrl.u32 s4, $0x3;
	[sflag:s15] =	ssyncset.done $0x0  }
0x38: {  	s4 =	sadd.s32 s6, s4;
	[sflag:s15] =	ssyncadd.s32 $0xFFFFE700  }
0x39: {  	[tilespmem:s16], [sflag:$0x7] =	stream.linear.gather [hbm4b:s4+s12], $0x1900, $0x38;
	[tilespmem:$0x1EC00] =	vst v63  }
0x3a: {  	_ =	swait.ge [sflag:s15], $0x1900  }
0x3b: {  	[sflag:s15] =	ssyncset.done $0x0  }
0x3c: {  	[sflag:s15] =	ssyncadd.s32 $0xFFFFE700  }
0x3d: {  	[tilespmem:s14], [sflag:$0x1] =	stream.indirect.gather [hbm4b:s5+s17], $0x80, s12, s17, $0xb8;
	[tilespmem:$0x1EC00] =	vst v63  }
0x3e: {  	_ = 	snop  }
0x3f: {  	[tilespmem:s19], [sflag:$0x2] =	stream.indirect.gather [hbm4b:s5+s17], $0x80, s18, s17, $0xb8;
	[tilespmem:$0x1EC00] =	vst v63  }
0x40: {  	_ = 	snop  }
0x41: {  	[tilespmem:s21], [sflag:$0x3] =	stream.indirect.gather [hbm4b:s5+s17], $0x80, s20, s17, $0xb8;
	[tilespmem:$0x1EC00] =	vst v63  }
0x42: {  	_ =	swait.ge [sflag:s22], $0x2800  }
0x43: {  	[sflag:s22] =	ssyncset.done $0x0  }
0x44: {  	s7 =	simm.s32 $0x1C00;
	[sflag:s22] =	ssyncadd.s32 $0xFFFFD800  }
0x45: {  	[spmem:s3] =	stream.indirect.scatter.add.f32 [tilespmem:s14], [sflag:$0x4], $0x80, s7, s17, $0xb8;
	[tilespmem:$0x1EC00] =	vst v63  }
0x46: {  	_ =	swait.ge [sflag:s23], $0x2800  }
0x47: {  	[sflag:s23] =	ssyncset.done $0x0  }
0x48: {  	s2 =	simm.s32 $0x1C80;
	[sflag:s23] =	ssyncadd.s32 $0xFFFFD800  }
0x49: {  	[spmem:s3] =	stream.indirect.scatter.add.f32 [tilespmem:s19], [sflag:$0x5], $0x80, s2, s17, $0xb8;
	[tilespmem:$0x1EC00] =	vst v63  }
0x4a: {  	_ =	swait.ge [sflag:s24], $0x2800  }
0x4b: {  	[sflag:s24] =	ssyncset.done $0x0  }
0x4c: {  	s7 =	simm.s32 $0x1D00;
	[sflag:s24] =	ssyncadd.s32 $0xFFFFD800  }
0x4d: {  	[spmem:s3] =	stream.indirect.scatter.add.f32 [tilespmem:s21], [sflag:$0x6], $0x80, s7, s17, $0xb8;
	[tilespmem:$0x1EC00] =	vst v63  }
0x4e: {  	_ =	swait.ge [sflag:s25], $0x2800  }
0x4f: {  	[sflag:s25] =	ssyncset.done $0x0  }
0x50: {  	s2 =	simm.s32 $0x180;
	[sflag:s25] =	ssyncadd.s32 $0xFFFFD800  }
0x51: {  	[tilespmem:s14], [sflag:$0x1] =	stream.indirect.gather [hbm4b:s5+s17], $0x80, s2, s17, $0xb8;
	[tilespmem:$0x1EC00] =	vst v63  }
0x52: {  	_ =	swait.ge [sflag:s26], $0x2800  }
0x53: {  	[sflag:s26] =	ssyncset.done $0x0  }
0x54: {  	s7 =	simm.s32 $0x200;
	[sflag:s26] =	ssyncadd.s32 $0xFFFFD800  }
0x55: {  	[tilespmem:s19], [sflag:$0x2] =	stream.indirect.gather [hbm4b:s5+s17], $0x80, s7, s17, $0xb8;
	[tilespmem:$0x1EC00] =	vst v63  }
0x56: {  	_ =	swait.ge [sflag:s28], $0x2800  }
0x57: {  	[sflag:s28] =	ssyncset.done $0x0  }
0x58: {  	s4 =	simm.s32 $0x280;
	s7 =	simm.s32 $0x600;
	[sflag:s28] =	ssyncadd.s32 $0xFFFFD800  }
.LBB2_5:
0x59: {  	[tilespmem:s21], [sflag:$0x3] =	stream.indirect.gather [hbm4b:s5+s17], $0x80, s4, s17, $0xb8;
	[tilespmem:$0x1EC00] =	vst v63  }
0x5a: {  	s4 =	smov.u32 s7  }
0x5b: {  	p0 =	sne.s32 s7, $0x5400;
	s7 =	sadd.s32 $0x600, s7;
	_ =	swait.ge [sflag:s22], $0x2800  }
0x5c: {  	s4 =	sshra.s32 s4, $0x2;
	[sflag:s22] =	ssyncset.done $0x0  }
0x5d: {  	s2 =	sadd.s32 $0x1C00, s4;
	[sflag:s22] =	ssyncadd.s32 $0xFFFFD800  }
0x5e: {  	[spmem:s3] =	stream.indirect.scatter.add.f32 [tilespmem:s14], [sflag:$0x4], $0x80, s2, s17, $0xb8;
	[tilespmem:$0x1EC00] =	vst v63  }
0x5f: {  	_ =	swait.ge [sflag:s23], $0x2800  }
0x60: {  	[sflag:s23] =	ssyncset.done $0x0  }
0x61: {  	s2 =	sadd.s32 $0x1C80, s4;
	[sflag:s23] =	ssyncadd.s32 $0xFFFFD800  }
0x62: {  	[spmem:s3] =	stream.indirect.scatter.add.f32 [tilespmem:s19], [sflag:$0x5], $0x80, s2, s17, $0xb8;
	[tilespmem:$0x1EC00] =	vst v63  }
0x63: {  	_ =	swait.ge [sflag:s24], $0x2800  }
0x64: {  	[sflag:s24] =	ssyncset.done $0x0  }
0x65: {  	s2 =	sadd.s32 $0x1D00, s4;
	[sflag:s24] =	ssyncadd.s32 $0xFFFFD800  }
0x66: {  	[spmem:s3] =	stream.indirect.scatter.add.f32 [tilespmem:s21], [sflag:$0x6], $0x80, s2, s17, $0xb8;
	[tilespmem:$0x1EC00] =	vst v63  }
0x67: {  	_ =	swait.ge [sflag:s25], $0x2800  }
0x68: {  	[sflag:s25] =	ssyncset.done $0x0  }
0x69: {  	s2 =	sadd.s32 $0x180, s4;
	[sflag:s25] =	ssyncadd.s32 $0xFFFFD800  }
0x6a: {  	[tilespmem:s14], [sflag:$0x1] =	stream.indirect.gather [hbm4b:s5+s17], $0x80, s2, s17, $0xb8;
	[tilespmem:$0x1EC00] =	vst v63  }
0x6b: {  	_ =	swait.ge [sflag:s26], $0x2800  }
0x6c: {  	[sflag:s26] =	ssyncset.done $0x0  }
.Ltmp1:
0x6d: {  	s2 =	sadd.s32 $0x200, s4;
	[sflag:s26] =	ssyncadd.s32 $0xFFFFD800;
	(pc) =	sbr.rel @p0 .LBB2_5-.Ltmp1, $4  }
0x6e: {  	[tilespmem:s19], [sflag:$0x2] =	stream.indirect.gather [hbm4b:s5+s17], $0x80, s2, s17, $0xb8;
	[tilespmem:$0x1EC00] =	vst v63  }
0x6f: {  	_ =	swait.ge [sflag:s28], $0x2800  }
0x70: {  	[sflag:s28] =	ssyncset.done $0x0  }
0x71: {  	s4 =	sadd.s32 $0x280, s4;
	[sflag:s28] =	ssyncadd.s32 $0xFFFFD800  }
0x72: {  	[tilespmem:s21], [sflag:$0x3] =	stream.indirect.gather [hbm4b:s5+s17], $0x80, s4, s17, $0xb8;
	[tilespmem:$0x1EC00] =	vst v63  }
0x73: {  	_ =	swait.ge [sflag:s22], $0x2800  }
0x74: {  	[sflag:s22] =	ssyncset.done $0x0  }
0x75: {  	[sflag:s22] =	ssyncadd.s32 $0xFFFFD800  }
0x76: {  	[spmem:s3] =	stream.indirect.scatter.add.f32 [tilespmem:s14], [sflag:$0x4], $0x80, s29, s17, $0xb8;
	[tilespmem:$0x1EC00] =	vst v63  }
0x77: {  	_ =	swait.ge [sflag:s23], $0x2800  }
0x78: {  	[sflag:s23] =	ssyncset.done $0x0  }
0x79: {  	[sflag:s23] =	ssyncadd.s32 $0xFFFFD800  }
0x7a: {  	[spmem:s3] =	stream.indirect.scatter.add.f32 [tilespmem:s19], [sflag:$0x5], $0x80, s30, s17, $0xb8;
	[tilespmem:$0x1EC00] =	vst v63  }
0x7b: {  	_ =	swait.ge [sflag:s24], $0x2800  }
0x7c: {  	[sflag:s24] =	ssyncset.done $0x0  }
0x7d: {  	[sflag:s24] =	ssyncadd.s32 $0xFFFFD800  }
0x7e: {  	[spmem:s3] =	stream.indirect.scatter.add.f32 [tilespmem:s21], [sflag:$0x6], $0x80, s31, s17, $0xb8;
	[tilespmem:$0x1EC00] =	vst v63  }
0x7f: {  	_ =	swait.ge [sflag:s25], $0x2800  }
0x80: {  	[sflag:s25] =	ssyncset.done $0x0  }
0x81: {  	[sflag:s25] =	ssyncadd.s32 $0xFFFFD800  }
0x82: {  	[tilespmem:s14], [sflag:$0x1] =	stream.indirect.gather [hbm4b:s5+s17], $0x80, s1, s17, $0xb8;
	[tilespmem:$0x1EC00] =	vst v63  }
0x83: {  	_ =	swait.ge [sflag:s26], $0x2800  }
0x84: {  	[sflag:s26] =	ssyncset.done $0x0  }
0x85: {  	[sflag:s26] =	ssyncadd.s32 $0xFFFFD800  }
0x86: {  	[tilespmem:s19], [sflag:$0x2] =	stream.indirect.gather [hbm4b:s5+s17], $0x80, s0, s17, $0xb8;
	[tilespmem:$0x1EC00] =	vst v63  }
0x87: {  	_ =	swait.ge [sflag:s28], $0x2800  }
0x88: {  	[sflag:s28] =	ssyncset.done $0x0  }
0x89: {  	[sflag:s28] =	ssyncadd.s32 $0xFFFFD800  }
0x8a: {  	_ =	swait.ge [sflag:s22], $0x2800  }
0x8b: {  	[sflag:s22] =	ssyncset.done $0x0  }
0x8c: {  	[sflag:s22] =	ssyncadd.s32 $0xFFFFD800  }
0x8d: {  	[spmem:s3] =	stream.indirect.scatter.add.f32 [tilespmem:s14], [sflag:$0x7], $0x80, s9, s17, $0xb8;
	[tilespmem:$0x1EC00] =	vst v63  }
0x8e: {  	_ =	swait.ge [sflag:s15], $0x2800  }
0x8f: {  	[sflag:s15] =	ssyncset.done $0x0  }
0x90: {  	[sflag:s15] =	ssyncadd.s32 $0xFFFFD800  }
0x91: {  	s13 =	sadd.s32 $0x1, s13;
	_ =	swait.ge [sflag:s23], $0x2800  }
0x92: {  	p0 =	sne.s32 s13, $0x5;
	[sflag:s23] =	ssyncset.done $0x0  }
.Ltmp2:
0x93: {  	[sflag:s23] =	ssyncadd.s32 $0xFFFFD800;
	(pc) =	sbr.rel @p0 .LBB2_4-.Ltmp2, $4  }
0x94: {  	[spmem:s3] =	stream.indirect.scatter.add.f32 [tilespmem:s19], [sflag:$0x7], $0x80, s10, s17, $0xb8;
	[tilespmem:$0x1EC00] =	vst v63  }
0x95: {  	_ =	swait.ge [sflag:s15], $0x2800  }
0x96: {  	[sflag:s15] =	ssyncset.done $0x0  }
0x97: {  	[sflag:s15] =	ssyncadd.s32 $0xFFFFD800  }
0x98: {  	s2 =	stileid.u32;
	[bflag:$0x0] =	sbarrier.arrive $0xFFFF  }
0x99: {  	s2 =	sshll.u32 s2, $0x6;
	s13 =	rddreg [dreg:$0x5]  }
0x9a: {  	s7 =	rddreg [dreg:$0x8];
	s2 =	sor.u32 $0x1C07, s2;
	s4 =	sshrl.u32 s13, $0x3  }
0x9b: {  	[hbm:s7], [sflag:s2] =	dma.local [spmem:s4], $0x2780  }
0x9c: {  	_ =	swait.ge [sflag:s15], $0x2780  }
0x9d: {  	s12 =	rddreg [dreg:$0x4]  }
0x9e: {  	s7 =	rddreg [dreg:$0x9];
	s12 =	sadd.s32 $0x1, s12  }
0x9f: {  	p0 =	sne.s32 s12, s7  }
.Ltmp3:
0xa0: {  	_ = 	snop;
	(pc) =	sbr.rel @p0 .LBB2_1-.Ltmp3, $3  }
0xa1: {  	_ =	sdelay $0x1  }
0xa2: {  	[sflag:s15] =	ssyncset.done $0x0  }
0xa3: {  	[sflag:s15] =	ssyncadd.s32 $0xFFFFD880  }
0xa4: {  	_ =	sfence.sel $0x180000  }
0xa5: {  	[bflag:$0x0] =	sbarrier.arrive $0xFFFF  }
0xa6: {  	_ =	strace $0x90000050  }
0xa7: {  	s0 =	stileid.u32;
	[bflag:$0x2] =	sbarrier.arrive $0xFFFF  }
0xa8: {  	p0 =	sne.s32 s0, $0x0;
	s0 =	rddreg [dreg:$0x3]  }
0xa9: {  	s0 =	sadd.s32 @!p0 $0x100000, s0  }
0xaa: {  	[sflag:s0] =	ssyncadd.tile.s32 @!p0 $0x1;
	_ =	shalt  }
.Lfunc_end2:
_tile_overlayer_lowered:
.L_overlay_start_2:
0xab: {  	(tag) =	ssettag $0x2  }
0xac: {  	s0 =	rddreg [dreg:$0x0];
	s2 =	stileid.u32  }
0xad: {  	s1 =	rddreg [dreg:$0x1];
	p0 =	sne.s32 s2, $0x0  }
0xae: {  	s3 =	rddreg [dreg:$0x2];
	[bflag:$0x3] =	sbarrier.arrive $0xFFFF;
	s2 =	simm.s32 @!p0 $0x1C07  }
0xaf: {  	[timem:s3], [sflag:s2] =	dma.local @!p0 [hbm:s0], s1  }
0xb0: {  	s0 =	simm.s32 @!p0 $0x7  }
0xb1: {  	_ =	swait.ge @!p0 [sflag:s0], s1  }
0xb2: {  	s1 =	ssub.s32 @!p0 $0x0, s1;
	[sflag:s0] =	ssyncset.done @!p0 $0x0  }
0xb3: {  	[sflag:s0] =	ssyncadd.s32 @!p0 s1  }
0xb4: {  	[bflag:$0x3] =	sbarrier.arrive $0xFFFF  }
0xb5: {  	_ =	shalt  }

</sc_bundles>
